<compile_context>
chip_gen: v7x
topology: tpu7x:2x2x1
jax: 0.10.2.dev20260603
libtpu: 0.0.44.dev20260713+nightly
codegen_flags: <defaults>
</compile_context>

<pallas_src>
import functools

import jax
import jax.numpy as jnp
from jax import lax
from jax.experimental import pallas as pl
from jax.experimental.pallas import tpu as pltpu
from jax.experimental.pallas import tpu_sc as plsc

N = 16384
VOCAB = 100000
VMAIN = (VOCAB // 128) * 128
VTAIL = VOCAB - VMAIN
EMB_DIM = 64
CHG = 8
OUT_DIM = EMB_DIM + CHG
NC, NS = 2, 16
NW = NC * NS
L = 16
IDX_CHUNK = 2048
NCB = N // IDX_CHUNK
ROUNDS = EMB_DIM // NW
CHG_COLS = N // NW // 2


@functools.partial(
    pl.kernel,
    mesh=plsc.VectorSubcoreMesh(core_axis_name="c", subcore_axis_name="s"),
    out_type=jax.ShapeDtypeStruct((OUT_DIM, N), jnp.float32),
    scratch_types=[
        pltpu.VMEM((ROUNDS, 1), jnp.int32),
        pltpu.VMEM((2, IDX_CHUNK), jnp.int32),
        pltpu.VMEM((1, N), jnp.float32),
        pltpu.VMEM((CHG, CHG_COLS), jnp.float32),
        pltpu.VMEM((ROUNDS, VTAIL), jnp.float32),
        pltpu.VMEM((1, VOCAB), jnp.float32),
        pltpu.VMEM_SHARED((N,), jnp.int32),
        pltpu.SemaphoreType.DMA,
        pltpu.SemaphoreType.DMA,
        pltpu.SemaphoreType.DMA,
        pltpu.SemaphoreType.DMA,
    ],
    compiler_params=pltpu.CompilerParams(needs_layout_passes=False),
)
def _emb_concat_t(tblT_hbm, idx_hbm, chgT_hbm, tail_hbm, dmap_hbm, outT_hbm,
                  din_v, idx_v, orow_v, chg_v, tail_v, slab_v, idx_sh,
                  sem, sem_out, sem_idx, sem_slab2):
    sid = lax.axis_index("s")
    wid = sid * NC + lax.axis_index("c")
    zero16 = lax.iota(jnp.int32, L) * 0
    VH = (VMAIN // 2 // 128) * 128

    def pull_slab(r):
        return (
            pltpu.async_copy(
                tblT_hbm.at[din_v.at[r], pl.ds(0, VH)],
                slab_v.at[:, pl.ds(0, VH)],
                sem,
            ),
            pltpu.async_copy(
                tblT_hbm.at[din_v.at[r], pl.ds(VH, VMAIN - VH)],
                slab_v.at[:, pl.ds(VH, VMAIN - VH)],
                sem_slab2,
            ),
        )

    pltpu.sync_copy(dmap_hbm.at[wid], din_v)
    slab_pull = pull_slab(0)

    @pl.when(sid == 0)
    def _():
        pltpu.sync_copy(idx_hbm, idx_sh)

    pltpu.sync_copy(tail_hbm.at[wid], tail_v)
    idx_pending = pltpu.async_copy(
        idx_hbm.at[pl.ds(0, IDX_CHUNK)], idx_v.at[0], sem_idx
    )
    plsc.subcore_barrier()
    out_pending = None
    for r in range(ROUNDS):
        d = wid + NW * r
        if r > 0:
            slab_pull = pull_slab(r)
            for p in range(2):
                base = (wid * 2 + p) * CHG_COLS
                pltpu.sync_copy(chgT_hbm.at[:, pl.ds(base, CHG_COLS)], chg_v)
                pltpu.sync_copy(chg_v, outT_hbm.at[pl.ds(EMB_DIM, CHG),
                                                   pl.ds(base, CHG_COLS)])
        if out_pending is not None:
            out_pending.wait()
        if r > 0:
            idx_pending = pltpu.async_copy(
                idx_sh.at[pl.ds(0, IDX_CHUNK)], idx_v.at[0], sem_idx
            )
        for c_ in slab_pull:
            c_.wait()
        slab_v[0, pl.ds(VMAIN, L)] = tail_v[r, pl.ds(0, L)]
        slab_v[0, pl.ds(VMAIN + L, L)] = tail_v[r, pl.ds(L, L)]
        for cb in range(NCB):
            idx_pending.wait()
            if cb + 1 < NCB:
                idx_pending = pltpu.async_copy(
                    idx_sh.at[pl.ds((cb + 1) * IDX_CHUNK, IDX_CHUNK)],
                    idx_v.at[(cb + 1) % 2],
                    sem_idx,
                )

            def body(k, cb=cb):
                vidx = idx_v[cb % 2, pl.ds(k, L)]
                vals = plsc.load_gather(slab_v, [zero16, vidx])
                orow_v[0, pl.ds(cb * IDX_CHUNK + k, L)] = vals

            plsc.parallel_loop(0, IDX_CHUNK, step=L, unroll=16)(body)
        out_pending = pltpu.async_copy(orow_v, outT_hbm.at[din_v.at[r]], sem_out)
    out_pending.wait()


def kernel(atom_types, charge, pos, emb_table):
    idx = jnp.reshape(atom_types.astype(jnp.int32), (N,))
    tail = jnp.transpose(
        jnp.reshape(emb_table[VMAIN:, :].T, (ROUNDS, NW, VTAIL)), (1, 0, 2)
    )
    dmap = jnp.reshape(
        jnp.arange(EMB_DIM, dtype=jnp.int32), (ROUNDS, NW)
    ).T.reshape(NW, ROUNDS, 1)
    outT = _emb_concat_t(emb_table.T, idx, charge.T, tail, dmap)
    return outT.T.astype(pos.dtype)

# --- scband reference (transcript-rebuilt; emitter-appended) ---
"""Pipeline reference for scband-embedding-input-attrs-25469156065584 (READ-ONLY COPY).

The authoritative reference and input builder live on the scoring server;
editing this copy changes nothing except your own understanding.
"""

import jax, jax.numpy as jnp
import numpy as np

NUM_TYPES = 100000
EMB_DIM = 64
N = 16384

def setup_inputs(seed: int = 0) -> dict:
    key = jax.random.key(seed)
    k1, k2, k3, k4 = jax.random.split(key, 4)
    atom_types = jax.random.randint(k1, (N, 1), 0, NUM_TYPES, dtype=jnp.int64) if jax.config.jax_enable_x64 else jax.random.randint(k1, (N, 1), 0, NUM_TYPES, dtype=jnp.int32)
    charge = jax.random.normal(k2, (N, 8), dtype=jnp.float32)
    pos = jax.random.normal(k3, (N, 3), dtype=jnp.float32)
    # learned embedding table, init normal(0, 1) per module __init__
    emb_table = jax.random.normal(k4, (NUM_TYPES, EMB_DIM), dtype=jnp.float32)
    return {"atom_types": atom_types, "charge": charge, "pos": pos, "emb_table": emb_table}

def reference(atom_types, charge, pos, emb_table):
    # categorical attribute: squeeze trailing dim, embedding lookup (gather)
    idx = jnp.squeeze(atom_types, axis=-1)
    x_emb = jnp.take(emb_table, idx, axis=0)  # [N, 64]
    # numerical attribute appended as-is
    out = jnp.concatenate([x_emb, charge], axis=-1)  # [N, 72]
    # cast to positions dtype, as in torch forward
    out = out.astype(pos.dtype)
    return out

if __name__ == "__main__":
    import jax
    _d = setup_inputs()
    print(jax.jit(kernel)(*tuple(_d.values())))

</pallas_src>

<mosaic_0001>
#map = affine_map<(d0, d1) -> (0, 0)>
#map1 = affine_map<(d0, d1) -> (0)>
#map2 = affine_map<(d0, d1) -> (0, 0, 0)>
module attributes {stable_mosaic.version = 14 : i64} {
  func.func @_emb_concat_t(%arg0: i32, %arg1: i32, %arg2: memref<64x100000xf32, #tpu.memory_space<hbm>>, %arg3: memref<16384xi32, #tpu.memory_space<hbm>>, %arg4: memref<8x16384xf32, #tpu.memory_space<hbm>>, %arg5: memref<32x2x32xf32, #tpu.memory_space<hbm>>, %arg6: memref<32x2x1xi32, #tpu.memory_space<hbm>>, %arg7: memref<72x16384xf32, #tpu.memory_space<hbm>>, %arg8: memref<2x1xi32, #tpu.memory_space<vmem>>, %arg9: memref<2x2048xi32, #tpu.memory_space<vmem>>, %arg10: memref<1x16384xf32, #tpu.memory_space<vmem>>, %arg11: memref<8x256xf32, #tpu.memory_space<vmem>>, %arg12: memref<2x32xf32, #tpu.memory_space<vmem>>, %arg13: memref<1x100000xf32, #tpu.memory_space<vmem>>, %arg14: memref<16384xi32, #tpu.memory_space<vmem_shared>>, %arg15: memref<!tpu.dma_semaphore, #tpu.memory_space<semaphore_mem>>, %arg16: memref<!tpu.dma_semaphore, #tpu.memory_space<semaphore_mem>>, %arg17: memref<!tpu.dma_semaphore, #tpu.memory_space<semaphore_mem>>, %arg18: memref<!tpu.dma_semaphore, #tpu.memory_space<semaphore_mem>>) attributes {dimension_semantics = [#tpu.dimension_semantics<core_parallel>, #tpu.dimension_semantics<subcore_parallel>], iteration_bounds = array<i64: 2, 16>, scalar_prefetch = 0 : i64, scratch_operands = 11 : i64, tpu.core_type = #tpu.core_type<sc_vector_subcore>, window_params = [{transform_indices = #map}, {transform_indices = #map1}, {transform_indices = #map}, {transform_indices = #map2}, {transform_indices = #map2}, {transform_indices = #map}]} {
    %mul3A = arith.constant 2 : i32
    %mul3A_0 = arith.muli %arg1, %mul3A : i32
    %add3A = arith.addi %mul3A_0, %arg0 : i32
    %iota3A = tpu.iota {dimensions = array<i32: 0>} : vector<16xi32>
    %mul3A_1 = arith.constant 0 : i32
    %mul3A_2 = vector.broadcast %mul3A_1 : i32 to vector<16xi32>
    %mul3A_3 = arith.muli %iota3A, %mul3A_2 : vector<16xi32>
    "tpu.region"() ({
      %run_scoped3A = tpu.sem_alloc : memref<!tpu.dma_semaphore, #tpu.memory_space<semaphore_mem>>
      %dma_start3A_557 = arith.constant 0 : i32
      %dma_start3A_558 = arith.constant 0 : i32
      %dma_start3A_559 = tpu.memref_slice %arg6[%add3A, %dma_start3A_557, %dma_start3A_558] : memref<32x2x1xi32, #tpu.memory_space<hbm>> -> memref<1x2x1xi32, #tpu.memory_space<hbm>>
      %dma_start3A_560 = tpu.memref_squeeze %dma_start3A_559 : memref<1x2x1xi32, #tpu.memory_space<hbm>> -> memref<2x1xi32, #tpu.memory_space<hbm>>
      %dma_start3A_561 = arith.constant 0 : i32
      %dma_start3A_562 = arith.constant 0 : i32
      %dma_start3A_563 = tpu.memref_slice %arg6[%add3A, %dma_start3A_561, %dma_start3A_562] : memref<32x2x1xi32, #tpu.memory_space<hbm>> -> memref<1x2x1xi32, #tpu.memory_space<hbm>>
      %dma_start3A_564 = tpu.memref_squeeze %dma_start3A_563 : memref<1x2x1xi32, #tpu.memory_space<hbm>> -> memref<2x1xi32, #tpu.memory_space<hbm>>
      tpu.enqueue_dma source(%dma_start3A_564 : memref<2x1xi32, #tpu.memory_space<hbm>>) target(%arg8 : memref<2x1xi32, #tpu.memory_space<vmem>>) target_semaphore(%run_scoped3A : memref<!tpu.dma_semaphore, #tpu.memory_space<semaphore_mem>>)
      %dma_wait3A_565 = arith.constant 0 : i32
      %dma_wait3A_566 = arith.constant 0 : i32
      %dma_wait3A_567 = tpu.memref_slice %arg6[%add3A, %dma_wait3A_565, %dma_wait3A_566] : memref<32x2x1xi32, #tpu.memory_space<hbm>> -> memref<1x2x1xi32, #tpu.memory_space<hbm>>
      %dma_wait3A_568 = tpu.memref_squeeze %dma_wait3A_567 : memref<1x2x1xi32, #tpu.memory_space<hbm>> -> memref<2x1xi32, #tpu.memory_space<hbm>>
      %dma_wait3A_569 = arith.constant 0 : i32
      %dma_wait3A_570 = arith.constant 0 : i32
      %dma_wait3A_571 = tpu.memref_slice %arg6[%add3A, %dma_wait3A_569, %dma_wait3A_570] : memref<32x2x1xi32, #tpu.memory_space<hbm>> -> memref<1x2x1xi32, #tpu.memory_space<hbm>>
      %dma_wait3A_572 = tpu.memref_squeeze %dma_wait3A_571 : memref<1x2x1xi32, #tpu.memory_space<hbm>> -> memref<2x1xi32, #tpu.memory_space<hbm>>
      tpu.wait_dma2 semaphore(%run_scoped3A : memref<!tpu.dma_semaphore, #tpu.memory_space<semaphore_mem>>) src(%dma_wait3A_572 : memref<2x1xi32, #tpu.memory_space<hbm>>) dst(%arg8 : memref<2x1xi32, #tpu.memory_space<vmem>>)
      tpu.yield
    }) : () -> ()
    %dma_start3A = arith.constant 0 : i32
    %dma_start3A_4 = arith.constant 0 : i32
    %dma_start3A_5 = arith.constant 0 : i32
    %dma_start3A_6 = tpu.memref_slice %arg13[%dma_start3A_4, %dma_start3A_5] : memref<1x100000xf32, #tpu.memory_space<vmem>> -> memref<1x49920xf32, #tpu.memory_space<vmem>>
    %dma_start3A_7 = arith.constant 0 : i32
    %dma_start3A_8 = tpu.memref_slice %arg8[%dma_start3A, %dma_start3A_7] : memref<2x1xi32, #tpu.memory_space<vmem>> -> memref<1x1xi32, #tpu.memory_space<vmem>>
    %dma_start3A_9 = tpu.memref_squeeze %dma_start3A_8 : memref<1x1xi32, #tpu.memory_space<vmem>> -> memref<1xi32, #tpu.memory_space<vmem>>
    %dma_start3A_10 = arith.constant 0 : i32
    %dma_start3A_11 = arith.constant 0 : i32
    %dma_start3A_12 = tpu.memref_slice %arg2[%dma_start3A_10, %dma_start3A_11] : memref<64x100000xf32, #tpu.memory_space<hbm>> -> memref<64x49920xf32, #tpu.memory_space<hbm>>
    tpu.enqueue_indirect_dma source(%dma_start3A_12 : memref<64x49920xf32, #tpu.memory_space<hbm>>) target(%dma_start3A_6 : memref<1x49920xf32, #tpu.memory_space<vmem>>) offsets(%dma_start3A_9 : memref<1xi32, #tpu.memory_space<vmem>>) semaphore(%arg15 : memref<!tpu.dma_semaphore, #tpu.memory_space<semaphore_mem>>)
    %dma_start3A_13 = arith.constant 0 : i32
    %dma_start3A_14 = arith.constant 0 : i32
    %dma_start3A_15 = arith.constant 49920 : i32
    %dma_start3A_16 = tpu.memref_slice %arg13[%dma_start3A_14, %dma_start3A_15] : memref<1x100000xf32, #tpu.memory_space<vmem>> -> memref<1x50048xf32, #tpu.memory_space<vmem>>
    %dma_start3A_17 = arith.constant 0 : i32
    %dma_start3A_18 = tpu.memref_slice %arg8[%dma_start3A_13, %dma_start3A_17] : memref<2x1xi32, #tpu.memory_space<vmem>> -> memref<1x1xi32, #tpu.memory_space<vmem>>
    %dma_start3A_19 = tpu.memref_squeeze %dma_start3A_18 : memref<1x1xi32, #tpu.memory_space<vmem>> -> memref<1xi32, #tpu.memory_space<vmem>>
    %dma_start3A_20 = arith.constant 0 : i32
    %dma_start3A_21 = arith.constant 49920 : i32
    %dma_start3A_22 = tpu.memref_slice %arg2[%dma_start3A_20, %dma_start3A_21] : memref<64x100000xf32, #tpu.memory_space<hbm>> -> memref<64x50048xf32, #tpu.memory_space<hbm>>
    tpu.enqueue_indirect_dma source(%dma_start3A_22 : memref<64x50048xf32, #tpu.memory_space<hbm>>) target(%dma_start3A_16 : memref<1x50048xf32, #tpu.memory_space<vmem>>) offsets(%dma_start3A_19 : memref<1xi32, #tpu.memory_space<vmem>>) semaphore(%arg18 : memref<!tpu.dma_semaphore, #tpu.memory_space<semaphore_mem>>)
    %eq3A = arith.constant 0 : i32
    %eq3A_23 = arith.cmpi eq, %arg1, %eq3A : i32
    %convert_element_type3A = arith.extui %eq3A_23 : i1 to i32
    %cond3A = arith.constant 0 : i32
    %cond3A_24 = arith.cmpi ne, %convert_element_type3A, %cond3A : i32
    scf.if %cond3A_24 {
      "tpu.region"() ({
        %run_scoped3A = tpu.sem_alloc : memref<!tpu.dma_semaphore, #tpu.memory_space<semaphore_mem>>
        tpu.enqueue_dma source(%arg3 : memref<16384xi32, #tpu.memory_space<hbm>>) target(%arg14 : memref<16384xi32, #tpu.memory_space<vmem_shared>>) target_semaphore(%run_scoped3A : memref<!tpu.dma_semaphore, #tpu.memory_space<semaphore_mem>>)
        tpu.wait_dma2 semaphore(%run_scoped3A : memref<!tpu.dma_semaphore, #tpu.memory_space<semaphore_mem>>) src(%arg3 : memref<16384xi32, #tpu.memory_space<hbm>>) dst(%arg14 : memref<16384xi32, #tpu.memory_space<vmem_shared>>)
        tpu.yield
      }) : () -> ()
    } else {
    }
    "tpu.region"() ({
      %run_scoped3A = tpu.sem_alloc : memref<!tpu.dma_semaphore, #tpu.memory_space<semaphore_mem>>
      %dma_start3A_557 = arith.constant 0 : i32
      %dma_start3A_558 = arith.constant 0 : i32
      %dma_start3A_559 = tpu.memref_slice %arg5[%add3A, %dma_start3A_557, %dma_start3A_558] : memref<32x2x32xf32, #tpu.memory_space<hbm>> -> memref<1x2x32xf32, #tpu.memory_space<hbm>>
      %dma_start3A_560 = tpu.memref_squeeze %dma_start3A_559 : memref<1x2x32xf32, #tpu.memory_space<hbm>> -> memref<2x32xf32, #tpu.memory_space<hbm>>
      %dma_start3A_561 = arith.constant 0 : i32
      %dma_start3A_562 = arith.constant 0 : i32
      %dma_start3A_563 = tpu.memref_slice %arg5[%add3A, %dma_start3A_561, %dma_start3A_562] : memref<32x2x32xf32, #tpu.memory_space<hbm>> -> memref<1x2x32xf32, #tpu.memory_space<hbm>>
      %dma_start3A_564 = tpu.memref_squeeze %dma_start3A_563 : memref<1x2x32xf32, #tpu.memory_space<hbm>> -> memref<2x32xf32, #tpu.memory_space<hbm>>
      tpu.enqueue_dma source(%dma_start3A_564 : memref<2x32xf32, #tpu.memory_space<hbm>>) target(%arg12 : memref<2x32xf32, #tpu.memory_space<vmem>>) target_semaphore(%run_scoped3A : memref<!tpu.dma_semaphore, #tpu.memory_space<semaphore_mem>>)
      %dma_wait3A_565 = arith.constant 0 : i32
      %dma_wait3A_566 = arith.constant 0 : i32
      %dma_wait3A_567 = tpu.memref_slice %arg5[%add3A, %dma_wait3A_565, %dma_wait3A_566] : memref<32x2x32xf32, #tpu.memory_space<hbm>> -> memref<1x2x32xf32, #tpu.memory_space<hbm>>
      %dma_wait3A_568 = tpu.memref_squeeze %dma_wait3A_567 : memref<1x2x32xf32, #tpu.memory_space<hbm>> -> memref<2x32xf32, #tpu.memory_space<hbm>>
      %dma_wait3A_569 = arith.constant 0 : i32
      %dma_wait3A_570 = arith.constant 0 : i32
      %dma_wait3A_571 = tpu.memref_slice %arg5[%add3A, %dma_wait3A_569, %dma_wait3A_570] : memref<32x2x32xf32, #tpu.memory_space<hbm>> -> memref<1x2x32xf32, #tpu.memory_space<hbm>>
      %dma_wait3A_572 = tpu.memref_squeeze %dma_wait3A_571 : memref<1x2x32xf32, #tpu.memory_space<hbm>> -> memref<2x32xf32, #tpu.memory_space<hbm>>
      tpu.wait_dma2 semaphore(%run_scoped3A : memref<!tpu.dma_semaphore, #tpu.memory_space<semaphore_mem>>) src(%dma_wait3A_572 : memref<2x32xf32, #tpu.memory_space<hbm>>) dst(%arg12 : memref<2x32xf32, #tpu.memory_space<vmem>>)
      tpu.yield
    }) : () -> ()
    %dma_start3A_25 = arith.constant 0 : i32
    %dma_start3A_26 = arith.constant 0 : i32
    %dma_start3A_27 = tpu.memref_slice %arg9[%dma_start3A_25, %dma_start3A_26] : memref<2x2048xi32, #tpu.memory_space<vmem>> -> memref<1x2048xi32, #tpu.memory_space<vmem>>
    %dma_start3A_28 = tpu.memref_squeeze %dma_start3A_27 : memref<1x2048xi32, #tpu.memory_space<vmem>> -> memref<2048xi32, #tpu.memory_space<vmem>>
    %dma_start3A_29 = arith.constant 0 : i32
    %dma_start3A_30 = tpu.memref_slice %arg3[%dma_start3A_29] : memref<16384xi32, #tpu.memory_space<hbm>> -> memref<2048xi32, #tpu.memory_space<hbm>>
    %dma_start3A_31 = arith.constant 0 : i32
    %dma_start3A_32 = tpu.memref_slice %arg9[%dma_start3A_25, %dma_start3A_31] : memref<2x2048xi32, #tpu.memory_space<vmem>> -> memref<1x2048xi32, #tpu.memory_space<vmem>>
    %dma_start3A_33 = tpu.memref_squeeze %dma_start3A_32 : memref<1x2048xi32, #tpu.memory_space<vmem>> -> memref<2048xi32, #tpu.memory_space<vmem>>
    %dma_start3A_34 = arith.constant 0 : i32
    %dma_start3A_35 = tpu.memref_slice %arg3[%dma_start3A_34] : memref<16384xi32, #tpu.memory_space<hbm>> -> memref<2048xi32, #tpu.memory_space<hbm>>
    tpu.enqueue_dma source(%dma_start3A_35 : memref<2048xi32, #tpu.memory_space<hbm>>) target(%dma_start3A_33 : memref<2048xi32, #tpu.memory_space<vmem>>) target_semaphore(%arg17 : memref<!tpu.dma_semaphore, #tpu.memory_space<semaphore_mem>>)
    %barrier3A = arith.constant 0 : index
    tpu.barrier barrier_id(%barrier3A)
    %add3A_36 = arith.constant 0 : i32
    %add3A_37 = arith.addi %add3A, %add3A_36 : i32
    %dma_wait3A = arith.constant 0 : i32
    %dma_wait3A_38 = arith.constant 0 : i32
    %dma_wait3A_39 = arith.constant 0 : i32
    %dma_wait3A_40 = tpu.memref_slice %arg13[%dma_wait3A_38, %dma_wait3A_39] : memref<1x100000xf32, #tpu.memory_space<vmem>> -> memref<1x49920xf32, #tpu.memory_space<vmem>>
    %dma_wait3A_41 = arith.constant 0 : i32
    %dma_wait3A_42 = tpu.memref_slice %arg8[%dma_wait3A, %dma_wait3A_41] : memref<2x1xi32, #tpu.memory_space<vmem>> -> memref<1x1xi32, #tpu.memory_space<vmem>>
    %dma_wait3A_43 = tpu.memref_squeeze %dma_wait3A_42 : memref<1x1xi32, #tpu.memory_space<vmem>> -> memref<1xi32, #tpu.memory_space<vmem>>
    %dma_wait3A_44 = arith.constant 0 : i32
    %dma_wait3A_45 = arith.constant 0 : i32
    %dma_wait3A_46 = tpu.memref_slice %arg2[%dma_wait3A_44, %dma_wait3A_45] : memref<64x100000xf32, #tpu.memory_space<hbm>> -> memref<64x49920xf32, #tpu.memory_space<hbm>>
    tpu.wait_indirect_dma semaphore(%arg15 : memref<!tpu.dma_semaphore, #tpu.memory_space<semaphore_mem>>) src(%dma_wait3A_46 : memref<64x49920xf32, #tpu.memory_space<hbm>>) dst(%dma_wait3A_40 : memref<1x49920xf32, #tpu.memory_space<vmem>>)
    %dma_wait3A_47 = arith.constant 0 : i32
    %dma_wait3A_48 = arith.constant 0 : i32
    %dma_wait3A_49 = arith.constant 49920 : i32
    %dma_wait3A_50 = tpu.memref_slice %arg13[%dma_wait3A_48, %dma_wait3A_49] : memref<1x100000xf32, #tpu.memory_space<vmem>> -> memref<1x50048xf32, #tpu.memory_space<vmem>>
    %dma_wait3A_51 = arith.constant 0 : i32
    %dma_wait3A_52 = tpu.memref_slice %arg8[%dma_wait3A_47, %dma_wait3A_51] : memref<2x1xi32, #tpu.memory_space<vmem>> -> memref<1x1xi32, #tpu.memory_space<vmem>>
    %dma_wait3A_53 = tpu.memref_squeeze %dma_wait3A_52 : memref<1x1xi32, #tpu.memory_space<vmem>> -> memref<1xi32, #tpu.memory_space<vmem>>
    %dma_wait3A_54 = arith.constant 0 : i32
    %dma_wait3A_55 = arith.constant 49920 : i32
    %dma_wait3A_56 = tpu.memref_slice %arg2[%dma_wait3A_54, %dma_wait3A_55] : memref<64x100000xf32, #tpu.memory_space<hbm>> -> memref<64x50048xf32, #tpu.memory_space<hbm>>
    tpu.wait_indirect_dma semaphore(%arg18 : memref<!tpu.dma_semaphore, #tpu.memory_space<semaphore_mem>>) src(%dma_wait3A_56 : memref<64x50048xf32, #tpu.memory_space<hbm>>) dst(%dma_wait3A_50 : memref<1x50048xf32, #tpu.memory_space<vmem>>)
    %get3A = arith.constant 0 : i32
    %get3A_57 = arith.index_cast %get3A : i32 to index
    %get3A_58 = arith.constant 0 : index
    %get3A_59 = tpu.vector_load %arg12[%get3A_57, %get3A_58] {strides = array<i32>} : memref<2x32xf32, #tpu.memory_space<vmem>>, vector<16xf32>,
    %swap3A = arith.constant 0 : i32
    %swap3A_60 = arith.index_cast %swap3A : i32 to index
    %swap3A_61 = arith.constant 99968 : index
    %swap3A_62 = tpu.vector_load %arg13[%swap3A_60, %swap3A_61] {strides = array<i32>} : memref<1x100000xf32, #tpu.memory_space<vmem>>, vector<16xf32>,
    tpu.vector_store %arg13[%swap3A_60, %swap3A_61], %get3A_59 {strides = array<i32>} : memref<1x100000xf32, #tpu.memory_space<vmem>>, vector<16xf32>,
    %get3A_63 = arith.constant 0 : i32
    %get3A_64 = arith.index_cast %get3A_63 : i32 to index
    %get3A_65 = arith.constant 16 : index
    %get3A_66 = tpu.vector_load %arg12[%get3A_64, %get3A_65] {strides = array<i32>} : memref<2x32xf32, #tpu.memory_space<vmem>>, vector<16xf32>,
    %swap3A_67 = arith.constant 0 : i32
    %swap3A_68 = arith.index_cast %swap3A_67 : i32 to index
    %swap3A_69 = arith.constant 99984 : index
    %swap3A_70 = tpu.vector_load %arg13[%swap3A_68, %swap3A_69] {strides = array<i32>} : memref<1x100000xf32, #tpu.memory_space<vmem>>, vector<16xf32>,
    tpu.vector_store %arg13[%swap3A_68, %swap3A_69], %get3A_66 {strides = array<i32>} : memref<1x100000xf32, #tpu.memory_space<vmem>>, vector<16xf32>,
    %dma_wait3A_71 = arith.constant 0 : i32
    %dma_wait3A_72 = arith.constant 0 : i32
    %dma_wait3A_73 = tpu.memref_slice %arg9[%dma_wait3A_71, %dma_wait3A_72] : memref<2x2048xi32, #tpu.memory_space<vmem>> -> memref<1x2048xi32, #tpu.memory_space<vmem>>
    %dma_wait3A_74 = tpu.memref_squeeze %dma_wait3A_73 : memref<1x2048xi32, #tpu.memory_space<vmem>> -> memref<2048xi32, #tpu.memory_space<vmem>>
    %dma_wait3A_75 = arith.constant 0 : i32
    %dma_wait3A_76 = tpu.memref_slice %arg3[%dma_wait3A_75] : memref<16384xi32, #tpu.memory_space<hbm>> -> memref<2048xi32, #tpu.memory_space<hbm>>
    %dma_wait3A_77 = arith.constant 0 : i32
    %dma_wait3A_78 = tpu.memref_slice %arg9[%dma_wait3A_71, %dma_wait3A_77] : memref<2x2048xi32, #tpu.memory_space<vmem>> -> memref<1x2048xi32, #tpu.memory_space<vmem>>
    %dma_wait3A_79 = tpu.memref_squeeze %dma_wait3A_78 : memref<1x2048xi32, #tpu.memory_space<vmem>> -> memref<2048xi32, #tpu.memory_space<vmem>>
    %dma_wait3A_80 = arith.constant 0 : i32
    %dma_wait3A_81 = tpu.memref_slice %arg3[%dma_wait3A_80] : memref<16384xi32, #tpu.memory_space<hbm>> -> memref<2048xi32, #tpu.memory_space<hbm>>
    tpu.wait_dma2 semaphore(%arg17 : memref<!tpu.dma_semaphore, #tpu.memory_space<semaphore_mem>>) src(%dma_wait3A_81 : memref<2048xi32, #tpu.memory_space<hbm>>) dst(%dma_wait3A_79 : memref<2048xi32, #tpu.memory_space<vmem>>)
    %dma_start3A_82 = arith.constant 1 : i32
    %dma_start3A_83 = arith.constant 0 : i32
    %dma_start3A_84 = tpu.memref_slice %arg9[%dma_start3A_82, %dma_start3A_83] : memref<2x2048xi32, #tpu.memory_space<vmem>> -> memref<1x2048xi32, #tpu.memory_space<vmem>>
    %dma_start3A_85 = tpu.memref_squeeze %dma_start3A_84 : memref<1x2048xi32, #tpu.memory_space<vmem>> -> memref<2048xi32, #tpu.memory_space<vmem>>
    %dma_start3A_86 = arith.constant 2048 : i32
    %dma_start3A_87 = tpu.memref_slice %arg14[%dma_start3A_86] : memref<16384xi32, #tpu.memory_space<vmem_shared>> -> memref<2048xi32, #tpu.memory_space<vmem_shared>>
    %dma_start3A_88 = arith.constant 0 : i32
    %dma_start3A_89 = tpu.memref_slice %arg9[%dma_start3A_82, %dma_start3A_88] : memref<2x2048xi32, #tpu.memory_space<vmem>> -> memref<1x2048xi32, #tpu.memory_space<vmem>>
    %dma_start3A_90 = tpu.memref_squeeze %dma_start3A_89 : memref<1x2048xi32, #tpu.memory_space<vmem>> -> memref<2048xi32, #tpu.memory_space<vmem>>
    %dma_start3A_91 = arith.constant 2048 : i32
    %dma_start3A_92 = tpu.memref_slice %arg14[%dma_start3A_91] : memref<16384xi32, #tpu.memory_space<vmem_shared>> -> memref<2048xi32, #tpu.memory_space<vmem_shared>>
    tpu.enqueue_dma source(%dma_start3A_92 : memref<2048xi32, #tpu.memory_space<vmem_shared>>) target(%dma_start3A_90 : memref<2048xi32, #tpu.memory_space<vmem>>) target_semaphore(%arg17 : memref<!tpu.dma_semaphore, #tpu.memory_space<semaphore_mem>>)
    %parallel_loop3A = arith.constant 0 : i32
    %parallel_loop3A_93 = arith.constant 2048 : i32
    %parallel_loop3A_94 = arith.constant 16 : i32
    scf.for %parallel_loop3A_557 = %parallel_loop3A to %parallel_loop3A_93 step %parallel_loop3A_94  : i32 {
      %parallel_loop3A_558 = arith.constant 0 : i32
      %parallel_loop3A_559 = arith.index_cast %parallel_loop3A_558 : i32 to index
      %parallel_loop3A_560 = arith.index_cast %parallel_loop3A_557 : i32 to index
      %parallel_loop3A_561 = tpu.vector_load %arg9[%parallel_loop3A_559, %parallel_loop3A_560] {strides = array<i32>} : memref<2x2048xi32, #tpu.memory_space<vmem>>, vector<16xi32>,
      %parallel_loop3A_562 = tpu.vector_load_idx %arg13[%mul3A_3, %parallel_loop3A_561] : memref<1x100000xf32, #tpu.memory_space<vmem>>[vector<16xi32>, vector<16xi32>], vector<16xf32>,
      %parallel_loop3A_563 = arith.constant 0 : i32
      %parallel_loop3A_564 = arith.addi %parallel_loop3A_563, %parallel_loop3A_557 : i32
      %parallel_loop3A_565 = arith.constant 0 : i32
      %parallel_loop3A_566 = arith.index_cast %parallel_loop3A_565 : i32 to index
      %parallel_loop3A_567 = arith.index_cast %parallel_loop3A_564 : i32 to index
      %parallel_loop3A_568 = tpu.vector_load %arg10[%parallel_loop3A_566, %parallel_loop3A_567] {strides = array<i32>} : memref<1x16384xf32, #tpu.memory_space<vmem>>, vector<16xf32>,
      tpu.vector_store %arg10[%parallel_loop3A_566, %parallel_loop3A_567], %parallel_loop3A_562 {strides = array<i32>} : memref<1x16384xf32, #tpu.memory_space<vmem>>, vector<16xf32>,
    } {sc.loop_unroll_factor = 16 : i64, sc.parallel_access}
    %dma_wait3A_95 = arith.constant 1 : i32
    %dma_wait3A_96 = arith.constant 0 : i32
    %dma_wait3A_97 = tpu.memref_slice %arg9[%dma_wait3A_95, %dma_wait3A_96] : memref<2x2048xi32, #tpu.memory_space<vmem>> -> memref<1x2048xi32, #tpu.memory_space<vmem>>
    %dma_wait3A_98 = tpu.memref_squeeze %dma_wait3A_97 : memref<1x2048xi32, #tpu.memory_space<vmem>> -> memref<2048xi32, #tpu.memory_space<vmem>>
    %dma_wait3A_99 = arith.constant 2048 : i32
    %dma_wait3A_100 = tpu.memref_slice %arg14[%dma_wait3A_99] : memref<16384xi32, #tpu.memory_space<vmem_shared>> -> memref<2048xi32, #tpu.memory_space<vmem_shared>>
    %dma_wait3A_101 = arith.constant 0 : i32
    %dma_wait3A_102 = tpu.memref_slice %arg9[%dma_wait3A_95, %dma_wait3A_101] : memref<2x2048xi32, #tpu.memory_space<vmem>> -> memref<1x2048xi32, #tpu.memory_space<vmem>>
    %dma_wait3A_103 = tpu.memref_squeeze %dma_wait3A_102 : memref<1x2048xi32, #tpu.memory_space<vmem>> -> memref<2048xi32, #tpu.memory_space<vmem>>
    %dma_wait3A_104 = arith.constant 2048 : i32
    %dma_wait3A_105 = tpu.memref_slice %arg14[%dma_wait3A_104] : memref<16384xi32, #tpu.memory_space<vmem_shared>> -> memref<2048xi32, #tpu.memory_space<vmem_shared>>
    tpu.wait_dma2 semaphore(%arg17 : memref<!tpu.dma_semaphore, #tpu.memory_space<semaphore_mem>>) src(%dma_wait3A_105 : memref<2048xi32, #tpu.memory_space<vmem_shared>>) dst(%dma_wait3A_103 : memref<2048xi32, #tpu.memory_space<vmem>>)
    %dma_start3A_106 = arith.constant 0 : i32
    %dma_start3A_107 = arith.constant 0 : i32
    %dma_start3A_108 = tpu.memref_slice %arg9[%dma_start3A_106, %dma_start3A_107] : memref<2x2048xi32, #tpu.memory_space<vmem>> -> memref<1x2048xi32, #tpu.memory_space<vmem>>
    %dma_start3A_109 = tpu.memref_squeeze %dma_start3A_108 : memref<1x2048xi32, #tpu.memory_space<vmem>> -> memref<2048xi32, #tpu.memory_space<vmem>>
    %dma_start3A_110 = arith.constant 4096 : i32
    %dma_start3A_111 = tpu.memref_slice %arg14[%dma_start3A_110] : memref<16384xi32, #tpu.memory_space<vmem_shared>> -> memref<2048xi32, #tpu.memory_space<vmem_shared>>
    %dma_start3A_112 = arith.constant 0 : i32
    %dma_start3A_113 = tpu.memref_slice %arg9[%dma_start3A_106, %dma_start3A_112] : memref<2x2048xi32, #tpu.memory_space<vmem>> -> memref<1x2048xi32, #tpu.memory_space<vmem>>
    %dma_start3A_114 = tpu.memref_squeeze %dma_start3A_113 : memref<1x2048xi32, #tpu.memory_space<vmem>> -> memref<2048xi32, #tpu.memory_space<vmem>>
    %dma_start3A_115 = arith.constant 4096 : i32
    %dma_start3A_116 = tpu.memref_slice %arg14[%dma_start3A_115] : memref<16384xi32, #tpu.memory_space<vmem_shared>> -> memref<2048xi32, #tpu.memory_space<vmem_shared>>
    tpu.enqueue_dma source(%dma_start3A_116 : memref<2048xi32, #tpu.memory_space<vmem_shared>>) target(%dma_start3A_114 : memref<2048xi32, #tpu.memory_space<vmem>>) target_semaphore(%arg17 : memref<!tpu.dma_semaphore, #tpu.memory_space<semaphore_mem>>)
    %parallel_loop3A_117 = arith.constant 0 : i32
    %parallel_loop3A_118 = arith.constant 2048 : i32
    %parallel_loop3A_119 = arith.constant 16 : i32
    scf.for %parallel_loop3A_557 = %parallel_loop3A_117 to %parallel_loop3A_118 step %parallel_loop3A_119  : i32 {
      %parallel_loop3A_558 = arith.constant 1 : i32
      %parallel_loop3A_559 = arith.index_cast %parallel_loop3A_558 : i32 to index
      %parallel_loop3A_560 = arith.index_cast %parallel_loop3A_557 : i32 to index
      %parallel_loop3A_561 = tpu.vector_load %arg9[%parallel_loop3A_559, %parallel_loop3A_560] {strides = array<i32>} : memref<2x2048xi32, #tpu.memory_space<vmem>>, vector<16xi32>,
      %parallel_loop3A_562 = tpu.vector_load_idx %arg13[%mul3A_3, %parallel_loop3A_561] : memref<1x100000xf32, #tpu.memory_space<vmem>>[vector<16xi32>, vector<16xi32>], vector<16xf32>,
      %parallel_loop3A_563 = arith.constant 2048 : i32
      %parallel_loop3A_564 = arith.addi %parallel_loop3A_563, %parallel_loop3A_557 : i32
      %parallel_loop3A_565 = arith.constant 0 : i32
      %parallel_loop3A_566 = arith.index_cast %parallel_loop3A_565 : i32 to index
      %parallel_loop3A_567 = arith.index_cast %parallel_loop3A_564 : i32 to index
      %parallel_loop3A_568 = tpu.vector_load %arg10[%parallel_loop3A_566, %parallel_loop3A_567] {strides = array<i32>} : memref<1x16384xf32, #tpu.memory_space<vmem>>, vector<16xf32>,
      tpu.vector_store %arg10[%parallel_loop3A_566, %parallel_loop3A_567], %parallel_loop3A_562 {strides = array<i32>} : memref<1x16384xf32, #tpu.memory_space<vmem>>, vector<16xf32>,
    } {sc.loop_unroll_factor = 16 : i64, sc.parallel_access}
    %dma_wait3A_120 = arith.constant 0 : i32
    %dma_wait3A_121 = arith.constant 0 : i32
    %dma_wait3A_122 = tpu.memref_slice %arg9[%dma_wait3A_120, %dma_wait3A_121] : memref<2x2048xi32, #tpu.memory_space<vmem>> -> memref<1x2048xi32, #tpu.memory_space<vmem>>
    %dma_wait3A_123 = tpu.memref_squeeze %dma_wait3A_122 : memref<1x2048xi32, #tpu.memory_space<vmem>> -> memref<2048xi32, #tpu.memory_space<vmem>>
    %dma_wait3A_124 = arith.constant 4096 : i32
    %dma_wait3A_125 = tpu.memref_slice %arg14[%dma_wait3A_124] : memref<16384xi32, #tpu.memory_space<vmem_shared>> -> memref<2048xi32, #tpu.memory_space<vmem_shared>>
    %dma_wait3A_126 = arith.constant 0 : i32
    %dma_wait3A_127 = tpu.memref_slice %arg9[%dma_wait3A_120, %dma_wait3A_126] : memref<2x2048xi32, #tpu.memory_space<vmem>> -> memref<1x2048xi32, #tpu.memory_space<vmem>>
    %dma_wait3A_128 = tpu.memref_squeeze %dma_wait3A_127 : memref<1x2048xi32, #tpu.memory_space<vmem>> -> memref<2048xi32, #tpu.memory_space<vmem>>
    %dma_wait3A_129 = arith.constant 4096 : i32
    %dma_wait3A_130 = tpu.memref_slice %arg14[%dma_wait3A_129] : memref<16384xi32, #tpu.memory_space<vmem_shared>> -> memref<2048xi32, #tpu.memory_space<vmem_shared>>
    tpu.wait_dma2 semaphore(%arg17 : memref<!tpu.dma_semaphore, #tpu.memory_space<semaphore_mem>>) src(%dma_wait3A_130 : memref<2048xi32, #tpu.memory_space<vmem_shared>>) dst(%dma_wait3A_128 : memref<2048xi32, #tpu.memory_space<vmem>>)
    %dma_start3A_131 = arith.constant 1 : i32
    %dma_start3A_132 = arith.constant 0 : i32
    %dma_start3A_133 = tpu.memref_slice %arg9[%dma_start3A_131, %dma_start3A_132] : memref<2x2048xi32, #tpu.memory_space<vmem>> -> memref<1x2048xi32, #tpu.memory_space<vmem>>
    %dma_start3A_134 = tpu.memref_squeeze %dma_start3A_133 : memref<1x2048xi32, #tpu.memory_space<vmem>> -> memref<2048xi32, #tpu.memory_space<vmem>>
    %dma_start3A_135 = arith.constant 6144 : i32
    %dma_start3A_136 = tpu.memref_slice %arg14[%dma_start3A_135] : memref<16384xi32, #tpu.memory_space<vmem_shared>> -> memref<2048xi32, #tpu.memory_space<vmem_shared>>
    %dma_start3A_137 = arith.constant 0 : i32
    %dma_start3A_138 = tpu.memref_slice %arg9[%dma_start3A_131, %dma_start3A_137] : memref<2x2048xi32, #tpu.memory_space<vmem>> -> memref<1x2048xi32, #tpu.memory_space<vmem>>
    %dma_start3A_139 = tpu.memref_squeeze %dma_start3A_138 : memref<1x2048xi32, #tpu.memory_space<vmem>> -> memref<2048xi32, #tpu.memory_space<vmem>>
    %dma_start3A_140 = arith.constant 6144 : i32
    %dma_start3A_141 = tpu.memref_slice %arg14[%dma_start3A_140] : memref<16384xi32, #tpu.memory_space<vmem_shared>> -> memref<2048xi32, #tpu.memory_space<vmem_shared>>
    tpu.enqueue_dma source(%dma_start3A_141 : memref<2048xi32, #tpu.memory_space<vmem_shared>>) target(%dma_start3A_139 : memref<2048xi32, #tpu.memory_space<vmem>>) target_semaphore(%arg17 : memref<!tpu.dma_semaphore, #tpu.memory_space<semaphore_mem>>)
    %parallel_loop3A_142 = arith.constant 0 : i32
    %parallel_loop3A_143 = arith.constant 2048 : i32
    %parallel_loop3A_144 = arith.constant 16 : i32
    scf.for %parallel_loop3A_557 = %parallel_loop3A_142 to %parallel_loop3A_143 step %parallel_loop3A_144  : i32 {
      %parallel_loop3A_558 = arith.constant 0 : i32
      %parallel_loop3A_559 = arith.index_cast %parallel_loop3A_558 : i32 to index
      %parallel_loop3A_560 = arith.index_cast %parallel_loop3A_557 : i32 to index
      %parallel_loop3A_561 = tpu.vector_load %arg9[%parallel_loop3A_559, %parallel_loop3A_560] {strides = array<i32>} : memref<2x2048xi32, #tpu.memory_space<vmem>>, vector<16xi32>,
      %parallel_loop3A_562 = tpu.vector_load_idx %arg13[%mul3A_3, %parallel_loop3A_561] : memref<1x100000xf32, #tpu.memory_space<vmem>>[vector<16xi32>, vector<16xi32>], vector<16xf32>,
      %parallel_loop3A_563 = arith.constant 4096 : i32
      %parallel_loop3A_564 = arith.addi %parallel_loop3A_563, %parallel_loop3A_557 : i32
      %parallel_loop3A_565 = arith.constant 0 : i32
      %parallel_loop3A_566 = arith.index_cast %parallel_loop3A_565 : i32 to index
      %parallel_loop3A_567 = arith.index_cast %parallel_loop3A_564 : i32 to index
      %parallel_loop3A_568 = tpu.vector_load %arg10[%parallel_loop3A_566, %parallel_loop3A_567] {strides = array<i32>} : memref<1x16384xf32, #tpu.memory_space<vmem>>, vector<16xf32>,
      tpu.vector_store %arg10[%parallel_loop3A_566, %parallel_loop3A_567], %parallel_loop3A_562 {strides = array<i32>} : memref<1x16384xf32, #tpu.memory_space<vmem>>, vector<16xf32>,
    } {sc.loop_unroll_factor = 16 : i64, sc.parallel_access}
    %dma_wait3A_145 = arith.constant 1 : i32
    %dma_wait3A_146 = arith.constant 0 : i32
    %dma_wait3A_147 = tpu.memref_slice %arg9[%dma_wait3A_145, %dma_wait3A_146] : memref<2x2048xi32, #tpu.memory_space<vmem>> -> memref<1x2048xi32, #tpu.memory_space<vmem>>
    %dma_wait3A_148 = tpu.memref_squeeze %dma_wait3A_147 : memref<1x2048xi32, #tpu.memory_space<vmem>> -> memref<2048xi32, #tpu.memory_space<vmem>>
    %dma_wait3A_149 = arith.constant 6144 : i32
    %dma_wait3A_150 = tpu.memref_slice %arg14[%dma_wait3A_149] : memref<16384xi32, #tpu.memory_space<vmem_shared>> -> memref<2048xi32, #tpu.memory_space<vmem_shared>>
    %dma_wait3A_151 = arith.constant 0 : i32
    %dma_wait3A_152 = tpu.memref_slice %arg9[%dma_wait3A_145, %dma_wait3A_151] : memref<2x2048xi32, #tpu.memory_space<vmem>> -> memref<1x2048xi32, #tpu.memory_space<vmem>>
    %dma_wait3A_153 = tpu.memref_squeeze %dma_wait3A_152 : memref<1x2048xi32, #tpu.memory_space<vmem>> -> memref<2048xi32, #tpu.memory_space<vmem>>
    %dma_wait3A_154 = arith.constant 6144 : i32
    %dma_wait3A_155 = tpu.memref_slice %arg14[%dma_wait3A_154] : memref<16384xi32, #tpu.memory_space<vmem_shared>> -> memref<2048xi32, #tpu.memory_space<vmem_shared>>
    tpu.wait_dma2 semaphore(%arg17 : memref<!tpu.dma_semaphore, #tpu.memory_space<semaphore_mem>>) src(%dma_wait3A_155 : memref<2048xi32, #tpu.memory_space<vmem_shared>>) dst(%dma_wait3A_153 : memref<2048xi32, #tpu.memory_space<vmem>>)
    %dma_start3A_156 = arith.constant 0 : i32
    %dma_start3A_157 = arith.constant 0 : i32
    %dma_start3A_158 = tpu.memref_slice %arg9[%dma_start3A_156, %dma_start3A_157] : memref<2x2048xi32, #tpu.memory_space<vmem>> -> memref<1x2048xi32, #tpu.memory_space<vmem>>
    %dma_start3A_159 = tpu.memref_squeeze %dma_start3A_158 : memref<1x2048xi32, #tpu.memory_space<vmem>> -> memref<2048xi32, #tpu.memory_space<vmem>>
    %dma_start3A_160 = arith.constant 8192 : i32
    %dma_start3A_161 = tpu.memref_slice %arg14[%dma_start3A_160] : memref<16384xi32, #tpu.memory_space<vmem_shared>> -> memref<2048xi32, #tpu.memory_space<vmem_shared>>
    %dma_start3A_162 = arith.constant 0 : i32
    %dma_start3A_163 = tpu.memref_slice %arg9[%dma_start3A_156, %dma_start3A_162] : memref<2x2048xi32, #tpu.memory_space<vmem>> -> memref<1x2048xi32, #tpu.memory_space<vmem>>
    %dma_start3A_164 = tpu.memref_squeeze %dma_start3A_163 : memref<1x2048xi32, #tpu.memory_space<vmem>> -> memref<2048xi32, #tpu.memory_space<vmem>>
    %dma_start3A_165 = arith.constant 8192 : i32
    %dma_start3A_166 = tpu.memref_slice %arg14[%dma_start3A_165] : memref<16384xi32, #tpu.memory_space<vmem_shared>> -> memref<2048xi32, #tpu.memory_space<vmem_shared>>
    tpu.enqueue_dma source(%dma_start3A_166 : memref<2048xi32, #tpu.memory_space<vmem_shared>>) target(%dma_start3A_164 : memref<2048xi32, #tpu.memory_space<vmem>>) target_semaphore(%arg17 : memref<!tpu.dma_semaphore, #tpu.memory_space<semaphore_mem>>)
    %parallel_loop3A_167 = arith.constant 0 : i32
    %parallel_loop3A_168 = arith.constant 2048 : i32
    %parallel_loop3A_169 = arith.constant 16 : i32
    scf.for %parallel_loop3A_557 = %parallel_loop3A_167 to %parallel_loop3A_168 step %parallel_loop3A_169  : i32 {
      %parallel_loop3A_558 = arith.constant 1 : i32
      %parallel_loop3A_559 = arith.index_cast %parallel_loop3A_558 : i32 to index
      %parallel_loop3A_560 = arith.index_cast %parallel_loop3A_557 : i32 to index
      %parallel_loop3A_561 = tpu.vector_load %arg9[%parallel_loop3A_559, %parallel_loop3A_560] {strides = array<i32>} : memref<2x2048xi32, #tpu.memory_space<vmem>>, vector<16xi32>,
      %parallel_loop3A_562 = tpu.vector_load_idx %arg13[%mul3A_3, %parallel_loop3A_561] : memref<1x100000xf32, #tpu.memory_space<vmem>>[vector<16xi32>, vector<16xi32>], vector<16xf32>,
      %parallel_loop3A_563 = arith.constant 6144 : i32
      %parallel_loop3A_564 = arith.addi %parallel_loop3A_563, %parallel_loop3A_557 : i32
      %parallel_loop3A_565 = arith.constant 0 : i32
      %parallel_loop3A_566 = arith.index_cast %parallel_loop3A_565 : i32 to index
      %parallel_loop3A_567 = arith.index_cast %parallel_loop3A_564 : i32 to index
      %parallel_loop3A_568 = tpu.vector_load %arg10[%parallel_loop3A_566, %parallel_loop3A_567] {strides = array<i32>} : memref<1x16384xf32, #tpu.memory_space<vmem>>, vector<16xf32>,
      tpu.vector_store %arg10[%parallel_loop3A_566, %parallel_loop3A_567], %parallel_loop3A_562 {strides = array<i32>} : memref<1x16384xf32, #tpu.memory_space<vmem>>, vector<16xf32>,
    } {sc.loop_unroll_factor = 16 : i64, sc.parallel_access}
    %dma_wait3A_170 = arith.constant 0 : i32
    %dma_wait3A_171 = arith.constant 0 : i32
    %dma_wait3A_172 = tpu.memref_slice %arg9[%dma_wait3A_170, %dma_wait3A_171] : memref<2x2048xi32, #tpu.memory_space<vmem>> -> memref<1x2048xi32, #tpu.memory_space<vmem>>
    %dma_wait3A_173 = tpu.memref_squeeze %dma_wait3A_172 : memref<1x2048xi32, #tpu.memory_space<vmem>> -> memref<2048xi32, #tpu.memory_space<vmem>>
    %dma_wait3A_174 = arith.constant 8192 : i32
    %dma_wait3A_175 = tpu.memref_slice %arg14[%dma_wait3A_174] : memref<16384xi32, #tpu.memory_space<vmem_shared>> -> memref<2048xi32, #tpu.memory_space<vmem_shared>>
    %dma_wait3A_176 = arith.constant 0 : i32
    %dma_wait3A_177 = tpu.memref_slice %arg9[%dma_wait3A_170, %dma_wait3A_176] : memref<2x2048xi32, #tpu.memory_space<vmem>> -> memref<1x2048xi32, #tpu.memory_space<vmem>>
    %dma_wait3A_178 = tpu.memref_squeeze %dma_wait3A_177 : memref<1x2048xi32, #tpu.memory_space<vmem>> -> memref<2048xi32, #tpu.memory_space<vmem>>
    %dma_wait3A_179 = arith.constant 8192 : i32
    %dma_wait3A_180 = tpu.memref_slice %arg14[%dma_wait3A_179] : memref<16384xi32, #tpu.memory_space<vmem_shared>> -> memref<2048xi32, #tpu.memory_space<vmem_shared>>
    tpu.wait_dma2 semaphore(%arg17 : memref<!tpu.dma_semaphore, #tpu.memory_space<semaphore_mem>>) src(%dma_wait3A_180 : memref<2048xi32, #tpu.memory_space<vmem_shared>>) dst(%dma_wait3A_178 : memref<2048xi32, #tpu.memory_space<vmem>>)
    %dma_start3A_181 = arith.constant 1 : i32
    %dma_start3A_182 = arith.constant 0 : i32
    %dma_start3A_183 = tpu.memref_slice %arg9[%dma_start3A_181, %dma_start3A_182] : memref<2x2048xi32, #tpu.memory_space<vmem>> -> memref<1x2048xi32, #tpu.memory_space<vmem>>
    %dma_start3A_184 = tpu.memref_squeeze %dma_start3A_183 : memref<1x2048xi32, #tpu.memory_space<vmem>> -> memref<2048xi32, #tpu.memory_space<vmem>>
    %dma_start3A_185 = arith.constant 10240 : i32
    %dma_start3A_186 = tpu.memref_slice %arg14[%dma_start3A_185] : memref<16384xi32, #tpu.memory_space<vmem_shared>> -> memref<2048xi32, #tpu.memory_space<vmem_shared>>
    %dma_start3A_187 = arith.constant 0 : i32
    %dma_start3A_188 = tpu.memref_slice %arg9[%dma_start3A_181, %dma_start3A_187] : memref<2x2048xi32, #tpu.memory_space<vmem>> -> memref<1x2048xi32, #tpu.memory_space<vmem>>
    %dma_start3A_189 = tpu.memref_squeeze %dma_start3A_188 : memref<1x2048xi32, #tpu.memory_space<vmem>> -> memref<2048xi32, #tpu.memory_space<vmem>>
    %dma_start3A_190 = arith.constant 10240 : i32
    %dma_start3A_191 = tpu.memref_slice %arg14[%dma_start3A_190] : memref<16384xi32, #tpu.memory_space<vmem_shared>> -> memref<2048xi32, #tpu.memory_space<vmem_shared>>
    tpu.enqueue_dma source(%dma_start3A_191 : memref<2048xi32, #tpu.memory_space<vmem_shared>>) target(%dma_start3A_189 : memref<2048xi32, #tpu.memory_space<vmem>>) target_semaphore(%arg17 : memref<!tpu.dma_semaphore, #tpu.memory_space<semaphore_mem>>)
    %parallel_loop3A_192 = arith.constant 0 : i32
    %parallel_loop3A_193 = arith.constant 2048 : i32
    %parallel_loop3A_194 = arith.constant 16 : i32
    scf.for %parallel_loop3A_557 = %parallel_loop3A_192 to %parallel_loop3A_193 step %parallel_loop3A_194  : i32 {
      %parallel_loop3A_558 = arith.constant 0 : i32
      %parallel_loop3A_559 = arith.index_cast %parallel_loop3A_558 : i32 to index
      %parallel_loop3A_560 = arith.index_cast %parallel_loop3A_557 : i32 to index
      %parallel_loop3A_561 = tpu.vector_load %arg9[%parallel_loop3A_559, %parallel_loop3A_560] {strides = array<i32>} : memref<2x2048xi32, #tpu.memory_space<vmem>>, vector<16xi32>,
      %parallel_loop3A_562 = tpu.vector_load_idx %arg13[%mul3A_3, %parallel_loop3A_561] : memref<1x100000xf32, #tpu.memory_space<vmem>>[vector<16xi32>, vector<16xi32>], vector<16xf32>,
      %parallel_loop3A_563 = arith.constant 8192 : i32
      %parallel_loop3A_564 = arith.addi %parallel_loop3A_563, %parallel_loop3A_557 : i32
      %parallel_loop3A_565 = arith.constant 0 : i32
      %parallel_loop3A_566 = arith.index_cast %parallel_loop3A_565 : i32 to index
      %parallel_loop3A_567 = arith.index_cast %parallel_loop3A_564 : i32 to index
      %parallel_loop3A_568 = tpu.vector_load %arg10[%parallel_loop3A_566, %parallel_loop3A_567] {strides = array<i32>} : memref<1x16384xf32, #tpu.memory_space<vmem>>, vector<16xf32>,
      tpu.vector_store %arg10[%parallel_loop3A_566, %parallel_loop3A_567], %parallel_loop3A_562 {strides = array<i32>} : memref<1x16384xf32, #tpu.memory_space<vmem>>, vector<16xf32>,
    } {sc.loop_unroll_factor = 16 : i64, sc.parallel_access}
    %dma_wait3A_195 = arith.constant 1 : i32
    %dma_wait3A_196 = arith.constant 0 : i32
    %dma_wait3A_197 = tpu.memref_slice %arg9[%dma_wait3A_195, %dma_wait3A_196] : memref<2x2048xi32, #tpu.memory_space<vmem>> -> memref<1x2048xi32, #tpu.memory_space<vmem>>
    %dma_wait3A_198 = tpu.memref_squeeze %dma_wait3A_197 : memref<1x2048xi32, #tpu.memory_space<vmem>> -> memref<2048xi32, #tpu.memory_space<vmem>>
    %dma_wait3A_199 = arith.constant 10240 : i32
    %dma_wait3A_200 = tpu.memref_slice %arg14[%dma_wait3A_199] : memref<16384xi32, #tpu.memory_space<vmem_shared>> -> memref<2048xi32, #tpu.memory_space<vmem_shared>>
    %dma_wait3A_201 = arith.constant 0 : i32
    %dma_wait3A_202 = tpu.memref_slice %arg9[%dma_wait3A_195, %dma_wait3A_201] : memref<2x2048xi32, #tpu.memory_space<vmem>> -> memref<1x2048xi32, #tpu.memory_space<vmem>>
    %dma_wait3A_203 = tpu.memref_squeeze %dma_wait3A_202 : memref<1x2048xi32, #tpu.memory_space<vmem>> -> memref<2048xi32, #tpu.memory_space<vmem>>
    %dma_wait3A_204 = arith.constant 10240 : i32
    %dma_wait3A_205 = tpu.memref_slice %arg14[%dma_wait3A_204] : memref<16384xi32, #tpu.memory_space<vmem_shared>> -> memref<2048xi32, #tpu.memory_space<vmem_shared>>
    tpu.wait_dma2 semaphore(%arg17 : memref<!tpu.dma_semaphore, #tpu.memory_space<semaphore_mem>>) src(%dma_wait3A_205 : memref<2048xi32, #tpu.memory_space<vmem_shared>>) dst(%dma_wait3A_203 : memref<2048xi32, #tpu.memory_space<vmem>>)
    %dma_start3A_206 = arith.constant 0 : i32
    %dma_start3A_207 = arith.constant 0 : i32
    %dma_start3A_208 = tpu.memref_slice %arg9[%dma_start3A_206, %dma_start3A_207] : memref<2x2048xi32, #tpu.memory_space<vmem>> -> memref<1x2048xi32, #tpu.memory_space<vmem>>
    %dma_start3A_209 = tpu.memref_squeeze %dma_start3A_208 : memref<1x2048xi32, #tpu.memory_space<vmem>> -> memref<2048xi32, #tpu.memory_space<vmem>>
    %dma_start3A_210 = arith.constant 12288 : i32
    %dma_start3A_211 = tpu.memref_slice %arg14[%dma_start3A_210] : memref<16384xi32, #tpu.memory_space<vmem_shared>> -> memref<2048xi32, #tpu.memory_space<vmem_shared>>
    %dma_start3A_212 = arith.constant 0 : i32
    %dma_start3A_213 = tpu.memref_slice %arg9[%dma_start3A_206, %dma_start3A_212] : memref<2x2048xi32, #tpu.memory_space<vmem>> -> memref<1x2048xi32, #tpu.memory_space<vmem>>
    %dma_start3A_214 = tpu.memref_squeeze %dma_start3A_213 : memref<1x2048xi32, #tpu.memory_space<vmem>> -> memref<2048xi32, #tpu.memory_space<vmem>>
    %dma_start3A_215 = arith.constant 12288 : i32
    %dma_start3A_216 = tpu.memref_slice %arg14[%dma_start3A_215] : memref<16384xi32, #tpu.memory_space<vmem_shared>> -> memref<2048xi32, #tpu.memory_space<vmem_shared>>
    tpu.enqueue_dma source(%dma_start3A_216 : memref<2048xi32, #tpu.memory_space<vmem_shared>>) target(%dma_start3A_214 : memref<2048xi32, #tpu.memory_space<vmem>>) target_semaphore(%arg17 : memref<!tpu.dma_semaphore, #tpu.memory_space<semaphore_mem>>)
    %parallel_loop3A_217 = arith.constant 0 : i32
    %parallel_loop3A_218 = arith.constant 2048 : i32
    %parallel_loop3A_219 = arith.constant 16 : i32
    scf.for %parallel_loop3A_557 = %parallel_loop3A_217 to %parallel_loop3A_218 step %parallel_loop3A_219  : i32 {
      %parallel_loop3A_558 = arith.constant 1 : i32
      %parallel_loop3A_559 = arith.index_cast %parallel_loop3A_558 : i32 to index
      %parallel_loop3A_560 = arith.index_cast %parallel_loop3A_557 : i32 to index
      %parallel_loop3A_561 = tpu.vector_load %arg9[%parallel_loop3A_559, %parallel_loop3A_560] {strides = array<i32>} : memref<2x2048xi32, #tpu.memory_space<vmem>>, vector<16xi32>,
      %parallel_loop3A_562 = tpu.vector_load_idx %arg13[%mul3A_3, %parallel_loop3A_561] : memref<1x100000xf32, #tpu.memory_space<vmem>>[vector<16xi32>, vector<16xi32>], vector<16xf32>,
      %parallel_loop3A_563 = arith.constant 10240 : i32
      %parallel_loop3A_564 = arith.addi %parallel_loop3A_563, %parallel_loop3A_557 : i32
      %parallel_loop3A_565 = arith.constant 0 : i32
      %parallel_loop3A_566 = arith.index_cast %parallel_loop3A_565 : i32 to index
      %parallel_loop3A_567 = arith.index_cast %parallel_loop3A_564 : i32 to index
      %parallel_loop3A_568 = tpu.vector_load %arg10[%parallel_loop3A_566, %parallel_loop3A_567] {strides = array<i32>} : memref<1x16384xf32, #tpu.memory_space<vmem>>, vector<16xf32>,
      tpu.vector_store %arg10[%parallel_loop3A_566, %parallel_loop3A_567], %parallel_loop3A_562 {strides = array<i32>} : memref<1x16384xf32, #tpu.memory_space<vmem>>, vector<16xf32>,
    } {sc.loop_unroll_factor = 16 : i64, sc.parallel_access}
    %dma_wait3A_220 = arith.constant 0 : i32
    %dma_wait3A_221 = arith.constant 0 : i32
    %dma_wait3A_222 = tpu.memref_slice %arg9[%dma_wait3A_220, %dma_wait3A_221] : memref<2x2048xi32, #tpu.memory_space<vmem>> -> memref<1x2048xi32, #tpu.memory_space<vmem>>
    %dma_wait3A_223 = tpu.memref_squeeze %dma_wait3A_222 : memref<1x2048xi32, #tpu.memory_space<vmem>> -> memref<2048xi32, #tpu.memory_space<vmem>>
    %dma_wait3A_224 = arith.constant 12288 : i32
    %dma_wait3A_225 = tpu.memref_slice %arg14[%dma_wait3A_224] : memref<16384xi32, #tpu.memory_space<vmem_shared>> -> memref<2048xi32, #tpu.memory_space<vmem_shared>>
    %dma_wait3A_226 = arith.constant 0 : i32
    %dma_wait3A_227 = tpu.memref_slice %arg9[%dma_wait3A_220, %dma_wait3A_226] : memref<2x2048xi32, #tpu.memory_space<vmem>> -> memref<1x2048xi32, #tpu.memory_space<vmem>>
    %dma_wait3A_228 = tpu.memref_squeeze %dma_wait3A_227 : memref<1x2048xi32, #tpu.memory_space<vmem>> -> memref<2048xi32, #tpu.memory_space<vmem>>
    %dma_wait3A_229 = arith.constant 12288 : i32
    %dma_wait3A_230 = tpu.memref_slice %arg14[%dma_wait3A_229] : memref<16384xi32, #tpu.memory_space<vmem_shared>> -> memref<2048xi32, #tpu.memory_space<vmem_shared>>
    tpu.wait_dma2 semaphore(%arg17 : memref<!tpu.dma_semaphore, #tpu.memory_space<semaphore_mem>>) src(%dma_wait3A_230 : memref<2048xi32, #tpu.memory_space<vmem_shared>>) dst(%dma_wait3A_228 : memref<2048xi32, #tpu.memory_space<vmem>>)
    %dma_start3A_231 = arith.constant 1 : i32
    %dma_start3A_232 = arith.constant 0 : i32
    %dma_start3A_233 = tpu.memref_slice %arg9[%dma_start3A_231, %dma_start3A_232] : memref<2x2048xi32, #tpu.memory_space<vmem>> -> memref<1x2048xi32, #tpu.memory_space<vmem>>
    %dma_start3A_234 = tpu.memref_squeeze %dma_start3A_233 : memref<1x2048xi32, #tpu.memory_space<vmem>> -> memref<2048xi32, #tpu.memory_space<vmem>>
    %dma_start3A_235 = arith.constant 14336 : i32
    %dma_start3A_236 = tpu.memref_slice %arg14[%dma_start3A_235] : memref<16384xi32, #tpu.memory_space<vmem_shared>> -> memref<2048xi32, #tpu.memory_space<vmem_shared>>
    %dma_start3A_237 = arith.constant 0 : i32
    %dma_start3A_238 = tpu.memref_slice %arg9[%dma_start3A_231, %dma_start3A_237] : memref<2x2048xi32, #tpu.memory_space<vmem>> -> memref<1x2048xi32, #tpu.memory_space<vmem>>
    %dma_start3A_239 = tpu.memref_squeeze %dma_start3A_238 : memref<1x2048xi32, #tpu.memory_space<vmem>> -> memref<2048xi32, #tpu.memory_space<vmem>>
    %dma_start3A_240 = arith.constant 14336 : i32
    %dma_start3A_241 = tpu.memref_slice %arg14[%dma_start3A_240] : memref<16384xi32, #tpu.memory_space<vmem_shared>> -> memref<2048xi32, #tpu.memory_space<vmem_shared>>
    tpu.enqueue_dma source(%dma_start3A_241 : memref<2048xi32, #tpu.memory_space<vmem_shared>>) target(%dma_start3A_239 : memref<2048xi32, #tpu.memory_space<vmem>>) target_semaphore(%arg17 : memref<!tpu.dma_semaphore, #tpu.memory_space<semaphore_mem>>)
    %parallel_loop3A_242 = arith.constant 0 : i32
    %parallel_loop3A_243 = arith.constant 2048 : i32
    %parallel_loop3A_244 = arith.constant 16 : i32
    scf.for %parallel_loop3A_557 = %parallel_loop3A_242 to %parallel_loop3A_243 step %parallel_loop3A_244  : i32 {
      %parallel_loop3A_558 = arith.constant 0 : i32
      %parallel_loop3A_559 = arith.index_cast %parallel_loop3A_558 : i32 to index
      %parallel_loop3A_560 = arith.index_cast %parallel_loop3A_557 : i32 to index
      %parallel_loop3A_561 = tpu.vector_load %arg9[%parallel_loop3A_559, %parallel_loop3A_560] {strides = array<i32>} : memref<2x2048xi32, #tpu.memory_space<vmem>>, vector<16xi32>,
      %parallel_loop3A_562 = tpu.vector_load_idx %arg13[%mul3A_3, %parallel_loop3A_561] : memref<1x100000xf32, #tpu.memory_space<vmem>>[vector<16xi32>, vector<16xi32>], vector<16xf32>,
      %parallel_loop3A_563 = arith.constant 12288 : i32
      %parallel_loop3A_564 = arith.addi %parallel_loop3A_563, %parallel_loop3A_557 : i32
      %parallel_loop3A_565 = arith.constant 0 : i32
      %parallel_loop3A_566 = arith.index_cast %parallel_loop3A_565 : i32 to index
      %parallel_loop3A_567 = arith.index_cast %parallel_loop3A_564 : i32 to index
      %parallel_loop3A_568 = tpu.vector_load %arg10[%parallel_loop3A_566, %parallel_loop3A_567] {strides = array<i32>} : memref<1x16384xf32, #tpu.memory_space<vmem>>, vector<16xf32>,
      tpu.vector_store %arg10[%parallel_loop3A_566, %parallel_loop3A_567], %parallel_loop3A_562 {strides = array<i32>} : memref<1x16384xf32, #tpu.memory_space<vmem>>, vector<16xf32>,
    } {sc.loop_unroll_factor = 16 : i64, sc.parallel_access}
    %dma_wait3A_245 = arith.constant 1 : i32
    %dma_wait3A_246 = arith.constant 0 : i32
    %dma_wait3A_247 = tpu.memref_slice %arg9[%dma_wait3A_245, %dma_wait3A_246] : memref<2x2048xi32, #tpu.memory_space<vmem>> -> memref<1x2048xi32, #tpu.memory_space<vmem>>
    %dma_wait3A_248 = tpu.memref_squeeze %dma_wait3A_247 : memref<1x2048xi32, #tpu.memory_space<vmem>> -> memref<2048xi32, #tpu.memory_space<vmem>>
    %dma_wait3A_249 = arith.constant 14336 : i32
    %dma_wait3A_250 = tpu.memref_slice %arg14[%dma_wait3A_249] : memref<16384xi32, #tpu.memory_space<vmem_shared>> -> memref<2048xi32, #tpu.memory_space<vmem_shared>>
    %dma_wait3A_251 = arith.constant 0 : i32
    %dma_wait3A_252 = tpu.memref_slice %arg9[%dma_wait3A_245, %dma_wait3A_251] : memref<2x2048xi32, #tpu.memory_space<vmem>> -> memref<1x2048xi32, #tpu.memory_space<vmem>>
    %dma_wait3A_253 = tpu.memref_squeeze %dma_wait3A_252 : memref<1x2048xi32, #tpu.memory_space<vmem>> -> memref<2048xi32, #tpu.memory_space<vmem>>
    %dma_wait3A_254 = arith.constant 14336 : i32
    %dma_wait3A_255 = tpu.memref_slice %arg14[%dma_wait3A_254] : memref<16384xi32, #tpu.memory_space<vmem_shared>> -> memref<2048xi32, #tpu.memory_space<vmem_shared>>
    tpu.wait_dma2 semaphore(%arg17 : memref<!tpu.dma_semaphore, #tpu.memory_space<semaphore_mem>>) src(%dma_wait3A_255 : memref<2048xi32, #tpu.memory_space<vmem_shared>>) dst(%dma_wait3A_253 : memref<2048xi32, #tpu.memory_space<vmem>>)
    %parallel_loop3A_256 = arith.constant 0 : i32
    %parallel_loop3A_257 = arith.constant 2048 : i32
    %parallel_loop3A_258 = arith.constant 16 : i32
    scf.for %parallel_loop3A_557 = %parallel_loop3A_256 to %parallel_loop3A_257 step %parallel_loop3A_258  : i32 {
      %parallel_loop3A_558 = arith.constant 1 : i32
      %parallel_loop3A_559 = arith.index_cast %parallel_loop3A_558 : i32 to index
      %parallel_loop3A_560 = arith.index_cast %parallel_loop3A_557 : i32 to index
      %parallel_loop3A_561 = tpu.vector_load %arg9[%parallel_loop3A_559, %parallel_loop3A_560] {strides = array<i32>} : memref<2x2048xi32, #tpu.memory_space<vmem>>, vector<16xi32>,
      %parallel_loop3A_562 = tpu.vector_load_idx %arg13[%mul3A_3, %parallel_loop3A_561] : memref<1x100000xf32, #tpu.memory_space<vmem>>[vector<16xi32>, vector<16xi32>], vector<16xf32>,
      %parallel_loop3A_563 = arith.constant 14336 : i32
      %parallel_loop3A_564 = arith.addi %parallel_loop3A_563, %parallel_loop3A_557 : i32
      %parallel_loop3A_565 = arith.constant 0 : i32
      %parallel_loop3A_566 = arith.index_cast %parallel_loop3A_565 : i32 to index
      %parallel_loop3A_567 = arith.index_cast %parallel_loop3A_564 : i32 to index
      %parallel_loop3A_568 = tpu.vector_load %arg10[%parallel_loop3A_566, %parallel_loop3A_567] {strides = array<i32>} : memref<1x16384xf32, #tpu.memory_space<vmem>>, vector<16xf32>,
      tpu.vector_store %arg10[%parallel_loop3A_566, %parallel_loop3A_567], %parallel_loop3A_562 {strides = array<i32>} : memref<1x16384xf32, #tpu.memory_space<vmem>>, vector<16xf32>,
    } {sc.loop_unroll_factor = 16 : i64, sc.parallel_access}
    %dma_start3A_259 = arith.constant 0 : i32
    %dma_start3A_260 = arith.constant 0 : i32
    %dma_start3A_261 = tpu.memref_slice %arg8[%dma_start3A_259, %dma_start3A_260] : memref<2x1xi32, #tpu.memory_space<vmem>> -> memref<1x1xi32, #tpu.memory_space<vmem>>
    %dma_start3A_262 = tpu.memref_squeeze %dma_start3A_261 : memref<1x1xi32, #tpu.memory_space<vmem>> -> memref<1xi32, #tpu.memory_space<vmem>>
    %dma_start3A_263 = arith.constant 0 : i32
    %dma_start3A_264 = arith.constant 0 : i32
    %dma_start3A_265 = tpu.memref_slice %arg7[%dma_start3A_263, %dma_start3A_264] : memref<72x16384xf32, #tpu.memory_space<hbm>> -> memref<72x16384xf32, #tpu.memory_space<hbm>>
    tpu.enqueue_indirect_dma source(%arg10 : memref<1x16384xf32, #tpu.memory_space<vmem>>) target(%dma_start3A_265 : memref<72x16384xf32, #tpu.memory_space<hbm>>) offsets(%dma_start3A_262 : memref<1xi32, #tpu.memory_space<vmem>>) semaphore(%arg16 : memref<!tpu.dma_semaphore, #tpu.memory_space<semaphore_mem>>)
    %add3A_266 = arith.constant 32 : i32
    %add3A_267 = arith.addi %add3A, %add3A_266 : i32
    %dma_start3A_268 = arith.constant 1 : i32
    %dma_start3A_269 = arith.constant 0 : i32
    %dma_start3A_270 = arith.constant 0 : i32
    %dma_start3A_271 = tpu.memref_slice %arg13[%dma_start3A_269, %dma_start3A_270] : memref<1x100000xf32, #tpu.memory_space<vmem>> -> memref<1x49920xf32, #tpu.memory_space<vmem>>
    %dma_start3A_272 = arith.constant 0 : i32
    %dma_start3A_273 = tpu.memref_slice %arg8[%dma_start3A_268, %dma_start3A_272] : memref<2x1xi32, #tpu.memory_space<vmem>> -> memref<1x1xi32, #tpu.memory_space<vmem>>
    %dma_start3A_274 = tpu.memref_squeeze %dma_start3A_273 : memref<1x1xi32, #tpu.memory_space<vmem>> -> memref<1xi32, #tpu.memory_space<vmem>>
    %dma_start3A_275 = arith.constant 0 : i32
    %dma_start3A_276 = arith.constant 0 : i32
    %dma_start3A_277 = tpu.memref_slice %arg2[%dma_start3A_275, %dma_start3A_276] : memref<64x100000xf32, #tpu.memory_space<hbm>> -> memref<64x49920xf32, #tpu.memory_space<hbm>>
    tpu.enqueue_indirect_dma source(%dma_start3A_277 : memref<64x49920xf32, #tpu.memory_space<hbm>>) target(%dma_start3A_271 : memref<1x49920xf32, #tpu.memory_space<vmem>>) offsets(%dma_start3A_274 : memref<1xi32, #tpu.memory_space<vmem>>) semaphore(%arg15 : memref<!tpu.dma_semaphore, #tpu.memory_space<semaphore_mem>>)
    %dma_start3A_278 = arith.constant 1 : i32
    %dma_start3A_279 = arith.constant 0 : i32
    %dma_start3A_280 = arith.constant 49920 : i32
    %dma_start3A_281 = tpu.memref_slice %arg13[%dma_start3A_279, %dma_start3A_280] : memref<1x100000xf32, #tpu.memory_space<vmem>> -> memref<1x50048xf32, #tpu.memory_space<vmem>>
    %dma_start3A_282 = arith.constant 0 : i32
    %dma_start3A_283 = tpu.memref_slice %arg8[%dma_start3A_278, %dma_start3A_282] : memref<2x1xi32, #tpu.memory_space<vmem>> -> memref<1x1xi32, #tpu.memory_space<vmem>>
    %dma_start3A_284 = tpu.memref_squeeze %dma_start3A_283 : memref<1x1xi32, #tpu.memory_space<vmem>> -> memref<1xi32, #tpu.memory_space<vmem>>
    %dma_start3A_285 = arith.constant 0 : i32
    %dma_start3A_286 = arith.constant 49920 : i32
    %dma_start3A_287 = tpu.memref_slice %arg2[%dma_start3A_285, %dma_start3A_286] : memref<64x100000xf32, #tpu.memory_space<hbm>> -> memref<64x50048xf32, #tpu.memory_space<hbm>>
    tpu.enqueue_indirect_dma source(%dma_start3A_287 : memref<64x50048xf32, #tpu.memory_space<hbm>>) target(%dma_start3A_281 : memref<1x50048xf32, #tpu.memory_space<vmem>>) offsets(%dma_start3A_284 : memref<1xi32, #tpu.memory_space<vmem>>) semaphore(%arg18 : memref<!tpu.dma_semaphore, #tpu.memory_space<semaphore_mem>>)
    %mul3A_288 = arith.constant 2 : i32
    %mul3A_289 = arith.muli %add3A, %mul3A_288 : i32
    %add3A_290 = arith.constant 0 : i32
    %add3A_291 = arith.addi %mul3A_289, %add3A_290 : i32
    %mul3A_292 = arith.constant 256 : i32
    %mul3A_293 = arith.muli %add3A_291, %mul3A_292 : i32
    "tpu.region"() ({
      %run_scoped3A = tpu.sem_alloc : memref<!tpu.dma_semaphore, #tpu.memory_space<semaphore_mem>>
      %dma_start3A_557 = arith.constant 0 : i32
      %dma_start3A_558 = tpu.memref_slice %arg4[%dma_start3A_557, %mul3A_293] : memref<8x16384xf32, #tpu.memory_space<hbm>> -> memref<8x256xf32, #tpu.memory_space<hbm>>
      %dma_start3A_559 = arith.constant 0 : i32
      %dma_start3A_560 = tpu.memref_slice %arg4[%dma_start3A_559, %mul3A_293] : memref<8x16384xf32, #tpu.memory_space<hbm>> -> memref<8x256xf32, #tpu.memory_space<hbm>>
      tpu.enqueue_dma source(%dma_start3A_560 : memref<8x256xf32, #tpu.memory_space<hbm>>) target(%arg11 : memref<8x256xf32, #tpu.memory_space<vmem>>) target_semaphore(%run_scoped3A : memref<!tpu.dma_semaphore, #tpu.memory_space<semaphore_mem>>)
      %dma_wait3A_561 = arith.constant 0 : i32
      %dma_wait3A_562 = tpu.memref_slice %arg4[%dma_wait3A_561, %mul3A_293] : memref<8x16384xf32, #tpu.memory_space<hbm>> -> memref<8x256xf32, #tpu.memory_space<hbm>>
      %dma_wait3A_563 = arith.constant 0 : i32
      %dma_wait3A_564 = tpu.memref_slice %arg4[%dma_wait3A_563, %mul3A_293] : memref<8x16384xf32, #tpu.memory_space<hbm>> -> memref<8x256xf32, #tpu.memory_space<hbm>>
      tpu.wait_dma2 semaphore(%run_scoped3A : memref<!tpu.dma_semaphore, #tpu.memory_space<semaphore_mem>>) src(%dma_wait3A_564 : memref<8x256xf32, #tpu.memory_space<hbm>>) dst(%arg11 : memref<8x256xf32, #tpu.memory_space<vmem>>)
      tpu.yield
    }) : () -> ()
    "tpu.region"() ({
      %run_scoped3A = tpu.sem_alloc : memref<!tpu.dma_semaphore, #tpu.memory_space<semaphore_mem>>
      %dma_start3A_557 = arith.constant 64 : i32
      %dma_start3A_558 = tpu.memref_slice %arg7[%dma_start3A_557, %mul3A_293] : memref<72x16384xf32, #tpu.memory_space<hbm>> -> memref<8x256xf32, #tpu.memory_space<hbm>>
      %dma_start3A_559 = arith.constant 64 : i32
      %dma_start3A_560 = tpu.memref_slice %arg7[%dma_start3A_559, %mul3A_293] : memref<72x16384xf32, #tpu.memory_space<hbm>> -> memref<8x256xf32, #tpu.memory_space<hbm>>
      tpu.enqueue_dma source(%arg11 : memref<8x256xf32, #tpu.memory_space<vmem>>) target(%dma_start3A_560 : memref<8x256xf32, #tpu.memory_space<hbm>>) target_semaphore(%run_scoped3A : memref<!tpu.dma_semaphore, #tpu.memory_space<semaphore_mem>>)
      %dma_wait3A_561 = arith.constant 64 : i32
      %dma_wait3A_562 = tpu.memref_slice %arg7[%dma_wait3A_561, %mul3A_293] : memref<72x16384xf32, #tpu.memory_space<hbm>> -> memref<8x256xf32, #tpu.memory_space<hbm>>
      %dma_wait3A_563 = arith.constant 64 : i32
      %dma_wait3A_564 = tpu.memref_slice %arg7[%dma_wait3A_563, %mul3A_293] : memref<72x16384xf32, #tpu.memory_space<hbm>> -> memref<8x256xf32, #tpu.memory_space<hbm>>
      tpu.wait_dma2 semaphore(%run_scoped3A : memref<!tpu.dma_semaphore, #tpu.memory_space<semaphore_mem>>) src(%arg11 : memref<8x256xf32, #tpu.memory_space<vmem>>) dst(%dma_wait3A_564 : memref<8x256xf32, #tpu.memory_space<hbm>>)
      tpu.yield
    }) : () -> ()
    %mul3A_294 = arith.constant 2 : i32
    %mul3A_295 = arith.muli %add3A, %mul3A_294 : i32
    %add3A_296 = arith.constant 1 : i32
    %add3A_297 = arith.addi %mul3A_295, %add3A_296 : i32
    %mul3A_298 = arith.constant 256 : i32
    %mul3A_299 = arith.muli %add3A_297, %mul3A_298 : i32
    "tpu.region"() ({
      %run_scoped3A = tpu.sem_alloc : memref<!tpu.dma_semaphore, #tpu.memory_space<semaphore_mem>>
      %dma_start3A_557 = arith.constant 0 : i32
      %dma_start3A_558 = tpu.memref_slice %arg4[%dma_start3A_557, %mul3A_299] : memref<8x16384xf32, #tpu.memory_space<hbm>> -> memref<8x256xf32, #tpu.memory_space<hbm>>
      %dma_start3A_559 = arith.constant 0 : i32
      %dma_start3A_560 = tpu.memref_slice %arg4[%dma_start3A_559, %mul3A_299] : memref<8x16384xf32, #tpu.memory_space<hbm>> -> memref<8x256xf32, #tpu.memory_space<hbm>>
      tpu.enqueue_dma source(%dma_start3A_560 : memref<8x256xf32, #tpu.memory_space<hbm>>) target(%arg11 : memref<8x256xf32, #tpu.memory_space<vmem>>) target_semaphore(%run_scoped3A : memref<!tpu.dma_semaphore, #tpu.memory_space<semaphore_mem>>)
      %dma_wait3A_561 = arith.constant 0 : i32
      %dma_wait3A_562 = tpu.memref_slice %arg4[%dma_wait3A_561, %mul3A_299] : memref<8x16384xf32, #tpu.memory_space<hbm>> -> memref<8x256xf32, #tpu.memory_space<hbm>>
      %dma_wait3A_563 = arith.constant 0 : i32
      %dma_wait3A_564 = tpu.memref_slice %arg4[%dma_wait3A_563, %mul3A_299] : memref<8x16384xf32, #tpu.memory_space<hbm>> -> memref<8x256xf32, #tpu.memory_space<hbm>>
      tpu.wait_dma2 semaphore(%run_scoped3A : memref<!tpu.dma_semaphore, #tpu.memory_space<semaphore_mem>>) src(%dma_wait3A_564 : memref<8x256xf32, #tpu.memory_space<hbm>>) dst(%arg11 : memref<8x256xf32, #tpu.memory_space<vmem>>)
      tpu.yield
    }) : () -> ()
    "tpu.region"() ({
      %run_scoped3A = tpu.sem_alloc : memref<!tpu.dma_semaphore, #tpu.memory_space<semaphore_mem>>
      %dma_start3A_557 = arith.constant 64 : i32
      %dma_start3A_558 = tpu.memref_slice %arg7[%dma_start3A_557, %mul3A_299] : memref<72x16384xf32, #tpu.memory_space<hbm>> -> memref<8x256xf32, #tpu.memory_space<hbm>>
      %dma_start3A_559 = arith.constant 64 : i32
      %dma_start3A_560 = tpu.memref_slice %arg7[%dma_start3A_559, %mul3A_299] : memref<72x16384xf32, #tpu.memory_space<hbm>> -> memref<8x256xf32, #tpu.memory_space<hbm>>
      tpu.enqueue_dma source(%arg11 : memref<8x256xf32, #tpu.memory_space<vmem>>) target(%dma_start3A_560 : memref<8x256xf32, #tpu.memory_space<hbm>>) target_semaphore(%run_scoped3A : memref<!tpu.dma_semaphore, #tpu.memory_space<semaphore_mem>>)
      %dma_wait3A_561 = arith.constant 64 : i32
      %dma_wait3A_562 = tpu.memref_slice %arg7[%dma_wait3A_561, %mul3A_299] : memref<72x16384xf32, #tpu.memory_space<hbm>> -> memref<8x256xf32, #tpu.memory_space<hbm>>
      %dma_wait3A_563 = arith.constant 64 : i32
      %dma_wait3A_564 = tpu.memref_slice %arg7[%dma_wait3A_563, %mul3A_299] : memref<72x16384xf32, #tpu.memory_space<hbm>> -> memref<8x256xf32, #tpu.memory_space<hbm>>
      tpu.wait_dma2 semaphore(%run_scoped3A : memref<!tpu.dma_semaphore, #tpu.memory_space<semaphore_mem>>) src(%arg11 : memref<8x256xf32, #tpu.memory_space<vmem>>) dst(%dma_wait3A_564 : memref<8x256xf32, #tpu.memory_space<hbm>>)
      tpu.yield
    }) : () -> ()
    %dma_wait3A_300 = arith.constant 0 : i32
    %dma_wait3A_301 = arith.constant 0 : i32
    %dma_wait3A_302 = tpu.memref_slice %arg8[%dma_wait3A_300, %dma_wait3A_301] : memref<2x1xi32, #tpu.memory_space<vmem>> -> memref<1x1xi32, #tpu.memory_space<vmem>>
    %dma_wait3A_303 = tpu.memref_squeeze %dma_wait3A_302 : memref<1x1xi32, #tpu.memory_space<vmem>> -> memref<1xi32, #tpu.memory_space<vmem>>
    %dma_wait3A_304 = arith.constant 0 : i32
    %dma_wait3A_305 = arith.constant 0 : i32
    %dma_wait3A_306 = tpu.memref_slice %arg7[%dma_wait3A_304, %dma_wait3A_305] : memref<72x16384xf32, #tpu.memory_space<hbm>> -> memref<72x16384xf32, #tpu.memory_space<hbm>>
    tpu.wait_indirect_dma semaphore(%arg16 : memref<!tpu.dma_semaphore, #tpu.memory_space<semaphore_mem>>) src(%arg10 : memref<1x16384xf32, #tpu.memory_space<vmem>>) dst(%dma_wait3A_306 : memref<72x16384xf32, #tpu.memory_space<hbm>>)
    %dma_start3A_307 = arith.constant 0 : i32
    %dma_start3A_308 = arith.constant 0 : i32
    %dma_start3A_309 = tpu.memref_slice %arg9[%dma_start3A_307, %dma_start3A_308] : memref<2x2048xi32, #tpu.memory_space<vmem>> -> memref<1x2048xi32, #tpu.memory_space<vmem>>
    %dma_start3A_310 = tpu.memref_squeeze %dma_start3A_309 : memref<1x2048xi32, #tpu.memory_space<vmem>> -> memref<2048xi32, #tpu.memory_space<vmem>>
    %dma_start3A_311 = arith.constant 0 : i32
    %dma_start3A_312 = tpu.memref_slice %arg14[%dma_start3A_311] : memref<16384xi32, #tpu.memory_space<vmem_shared>> -> memref<2048xi32, #tpu.memory_space<vmem_shared>>
    %dma_start3A_313 = arith.constant 0 : i32
    %dma_start3A_314 = tpu.memref_slice %arg9[%dma_start3A_307, %dma_start3A_313] : memref<2x2048xi32, #tpu.memory_space<vmem>> -> memref<1x2048xi32, #tpu.memory_space<vmem>>
    %dma_start3A_315 = tpu.memref_squeeze %dma_start3A_314 : memref<1x2048xi32, #tpu.memory_space<vmem>> -> memref<2048xi32, #tpu.memory_space<vmem>>
    %dma_start3A_316 = arith.constant 0 : i32
    %dma_start3A_317 = tpu.memref_slice %arg14[%dma_start3A_316] : memref<16384xi32, #tpu.memory_space<vmem_shared>> -> memref<2048xi32, #tpu.memory_space<vmem_shared>>
    tpu.enqueue_dma source(%dma_start3A_317 : memref<2048xi32, #tpu.memory_space<vmem_shared>>) target(%dma_start3A_315 : memref<2048xi32, #tpu.memory_space<vmem>>) target_semaphore(%arg17 : memref<!tpu.dma_semaphore, #tpu.memory_space<semaphore_mem>>)
    %dma_wait3A_318 = arith.constant 1 : i32
    %dma_wait3A_319 = arith.constant 0 : i32
    %dma_wait3A_320 = arith.constant 0 : i32
    %dma_wait3A_321 = tpu.memref_slice %arg13[%dma_wait3A_319, %dma_wait3A_320] : memref<1x100000xf32, #tpu.memory_space<vmem>> -> memref<1x49920xf32, #tpu.memory_space<vmem>>
    %dma_wait3A_322 = arith.constant 0 : i32
    %dma_wait3A_323 = tpu.memref_slice %arg8[%dma_wait3A_318, %dma_wait3A_322] : memref<2x1xi32, #tpu.memory_space<vmem>> -> memref<1x1xi32, #tpu.memory_space<vmem>>
    %dma_wait3A_324 = tpu.memref_squeeze %dma_wait3A_323 : memref<1x1xi32, #tpu.memory_space<vmem>> -> memref<1xi32, #tpu.memory_space<vmem>>
    %dma_wait3A_325 = arith.constant 0 : i32
    %dma_wait3A_326 = arith.constant 0 : i32
    %dma_wait3A_327 = tpu.memref_slice %arg2[%dma_wait3A_325, %dma_wait3A_326] : memref<64x100000xf32, #tpu.memory_space<hbm>> -> memref<64x49920xf32, #tpu.memory_space<hbm>>
    tpu.wait_indirect_dma semaphore(%arg15 : memref<!tpu.dma_semaphore, #tpu.memory_space<semaphore_mem>>) src(%dma_wait3A_327 : memref<64x49920xf32, #tpu.memory_space<hbm>>) dst(%dma_wait3A_321 : memref<1x49920xf32, #tpu.memory_space<vmem>>)
    %dma_wait3A_328 = arith.constant 1 : i32
    %dma_wait3A_329 = arith.constant 0 : i32
    %dma_wait3A_330 = arith.constant 49920 : i32
    %dma_wait3A_331 = tpu.memref_slice %arg13[%dma_wait3A_329, %dma_wait3A_330] : memref<1x100000xf32, #tpu.memory_space<vmem>> -> memref<1x50048xf32, #tpu.memory_space<vmem>>
    %dma_wait3A_332 = arith.constant 0 : i32
    %dma_wait3A_333 = tpu.memref_slice %arg8[%dma_wait3A_328, %dma_wait3A_332] : memref<2x1xi32, #tpu.memory_space<vmem>> -> memref<1x1xi32, #tpu.memory_space<vmem>>
    %dma_wait3A_334 = tpu.memref_squeeze %dma_wait3A_333 : memref<1x1xi32, #tpu.memory_space<vmem>> -> memref<1xi32, #tpu.memory_space<vmem>>
    %dma_wait3A_335 = arith.constant 0 : i32
    %dma_wait3A_336 = arith.constant 49920 : i32
    %dma_wait3A_337 = tpu.memref_slice %arg2[%dma_wait3A_335, %dma_wait3A_336] : memref<64x100000xf32, #tpu.memory_space<hbm>> -> memref<64x50048xf32, #tpu.memory_space<hbm>>
    tpu.wait_indirect_dma semaphore(%arg18 : memref<!tpu.dma_semaphore, #tpu.memory_space<semaphore_mem>>) src(%dma_wait3A_337 : memref<64x50048xf32, #tpu.memory_space<hbm>>) dst(%dma_wait3A_331 : memref<1x50048xf32, #tpu.memory_space<vmem>>)
    %get3A_338 = arith.constant 1 : i32
    %get3A_339 = arith.index_cast %get3A_338 : i32 to index
    %get3A_340 = arith.constant 0 : index
    %get3A_341 = tpu.vector_load %arg12[%get3A_339, %get3A_340] {strides = array<i32>} : memref<2x32xf32, #tpu.memory_space<vmem>>, vector<16xf32>,
    %swap3A_342 = arith.constant 0 : i32
    %swap3A_343 = arith.index_cast %swap3A_342 : i32 to index
    %swap3A_344 = arith.constant 99968 : index
    %swap3A_345 = tpu.vector_load %arg13[%swap3A_343, %swap3A_344] {strides = array<i32>} : memref<1x100000xf32, #tpu.memory_space<vmem>>, vector<16xf32>,
    tpu.vector_store %arg13[%swap3A_343, %swap3A_344], %get3A_341 {strides = array<i32>} : memref<1x100000xf32, #tpu.memory_space<vmem>>, vector<16xf32>,
    %get3A_346 = arith.constant 1 : i32
    %get3A_347 = arith.index_cast %get3A_346 : i32 to index
    %get3A_348 = arith.constant 16 : index
    %get3A_349 = tpu.vector_load %arg12[%get3A_347, %get3A_348] {strides = array<i32>} : memref<2x32xf32, #tpu.memory_space<vmem>>, vector<16xf32>,
    %swap3A_350 = arith.constant 0 : i32
    %swap3A_351 = arith.index_cast %swap3A_350 : i32 to index
    %swap3A_352 = arith.constant 99984 : index
    %swap3A_353 = tpu.vector_load %arg13[%swap3A_351, %swap3A_352] {strides = array<i32>} : memref<1x100000xf32, #tpu.memory_space<vmem>>, vector<16xf32>,
    tpu.vector_store %arg13[%swap3A_351, %swap3A_352], %get3A_349 {strides = array<i32>} : memref<1x100000xf32, #tpu.memory_space<vmem>>, vector<16xf32>,
    %dma_wait3A_354 = arith.constant 0 : i32
    %dma_wait3A_355 = arith.constant 0 : i32
    %dma_wait3A_356 = tpu.memref_slice %arg9[%dma_wait3A_354, %dma_wait3A_355] : memref<2x2048xi32, #tpu.memory_space<vmem>> -> memref<1x2048xi32, #tpu.memory_space<vmem>>
    %dma_wait3A_357 = tpu.memref_squeeze %dma_wait3A_356 : memref<1x2048xi32, #tpu.memory_space<vmem>> -> memref<2048xi32, #tpu.memory_space<vmem>>
    %dma_wait3A_358 = arith.constant 0 : i32
    %dma_wait3A_359 = tpu.memref_slice %arg14[%dma_wait3A_358] : memref<16384xi32, #tpu.memory_space<vmem_shared>> -> memref<2048xi32, #tpu.memory_space<vmem_shared>>
    %dma_wait3A_360 = arith.constant 0 : i32
    %dma_wait3A_361 = tpu.memref_slice %arg9[%dma_wait3A_354, %dma_wait3A_360] : memref<2x2048xi32, #tpu.memory_space<vmem>> -> memref<1x2048xi32, #tpu.memory_space<vmem>>
    %dma_wait3A_362 = tpu.memref_squeeze %dma_wait3A_361 : memref<1x2048xi32, #tpu.memory_space<vmem>> -> memref<2048xi32, #tpu.memory_space<vmem>>
    %dma_wait3A_363 = arith.constant 0 : i32
    %dma_wait3A_364 = tpu.memref_slice %arg14[%dma_wait3A_363] : memref<16384xi32, #tpu.memory_space<vmem_shared>> -> memref<2048xi32, #tpu.memory_space<vmem_shared>>
    tpu.wait_dma2 semaphore(%arg17 : memref<!tpu.dma_semaphore, #tpu.memory_space<semaphore_mem>>) src(%dma_wait3A_364 : memref<2048xi32, #tpu.memory_space<vmem_shared>>) dst(%dma_wait3A_362 : memref<2048xi32, #tpu.memory_space<vmem>>)
    %dma_start3A_365 = arith.constant 1 : i32
    %dma_start3A_366 = arith.constant 0 : i32
    %dma_start3A_367 = tpu.memref_slice %arg9[%dma_start3A_365, %dma_start3A_366] : memref<2x2048xi32, #tpu.memory_space<vmem>> -> memref<1x2048xi32, #tpu.memory_space<vmem>>
    %dma_start3A_368 = tpu.memref_squeeze %dma_start3A_367 : memref<1x2048xi32, #tpu.memory_space<vmem>> -> memref<2048xi32, #tpu.memory_space<vmem>>
    %dma_start3A_369 = arith.constant 2048 : i32
    %dma_start3A_370 = tpu.memref_slice %arg14[%dma_start3A_369] : memref<16384xi32, #tpu.memory_space<vmem_shared>> -> memref<2048xi32, #tpu.memory_space<vmem_shared>>
    %dma_start3A_371 = arith.constant 0 : i32
    %dma_start3A_372 = tpu.memref_slice %arg9[%dma_start3A_365, %dma_start3A_371] : memref<2x2048xi32, #tpu.memory_space<vmem>> -> memref<1x2048xi32, #tpu.memory_space<vmem>>
    %dma_start3A_373 = tpu.memref_squeeze %dma_start3A_372 : memref<1x2048xi32, #tpu.memory_space<vmem>> -> memref<2048xi32, #tpu.memory_space<vmem>>
    %dma_start3A_374 = arith.constant 2048 : i32
    %dma_start3A_375 = tpu.memref_slice %arg14[%dma_start3A_374] : memref<16384xi32, #tpu.memory_space<vmem_shared>> -> memref<2048xi32, #tpu.memory_space<vmem_shared>>
    tpu.enqueue_dma source(%dma_start3A_375 : memref<2048xi32, #tpu.memory_space<vmem_shared>>) target(%dma_start3A_373 : memref<2048xi32, #tpu.memory_space<vmem>>) target_semaphore(%arg17 : memref<!tpu.dma_semaphore, #tpu.memory_space<semaphore_mem>>)
    %parallel_loop3A_376 = arith.constant 0 : i32
    %parallel_loop3A_377 = arith.constant 2048 : i32
    %parallel_loop3A_378 = arith.constant 16 : i32
    scf.for %parallel_loop3A_557 = %parallel_loop3A_376 to %parallel_loop3A_377 step %parallel_loop3A_378  : i32 {
      %parallel_loop3A_558 = arith.constant 0 : i32
      %parallel_loop3A_559 = arith.index_cast %parallel_loop3A_558 : i32 to index
      %parallel_loop3A_560 = arith.index_cast %parallel_loop3A_557 : i32 to index
      %parallel_loop3A_561 = tpu.vector_load %arg9[%parallel_loop3A_559, %parallel_loop3A_560] {strides = array<i32>} : memref<2x2048xi32, #tpu.memory_space<vmem>>, vector<16xi32>,
      %parallel_loop3A_562 = tpu.vector_load_idx %arg13[%mul3A_3, %parallel_loop3A_561] : memref<1x100000xf32, #tpu.memory_space<vmem>>[vector<16xi32>, vector<16xi32>], vector<16xf32>,
      %parallel_loop3A_563 = arith.constant 0 : i32
      %parallel_loop3A_564 = arith.addi %parallel_loop3A_563, %parallel_loop3A_557 : i32
      %parallel_loop3A_565 = arith.constant 0 : i32
      %parallel_loop3A_566 = arith.index_cast %parallel_loop3A_565 : i32 to index
      %parallel_loop3A_567 = arith.index_cast %parallel_loop3A_564 : i32 to index
      %parallel_loop3A_568 = tpu.vector_load %arg10[%parallel_loop3A_566, %parallel_loop3A_567] {strides = array<i32>} : memref<1x16384xf32, #tpu.memory_space<vmem>>, vector<16xf32>,
      tpu.vector_store %arg10[%parallel_loop3A_566, %parallel_loop3A_567], %parallel_loop3A_562 {strides = array<i32>} : memref<1x16384xf32, #tpu.memory_space<vmem>>, vector<16xf32>,
    } {sc.loop_unroll_factor = 16 : i64, sc.parallel_access}
    %dma_wait3A_379 = arith.constant 1 : i32
    %dma_wait3A_380 = arith.constant 0 : i32
    %dma_wait3A_381 = tpu.memref_slice %arg9[%dma_wait3A_379, %dma_wait3A_380] : memref<2x2048xi32, #tpu.memory_space<vmem>> -> memref<1x2048xi32, #tpu.memory_space<vmem>>
    %dma_wait3A_382 = tpu.memref_squeeze %dma_wait3A_381 : memref<1x2048xi32, #tpu.memory_space<vmem>> -> memref<2048xi32, #tpu.memory_space<vmem>>
    %dma_wait3A_383 = arith.constant 2048 : i32
    %dma_wait3A_384 = tpu.memref_slice %arg14[%dma_wait3A_383] : memref<16384xi32, #tpu.memory_space<vmem_shared>> -> memref<2048xi32, #tpu.memory_space<vmem_shared>>
    %dma_wait3A_385 = arith.constant 0 : i32
    %dma_wait3A_386 = tpu.memref_slice %arg9[%dma_wait3A_379, %dma_wait3A_385] : memref<2x2048xi32, #tpu.memory_space<vmem>> -> memref<1x2048xi32, #tpu.memory_space<vmem>>
    %dma_wait3A_387 = tpu.memref_squeeze %dma_wait3A_386 : memref<1x2048xi32, #tpu.memory_space<vmem>> -> memref<2048xi32, #tpu.memory_space<vmem>>
    %dma_wait3A_388 = arith.constant 2048 : i32
    %dma_wait3A_389 = tpu.memref_slice %arg14[%dma_wait3A_388] : memref<16384xi32, #tpu.memory_space<vmem_shared>> -> memref<2048xi32, #tpu.memory_space<vmem_shared>>
    tpu.wait_dma2 semaphore(%arg17 : memref<!tpu.dma_semaphore, #tpu.memory_space<semaphore_mem>>) src(%dma_wait3A_389 : memref<2048xi32, #tpu.memory_space<vmem_shared>>) dst(%dma_wait3A_387 : memref<2048xi32, #tpu.memory_space<vmem>>)
    %dma_start3A_390 = arith.constant 0 : i32
    %dma_start3A_391 = arith.constant 0 : i32
    %dma_start3A_392 = tpu.memref_slice %arg9[%dma_start3A_390, %dma_start3A_391] : memref<2x2048xi32, #tpu.memory_space<vmem>> -> memref<1x2048xi32, #tpu.memory_space<vmem>>
    %dma_start3A_393 = tpu.memref_squeeze %dma_start3A_392 : memref<1x2048xi32, #tpu.memory_space<vmem>> -> memref<2048xi32, #tpu.memory_space<vmem>>
    %dma_start3A_394 = arith.constant 4096 : i32
    %dma_start3A_395 = tpu.memref_slice %arg14[%dma_start3A_394] : memref<16384xi32, #tpu.memory_space<vmem_shared>> -> memref<2048xi32, #tpu.memory_space<vmem_shared>>
    %dma_start3A_396 = arith.constant 0 : i32
    %dma_start3A_397 = tpu.memref_slice %arg9[%dma_start3A_390, %dma_start3A_396] : memref<2x2048xi32, #tpu.memory_space<vmem>> -> memref<1x2048xi32, #tpu.memory_space<vmem>>
    %dma_start3A_398 = tpu.memref_squeeze %dma_start3A_397 : memref<1x2048xi32, #tpu.memory_space<vmem>> -> memref<2048xi32, #tpu.memory_space<vmem>>
    %dma_start3A_399 = arith.constant 4096 : i32
    %dma_start3A_400 = tpu.memref_slice %arg14[%dma_start3A_399] : memref<16384xi32, #tpu.memory_space<vmem_shared>> -> memref<2048xi32, #tpu.memory_space<vmem_shared>>
    tpu.enqueue_dma source(%dma_start3A_400 : memref<2048xi32, #tpu.memory_space<vmem_shared>>) target(%dma_start3A_398 : memref<2048xi32, #tpu.memory_space<vmem>>) target_semaphore(%arg17 : memref<!tpu.dma_semaphore, #tpu.memory_space<semaphore_mem>>)
    %parallel_loop3A_401 = arith.constant 0 : i32
    %parallel_loop3A_402 = arith.constant 2048 : i32
    %parallel_loop3A_403 = arith.constant 16 : i32
    scf.for %parallel_loop3A_557 = %parallel_loop3A_401 to %parallel_loop3A_402 step %parallel_loop3A_403  : i32 {
      %parallel_loop3A_558 = arith.constant 1 : i32
      %parallel_loop3A_559 = arith.index_cast %parallel_loop3A_558 : i32 to index
      %parallel_loop3A_560 = arith.index_cast %parallel_loop3A_557 : i32 to index
      %parallel_loop3A_561 = tpu.vector_load %arg9[%parallel_loop3A_559, %parallel_loop3A_560] {strides = array<i32>} : memref<2x2048xi32, #tpu.memory_space<vmem>>, vector<16xi32>,
      %parallel_loop3A_562 = tpu.vector_load_idx %arg13[%mul3A_3, %parallel_loop3A_561] : memref<1x100000xf32, #tpu.memory_space<vmem>>[vector<16xi32>, vector<16xi32>], vector<16xf32>,
      %parallel_loop3A_563 = arith.constant 2048 : i32
      %parallel_loop3A_564 = arith.addi %parallel_loop3A_563, %parallel_loop3A_557 : i32
      %parallel_loop3A_565 = arith.constant 0 : i32
      %parallel_loop3A_566 = arith.index_cast %parallel_loop3A_565 : i32 to index
      %parallel_loop3A_567 = arith.index_cast %parallel_loop3A_564 : i32 to index
      %parallel_loop3A_568 = tpu.vector_load %arg10[%parallel_loop3A_566, %parallel_loop3A_567] {strides = array<i32>} : memref<1x16384xf32, #tpu.memory_space<vmem>>, vector<16xf32>,
      tpu.vector_store %arg10[%parallel_loop3A_566, %parallel_loop3A_567], %parallel_loop3A_562 {strides = array<i32>} : memref<1x16384xf32, #tpu.memory_space<vmem>>, vector<16xf32>,
    } {sc.loop_unroll_factor = 16 : i64, sc.parallel_access}
    %dma_wait3A_404 = arith.constant 0 : i32
    %dma_wait3A_405 = arith.constant 0 : i32
    %dma_wait3A_406 = tpu.memref_slice %arg9[%dma_wait3A_404, %dma_wait3A_405] : memref<2x2048xi32, #tpu.memory_space<vmem>> -> memref<1x2048xi32, #tpu.memory_space<vmem>>
    %dma_wait3A_407 = tpu.memref_squeeze %dma_wait3A_406 : memref<1x2048xi32, #tpu.memory_space<vmem>> -> memref<2048xi32, #tpu.memory_space<vmem>>
    %dma_wait3A_408 = arith.constant 4096 : i32
    %dma_wait3A_409 = tpu.memref_slice %arg14[%dma_wait3A_408] : memref<16384xi32, #tpu.memory_space<vmem_shared>> -> memref<2048xi32, #tpu.memory_space<vmem_shared>>
    %dma_wait3A_410 = arith.constant 0 : i32
    %dma_wait3A_411 = tpu.memref_slice %arg9[%dma_wait3A_404, %dma_wait3A_410] : memref<2x2048xi32, #tpu.memory_space<vmem>> -> memref<1x2048xi32, #tpu.memory_space<vmem>>
    %dma_wait3A_412 = tpu.memref_squeeze %dma_wait3A_411 : memref<1x2048xi32, #tpu.memory_space<vmem>> -> memref<2048xi32, #tpu.memory_space<vmem>>
    %dma_wait3A_413 = arith.constant 4096 : i32
    %dma_wait3A_414 = tpu.memref_slice %arg14[%dma_wait3A_413] : memref<16384xi32, #tpu.memory_space<vmem_shared>> -> memref<2048xi32, #tpu.memory_space<vmem_shared>>
    tpu.wait_dma2 semaphore(%arg17 : memref<!tpu.dma_semaphore, #tpu.memory_space<semaphore_mem>>) src(%dma_wait3A_414 : memref<2048xi32, #tpu.memory_space<vmem_shared>>) dst(%dma_wait3A_412 : memref<2048xi32, #tpu.memory_space<vmem>>)
    %dma_start3A_415 = arith.constant 1 : i32
    %dma_start3A_416 = arith.constant 0 : i32
    %dma_start3A_417 = tpu.memref_slice %arg9[%dma_start3A_415, %dma_start3A_416] : memref<2x2048xi32, #tpu.memory_space<vmem>> -> memref<1x2048xi32, #tpu.memory_space<vmem>>
    %dma_start3A_418 = tpu.memref_squeeze %dma_start3A_417 : memref<1x2048xi32, #tpu.memory_space<vmem>> -> memref<2048xi32, #tpu.memory_space<vmem>>
    %dma_start3A_419 = arith.constant 6144 : i32
    %dma_start3A_420 = tpu.memref_slice %arg14[%dma_start3A_419] : memref<16384xi32, #tpu.memory_space<vmem_shared>> -> memref<2048xi32, #tpu.memory_space<vmem_shared>>
    %dma_start3A_421 = arith.constant 0 : i32
    %dma_start3A_422 = tpu.memref_slice %arg9[%dma_start3A_415, %dma_start3A_421] : memref<2x2048xi32, #tpu.memory_space<vmem>> -> memref<1x2048xi32, #tpu.memory_space<vmem>>
    %dma_start3A_423 = tpu.memref_squeeze %dma_start3A_422 : memref<1x2048xi32, #tpu.memory_space<vmem>> -> memref<2048xi32, #tpu.memory_space<vmem>>
    %dma_start3A_424 = arith.constant 6144 : i32
    %dma_start3A_425 = tpu.memref_slice %arg14[%dma_start3A_424] : memref<16384xi32, #tpu.memory_space<vmem_shared>> -> memref<2048xi32, #tpu.memory_space<vmem_shared>>
    tpu.enqueue_dma source(%dma_start3A_425 : memref<2048xi32, #tpu.memory_space<vmem_shared>>) target(%dma_start3A_423 : memref<2048xi32, #tpu.memory_space<vmem>>) target_semaphore(%arg17 : memref<!tpu.dma_semaphore, #tpu.memory_space<semaphore_mem>>)
    %parallel_loop3A_426 = arith.constant 0 : i32
    %parallel_loop3A_427 = arith.constant 2048 : i32
    %parallel_loop3A_428 = arith.constant 16 : i32
    scf.for %parallel_loop3A_557 = %parallel_loop3A_426 to %parallel_loop3A_427 step %parallel_loop3A_428  : i32 {
      %parallel_loop3A_558 = arith.constant 0 : i32
      %parallel_loop3A_559 = arith.index_cast %parallel_loop3A_558 : i32 to index
      %parallel_loop3A_560 = arith.index_cast %parallel_loop3A_557 : i32 to index
      %parallel_loop3A_561 = tpu.vector_load %arg9[%parallel_loop3A_559, %parallel_loop3A_560] {strides = array<i32>} : memref<2x2048xi32, #tpu.memory_space<vmem>>, vector<16xi32>,
      %parallel_loop3A_562 = tpu.vector_load_idx %arg13[%mul3A_3, %parallel_loop3A_561] : memref<1x100000xf32, #tpu.memory_space<vmem>>[vector<16xi32>, vector<16xi32>], vector<16xf32>,
      %parallel_loop3A_563 = arith.constant 4096 : i32
      %parallel_loop3A_564 = arith.addi %parallel_loop3A_563, %parallel_loop3A_557 : i32
      %parallel_loop3A_565 = arith.constant 0 : i32
      %parallel_loop3A_566 = arith.index_cast %parallel_loop3A_565 : i32 to index
      %parallel_loop3A_567 = arith.index_cast %parallel_loop3A_564 : i32 to index
      %parallel_loop3A_568 = tpu.vector_load %arg10[%parallel_loop3A_566, %parallel_loop3A_567] {strides = array<i32>} : memref<1x16384xf32, #tpu.memory_space<vmem>>, vector<16xf32>,
      tpu.vector_store %arg10[%parallel_loop3A_566, %parallel_loop3A_567], %parallel_loop3A_562 {strides = array<i32>} : memref<1x16384xf32, #tpu.memory_space<vmem>>, vector<16xf32>,
    } {sc.loop_unroll_factor = 16 : i64, sc.parallel_access}
    %dma_wait3A_429 = arith.constant 1 : i32
    %dma_wait3A_430 = arith.constant 0 : i32
    %dma_wait3A_431 = tpu.memref_slice %arg9[%dma_wait3A_429, %dma_wait3A_430] : memref<2x2048xi32, #tpu.memory_space<vmem>> -> memref<1x2048xi32, #tpu.memory_space<vmem>>
    %dma_wait3A_432 = tpu.memref_squeeze %dma_wait3A_431 : memref<1x2048xi32, #tpu.memory_space<vmem>> -> memref<2048xi32, #tpu.memory_space<vmem>>
    %dma_wait3A_433 = arith.constant 6144 : i32
    %dma_wait3A_434 = tpu.memref_slice %arg14[%dma_wait3A_433] : memref<16384xi32, #tpu.memory_space<vmem_shared>> -> memref<2048xi32, #tpu.memory_space<vmem_shared>>
    %dma_wait3A_435 = arith.constant 0 : i32
    %dma_wait3A_436 = tpu.memref_slice %arg9[%dma_wait3A_429, %dma_wait3A_435] : memref<2x2048xi32, #tpu.memory_space<vmem>> -> memref<1x2048xi32, #tpu.memory_space<vmem>>
    %dma_wait3A_437 = tpu.memref_squeeze %dma_wait3A_436 : memref<1x2048xi32, #tpu.memory_space<vmem>> -> memref<2048xi32, #tpu.memory_space<vmem>>
    %dma_wait3A_438 = arith.constant 6144 : i32
    %dma_wait3A_439 = tpu.memref_slice %arg14[%dma_wait3A_438] : memref<16384xi32, #tpu.memory_space<vmem_shared>> -> memref<2048xi32, #tpu.memory_space<vmem_shared>>
    tpu.wait_dma2 semaphore(%arg17 : memref<!tpu.dma_semaphore, #tpu.memory_space<semaphore_mem>>) src(%dma_wait3A_439 : memref<2048xi32, #tpu.memory_space<vmem_shared>>) dst(%dma_wait3A_437 : memref<2048xi32, #tpu.memory_space<vmem>>)
    %dma_start3A_440 = arith.constant 0 : i32
    %dma_start3A_441 = arith.constant 0 : i32
    %dma_start3A_442 = tpu.memref_slice %arg9[%dma_start3A_440, %dma_start3A_441] : memref<2x2048xi32, #tpu.memory_space<vmem>> -> memref<1x2048xi32, #tpu.memory_space<vmem>>
    %dma_start3A_443 = tpu.memref_squeeze %dma_start3A_442 : memref<1x2048xi32, #tpu.memory_space<vmem>> -> memref<2048xi32, #tpu.memory_space<vmem>>
    %dma_start3A_444 = arith.constant 8192 : i32
    %dma_start3A_445 = tpu.memref_slice %arg14[%dma_start3A_444] : memref<16384xi32, #tpu.memory_space<vmem_shared>> -> memref<2048xi32, #tpu.memory_space<vmem_shared>>
    %dma_start3A_446 = arith.constant 0 : i32
    %dma_start3A_447 = tpu.memref_slice %arg9[%dma_start3A_440, %dma_start3A_446] : memref<2x2048xi32, #tpu.memory_space<vmem>> -> memref<1x2048xi32, #tpu.memory_space<vmem>>
    %dma_start3A_448 = tpu.memref_squeeze %dma_start3A_447 : memref<1x2048xi32, #tpu.memory_space<vmem>> -> memref<2048xi32, #tpu.memory_space<vmem>>
    %dma_start3A_449 = arith.constant 8192 : i32
    %dma_start3A_450 = tpu.memref_slice %arg14[%dma_start3A_449] : memref<16384xi32, #tpu.memory_space<vmem_shared>> -> memref<2048xi32, #tpu.memory_space<vmem_shared>>
    tpu.enqueue_dma source(%dma_start3A_450 : memref<2048xi32, #tpu.memory_space<vmem_shared>>) target(%dma_start3A_448 : memref<2048xi32, #tpu.memory_space<vmem>>) target_semaphore(%arg17 : memref<!tpu.dma_semaphore, #tpu.memory_space<semaphore_mem>>)
    %parallel_loop3A_451 = arith.constant 0 : i32
    %parallel_loop3A_452 = arith.constant 2048 : i32
    %parallel_loop3A_453 = arith.constant 16 : i32
    scf.for %parallel_loop3A_557 = %parallel_loop3A_451 to %parallel_loop3A_452 step %parallel_loop3A_453  : i32 {
      %parallel_loop3A_558 = arith.constant 1 : i32
      %parallel_loop3A_559 = arith.index_cast %parallel_loop3A_558 : i32 to index
      %parallel_loop3A_560 = arith.index_cast %parallel_loop3A_557 : i32 to index
      %parallel_loop3A_561 = tpu.vector_load %arg9[%parallel_loop3A_559, %parallel_loop3A_560] {strides = array<i32>} : memref<2x2048xi32, #tpu.memory_space<vmem>>, vector<16xi32>,
      %parallel_loop3A_562 = tpu.vector_load_idx %arg13[%mul3A_3, %parallel_loop3A_561] : memref<1x100000xf32, #tpu.memory_space<vmem>>[vector<16xi32>, vector<16xi32>], vector<16xf32>,
      %parallel_loop3A_563 = arith.constant 6144 : i32
      %parallel_loop3A_564 = arith.addi %parallel_loop3A_563, %parallel_loop3A_557 : i32
      %parallel_loop3A_565 = arith.constant 0 : i32
      %parallel_loop3A_566 = arith.index_cast %parallel_loop3A_565 : i32 to index
      %parallel_loop3A_567 = arith.index_cast %parallel_loop3A_564 : i32 to index
      %parallel_loop3A_568 = tpu.vector_load %arg10[%parallel_loop3A_566, %parallel_loop3A_567] {strides = array<i32>} : memref<1x16384xf32, #tpu.memory_space<vmem>>, vector<16xf32>,
      tpu.vector_store %arg10[%parallel_loop3A_566, %parallel_loop3A_567], %parallel_loop3A_562 {strides = array<i32>} : memref<1x16384xf32, #tpu.memory_space<vmem>>, vector<16xf32>,
    } {sc.loop_unroll_factor = 16 : i64, sc.parallel_access}
    %dma_wait3A_454 = arith.constant 0 : i32
    %dma_wait3A_455 = arith.constant 0 : i32
    %dma_wait3A_456 = tpu.memref_slice %arg9[%dma_wait3A_454, %dma_wait3A_455] : memref<2x2048xi32, #tpu.memory_space<vmem>> -> memref<1x2048xi32, #tpu.memory_space<vmem>>
    %dma_wait3A_457 = tpu.memref_squeeze %dma_wait3A_456 : memref<1x2048xi32, #tpu.memory_space<vmem>> -> memref<2048xi32, #tpu.memory_space<vmem>>
    %dma_wait3A_458 = arith.constant 8192 : i32
    %dma_wait3A_459 = tpu.memref_slice %arg14[%dma_wait3A_458] : memref<16384xi32, #tpu.memory_space<vmem_shared>> -> memref<2048xi32, #tpu.memory_space<vmem_shared>>
    %dma_wait3A_460 = arith.constant 0 : i32
    %dma_wait3A_461 = tpu.memref_slice %arg9[%dma_wait3A_454, %dma_wait3A_460] : memref<2x2048xi32, #tpu.memory_space<vmem>> -> memref<1x2048xi32, #tpu.memory_space<vmem>>
    %dma_wait3A_462 = tpu.memref_squeeze %dma_wait3A_461 : memref<1x2048xi32, #tpu.memory_space<vmem>> -> memref<2048xi32, #tpu.memory_space<vmem>>
    %dma_wait3A_463 = arith.constant 8192 : i32
    %dma_wait3A_464 = tpu.memref_slice %arg14[%dma_wait3A_463] : memref<16384xi32, #tpu.memory_space<vmem_shared>> -> memref<2048xi32, #tpu.memory_space<vmem_shared>>
    tpu.wait_dma2 semaphore(%arg17 : memref<!tpu.dma_semaphore, #tpu.memory_space<semaphore_mem>>) src(%dma_wait3A_464 : memref<2048xi32, #tpu.memory_space<vmem_shared>>) dst(%dma_wait3A_462 : memref<2048xi32, #tpu.memory_space<vmem>>)
    %dma_start3A_465 = arith.constant 1 : i32
    %dma_start3A_466 = arith.constant 0 : i32
    %dma_start3A_467 = tpu.memref_slice %arg9[%dma_start3A_465, %dma_start3A_466] : memref<2x2048xi32, #tpu.memory_space<vmem>> -> memref<1x2048xi32, #tpu.memory_space<vmem>>
    %dma_start3A_468 = tpu.memref_squeeze %dma_start3A_467 : memref<1x2048xi32, #tpu.memory_space<vmem>> -> memref<2048xi32, #tpu.memory_space<vmem>>
    %dma_start3A_469 = arith.constant 10240 : i32
    %dma_start3A_470 = tpu.memref_slice %arg14[%dma_start3A_469] : memref<16384xi32, #tpu.memory_space<vmem_shared>> -> memref<2048xi32, #tpu.memory_space<vmem_shared>>
    %dma_start3A_471 = arith.constant 0 : i32
    %dma_start3A_472 = tpu.memref_slice %arg9[%dma_start3A_465, %dma_start3A_471] : memref<2x2048xi32, #tpu.memory_space<vmem>> -> memref<1x2048xi32, #tpu.memory_space<vmem>>
    %dma_start3A_473 = tpu.memref_squeeze %dma_start3A_472 : memref<1x2048xi32, #tpu.memory_space<vmem>> -> memref<2048xi32, #tpu.memory_space<vmem>>
    %dma_start3A_474 = arith.constant 10240 : i32
    %dma_start3A_475 = tpu.memref_slice %arg14[%dma_start3A_474] : memref<16384xi32, #tpu.memory_space<vmem_shared>> -> memref<2048xi32, #tpu.memory_space<vmem_shared>>
    tpu.enqueue_dma source(%dma_start3A_475 : memref<2048xi32, #tpu.memory_space<vmem_shared>>) target(%dma_start3A_473 : memref<2048xi32, #tpu.memory_space<vmem>>) target_semaphore(%arg17 : memref<!tpu.dma_semaphore, #tpu.memory_space<semaphore_mem>>)
    %parallel_loop3A_476 = arith.constant 0 : i32
    %parallel_loop3A_477 = arith.constant 2048 : i32
    %parallel_loop3A_478 = arith.constant 16 : i32
    scf.for %parallel_loop3A_557 = %parallel_loop3A_476 to %parallel_loop3A_477 step %parallel_loop3A_478  : i32 {
      %parallel_loop3A_558 = arith.constant 0 : i32
      %parallel_loop3A_559 = arith.index_cast %parallel_loop3A_558 : i32 to index
      %parallel_loop3A_560 = arith.index_cast %parallel_loop3A_557 : i32 to index
      %parallel_loop3A_561 = tpu.vector_load %arg9[%parallel_loop3A_559, %parallel_loop3A_560] {strides = array<i32>} : memref<2x2048xi32, #tpu.memory_space<vmem>>, vector<16xi32>,
      %parallel_loop3A_562 = tpu.vector_load_idx %arg13[%mul3A_3, %parallel_loop3A_561] : memref<1x100000xf32, #tpu.memory_space<vmem>>[vector<16xi32>, vector<16xi32>], vector<16xf32>,
      %parallel_loop3A_563 = arith.constant 8192 : i32
      %parallel_loop3A_564 = arith.addi %parallel_loop3A_563, %parallel_loop3A_557 : i32
      %parallel_loop3A_565 = arith.constant 0 : i32
      %parallel_loop3A_566 = arith.index_cast %parallel_loop3A_565 : i32 to index
      %parallel_loop3A_567 = arith.index_cast %parallel_loop3A_564 : i32 to index
      %parallel_loop3A_568 = tpu.vector_load %arg10[%parallel_loop3A_566, %parallel_loop3A_567] {strides = array<i32>} : memref<1x16384xf32, #tpu.memory_space<vmem>>, vector<16xf32>,
      tpu.vector_store %arg10[%parallel_loop3A_566, %parallel_loop3A_567], %parallel_loop3A_562 {strides = array<i32>} : memref<1x16384xf32, #tpu.memory_space<vmem>>, vector<16xf32>,
    } {sc.loop_unroll_factor = 16 : i64, sc.parallel_access}
    %dma_wait3A_479 = arith.constant 1 : i32
    %dma_wait3A_480 = arith.constant 0 : i32
    %dma_wait3A_481 = tpu.memref_slice %arg9[%dma_wait3A_479, %dma_wait3A_480] : memref<2x2048xi32, #tpu.memory_space<vmem>> -> memref<1x2048xi32, #tpu.memory_space<vmem>>
    %dma_wait3A_482 = tpu.memref_squeeze %dma_wait3A_481 : memref<1x2048xi32, #tpu.memory_space<vmem>> -> memref<2048xi32, #tpu.memory_space<vmem>>
    %dma_wait3A_483 = arith.constant 10240 : i32
    %dma_wait3A_484 = tpu.memref_slice %arg14[%dma_wait3A_483] : memref<16384xi32, #tpu.memory_space<vmem_shared>> -> memref<2048xi32, #tpu.memory_space<vmem_shared>>
    %dma_wait3A_485 = arith.constant 0 : i32
    %dma_wait3A_486 = tpu.memref_slice %arg9[%dma_wait3A_479, %dma_wait3A_485] : memref<2x2048xi32, #tpu.memory_space<vmem>> -> memref<1x2048xi32, #tpu.memory_space<vmem>>
    %dma_wait3A_487 = tpu.memref_squeeze %dma_wait3A_486 : memref<1x2048xi32, #tpu.memory_space<vmem>> -> memref<2048xi32, #tpu.memory_space<vmem>>
    %dma_wait3A_488 = arith.constant 10240 : i32
    %dma_wait3A_489 = tpu.memref_slice %arg14[%dma_wait3A_488] : memref<16384xi32, #tpu.memory_space<vmem_shared>> -> memref<2048xi32, #tpu.memory_space<vmem_shared>>
    tpu.wait_dma2 semaphore(%arg17 : memref<!tpu.dma_semaphore, #tpu.memory_space<semaphore_mem>>) src(%dma_wait3A_489 : memref<2048xi32, #tpu.memory_space<vmem_shared>>) dst(%dma_wait3A_487 : memref<2048xi32, #tpu.memory_space<vmem>>)
    %dma_start3A_490 = arith.constant 0 : i32
    %dma_start3A_491 = arith.constant 0 : i32
    %dma_start3A_492 = tpu.memref_slice %arg9[%dma_start3A_490, %dma_start3A_491] : memref<2x2048xi32, #tpu.memory_space<vmem>> -> memref<1x2048xi32, #tpu.memory_space<vmem>>
    %dma_start3A_493 = tpu.memref_squeeze %dma_start3A_492 : memref<1x2048xi32, #tpu.memory_space<vmem>> -> memref<2048xi32, #tpu.memory_space<vmem>>
    %dma_start3A_494 = arith.constant 12288 : i32
    %dma_start3A_495 = tpu.memref_slice %arg14[%dma_start3A_494] : memref<16384xi32, #tpu.memory_space<vmem_shared>> -> memref<2048xi32, #tpu.memory_space<vmem_shared>>
    %dma_start3A_496 = arith.constant 0 : i32
    %dma_start3A_497 = tpu.memref_slice %arg9[%dma_start3A_490, %dma_start3A_496] : memref<2x2048xi32, #tpu.memory_space<vmem>> -> memref<1x2048xi32, #tpu.memory_space<vmem>>
    %dma_start3A_498 = tpu.memref_squeeze %dma_start3A_497 : memref<1x2048xi32, #tpu.memory_space<vmem>> -> memref<2048xi32, #tpu.memory_space<vmem>>
    %dma_start3A_499 = arith.constant 12288 : i32
    %dma_start3A_500 = tpu.memref_slice %arg14[%dma_start3A_499] : memref<16384xi32, #tpu.memory_space<vmem_shared>> -> memref<2048xi32, #tpu.memory_space<vmem_shared>>
    tpu.enqueue_dma source(%dma_start3A_500 : memref<2048xi32, #tpu.memory_space<vmem_shared>>) target(%dma_start3A_498 : memref<2048xi32, #tpu.memory_space<vmem>>) target_semaphore(%arg17 : memref<!tpu.dma_semaphore, #tpu.memory_space<semaphore_mem>>)
    %parallel_loop3A_501 = arith.constant 0 : i32
    %parallel_loop3A_502 = arith.constant 2048 : i32
    %parallel_loop3A_503 = arith.constant 16 : i32
    scf.for %parallel_loop3A_557 = %parallel_loop3A_501 to %parallel_loop3A_502 step %parallel_loop3A_503  : i32 {
      %parallel_loop3A_558 = arith.constant 1 : i32
      %parallel_loop3A_559 = arith.index_cast %parallel_loop3A_558 : i32 to index
      %parallel_loop3A_560 = arith.index_cast %parallel_loop3A_557 : i32 to index
      %parallel_loop3A_561 = tpu.vector_load %arg9[%parallel_loop3A_559, %parallel_loop3A_560] {strides = array<i32>} : memref<2x2048xi32, #tpu.memory_space<vmem>>, vector<16xi32>,
      %parallel_loop3A_562 = tpu.vector_load_idx %arg13[%mul3A_3, %parallel_loop3A_561] : memref<1x100000xf32, #tpu.memory_space<vmem>>[vector<16xi32>, vector<16xi32>], vector<16xf32>,
      %parallel_loop3A_563 = arith.constant 10240 : i32
      %parallel_loop3A_564 = arith.addi %parallel_loop3A_563, %parallel_loop3A_557 : i32
      %parallel_loop3A_565 = arith.constant 0 : i32
      %parallel_loop3A_566 = arith.index_cast %parallel_loop3A_565 : i32 to index
      %parallel_loop3A_567 = arith.index_cast %parallel_loop3A_564 : i32 to index
      %parallel_loop3A_568 = tpu.vector_load %arg10[%parallel_loop3A_566, %parallel_loop3A_567] {strides = array<i32>} : memref<1x16384xf32, #tpu.memory_space<vmem>>, vector<16xf32>,
      tpu.vector_store %arg10[%parallel_loop3A_566, %parallel_loop3A_567], %parallel_loop3A_562 {strides = array<i32>} : memref<1x16384xf32, #tpu.memory_space<vmem>>, vector<16xf32>,
    } {sc.loop_unroll_factor = 16 : i64, sc.parallel_access}
    %dma_wait3A_504 = arith.constant 0 : i32
    %dma_wait3A_505 = arith.constant 0 : i32
    %dma_wait3A_506 = tpu.memref_slice %arg9[%dma_wait3A_504, %dma_wait3A_505] : memref<2x2048xi32, #tpu.memory_space<vmem>> -> memref<1x2048xi32, #tpu.memory_space<vmem>>
    %dma_wait3A_507 = tpu.memref_squeeze %dma_wait3A_506 : memref<1x2048xi32, #tpu.memory_space<vmem>> -> memref<2048xi32, #tpu.memory_space<vmem>>
    %dma_wait3A_508 = arith.constant 12288 : i32
    %dma_wait3A_509 = tpu.memref_slice %arg14[%dma_wait3A_508] : memref<16384xi32, #tpu.memory_space<vmem_shared>> -> memref<2048xi32, #tpu.memory_space<vmem_shared>>
    %dma_wait3A_510 = arith.constant 0 : i32
    %dma_wait3A_511 = tpu.memref_slice %arg9[%dma_wait3A_504, %dma_wait3A_510] : memref<2x2048xi32, #tpu.memory_space<vmem>> -> memref<1x2048xi32, #tpu.memory_space<vmem>>
    %dma_wait3A_512 = tpu.memref_squeeze %dma_wait3A_511 : memref<1x2048xi32, #tpu.memory_space<vmem>> -> memref<2048xi32, #tpu.memory_space<vmem>>
    %dma_wait3A_513 = arith.constant 12288 : i32
    %dma_wait3A_514 = tpu.memref_slice %arg14[%dma_wait3A_513] : memref<16384xi32, #tpu.memory_space<vmem_shared>> -> memref<2048xi32, #tpu.memory_space<vmem_shared>>
    tpu.wait_dma2 semaphore(%arg17 : memref<!tpu.dma_semaphore, #tpu.memory_space<semaphore_mem>>) src(%dma_wait3A_514 : memref<2048xi32, #tpu.memory_space<vmem_shared>>) dst(%dma_wait3A_512 : memref<2048xi32, #tpu.memory_space<vmem>>)
    %dma_start3A_515 = arith.constant 1 : i32
    %dma_start3A_516 = arith.constant 0 : i32
    %dma_start3A_517 = tpu.memref_slice %arg9[%dma_start3A_515, %dma_start3A_516] : memref<2x2048xi32, #tpu.memory_space<vmem>> -> memref<1x2048xi32, #tpu.memory_space<vmem>>
    %dma_start3A_518 = tpu.memref_squeeze %dma_start3A_517 : memref<1x2048xi32, #tpu.memory_space<vmem>> -> memref<2048xi32, #tpu.memory_space<vmem>>
    %dma_start3A_519 = arith.constant 14336 : i32
    %dma_start3A_520 = tpu.memref_slice %arg14[%dma_start3A_519] : memref<16384xi32, #tpu.memory_space<vmem_shared>> -> memref<2048xi32, #tpu.memory_space<vmem_shared>>
    %dma_start3A_521 = arith.constant 0 : i32
    %dma_start3A_522 = tpu.memref_slice %arg9[%dma_start3A_515, %dma_start3A_521] : memref<2x2048xi32, #tpu.memory_space<vmem>> -> memref<1x2048xi32, #tpu.memory_space<vmem>>
    %dma_start3A_523 = tpu.memref_squeeze %dma_start3A_522 : memref<1x2048xi32, #tpu.memory_space<vmem>> -> memref<2048xi32, #tpu.memory_space<vmem>>
    %dma_start3A_524 = arith.constant 14336 : i32
    %dma_start3A_525 = tpu.memref_slice %arg14[%dma_start3A_524] : memref<16384xi32, #tpu.memory_space<vmem_shared>> -> memref<2048xi32, #tpu.memory_space<vmem_shared>>
    tpu.enqueue_dma source(%dma_start3A_525 : memref<2048xi32, #tpu.memory_space<vmem_shared>>) target(%dma_start3A_523 : memref<2048xi32, #tpu.memory_space<vmem>>) target_semaphore(%arg17 : memref<!tpu.dma_semaphore, #tpu.memory_space<semaphore_mem>>)
    %parallel_loop3A_526 = arith.constant 0 : i32
    %parallel_loop3A_527 = arith.constant 2048 : i32
    %parallel_loop3A_528 = arith.constant 16 : i32
    scf.for %parallel_loop3A_557 = %parallel_loop3A_526 to %parallel_loop3A_527 step %parallel_loop3A_528  : i32 {
      %parallel_loop3A_558 = arith.constant 0 : i32
      %parallel_loop3A_559 = arith.index_cast %parallel_loop3A_558 : i32 to index
      %parallel_loop3A_560 = arith.index_cast %parallel_loop3A_557 : i32 to index
      %parallel_loop3A_561 = tpu.vector_load %arg9[%parallel_loop3A_559, %parallel_loop3A_560] {strides = array<i32>} : memref<2x2048xi32, #tpu.memory_space<vmem>>, vector<16xi32>,
      %parallel_loop3A_562 = tpu.vector_load_idx %arg13[%mul3A_3, %parallel_loop3A_561] : memref<1x100000xf32, #tpu.memory_space<vmem>>[vector<16xi32>, vector<16xi32>], vector<16xf32>,
      %parallel_loop3A_563 = arith.constant 12288 : i32
      %parallel_loop3A_564 = arith.addi %parallel_loop3A_563, %parallel_loop3A_557 : i32
      %parallel_loop3A_565 = arith.constant 0 : i32
      %parallel_loop3A_566 = arith.index_cast %parallel_loop3A_565 : i32 to index
      %parallel_loop3A_567 = arith.index_cast %parallel_loop3A_564 : i32 to index
      %parallel_loop3A_568 = tpu.vector_load %arg10[%parallel_loop3A_566, %parallel_loop3A_567] {strides = array<i32>} : memref<1x16384xf32, #tpu.memory_space<vmem>>, vector<16xf32>,
      tpu.vector_store %arg10[%parallel_loop3A_566, %parallel_loop3A_567], %parallel_loop3A_562 {strides = array<i32>} : memref<1x16384xf32, #tpu.memory_space<vmem>>, vector<16xf32>,
    } {sc.loop_unroll_factor = 16 : i64, sc.parallel_access}
    %dma_wait3A_529 = arith.constant 1 : i32
    %dma_wait3A_530 = arith.constant 0 : i32
    %dma_wait3A_531 = tpu.memref_slice %arg9[%dma_wait3A_529, %dma_wait3A_530] : memref<2x2048xi32, #tpu.memory_space<vmem>> -> memref<1x2048xi32, #tpu.memory_space<vmem>>
    %dma_wait3A_532 = tpu.memref_squeeze %dma_wait3A_531 : memref<1x2048xi32, #tpu.memory_space<vmem>> -> memref<2048xi32, #tpu.memory_space<vmem>>
    %dma_wait3A_533 = arith.constant 14336 : i32
    %dma_wait3A_534 = tpu.memref_slice %arg14[%dma_wait3A_533] : memref<16384xi32, #tpu.memory_space<vmem_shared>> -> memref<2048xi32, #tpu.memory_space<vmem_shared>>
    %dma_wait3A_535 = arith.constant 0 : i32
    %dma_wait3A_536 = tpu.memref_slice %arg9[%dma_wait3A_529, %dma_wait3A_535] : memref<2x2048xi32, #tpu.memory_space<vmem>> -> memref<1x2048xi32, #tpu.memory_space<vmem>>
    %dma_wait3A_537 = tpu.memref_squeeze %dma_wait3A_536 : memref<1x2048xi32, #tpu.memory_space<vmem>> -> memref<2048xi32, #tpu.memory_space<vmem>>
    %dma_wait3A_538 = arith.constant 14336 : i32
    %dma_wait3A_539 = tpu.memref_slice %arg14[%dma_wait3A_538] : memref<16384xi32, #tpu.memory_space<vmem_shared>> -> memref<2048xi32, #tpu.memory_space<vmem_shared>>
    tpu.wait_dma2 semaphore(%arg17 : memref<!tpu.dma_semaphore, #tpu.memory_space<semaphore_mem>>) src(%dma_wait3A_539 : memref<2048xi32, #tpu.memory_space<vmem_shared>>) dst(%dma_wait3A_537 : memref<2048xi32, #tpu.memory_space<vmem>>)
    %parallel_loop3A_540 = arith.constant 0 : i32
    %parallel_loop3A_541 = arith.constant 2048 : i32
    %parallel_loop3A_542 = arith.constant 16 : i32
    scf.for %parallel_loop3A_557 = %parallel_loop3A_540 to %parallel_loop3A_541 step %parallel_loop3A_542  : i32 {
      %parallel_loop3A_558 = arith.constant 1 : i32
      %parallel_loop3A_559 = arith.index_cast %parallel_loop3A_558 : i32 to index
      %parallel_loop3A_560 = arith.index_cast %parallel_loop3A_557 : i32 to index
      %parallel_loop3A_561 = tpu.vector_load %arg9[%parallel_loop3A_559, %parallel_loop3A_560] {strides = array<i32>} : memref<2x2048xi32, #tpu.memory_space<vmem>>, vector<16xi32>,
      %parallel_loop3A_562 = tpu.vector_load_idx %arg13[%mul3A_3, %parallel_loop3A_561] : memref<1x100000xf32, #tpu.memory_space<vmem>>[vector<16xi32>, vector<16xi32>], vector<16xf32>,
      %parallel_loop3A_563 = arith.constant 14336 : i32
      %parallel_loop3A_564 = arith.addi %parallel_loop3A_563, %parallel_loop3A_557 : i32
      %parallel_loop3A_565 = arith.constant 0 : i32
      %parallel_loop3A_566 = arith.index_cast %parallel_loop3A_565 : i32 to index
      %parallel_loop3A_567 = arith.index_cast %parallel_loop3A_564 : i32 to index
      %parallel_loop3A_568 = tpu.vector_load %arg10[%parallel_loop3A_566, %parallel_loop3A_567] {strides = array<i32>} : memref<1x16384xf32, #tpu.memory_space<vmem>>, vector<16xf32>,
      tpu.vector_store %arg10[%parallel_loop3A_566, %parallel_loop3A_567], %parallel_loop3A_562 {strides = array<i32>} : memref<1x16384xf32, #tpu.memory_space<vmem>>, vector<16xf32>,
    } {sc.loop_unroll_factor = 16 : i64, sc.parallel_access}
    %dma_start3A_543 = arith.constant 1 : i32
    %dma_start3A_544 = arith.constant 0 : i32
    %dma_start3A_545 = tpu.memref_slice %arg8[%dma_start3A_543, %dma_start3A_544] : memref<2x1xi32, #tpu.memory_space<vmem>> -> memref<1x1xi32, #tpu.memory_space<vmem>>
    %dma_start3A_546 = tpu.memref_squeeze %dma_start3A_545 : memref<1x1xi32, #tpu.memory_space<vmem>> -> memref<1xi32, #tpu.memory_space<vmem>>
    %dma_start3A_547 = arith.constant 0 : i32
    %dma_start3A_548 = arith.constant 0 : i32
    %dma_start3A_549 = tpu.memref_slice %arg7[%dma_start3A_547, %dma_start3A_548] : memref<72x16384xf32, #tpu.memory_space<hbm>> -> memref<72x16384xf32, #tpu.memory_space<hbm>>
    tpu.enqueue_indirect_dma source(%arg10 : memref<1x16384xf32, #tpu.memory_space<vmem>>) target(%dma_start3A_549 : memref<72x16384xf32, #tpu.memory_space<hbm>>) offsets(%dma_start3A_546 : memref<1xi32, #tpu.memory_space<vmem>>) semaphore(%arg16 : memref<!tpu.dma_semaphore, #tpu.memory_space<semaphore_mem>>)
    %dma_wait3A_550 = arith.constant 1 : i32
    %dma_wait3A_551 = arith.constant 0 : i32
    %dma_wait3A_552 = tpu.memref_slice %arg8[%dma_wait3A_550, %dma_wait3A_551] : memref<2x1xi32, #tpu.memory_space<vmem>> -> memref<1x1xi32, #tpu.memory_space<vmem>>
    %dma_wait3A_553 = tpu.memref_squeeze %dma_wait3A_552 : memref<1x1xi32, #tpu.memory_space<vmem>> -> memref<1xi32, #tpu.memory_space<vmem>>
    %dma_wait3A_554 = arith.constant 0 : i32
    %dma_wait3A_555 = arith.constant 0 : i32
    %dma_wait3A_556 = tpu.memref_slice %arg7[%dma_wait3A_554, %dma_wait3A_555] : memref<72x16384xf32, #tpu.memory_space<hbm>> -> memref<72x16384xf32, #tpu.memory_space<hbm>>
    tpu.wait_indirect_dma semaphore(%arg16 : memref<!tpu.dma_semaphore, #tpu.memory_space<semaphore_mem>>) src(%arg10 : memref<1x16384xf32, #tpu.memory_space<vmem>>) dst(%dma_wait3A_556 : memref<72x16384xf32, #tpu.memory_space<hbm>>)
    return
  }
}

</mosaic_0001>

<sc_bundles>
// kernel: kernel.3.cloned.1.call-start
scs
__scs_entry_jumppad:
0x0: {  	(pc) =	sbr.rel $0x88, $3  }
0x1: {  	(tag) =	ssettag $0x0;
	lr =	simm.s32 $0x1  }
0x2: {  	[smem:$0x3F9E] =	sst lr;
	_ =	strace $0xD0000000  }
0x3: {  	_ = 	snop  }
0x4: {  	_ = 	snop  }
0x5: {  	_ = 	snop  }
0x6: {  	_ = 	snop  }
0x7: {  	_ = 	snop  }
__scs_overlays_trampoline_lowered:
0x8: {  	[smem:$0x3FAD] =	sst s0  }
0x9: {  	[smem:$0x3FAE] =	sst s1  }
0xa: {  	[smem:$0x3FAF] =	sst s2  }
0xb: {  	[smem:$0x3FB0] =	sst s3  }
0xc: {  	[smem:$0x3FB1] =	sst s4  }
0xd: {  	[smem:$0x3FB2] =	sst s5  }
0xe: {  	[smem:$0x3FB3] =	sst s6  }
0xf: {  	[smem:$0x3FB4] =	sst s7  }
0x10: {  	[smem:$0x3FB5] =	sst s8  }
0x11: {  	[smem:$0x3FB6] =	sst s9;
	s0 =	simm.s32 @!p0 $0x0  }
0x12: {  	s1 =	sld [smem:$0x3F9C];
	s0 =	simm.s32 @p0 $0x1  }
0x13: {  	[smem:$0x3FB7] =	sst s0;
	s0 =	simm.s32 @!p1 $0x0  }
0x14: {  	s2 =	sld [smem:$0x3F9B];
	s0 =	simm.s32 @p1 $0x1  }
0x15: {  	[smem:$0x3FB8] =	sst s0;
	s0 =	simm.s32 @!p2 $0x0  }
0x16: {  	s3 =	sld [smem:$0x3FDB];
	s0 =	simm.s32 @p2 $0x1  }
0x17: {  	s4 =	simm.s32 $0x1BF5;
	[smem:$0x3FBA] =	sst s0  }
0x18: {  	s0 =	sld [smem:$0x3F9D];
	_ =	swait.ge [sflag:s4], $0x0  }
0x19: {  	s7 =	sld [smem:$0x3F9E]  }
0x1a: {  	s8 =	sadd.s32 $0xFFFFE003, lr  }
0x1b: {  	s9 =	sadd.s32 $0xFFFFFEF7, lr;
	s5 =	simm.s32 $0xFFFFFFFF;
	p2 =	slt.u32 s8, $0xFFFFF086  }
0x1c: {  	p1 =	slt.u32 s9, $0xF7A;
	s5 =	simm.s32 @!p2 $0x0  }
0x1d: {  	s5 =	simm.s32 @p1 $0x1;
	p0 =	seq.s32 s7, s2  }
0x1e: {  	s7 =	smul.u32 @!p0 $0xF7A, s2;
	p2 =	seq.s32 @!p0 s5, $0x0  }
0x1f: {  	s9 =	smul.u32 $0xF7A, s1;
	s8 =	simm.s32 @!p0 $0x1BF5;
	p2 =	por !p2, p0  }
0x20: {  	[sflag:s8] =	ssyncset.s32 @!p0 $0xFFFFF086;
	s6 =	sadd.s32 @!p0 s3, s7;
	s7 =	simm.s32 @!p0 $0x108  }
0x21: {  	s3 =	sadd.s32 s3, s9;
	s6 =	sadd.s32 @!p0 $0x88, s6;
	s7 =	simm.s32 @p2 $0x1082  }
0x22: {  	[simem:s7], [sflag:s8] =	dma.local @!p0 [hbm:s6], $0xF7A  }
0x23: {  	s9 =	sor.u32 $0xD0000000, s2;
	s6 =	simm.s32 $0x108;
	_ =	swait.ge @!p0 [sflag:s8], $0x0  }
0x24: {  	s3 =	sadd.s32 $0x88, s3;
	s6 =	simm.s32 @!p1 $0x1082;
	[sflag:s4] =	ssyncset.s32 $0xFFFFF086  }
0x25: {  	[simem:s6], [sflag:s4] =	dma.local [hbm:s3], $0xF7A  }
0x26: {  	[smem:$0x3F9E] =	sst s1;
	(tag) =	ssettag s2;
	_ =	strace s9  }
0x27: {  	s1 =	sld [smem:$0x3FAE]  }
0x28: {  	s2 =	sld [smem:$0x3FAF]  }
0x29: {  	s4 =	sld [smem:$0x3FB1]  }
0x2a: {  	p0 =	seq.s32 s5, $0x0;
	s5 =	sld [smem:$0x3FB2]  }
0x2b: {  	s6 =	sld [smem:$0x3FB3]  }
0x2c: {  	s7 =	sld [smem:$0x3FB4]  }
0x2d: {  	s3 =	simm.s32 $0x108;
	s8 =	sld [smem:$0x3FB5]  }
0x2e: {  	s3 =	simm.s32 @!p0 $0x1082;
	s9 =	sld [smem:$0x3FB6]  }
0x2f: {  	lr =	sadd.s32 s0, s3;
	s0 =	sld [smem:$0x3FAD]  }
0x30: {  	s3 =	sld [smem:$0x3FB0]  }
0x31: {  	[smem:$0x3FB9] =	sst s10  }
0x32: {  	s10 =	sld [smem:$0x3FB7];
	_ =	sdelay $0x3  }
0x33: {  	p0 =	seq.s32 s10, $0x1;
	s10 =	sld [smem:$0x3FB9];
	_ =	sdelay $0x3  }
0x34: {  	[smem:$0x3FB9] =	sst s10  }
0x35: {  	s10 =	sld [smem:$0x3FB8];
	_ =	sdelay $0x3  }
0x36: {  	p1 =	seq.s32 s10, $0x1;
	s10 =	sld [smem:$0x3FB9];
	_ =	sdelay $0x3  }
0x37: {  	[smem:$0x3FB9] =	sst s10  }
0x38: {  	s10 =	sld [smem:$0x3FBA]  }
0x39: {  	_ = 	snop;
	(pc) =	sbr.ind lr, $3  }
0x3a: {  	_ = 	snop  }
0x3b: {  	_ = 	snop  }
0x3c: {  	p2 =	seq.s32 s10, $0x1;
	s10 =	sld [smem:$0x3FB9]  }
0x3d: {  	_ =	shalt  }
0x3e: {  	_ =	shalt  }
0x3f: {  	_ =	shalt  }
0x40: {  	_ =	shalt  }
0x41: {  	_ =	shalt  }
0x42: {  	_ =	shalt  }
0x43: {  	_ =	shalt  }
0x44: {  	_ =	shalt  }
0x45: {  	_ =	shalt  }
0x46: {  	_ =	shalt  }
0x47: {  	_ =	shalt  }
0x48: {  	_ =	shalt  }
0x49: {  	_ =	shalt  }
0x4a: {  	_ =	shalt  }
0x4b: {  	_ =	shalt  }
0x4c: {  	_ =	shalt  }
0x4d: {  	_ =	shalt  }
0x4e: {  	_ =	shalt  }
0x4f: {  	_ =	shalt  }
0x50: {  	_ =	shalt  }
0x51: {  	_ =	shalt  }
0x52: {  	_ =	shalt  }
0x53: {  	_ =	shalt  }
0x54: {  	_ =	shalt  }
0x55: {  	_ =	shalt  }
0x56: {  	_ =	shalt  }
0x57: {  	_ =	shalt  }
0x58: {  	_ =	shalt  }
0x59: {  	_ =	shalt  }
0x5a: {  	_ =	shalt  }
0x5b: {  	_ =	shalt  }
0x5c: {  	_ =	shalt  }
0x5d: {  	_ =	shalt  }
0x5e: {  	_ =	shalt  }
0x5f: {  	_ =	shalt  }
0x60: {  	_ =	shalt  }
0x61: {  	_ =	shalt  }
0x62: {  	_ =	shalt  }
0x63: {  	_ =	shalt  }
0x64: {  	_ =	shalt  }
0x65: {  	_ =	shalt  }
0x66: {  	_ =	shalt  }
0x67: {  	_ =	shalt  }
0x68: {  	_ =	shalt  }
0x69: {  	_ =	shalt  }
0x6a: {  	_ =	shalt  }
0x6b: {  	_ =	shalt  }
0x6c: {  	_ =	shalt  }
0x6d: {  	_ =	shalt  }
0x6e: {  	_ =	shalt  }
0x6f: {  	_ =	shalt  }
0x70: {  	_ =	shalt  }
0x71: {  	_ =	shalt  }
0x72: {  	_ =	shalt  }
0x73: {  	_ =	shalt  }
0x74: {  	_ =	shalt  }
0x75: {  	_ =	shalt  }
0x76: {  	_ =	shalt  }
0x77: {  	_ =	shalt  }
0x78: {  	_ =	shalt  }
0x79: {  	_ =	shalt  }
0x7a: {  	_ =	shalt  }
0x7b: {  	_ =	shalt  }
0x7c: {  	_ =	shalt  }
0x7d: {  	_ =	shalt  }
0x7e: {  	_ =	shalt  }
0x7f: {  	_ =	shalt  }
0x80: {  	_ =	shalt  }
0x81: {  	_ =	shalt  }
0x82: {  	_ =	shalt  }
0x83: {  	_ =	shalt  }
0x84: {  	_ =	shalt  }
0x85: {  	_ =	shalt  }
0x86: {  	_ =	shalt  }
0x87: {  	_ =	shalt  }
.Lfunc_end0:
.L_simem_size_0:
called_computation_lowered:
.L_overlay_start_0:
0x88: {  	s2 =	sld [smem:$0x3FD9]  }
0x89: {  	s3 =	sld [smem:$0x3FFE];
	_ =	sdelay $0x1  }
0x8a: {  	s1 =	srdreg.scid  }
0x8b: {  	s0 =	sand.u32 $0x1, s1  }
0x8c: {  	s17 =	sshll.u32 s0, $0xA;
	s2 =	sadd.s32 s3, s2  }
0x8d: {  	s2 =	sadd.s32 s2, s17  }
0x8e: {  	[smem:$0x3FC5] =	sst s2  }
0x8f: {  	_ = 	snop  }
0x90: {  	s2 =	sld [smem:$0x3FC9]  }
0x91: {  	s18 =	sld [smem:$0x3FC8]  }
0x92: {  	s4 =	sld [smem:$0x3FC7]  }
0x93: {  	s5 =	sld [smem:$0x3FD0];
	(tm) =	ssettm $0x1  }
0x94: {  	s6 =	sld [smem:$0x3FFB];
	_ =	sdelay $0x3  }
0x95: {  	_ =	strace s6  }
0x96: {  	s6 =	sld [smem:$0x3FFC];
	_ =	sdelay $0x3  }
0x97: {  	_ =	strace s6  }
0x98: {  	s6 =	sld [smem:$0x3FFD];
	_ =	sdelay $0x3  }
0x99: {  	_ =	strace s6  }
0x9a: {  	_ =	strace $0x8FFFFFFF  }
0x9b: {  	s19 =	sld [smem:$0x3FDB];
	_ =	sdelay $0x1  }
0x9c: {  	s7 =	simm.s32 $_scs_section_size  }
0x9d: {  	s8 =	simm.s32 $_size__tile_overlayer_lowered;
	s9 =	simm.s32 $_tile_overlayer_lowered  }
0x9e: {  	s22 =	simm.s32 $0x1BFF;
	s21 =	sshll.u32 s9, $0x1;
	s6 =	sadd.s32 s7, s19  }
0x9f: {  	s10 =	simm.s32 $0x0;
	s20 =	sshll.u32 s8, $0x1;
	s8 =	sadd.s32 s21, s6  }
0xa0: {  	[timem:s10], [sflag:s22] =	dma.local [hbm:s8], s20  }
0xa1: {  	_ =	swait.ge [sflag:s22], s20  }
0xa2: {  	s7 =	ssub.s32 $0x0, s20;
	[sflag:s22] =	ssyncset.done $0x0  }
0xa3: {  	[sflag:s22] =	ssyncadd.s32 s7;
	_ =	sdelay $0x1  }
0xa4: {  	s23 =	simm.s32 $0x1B8B  }
0xa5: {  	_ =	swait.ge [sflag:s23], $0x1  }
0xa6: {  	[sflag:s23] =	ssyncset.done $0x0  }
0xa7: {  	s25 =	simm.s32 $0x1B8E;
	s24 =	sld [smem:$0x3FFE];
	[sflag:s23] =	ssyncadd.s32 $0xFFFFFFFF  }
0xa8: {  	s26 =	simm.s32 $execute0_lowered;
	[smem:$0x3FD2] =	sst s25  }
0xa9: {  	s8 =	sshll.u32 s26, $0x1;
	_ =	strace $0x80000046;
	[dreg:$0x1] =	wrdreg $0xFFFFFFFF  }
0xaa: {  	s28 =	simm.s32 $_size_execute0_lowered;
	s6 =	sadd.s32 s6, s8;
	[dreg:$0x0] =	wrdreg $0x0  }
0xab: {  	s8 =	sshll.u32 s28, $0x1;
	[dreg:$0x2] =	wrdreg s6  }
0xac: {  	[dreg:$0x3] =	wrdreg s8  }
0xad: {  	[dreg:$0x4] =	wrdreg $0xC0  }
0xae: {  	_ =	task [dreg:s10], $0x5FFFF  }
0xaf: {  	[dreg:$0x1] =	wrdreg $0xFFFFFFFF  }
0xb0: {  	[dreg:$0x0] =	wrdreg $0x60  }
0xb1: {  	[dreg:$0x2] =	wrdreg s4  }
0xb2: {  	[dreg:$0x3] =	wrdreg s2  }
0xb3: {  	[dreg:$0x4] =	wrdreg s18  }
0xb4: {  	[dreg:$0x5] =	wrdreg s24  }
0xb5: {  	[dreg:$0x6] =	wrdreg s5  }
0xb6: {  	[dreg:$0x7] =	wrdreg $0x1E1000  }
0xb7: {  	[dreg:$0x8] =	wrdreg $0x9  }
0xb8: {  	_ =	task.clear_ibuf [dreg:s10], $0x9FFFF;
	_ =	strace $0x90000046  }
0xb9: {  	s29 =	simm.s32 $0x9;
	_ =	strace $0x80000048  }
0xba: {  	_ =	swait.ge [sflag:s29], $0x1  }
0xbb: {  	[sflag:s29] =	ssyncadd.s32 $0xFFFFFFFF  }
0xbc: {  	_ =	strace $0x90000048  }
0xbd: {  	_ =	sfence  }
0xbe: {  	s30 =	sld [smem:$0x0];
	_ =	sdelay $0x2  }
0xbf: {  	s31 =	sshll.u32 s1, $0xD;
	s1 =	sshrl.u32 s1, $0x2  }
0xc0: {  	s3 =	sand.u32 $0x4000, s31;
	s1 =	sadd.s32 s1, s30  }
0xc1: {  	s0 =	sor.u32 s3, s0;
	s1 =	sshll.u32 s1, $0x11  }
0xc2: {  	s0 =	sor.u32 s1, s0  }
0xc3: {  	s0 =	sadd.s32 $0x8F2B, s0  }
0xc4: {  	[sflag:s0] =	ssyncadd.remote.s32 $0x1  }
0xc5: {  	_ =	sfence.sel $0xFFFF  }
0xc6: {  	[dreg:$0x0] =	wrdreg $0xFFFFFFFF;
	(pc) =	sbr.abs _section_cstart, $3  }
0xc7: {  	[dreg:$0x1] =	wrdreg $0xFFFFFFFF  }
0xc8: {  	_ =	task.clear_ibuf [dreg:s10], $0x2FFFF;
	_ =	strace $0x9FFFFFFF  }
0xc9: {  	(tm) =	ssettm $0x7FFFFFFF  }
tec
execute0_lowered:
.L_overlay_start_1:
0x0: {  	(tag) =	ssettag $0x1  }
0x1: {  	s19 =	rddreg [dreg:$0x0]  }
0x2: {  	s8 =	rddreg [dreg:$0x1]  }
0x3: {  	s0 =	rddreg [dreg:$0x2]  }
0x4: {  	s1 =	rddreg [dreg:$0x3]  }
0x5: {  	s9 =	rddreg [dreg:$0x4]  }
0x6: {  	s26 =	rddreg [dreg:$0x5];
	s5 =	simm.s32 $0x0  }
0x7: {  	[smem:$0x7FF] =	sst s5;
	s17 =	sadd.s32 $0x800, s19  }
0x8: {  	s18 =	sadd.s32 $0x1000, s19;
	_ =	strace $0x80000047;
	[dreg:$0x8] =	wrdreg s17  }
0x9: {  	s20 =	sadd.s32 $0x1800, s19;
	[dreg:$0x9] =	wrdreg s18  }
0xa: {  	s21 =	sadd.s32 $0x2000, s19;
	[dreg:$0xa] =	wrdreg s20  }
0xb: {  	s22 =	sadd.s32 $0x2800, s19;
	[dreg:$0xb] =	wrdreg s21  }
0xc: {  	s23 =	sadd.s32 $0x3000, s19;
	[dreg:$0xc] =	wrdreg s22  }
0xd: {  	s24 =	sadd.s32 $0x3800, s19;
	[dreg:$0xd] =	wrdreg s23  }
0xe: {  	s25 =	sadd.s32 $0x4000, s19;
	[dreg:$0xe] =	wrdreg s24  }
0xf: {  	s29 =	sadd.s32 $0x4800, s19;
	[dreg:$0xf] =	wrdreg s25  }
0x10: {  	s30 =	sadd.s32 $0x5000, s19;
	[dreg:$0x10] =	wrdreg s29  }
0x11: {  	s31 =	sadd.s32 $0x5800, s19;
	[dreg:$0x11] =	wrdreg s30  }
0x12: {  	s10 =	sadd.s32 $0x6800, s19;
	[dreg:$0x12] =	wrdreg s31  }
0x13: {  	s11 =	sadd.s32 $0x7000, s19;
	[dreg:$0x14] =	wrdreg s10  }
0x14: {  	s3 =	stileid.u32;
	s15 =	sadd.s32 $0x7800, s19;
	[dreg:$0x15] =	wrdreg s11  }
0x15: {  	s4 =	sshll.u32 s3, $0x1;
	s16 =	sadd.s32 $0x8000, s19;
	[dreg:$0x1b] =	wrdreg s15  }
0x16: {  	p0 =	sne.s32 s3, $0x0;
	s3 =	sadd.s32 $0x3000, s26;
	[dreg:$0x1c] =	wrdreg s16  }
0x17: {  	s17 =	sadd.s32 $0x8800, s19;
	[smem:$0x76D] =	sst s3  }
0x18: {  	s18 =	sadd.s32 $0x9000, s19;
	[dreg:$0x1d] =	wrdreg s17  }
0x19: {  	s20 =	sadd.s32 $0x9800, s19;
	[dreg:$0x1e] =	wrdreg s18  }
0x1a: {  	s21 =	sadd.s32 $0xA000, s19;
	[dreg:$0x1f] =	wrdreg s20  }
0x1b: {  	s22 =	sadd.s32 $0xA800, s19;
	[smem:$0x763] =	sst s21  }
0x1c: {  	s23 =	sadd.s32 $0xB000, s19;
	[smem:$0x764] =	sst s22  }
0x1d: {  	s24 =	sadd.s32 $0xB800, s19;
	[smem:$0x765] =	sst s23  }
0x1e: {  	s25 =	sadd.s32 $0xC000, s19;
	[smem:$0x766] =	sst s24  }
0x1f: {  	s29 =	sadd.s32 $0x800, s26;
	[smem:$0x767] =	sst s25  }
0x20: {  	s30 =	sadd.s32 $0x1000, s26;
	[smem:$0x768] =	sst s29  }
0x21: {  	s31 =	sadd.s32 $0x1800, s26;
	[smem:$0x769] =	sst s30  }
0x22: {  	s10 =	sadd.s32 $0x1000, s9;
	[smem:$0x76A] =	sst s31  }
0x23: {  	s11 =	sadd.s32 $0x1800, s9;
	[smem:$0x770] =	sst s10  }
0x24: {  	s15 =	sadd.s32 $0x3800, s9;
	[smem:$0x771] =	sst s11  }
0x25: {  	s3 =	sadd.s32 $0xD0, s8;
	[smem:$0x775] =	sst s15  }
0x26: {  	s17 =	sadd.s32 $0x10, s8;
	[smem:$0x783] =	sst s3  }
0x27: {  	s18 =	sadd.s32 $0x20, s8;
	[smem:$0x777] =	sst s17  }
0x28: {  	s20 =	sadd.s32 $0x30, s8;
	[smem:$0x778] =	sst s18  }
0x29: {  	s21 =	sadd.s32 $0x40, s8;
	[smem:$0x779] =	sst s20  }
0x2a: {  	s22 =	sadd.s32 $0x50, s8;
	[smem:$0x77A] =	sst s21  }
0x2b: {  	s23 =	sadd.s32 $0x60, s8;
	[smem:$0x77B] =	sst s22  }
0x2c: {  	s24 =	sadd.s32 $0x70, s8;
	[smem:$0x77C] =	sst s23  }
0x2d: {  	s29 =	sadd.s32 $0x80, s8;
	[smem:$0x77D] =	sst s24  }
0x2e: {  	s30 =	sadd.s32 $0x90, s8;
	[smem:$0x77E] =	sst s29  }
0x2f: {  	s2 =	srdreg.scid;
	s31 =	sadd.s32 $0xA0, s8;
	[smem:$0x77F] =	sst s30  }
0x30: {  	s2 =	sand.u32 $0x1, s2;
	s10 =	sadd.s32 $0xA00, s26;
	[smem:$0x780] =	sst s31  }
0x31: {  	s4 =	sor.u32 s2, s4;
	s11 =	sadd.s32 $0xA80, s26;
	[smem:$0x789] =	sst s10  }
0x32: {  	s2 =	ssub.s32 $0x2, s2;
	s15 =	sadd.s32 $0xC80, s26;
	[smem:$0x78A] =	sst s11  }
0x33: {  	s7 =	sshrl.u32 s2, $0x1;
	s3 =	sadd.s32 $0x1400, s26;
	[smem:$0x78E] =	sst s15  }
0x34: {  	s2 =	ssub.s32 s2, s7;
	s7 =	sadd.s32 $0x6000, s19;
	[smem:$0x79C] =	sst s3  }
0x35: {  	s17 =	sadd.s32 $0xD80, s26;
	[dreg:$0x13] =	wrdreg s7  }
0x36: {  	s18 =	sadd.s32 $0xE00, s26;
	[smem:$0x790] =	sst s17  }
0x37: {  	s20 =	sadd.s32 $0xE80, s26;
	[smem:$0x791] =	sst s18  }
0x38: {  	s21 =	sadd.s32 $0xF00, s26;
	[smem:$0x792] =	sst s20  }
0x39: {  	s22 =	sadd.s32 $0xF80, s26;
	[smem:$0x793] =	sst s21  }
0x3a: {  	s23 =	sadd.s32 $0x1080, s26;
	[smem:$0x794] =	sst s22  }
0x3b: {  	s24 =	sadd.s32 $0x1100, s26;
	[smem:$0x795] =	sst s23  }
0x3c: {  	s29 =	sadd.s32 $0x1180, s26;
	[smem:$0x796] =	sst s24  }
0x3d: {  	s30 =	sadd.s32 $0x1200, s26;
	[smem:$0x797] =	sst s29  }
0x3e: {  	s31 =	sadd.s32 $0x1280, s26;
	[smem:$0x798] =	sst s30  }
0x3f: {  	s10 =	sadd.s32 $0x1700, s26;
	[smem:$0x799] =	sst s31  }
0x40: {  	s11 =	sadd.s32 $0x1780, s26;
	[smem:$0x7A2] =	sst s10  }
0x41: {  	s6 =	sshll.u32 s4, $0x5;
	s15 =	sadd.s32 $0x1A00, s26;
	[smem:$0x7A3] =	sst s11  }
0x42: {  	s1 =	sadd.s32 s6, s1;
	s3 =	sadd.s32 $0x2180, s26;
	[smem:$0x7A7] =	sst s15  }
0x43: {  	s4 =	sshll.u32 s4, $0x9;
	s6 =	sadd.s32 $0x400, s1;
	[smem:$0x7B5] =	sst s3  }
0x44: {  	s12 =	sadd.s32 s4, s9;
	s1 =	sadd.s32 $0x800, s1;
	[dreg:$0x7] =	wrdreg s6  }
0x45: {  	s13 =	sadd.s32 $0x20000, s12;
	[dreg:$0x17] =	wrdreg s1  }
0x46: {  	s14 =	smax.u32 s2, $0x1;
	[dreg:$0x18] =	wrdreg s13  }
0x47: {  	s2 =	sadd.s32 $0x2800, s26;
	[dreg:$0x1a] =	wrdreg s14  }
0x48: {  	s7 =	sadd.s32 $0x800, s9;
	[smem:$0x76C] =	sst s2  }
0x49: {  	s17 =	sadd.s32 $0x1B00, s26;
	[smem:$0x76F] =	sst s7  }
0x4a: {  	s18 =	sadd.s32 $0x1B80, s26;
	[smem:$0x7A9] =	sst s17  }
0x4b: {  	s20 =	sadd.s32 $0x1C00, s26;
	[smem:$0x7AA] =	sst s18  }
0x4c: {  	s21 =	sadd.s32 $0x1C80, s26;
	[smem:$0x7AB] =	sst s20  }
0x4d: {  	s22 =	sadd.s32 $0x1D00, s26;
	[smem:$0x7AC] =	sst s21  }
0x4e: {  	s23 =	sadd.s32 $0x1D80, s26;
	[smem:$0x7AD] =	sst s22  }
0x4f: {  	s24 =	sadd.s32 $0x1E00, s26;
	[smem:$0x7AE] =	sst s23  }
0x50: {  	s29 =	sadd.s32 $0x1E80, s26;
	[smem:$0x7AF] =	sst s24  }
0x51: {  	s30 =	sadd.s32 $0x1F00, s26;
	[smem:$0x7B0] =	sst s29  }
0x52: {  	s31 =	sadd.s32 $0x1F80, s26;
	[smem:$0x7B1] =	sst s30  }
0x53: {  	s10 =	sadd.s32 $0x2480, s26;
	[smem:$0x7B2] =	sst s31  }
0x54: {  	s11 =	sadd.s32 $0x2500, s26;
	[smem:$0x7BB] =	sst s10  }
0x55: {  	s15 =	sadd.s32 $0x2700, s26;
	[smem:$0x7BC] =	sst s11  }
0x56: {  	s3 =	sadd.s32 $0x2E80, s26;
	[smem:$0x7C0] =	sst s15  }
0x57: {  	s6 =	sadd.s32 s0, s4;
	s0 =	sadd.s32 $0x20100, s12;
	[smem:$0x7CE] =	sst s3  }
0x58: {  	s1 =	sadd.s32 $0x2000, s26;
	[dreg:$0x19] =	wrdreg s0  }
0x59: {  	s4 =	sadd.s32 $0x3800, s26;
	[smem:$0x76B] =	sst s1  }
0x5a: {  	s12 =	sadd.s32 $0x2000, s9;
	[smem:$0x76E] =	sst s4  }
0x5b: {  	s13 =	sadd.s32 $0x2800, s9;
	[smem:$0x772] =	sst s12  }
0x5c: {  	s14 =	sadd.s32 $0x3000, s9;
	[smem:$0x773] =	sst s13  }
0x5d: {  	[smem:$0x774] =	sst s14  }
0x5e: {  	s2 =	sadd.s32 $0xC0, s8;
	[dreg:$0x16] =	wrdreg s6  }
0x5f: {  	s7 =	sadd.s32 $0x880, s26;
	[smem:$0x782] =	sst s2  }
0x60: {  	s9 =	sadd.s32 $0x980, s26;
	[smem:$0x786] =	sst s7  }
0x61: {  	s17 =	sadd.s32 $0x2880, s26;
	[smem:$0x788] =	sst s9  }
0x62: {  	s18 =	sadd.s32 $0x2900, s26;
	[smem:$0x7C2] =	sst s17  }
0x63: {  	s20 =	sadd.s32 $0x2980, s26;
	[smem:$0x7C3] =	sst s18  }
0x64: {  	s21 =	sadd.s32 $0x2A00, s26;
	[smem:$0x7C4] =	sst s20  }
0x65: {  	s22 =	sadd.s32 $0x2A80, s26;
	[smem:$0x7C5] =	sst s21  }
0x66: {  	s23 =	sadd.s32 $0x2B00, s26;
	[smem:$0x7C6] =	sst s22  }
0x67: {  	s24 =	sadd.s32 $0x2B80, s26;
	[smem:$0x7C7] =	sst s23  }
0x68: {  	s29 =	sadd.s32 $0x2C00, s26;
	[smem:$0x7C8] =	sst s24  }
0x69: {  	s30 =	sadd.s32 $0x2C80, s26;
	[smem:$0x7C9] =	sst s29  }
0x6a: {  	s31 =	sadd.s32 $0x2D00, s26;
	[smem:$0x7CA] =	sst s30  }
0x6b: {  	s10 =	sadd.s32 $0x3200, s26;
	[smem:$0x7CB] =	sst s31  }
0x6c: {  	s11 =	sadd.s32 $0x3280, s26;
	[smem:$0x7D4] =	sst s10  }
0x6d: {  	s15 =	sadd.s32 $0x3480, s26;
	[smem:$0x7D5] =	sst s11  }
0x6e: {  	s3 =	sadd.s32 $0x3C00, s26;
	[smem:$0x7D9] =	sst s15  }
0x6f: {  	s16 =	sadd.s32 $0x100, s6;
	[smem:$0x7E7] =	sst s3  }
0x70: {  	s1 =	sadd.s32 $0xB0, s8;
	[smem:$0x776] =	sst s16  }
0x71: {  	s4 =	sadd.s32 $0xE0, s8;
	[smem:$0x781] =	sst s1  }
0x72: {  	s6 =	sadd.s32 $0xF0, s8;
	[smem:$0x784] =	sst s4  }
0x73: {  	s8 =	sadd.s32 $0x900, s26;
	[smem:$0x785] =	sst s6  }
0x74: {  	s12 =	sadd.s32 $0xB00, s26;
	[smem:$0x787] =	sst s8  }
0x75: {  	s13 =	sadd.s32 $0xB80, s26;
	[smem:$0x78B] =	sst s12  }
0x76: {  	s14 =	sadd.s32 $0xC00, s26;
	[smem:$0x78C] =	sst s13  }
0x77: {  	s2 =	sadd.s32 $0x1380, s26;
	[smem:$0x78D] =	sst s14  }
0x78: {  	s7 =	sadd.s32 $0x1580, s26;
	[smem:$0x79B] =	sst s2  }
0x79: {  	s9 =	sadd.s32 $0x1680, s26;
	[smem:$0x79F] =	sst s7  }
0x7a: {  	s17 =	sadd.s32 $0x3580, s26;
	[smem:$0x7A1] =	sst s9  }
0x7b: {  	s18 =	sadd.s32 $0x3600, s26;
	[smem:$0x7DB] =	sst s17  }
0x7c: {  	s20 =	sadd.s32 $0x3680, s26;
	[smem:$0x7DC] =	sst s18  }
0x7d: {  	s21 =	sadd.s32 $0x3700, s26;
	[smem:$0x7DD] =	sst s20  }
0x7e: {  	s22 =	sadd.s32 $0x3780, s26;
	[smem:$0x7DE] =	sst s21  }
0x7f: {  	s23 =	sadd.s32 $0x3880, s26;
	[smem:$0x7DF] =	sst s22  }
0x80: {  	s24 =	sadd.s32 $0x3900, s26;
	[smem:$0x7E0] =	sst s23  }
0x81: {  	s29 =	sadd.s32 $0x3980, s26;
	[smem:$0x7E1] =	sst s24  }
0x82: {  	s30 =	sadd.s32 $0x3A00, s26;
	[smem:$0x7E2] =	sst s29  }
0x83: {  	s31 =	sadd.s32 $0x3A80, s26;
	[smem:$0x7E3] =	sst s30  }
0x84: {  	s10 =	sadd.s32 $0x3F00, s26;
	[smem:$0x7E4] =	sst s31  }
0x85: {  	s11 =	sadd.s32 $0x3F80, s26;
	[smem:$0x7ED] =	sst s10  }
0x86: {  	s15 =	sadd.s32 $0x200, s26;
	[smem:$0x7EE] =	sst s11  }
0x87: {  	s16 =	sadd.s32 $0xD00, s26;
	[smem:$0x7F2] =	sst s15  }
0x88: {  	s1 =	sadd.s32 $0x1300, s26;
	[smem:$0x78F] =	sst s16  }
0x89: {  	s4 =	sadd.s32 $0x1480, s26;
	[smem:$0x79A] =	sst s1  }
0x8a: {  	s6 =	sadd.s32 $0x1500, s26;
	[smem:$0x79D] =	sst s4  }
0x8b: {  	s8 =	sadd.s32 $0x1600, s26;
	[smem:$0x79E] =	sst s6  }
0x8c: {  	s12 =	sadd.s32 $0x1880, s26;
	[smem:$0x7A0] =	sst s8  }
0x8d: {  	s13 =	sadd.s32 $0x1900, s26;
	[smem:$0x7A4] =	sst s12  }
0x8e: {  	s14 =	sadd.s32 $0x1980, s26;
	[smem:$0x7A5] =	sst s13  }
0x8f: {  	s2 =	sadd.s32 $0x2100, s26;
	[smem:$0x7A6] =	sst s14  }
0x90: {  	s7 =	sadd.s32 $0x2300, s26;
	[smem:$0x7B4] =	sst s2  }
0x91: {  	s9 =	sadd.s32 $0x2400, s26;
	[smem:$0x7B8] =	sst s7  }
0x92: {  	s17 =	sadd.s32 $0x300, s26;
	[smem:$0x7BA] =	sst s9  }
0x93: {  	s18 =	sadd.s32 $0x380, s26;
	[smem:$0x7F4] =	sst s17  }
0x94: {  	s20 =	sadd.s32 $0x400, s26;
	[smem:$0x7F5] =	sst s18  }
0x95: {  	s21 =	sadd.s32 $0x480, s26;
	[smem:$0x7F6] =	sst s20  }
0x96: {  	s22 =	sadd.s32 $0x500, s26;
	[smem:$0x7F7] =	sst s21  }
0x97: {  	s23 =	sadd.s32 $0x580, s26;
	[smem:$0x7F8] =	sst s22  }
0x98: {  	s24 =	sadd.s32 $0x600, s26;
	[smem:$0x7F9] =	sst s23  }
0x99: {  	s29 =	sadd.s32 $0x680, s26;
	[smem:$0x7FA] =	sst s24  }
0x9a: {  	s30 =	sadd.s32 $0x700, s26;
	[smem:$0x7FB] =	sst s29  }
0x9b: {  	s31 =	sadd.s32 $0x780, s26;
	[smem:$0x7FC] =	sst s30  }
0x9c: {  	s16 =	sadd.s32 $0x1A80, s26;
	[smem:$0x7FD] =	sst s31  }
0x9d: {  	s1 =	sadd.s32 $0x2080, s26;
	[smem:$0x7A8] =	sst s16  }
0x9e: {  	s4 =	sadd.s32 $0x2200, s26;
	[smem:$0x7B3] =	sst s1  }
0x9f: {  	s6 =	sadd.s32 $0x2280, s26;
	[smem:$0x7B6] =	sst s4  }
0xa0: {  	s8 =	sadd.s32 $0x2380, s26;
	[smem:$0x7B7] =	sst s6  }
0xa1: {  	s12 =	sadd.s32 $0x2580, s26;
	[smem:$0x7B9] =	sst s8  }
0xa2: {  	s13 =	sadd.s32 $0x2600, s26;
	[smem:$0x7BD] =	sst s12  }
0xa3: {  	s14 =	sadd.s32 $0x2680, s26;
	[smem:$0x7BE] =	sst s13  }
0xa4: {  	s2 =	sadd.s32 $0x2E00, s26;
	[smem:$0x7BF] =	sst s14  }
0xa5: {  	s7 =	sadd.s32 $0x3080, s26;
	[smem:$0x7CD] =	sst s2  }
0xa6: {  	s9 =	sadd.s32 $0x3180, s26;
	[smem:$0x7D1] =	sst s7  }
0xa7: {  	s16 =	sadd.s32 $0x2780, s26;
	[smem:$0x7D3] =	sst s9  }
0xa8: {  	s1 =	sadd.s32 $0x2D80, s26;
	[smem:$0x7C1] =	sst s16  }
0xa9: {  	s4 =	sadd.s32 $0x2F00, s26;
	[smem:$0x7CC] =	sst s1  }
0xaa: {  	s6 =	sadd.s32 $0x2F80, s26;
	[smem:$0x7CF] =	sst s4  }
0xab: {  	s8 =	sadd.s32 $0x3100, s26;
	[smem:$0x7D0] =	sst s6  }
0xac: {  	s12 =	sadd.s32 $0x3300, s26;
	[smem:$0x7D2] =	sst s8  }
0xad: {  	s13 =	sadd.s32 $0x3380, s26;
	[smem:$0x7D6] =	sst s12  }
0xae: {  	s28 =	simm.s32 $0x11A00;
	s14 =	sadd.s32 $0x3400, s26;
	[smem:$0x7D7] =	sst s13  }
0xaf: {  	s25 =	sadd.s32 $0xC300, s19;
	s2 =	sadd.s32 $0x3B80, s26;
	[smem:$0x7D8] =	sst s14  }
0xb0: {  	s3 =	simm.s32 $0x7A00;
	s7 =	sadd.s32 $0x3D80, s26;
	[smem:$0x7E6] =	sst s2  }
0xb1: {  	s10 =	simm.s32 $0x5;
	s9 =	sadd.s32 $0x3E80, s26;
	[smem:$0x7EA] =	sst s7  }
0xb2: {  	s11 =	simm.s32 $0x5A00;
	s16 =	sadd.s32 $0x3500, s26;
	[smem:$0x7EC] =	sst s9  }
0xb3: {  	s15 =	simm.s32 $0x10A00;
	s1 =	sadd.s32 $0x3B00, s26;
	[smem:$0x7DA] =	sst s16  }
0xb4: {  	s23 =	simm.s32 $0x3;
	s4 =	sadd.s32 $0x3C80, s26;
	[smem:$0x7E5] =	sst s1  }
0xb5: {  	s17 =	simm.s32 $0x200;
	s6 =	sadd.s32 $0x3D00, s26;
	[smem:$0x7E8] =	sst s4  }
0xb6: {  	s18 =	simm.s32 $0x0;
	s8 =	sadd.s32 $0x3E00, s26;
	[smem:$0x7E9] =	sst s6  }
0xb7: {  	s12 =	sadd.s32 $0x80, s26;
	s13 =	sadd.s32 $0x100, s26;
	[smem:$0x7EB] =	sst s8  }
0xb8: {  	s14 =	sadd.s32 $0x180, s26;
	s2 =	simm.s32 $0x6A00;
	[smem:$0x7EF] =	sst s12  }
0xb9: {  	s7 =	simm.s32 $0xAA00;
	s9 =	simm.s32 $0xCA00;
	[smem:$0x7F0] =	sst s13  }
0xba: {  	[smem:$0x7F1] =	sst s14;
	s16 =	sadd.s32 $0x280, s26;
	s4 =	simm.s32 $0x8A00  }
0xbb: {  	v1 =	vlaneseq.u32;
	v0 =	vimm.s32 $0x0;
	vm0 =	vmmov $0xffff;
	s6 =	simm.s32 $0x9A00;
	s8 =	simm.s32 $0xBA00;
	s12 =	simm.s32 $0xDA00  }
0xbc: {  	vm1 =	vmmov $0x3f;
	vm2 =	vmmov $0x7f;
	v1 =	vmul.u32 $0x8, v1;
	s13 =	simm.s32 $0xEA00;
	s14 =	simm.s32 $0xFA00;
	[smem:$0x7F3] =	sst s16  }
.LBB2_1:
0xbd: {  	s0 =	rddreg [dreg:$0x7]  }
0xbe: {  	[tilespmem:s5], [sflag:$0x5] =	stream.linear.gather [hbm4b:s0+s5], $0x100, $0x38;
	[tilespmem:$0x1E500] =	vst v63  }
0xbf: {  	_ =	swait.ge [sflag:s10], $0x100  }
0xc0: {  	[sflag:s10] =	ssyncset.done $0x0  }
0xc1: {  	[sflag:s10] =	ssyncadd.s32 $0xFFFFFF00  }
0xc2: {  	v2 =	vld.msk [tilespmem:$0x0], $0x1;
	_ =	sdelay $0x4  }
0xc3: {  	v3 =	vshrl.u32 v2, $0x3  }
0xc4: {  	v3 =	vmul.u32 $0x1870, v3  }
0xc5: {  	v2 =	vand.u32 $0x7, v2  }
0xc6: {  	v2 =	vor.u32 v2, v3  }
0xc7: {  	v2 =	vperm.xlane v2, v0;
	_ =	sdelay $0x1  }
0xc8: {  	v2 =	vadd.s32 v1, v2;
	_ =	sdelay $0x3  }
0xc9: {  	s24 =	rddreg [dreg:$0x8]  }
0xca: {  	[tilespmem:s11], [sflag:$0x1] =	stream.indirect_vreg.gather [hbm4b:s19+s5], $0x80, v2, vm0, $0xb8;
	[tilespmem:$0x1E500] =	vst v63  }
0xcb: {  	s1 =	simm.s32 $0x6200;
	s16 =	rddreg [dreg:$0x9]  }
0xcc: {  	[tilespmem:s1], [sflag:$0x1] =	stream.indirect_vreg.gather [hbm4b:s24+s5], $0x80, v2, vm0, $0xb8;
	[tilespmem:$0x1E500] =	vst v63  }
0xcd: {  	s21 =	rddreg [dreg:$0xb]  }
0xce: {  	[tilespmem:s2], [sflag:$0x1] =	stream.indirect_vreg.gather [hbm4b:s16+s5], $0x80, v2, vm0, $0xb8;
	[tilespmem:$0x1E500] =	vst v63  }
0xcf: {  	s20 =	simm.s32 $0x7200;
	s19 =	rddreg [dreg:$0xa]  }
0xd0: {  	[tilespmem:s20], [sflag:$0x1] =	stream.indirect_vreg.gather [hbm4b:s19+s5], $0x80, v2, vm0, $0xb8;
	[tilespmem:$0x1E500] =	vst v63  }
0xd1: {  	s22 =	rddreg [dreg:$0xc]  }
0xd2: {  	[tilespmem:s3], [sflag:$0x1] =	stream.indirect_vreg.gather [hbm4b:s21+s5], $0x80, v2, vm0, $0xb8;
	[tilespmem:$0x1E500] =	vst v63  }
0xd3: {  	s24 =	simm.s32 $0x8200;
	s2 =	rddreg [dreg:$0xd]  }
0xd4: {  	[tilespmem:s24], [sflag:$0x1] =	stream.indirect_vreg.gather [hbm4b:s22+s5], $0x80, v2, vm0, $0xb8;
	[tilespmem:$0x1E500] =	vst v63  }
0xd5: {  	s16 =	rddreg [dreg:$0xf]  }
0xd6: {  	[tilespmem:s4], [sflag:$0x1] =	stream.indirect_vreg.gather [hbm4b:s2+s5], $0x80, v2, vm0, $0xb8;
	[tilespmem:$0x1E500] =	vst v63  }
0xd7: {  	s3 =	rddreg [dreg:$0xe];
	s4 =	simm.s32 $0x9200  }
0xd8: {  	[tilespmem:s4], [sflag:$0x1] =	stream.indirect_vreg.gather [hbm4b:s3+s5], $0x80, v2, vm0, $0xb8;
	[tilespmem:$0x1E500] =	vst v63  }
0xd9: {  	s19 =	rddreg [dreg:$0x10]  }
0xda: {  	[tilespmem:s6], [sflag:$0x1] =	stream.indirect_vreg.gather [hbm4b:s16+s5], $0x80, v2, vm0, $0xb8;
	[tilespmem:$0x1E500] =	vst v63  }
0xdb: {  	s20 =	simm.s32 $0xA200;
	s21 =	rddreg [dreg:$0x11]  }
0xdc: {  	[tilespmem:s20], [sflag:$0x1] =	stream.indirect_vreg.gather [hbm4b:s19+s5], $0x80, v2, vm0, $0xb8;
	[tilespmem:$0x1E500] =	vst v63  }
0xdd: {  	s22 =	rddreg [dreg:$0x12]  }
0xde: {  	[tilespmem:s7], [sflag:$0x1] =	stream.indirect_vreg.gather [hbm4b:s21+s5], $0x80, v2, vm0, $0xb8;
	[tilespmem:$0x1E500] =	vst v63  }
0xdf: {  	s24 =	simm.s32 $0xB200;
	s2 =	rddreg [dreg:$0x13]  }
0xe0: {  	[tilespmem:s24], [sflag:$0x1] =	stream.indirect_vreg.gather [hbm4b:s22+s5], $0x80, v2, vm0, $0xb8;
	[tilespmem:$0x1E500] =	vst v63  }
0xe1: {  	s3 =	rddreg [dreg:$0x14]  }
0xe2: {  	[tilespmem:s8], [sflag:$0x1] =	stream.indirect_vreg.gather [hbm4b:s2+s5], $0x80, v2, vm0, $0xb8;
	[tilespmem:$0x1E500] =	vst v63  }
0xe3: {  	s4 =	simm.s32 $0xC200;
	s6 =	rddreg [dreg:$0x15]  }
0xe4: {  	[tilespmem:s4], [sflag:$0x1] =	stream.indirect_vreg.gather [hbm4b:s3+s5], $0x80, v2, vm0, $0xb8;
	[tilespmem:$0x1E500] =	vst v63  }
0xe5: {  	s16 =	rddreg [dreg:$0x1d]  }
0xe6: {  	[tilespmem:s9], [sflag:$0x1] =	stream.indirect_vreg.gather [hbm4b:s6+s5], $0x80, v2, vm0, $0xb8;
	[tilespmem:$0x1E500] =	vst v63  }
0xe7: {  	s7 =	rddreg [dreg:$0x1b];
	s8 =	simm.s32 $0xD200  }
0xe8: {  	[tilespmem:s8], [sflag:$0x1] =	stream.indirect_vreg.gather [hbm4b:s7+s5], $0x80, v2, vm0, $0xb8;
	[tilespmem:$0x1E500] =	vst v63  }
0xe9: {  	s9 =	rddreg [dreg:$0x1c]  }
0xea: {  	[tilespmem:s12], [sflag:$0x1] =	stream.indirect_vreg.gather [hbm4b:s9+s5], $0x80, v2, vm0, $0xb8;
	[tilespmem:$0x1E500] =	vst v63  }
0xeb: {  	s19 =	simm.s32 $0xE200;
	s20 =	rddreg [dreg:$0x1e]  }
0xec: {  	[tilespmem:s19], [sflag:$0x1] =	stream.indirect_vreg.gather [hbm4b:s16+s5], $0x80, v2, vm0, $0xb8;
	[tilespmem:$0x1E500] =	vst v63  }
0xed: {  	s21 =	rddreg [dreg:$0x1f]  }
0xee: {  	[tilespmem:s13], [sflag:$0x1] =	stream.indirect_vreg.gather [hbm4b:s20+s5], $0x80, v2, vm0, $0xb8;
	[tilespmem:$0x1E500] =	vst v63  }
0xef: {  	s22 =	simm.s32 $0xF200;
	s24 =	sld [smem:$0x763]  }
0xf0: {  	[tilespmem:s22], [sflag:$0x1] =	stream.indirect_vreg.gather [hbm4b:s21+s5], $0x80, v2, vm0, $0xb8;
	[tilespmem:$0x1E500] =	vst v63  }
0xf1: {  	s1 =	sld [smem:$0x764]  }
0xf2: {  	[tilespmem:s14], [sflag:$0x1] =	stream.indirect_vreg.gather [hbm4b:s24+s5], $0x80, v2, vm0, $0xb8;
	[tilespmem:$0x1E500] =	vst v63  }
0xf3: {  	s2 =	simm.s32 $0x10200;
	s3 =	sld [smem:$0x765]  }
0xf4: {  	[tilespmem:s2], [sflag:$0x1] =	stream.indirect_vreg.gather [hbm4b:s1+s5], $0x80, v2, vm0, $0xb8;
	[tilespmem:$0x1E500] =	vst v63  }
0xf5: {  	s4 =	sld [smem:$0x766]  }
0xf6: {  	[tilespmem:s15], [sflag:$0x1] =	stream.indirect_vreg.gather [hbm4b:s3+s5], $0x80, v2, vm0, $0xb8;
	[tilespmem:$0x1E500] =	vst v63  }
0xf7: {  	s6 =	simm.s32 $0x11200;
	s7 =	sld [smem:$0x767]  }
0xf8: {  	[tilespmem:s6], [sflag:$0x1] =	stream.indirect_vreg.gather [hbm4b:s4+s5], $0x80, v2, vm0, $0xb8;
	[tilespmem:$0x1E500] =	vst v63  }
0xf9: {  	_ = 	snop  }
0xfa: {  	[tilespmem:s28], [sflag:$0x1] =	stream.indirect_vreg.gather [hbm4b:s7+s5], $0x80, v2, vm1, $0xb8;
	[tilespmem:$0x1E500] =	vst v63  }
0xfb: {  	v2 =	vld.msk [tilespmem:$0x0], $0x1;
	_ =	sdelay $0x4  }
0xfc: {  	v3 =	vshrl.u32 v2, $0x3  }
0xfd: {  	v3 =	vmul.u32 $0x1870, v3  }
0xfe: {  	v2 =	vand.u32 $0x7, v2  }
0xff: {  	v2 =	vor.u32 v2, v3  }
0x100: {  	v2 =	vperm.xlane v2, v0;
	_ =	sdelay $0x1  }
0x101: {  	v2 =	vadd.s32 v1, v2;
	_ =	sdelay $0x3  }
0x102: {  	s8 =	simm.s32 $0x11D00  }
0x103: {  	[tilespmem:s8], [sflag:$0x4] =	stream.indirect_vreg.gather [hbm4b:s25+s5], $0x80, v2, vm0, $0xb8;
	[tilespmem:$0x1E500] =	vst v63  }
0x104: {  	s9 =	sadd.s32 $0x800, s25;
	s12 =	simm.s32 $0x12500  }
0x105: {  	[tilespmem:s12], [sflag:$0x4] =	stream.indirect_vreg.gather [hbm4b:s9+s5], $0x80, v2, vm0, $0xb8;
	[tilespmem:$0x1E500] =	vst v63  }
0x106: {  	s13 =	sadd.s32 $0x1000, s25;
	s14 =	simm.s32 $0x12D00  }
0x107: {  	[tilespmem:s14], [sflag:$0x4] =	stream.indirect_vreg.gather [hbm4b:s13+s5], $0x80, v2, vm0, $0xb8;
	[tilespmem:$0x1E500] =	vst v63  }
0x108: {  	s16 =	simm.s32 $0x13500;
	s15 =	sadd.s32 $0x1800, s25  }
0x109: {  	[tilespmem:s16], [sflag:$0x4] =	stream.indirect_vreg.gather [hbm4b:s15+s5], $0x80, v2, vm0, $0xb8;
	[tilespmem:$0x1E500] =	vst v63  }
0x10a: {  	s19 =	sadd.s32 $0x2000, s25;
	s20 =	simm.s32 $0x13D00  }
0x10b: {  	[tilespmem:s20], [sflag:$0x4] =	stream.indirect_vreg.gather [hbm4b:s19+s5], $0x80, v2, vm0, $0xb8;
	[tilespmem:$0x1E500] =	vst v63  }
0x10c: {  	s29 =	sadd.s32 $0x2800, s25;
	s21 =	simm.s32 $0x14500  }
0x10d: {  	[tilespmem:s21], [sflag:$0x4] =	stream.indirect_vreg.gather [hbm4b:s29+s5], $0x80, v2, vm0, $0xb8;
	[tilespmem:$0x1E500] =	vst v63  }
0x10e: {  	s30 =	sadd.s32 $0x3000, s25;
	s22 =	simm.s32 $0x14D00  }
0x10f: {  	[tilespmem:s22], [sflag:$0x4] =	stream.indirect_vreg.gather [hbm4b:s30+s5], $0x80, v2, vm0, $0xb8;
	[tilespmem:$0x1E500] =	vst v63  }
0x110: {  	s31 =	sadd.s32 $0x3800, s25;
	s24 =	simm.s32 $0x15500  }
0x111: {  	[tilespmem:s24], [sflag:$0x4] =	stream.indirect_vreg.gather [hbm4b:s31+s5], $0x80, v2, vm0, $0xb8;
	[tilespmem:$0x1E500] =	vst v63  }
0x112: {  	s2 =	sadd.s32 $0x4000, s25;
	s28 =	simm.s32 $0x15D00  }
0x113: {  	[tilespmem:s28], [sflag:$0x4] =	stream.indirect_vreg.gather [hbm4b:s2+s5], $0x80, v2, vm0, $0xb8;
	[tilespmem:$0x1E500] =	vst v63  }
0x114: {  	s1 =	simm.s32 $0x16500;
	s24 =	sadd.s32 $0x4800, s25  }
0x115: {  	[tilespmem:s1], [sflag:$0x4] =	stream.indirect_vreg.gather [hbm4b:s24+s5], $0x80, v2, vm0, $0xb8;
	[tilespmem:$0x1E500] =	vst v63  }
0x116: {  	s3 =	simm.s32 $0x16D00;
	s21 =	sadd.s32 $0x5000, s25  }
0x117: {  	[tilespmem:s3], [sflag:$0x4] =	stream.indirect_vreg.gather [hbm4b:s21+s5], $0x80, v2, vm0, $0xb8;
	[tilespmem:$0x1E500] =	vst v63  }
0x118: {  	s4 =	simm.s32 $0x17500;
	s3 =	sadd.s32 $0x5800, s25  }
0x119: {  	[tilespmem:s4], [sflag:$0x4] =	stream.indirect_vreg.gather [hbm4b:s3+s5], $0x80, v2, vm0, $0xb8;
	[tilespmem:$0x1E500] =	vst v63  }
0x11a: {  	s6 =	simm.s32 $0x17D00;
	s1 =	sadd.s32 $0x6000, s25  }
0x11b: {  	[tilespmem:s6], [sflag:$0x4] =	stream.indirect_vreg.gather [hbm4b:s1+s5], $0x80, v2, vm0, $0xb8;
	[tilespmem:$0x1E500] =	vst v63  }
0x11c: {  	s0 =	sadd.s32 $0x6800, s25;
	s7 =	simm.s32 $0x18500  }
0x11d: {  	[tilespmem:s7], [sflag:$0x4] =	stream.indirect_vreg.gather [hbm4b:s0+s5], $0x80, v2, vm0, $0xb8;
	[tilespmem:$0x1E500] =	vst v63  }
0x11e: {  	s8 =	simm.s32 $0x18D00;
	s7 =	sadd.s32 $0x7000, s25  }
0x11f: {  	[tilespmem:s8], [sflag:$0x4] =	stream.indirect_vreg.gather [hbm4b:s7+s5], $0x80, v2, vm0, $0xb8;
	[tilespmem:$0x1E500] =	vst v63  }
0x120: {  	[smem:$0x75F] =	sst s9;
	s9 =	simm.s32 $0x19500;
	s8 =	sadd.s32 $0x7800, s25  }
0x121: {  	[tilespmem:s9], [sflag:$0x4] =	stream.indirect_vreg.gather [hbm4b:s8+s5], $0x80, v2, vm0, $0xb8;
	[tilespmem:$0x1E500] =	vst v63  }
0x122: {  	s12 =	simm.s32 $0x19D00;
	s9 =	sadd.s32 $0x8000, s25  }
0x123: {  	[tilespmem:s12], [sflag:$0x4] =	stream.indirect_vreg.gather [hbm4b:s9+s5], $0x80, v2, vm0, $0xb8;
	[tilespmem:$0x1E500] =	vst v63  }
0x124: {  	[smem:$0x760] =	sst s13;
	s13 =	simm.s32 $0x1A500;
	s4 =	sadd.s32 $0x8800, s25  }
0x125: {  	[tilespmem:s13], [sflag:$0x4] =	stream.indirect_vreg.gather [hbm4b:s4+s5], $0x80, v2, vm0, $0xb8;
	[tilespmem:$0x1E500] =	vst v63  }
0x126: {  	s14 =	simm.s32 $0x1AD00;
	s6 =	sadd.s32 $0x9000, s25  }
0x127: {  	[tilespmem:s14], [sflag:$0x4] =	stream.indirect_vreg.gather [hbm4b:s6+s5], $0x80, v2, vm0, $0xb8;
	[tilespmem:$0x1E500] =	vst v63  }
0x128: {  	[smem:$0x761] =	sst s15;
	s15 =	simm.s32 $0x1B500;
	s22 =	sadd.s32 $0x9800, s25  }
0x129: {  	[tilespmem:s15], [sflag:$0x4] =	stream.indirect_vreg.gather [hbm4b:s22+s5], $0x80, v2, vm0, $0xb8;
	[tilespmem:$0x1E500] =	vst v63  }
0x12a: {  	s16 =	simm.s32 $0x1BD00;
	s12 =	sadd.s32 $0xA000, s25  }
0x12b: {  	[tilespmem:s16], [sflag:$0x4] =	stream.indirect_vreg.gather [hbm4b:s12+s5], $0x80, v2, vm0, $0xb8;
	[tilespmem:$0x1E500] =	vst v63  }
0x12c: {  	[smem:$0x762] =	sst s19;
	s19 =	simm.s32 $0x1C500;
	s13 =	sadd.s32 $0xA800, s25  }
0x12d: {  	[tilespmem:s19], [sflag:$0x4] =	stream.indirect_vreg.gather [hbm4b:s13+s5], $0x80, v2, vm0, $0xb8;
	[tilespmem:$0x1E500] =	vst v63  }
0x12e: {  	s20 =	simm.s32 $0x1CD00;
	s28 =	simm.s32 $0x1DD00;
	s14 =	sadd.s32 $0xB000, s25  }
0x12f: {  	[tilespmem:s20], [sflag:$0x4] =	stream.indirect_vreg.gather [hbm4b:s14+s5], $0x80, v2, vm0, $0xb8;
	[tilespmem:$0x1E500] =	vst v63  }
0x130: {  	s15 =	sadd.s32 $0xB800, s25;
	s16 =	simm.s32 $0x1D500;
	s19 =	sshrl.u32 @!p0 s26, $0x3  }
0x131: {  	[tilespmem:s16], [sflag:$0x4] =	stream.indirect_vreg.gather [hbm4b:s15+s5], $0x80, v2, vm0, $0xb8;
	[tilespmem:$0x1E500] =	vst v63  }
0x132: {  	s26 =	rddreg [dreg:$0x1];
	s20 =	simm.s32 @!p0 $0x1C05;
	s16 =	sadd.s32 $0xC000, s25  }
0x133: {  	[tilespmem:s28], [sflag:$0x4] =	stream.indirect_vreg.gather [hbm4b:s16+s5], $0x80, v2, vm2, $0xb8;
	[tilespmem:$0x1E500] =	vst v63  }
0x134: {  	[spmem:s19], [sflag:s20] =	dma.local @!p0 [hbm:s26], $0x800  }
0x135: {  	s19 =	simm.s32 @!p0 $0x5  }
0x136: {  	_ =	swait.ge @!p0 [sflag:s19], $0x800  }
0x137: {  	[sflag:s19] =	ssyncset.done @!p0 $0x0  }
0x138: {  	s28 =	simm.s32 $0x5900;
	s20 =	rddreg [dreg:$0x17];
	[sflag:s19] =	ssyncadd.s32 @!p0 $0xFFFFF800  }
0x139: {  	[tilespmem:s28], [sflag:$0x5] =	stream.linear.gather [hbm4b:s20+s5], $0x100, $0x38;
	[tilespmem:$0x1E500] =	vst v63  }
0x13a: {  	_ =	swait.ge [sflag:s10], $0x100  }
0x13b: {  	[sflag:s10] =	ssyncset.done $0x0  }
0x13c: {  	s28 =	simm.s32 $0x100;
	s20 =	sld [smem:$0x777];
	[sflag:s10] =	ssyncadd.s32 $0xFFFFFF00  }
0x13d: {  	[tilespmem:s28], [sflag:$0x3] =	stream.linear.gather [hbm4b:s26+s5], $0x80, $0x38;
	[tilespmem:$0x1E500] =	vst v63  }
0x13e: {  	s26 =	sld [smem:$0x778]  }
0x13f: {  	[tilespmem:s17], [sflag:$0x3] =	stream.linear.gather [hbm4b:s20+s5], $0x80, $0x38;
	[tilespmem:$0x1E500] =	vst v63  }
0x140: {  	s28 =	simm.s32 $0x300  }
0x141: {  	[tilespmem:s28], [sflag:$0x3] =	stream.linear.gather [hbm4b:s26+s5], $0x80, $0x38;
	[tilespmem:$0x1E500] =	vst v63  }
0x142: {  	s26 =	sld [smem:$0x779];
	_ =	sdelay $0x1  }
0x143: {  	s28 =	simm.s32 $0x400  }
0x144: {  	[tilespmem:s28], [sflag:$0x3] =	stream.linear.gather [hbm4b:s26+s5], $0x80, $0x38;
	[tilespmem:$0x1E500] =	vst v63  }
0x145: {  	s26 =	sld [smem:$0x77A];
	_ =	sdelay $0x1  }
0x146: {  	s28 =	simm.s32 $0x500  }
0x147: {  	[tilespmem:s28], [sflag:$0x3] =	stream.linear.gather [hbm4b:s26+s5], $0x80, $0x38;
	[tilespmem:$0x1E500] =	vst v63  }
0x148: {  	s26 =	sld [smem:$0x77B];
	_ =	sdelay $0x1  }
0x149: {  	s28 =	simm.s32 $0x600  }
0x14a: {  	[tilespmem:s28], [sflag:$0x3] =	stream.linear.gather [hbm4b:s26+s5], $0x80, $0x38;
	[tilespmem:$0x1E500] =	vst v63  }
0x14b: {  	s26 =	sld [smem:$0x77C];
	_ =	sdelay $0x1  }
0x14c: {  	s28 =	simm.s32 $0x700  }
0x14d: {  	[tilespmem:s28], [sflag:$0x3] =	stream.linear.gather [hbm4b:s26+s5], $0x80, $0x38;
	[tilespmem:$0x1E500] =	vst v63  }
0x14e: {  	s26 =	sld [smem:$0x77D];
	_ =	sdelay $0x1  }
0x14f: {  	s28 =	simm.s32 $0x800  }
0x150: {  	[tilespmem:s28], [sflag:$0x3] =	stream.linear.gather [hbm4b:s26+s5], $0x80, $0x38;
	[tilespmem:$0x1E500] =	vst v63  }
0x151: {  	s26 =	sld [smem:$0x77E];
	_ =	sdelay $0x1  }
0x152: {  	s28 =	simm.s32 $0x900  }
0x153: {  	[tilespmem:s28], [sflag:$0x3] =	stream.linear.gather [hbm4b:s26+s5], $0x80, $0x38;
	[tilespmem:$0x1E500] =	vst v63  }
0x154: {  	s26 =	sld [smem:$0x77F];
	_ =	sdelay $0x1  }
0x155: {  	s28 =	simm.s32 $0xA00  }
0x156: {  	[tilespmem:s28], [sflag:$0x3] =	stream.linear.gather [hbm4b:s26+s5], $0x80, $0x38;
	[tilespmem:$0x1E500] =	vst v63  }
0x157: {  	s26 =	sld [smem:$0x780];
	_ =	sdelay $0x1  }
0x158: {  	s28 =	simm.s32 $0xB00  }
0x159: {  	[tilespmem:s28], [sflag:$0x3] =	stream.linear.gather [hbm4b:s26+s5], $0x80, $0x38;
	[tilespmem:$0x1E500] =	vst v63  }
0x15a: {  	s26 =	sld [smem:$0x781];
	_ =	sdelay $0x1  }
0x15b: {  	s28 =	simm.s32 $0xC00  }
0x15c: {  	[tilespmem:s28], [sflag:$0x3] =	stream.linear.gather [hbm4b:s26+s5], $0x80, $0x38;
	[tilespmem:$0x1E500] =	vst v63  }
0x15d: {  	s26 =	sld [smem:$0x782];
	_ =	sdelay $0x1  }
0x15e: {  	s28 =	simm.s32 $0xD00  }
0x15f: {  	[tilespmem:s28], [sflag:$0x3] =	stream.linear.gather [hbm4b:s26+s5], $0x80, $0x38;
	[tilespmem:$0x1E500] =	vst v63  }
0x160: {  	s26 =	sld [smem:$0x783];
	_ =	sdelay $0x1  }
0x161: {  	s28 =	simm.s32 $0xE00  }
0x162: {  	[tilespmem:s28], [sflag:$0x3] =	stream.linear.gather [hbm4b:s26+s5], $0x80, $0x38;
	[tilespmem:$0x1E500] =	vst v63  }
0x163: {  	s26 =	sld [smem:$0x784];
	_ =	sdelay $0x1  }
0x164: {  	s20 =	sld [smem:$0x785];
	s28 =	simm.s32 $0xF00  }
0x165: {  	[tilespmem:s28], [sflag:$0x3] =	stream.linear.gather [hbm4b:s26+s5], $0x80, $0x38;
	[tilespmem:$0x1E500] =	vst v63  }
0x166: {  	s26 =	simm.s32 $0x1000  }
0x167: {  	[tilespmem:s26], [sflag:$0x3] =	stream.linear.gather [hbm4b:s20+s5], $0x80, $0x38;
	[tilespmem:$0x1E500] =	vst v63  }
0x168: {  	s28 =	simm.s32 $0x1;
	[bflag:$0x0] =	sbarrier.arrive $0xFFFF  }
0x169: {  	_ =	swait.ge [sflag:s28], $0xC300  }
0x16a: {  	[sflag:s28] =	ssyncset.done $0x0  }
0x16b: {  	s20 =	simm.s32 $0x4;
	[sflag:s28] =	ssyncadd.s32 $0xFFFF3D00  }
0x16c: {  	_ =	swait.ge [sflag:s20], $0xC380  }
0x16d: {  	[sflag:s20] =	ssyncset.done $0x0  }
0x16e: {  	[sflag:s20] =	ssyncadd.s32 $0xFFFF3C80  }
0x16f: {  	v2 =	vld [tilespmem:$0x5900]  }
0x170: {  	v3 =	vld [tilespmem:$0x5910];
	_ =	sdelay $0x3  }
0x171: {  	[tilespmem:$0x1E080] =	vst v2  }
0x172: {  	[tilespmem:$0x1E090] =	vst v3  }
0x173: {  	_ =	swait.ge [sflag:s23], $0x800  }
0x174: {  	s26 =	sld [smem:$0x768]  }
0x175: {  	[sflag:s23] =	ssyncset.done $0x0  }
0x176: {  	s28 =	simm.s32 $0x180;
	[sflag:s23] =	ssyncadd.s32 $0xFFFFF800  }
0x177: {  	[tilespmem:s28], [sflag:$0x3] =	stream.linear.gather [spmem:s26], $0x80, $0x38;
	[tilespmem:$0x1E500] =	vst v63  }
0x178: {  	s26 =	sld [smem:$0x786];
	_ =	sdelay $0x1  }
0x179: {  	s28 =	simm.s32 $0x280  }
0x17a: {  	[tilespmem:s28], [sflag:$0x3] =	stream.linear.gather [spmem:s26], $0x80, $0x38;
	[tilespmem:$0x1E500] =	vst v63  }
0x17b: {  	s26 =	sld [smem:$0x787];
	_ =	sdelay $0x1  }
0x17c: {  	s28 =	simm.s32 $0x380  }
0x17d: {  	[tilespmem:s28], [sflag:$0x3] =	stream.linear.gather [spmem:s26], $0x80, $0x38;
	[tilespmem:$0x1E500] =	vst v63  }
0x17e: {  	s26 =	sld [smem:$0x788];
	_ =	sdelay $0x1  }
0x17f: {  	s28 =	simm.s32 $0x480  }
0x180: {  	[tilespmem:s28], [sflag:$0x3] =	stream.linear.gather [spmem:s26], $0x80, $0x38;
	[tilespmem:$0x1E500] =	vst v63  }
0x181: {  	s26 =	sld [smem:$0x789];
	_ =	sdelay $0x1  }
0x182: {  	s28 =	simm.s32 $0x580  }
0x183: {  	[tilespmem:s28], [sflag:$0x3] =	stream.linear.gather [spmem:s26], $0x80, $0x38;
	[tilespmem:$0x1E500] =	vst v63  }
0x184: {  	s26 =	sld [smem:$0x78A];
	_ =	sdelay $0x1  }
0x185: {  	s28 =	simm.s32 $0x680  }
0x186: {  	[tilespmem:s28], [sflag:$0x3] =	stream.linear.gather [spmem:s26], $0x80, $0x38;
	[tilespmem:$0x1E500] =	vst v63  }
0x187: {  	s26 =	sld [smem:$0x78B];
	_ =	sdelay $0x1  }
0x188: {  	s28 =	simm.s32 $0x780  }
0x189: {  	[tilespmem:s28], [sflag:$0x3] =	stream.linear.gather [spmem:s26], $0x80, $0x38;
	[tilespmem:$0x1E500] =	vst v63  }
0x18a: {  	s26 =	sld [smem:$0x78C];
	_ =	sdelay $0x1  }
0x18b: {  	s28 =	simm.s32 $0x880  }
0x18c: {  	[tilespmem:s28], [sflag:$0x3] =	stream.linear.gather [spmem:s26], $0x80, $0x38;
	[tilespmem:$0x1E500] =	vst v63  }
0x18d: {  	s26 =	sld [smem:$0x78D];
	_ =	sdelay $0x1  }
0x18e: {  	s28 =	simm.s32 $0x980  }
0x18f: {  	[tilespmem:s28], [sflag:$0x3] =	stream.linear.gather [spmem:s26], $0x80, $0x38;
	[tilespmem:$0x1E500] =	vst v63  }
0x190: {  	s26 =	sld [smem:$0x78E];
	_ =	sdelay $0x1  }
0x191: {  	s28 =	simm.s32 $0xA80  }
0x192: {  	[tilespmem:s28], [sflag:$0x3] =	stream.linear.gather [spmem:s26], $0x80, $0x38;
	[tilespmem:$0x1E500] =	vst v63  }
0x193: {  	s26 =	sld [smem:$0x78F];
	_ =	sdelay $0x1  }
0x194: {  	s28 =	simm.s32 $0xB80  }
0x195: {  	[tilespmem:s28], [sflag:$0x3] =	stream.linear.gather [spmem:s26], $0x80, $0x38;
	[tilespmem:$0x1E500] =	vst v63  }
0x196: {  	s26 =	sld [smem:$0x790];
	_ =	sdelay $0x1  }
0x197: {  	s28 =	simm.s32 $0xC80  }
0x198: {  	[tilespmem:s28], [sflag:$0x3] =	stream.linear.gather [spmem:s26], $0x80, $0x38;
	[tilespmem:$0x1E500] =	vst v63  }
0x199: {  	s26 =	sld [smem:$0x791];
	_ =	sdelay $0x1  }
0x19a: {  	s28 =	simm.s32 $0xD80  }
0x19b: {  	[tilespmem:s28], [sflag:$0x3] =	stream.linear.gather [spmem:s26], $0x80, $0x38;
	[tilespmem:$0x1E500] =	vst v63  }
0x19c: {  	s26 =	sld [smem:$0x792];
	_ =	sdelay $0x1  }
0x19d: {  	s28 =	simm.s32 $0xE80  }
0x19e: {  	[tilespmem:s28], [sflag:$0x3] =	stream.linear.gather [spmem:s26], $0x80, $0x38;
	[tilespmem:$0x1E500] =	vst v63  }
0x19f: {  	s26 =	sld [smem:$0x793];
	_ =	sdelay $0x1  }
0x1a0: {  	s28 =	simm.s32 $0xF80  }
0x1a1: {  	[tilespmem:s28], [sflag:$0x3] =	stream.linear.gather [spmem:s26], $0x80, $0x38;
	[tilespmem:$0x1E500] =	vst v63  }
0x1a2: {  	s26 =	sld [smem:$0x794];
	_ =	sdelay $0x1  }
0x1a3: {  	s28 =	simm.s32 $0x1080  }
0x1a4: {  	[tilespmem:s28], [sflag:$0x3] =	stream.linear.gather [spmem:s26], $0x80, $0x38;
	[tilespmem:$0x1E500] =	vst v63  }
0x1a5: {  	v2 =	vld [tilespmem:s17+$0x70]  }
0x1a6: {  	v3 =	vld [tilespmem:s17+$0xFFFFFF10]  }
0x1a7: {  	v4 =	vld [tilespmem:s17+$0xFFFFFF20]  }
0x1a8: {  	v5 =	vld [tilespmem:s17+$0xFFFFFF30]  }
0x1a9: {  	v6 =	vld [tilespmem:s17+$0xFFFFFF40]  }
0x1aa: {  	v7 =	vld [tilespmem:s17+$0xFFFFFF50]  }
0x1ab: {  	v8 =	vld [tilespmem:s17+$0xFFFFFF60]  }
0x1ac: {  	v9 =	vld [tilespmem:s17+$0xFFFFFF70]  }
0x1ad: {  	v10 =	vld [tilespmem:s17+$0x0]  }
0x1ae: {  	v11 =	vld [tilespmem:s17+$0x10]  }
0x1af: {  	v12 =	vld [tilespmem:s17+$0x20]  }
0x1b0: {  	v13 =	vld [tilespmem:s17+$0x30]  }
0x1b1: {  	v14 =	vld [tilespmem:s17+$0x40]  }
0x1b2: {  	v15 =	vld [tilespmem:s17+$0x50]  }
0x1b3: {  	v16 =	vld [tilespmem:s17+$0x60]  }
0x1b4: {  	v17 =	vld [tilespmem:s17+$0xFFFFFF00]  }
0x1b5: {  	v2 =	vld.idx.msk [tilespmem:v2+s11+$0x0], $0xffff  }
0x1b6: {  	v3 =	vld.idx.msk [tilespmem:v3+s11+$0x0], $0xffff  }
0x1b7: {  	v4 =	vld.idx.msk [tilespmem:v4+s11+$0x0], $0xffff  }
0x1b8: {  	v5 =	vld.idx.msk [tilespmem:v5+s11+$0x0], $0xffff  }
0x1b9: {  	v6 =	vld.idx.msk [tilespmem:v6+s11+$0x0], $0xffff  }
0x1ba: {  	s19 =	simm.s32 $0x1180;
	v7 =	vld.idx.msk [tilespmem:v7+s11+$0x0], $0xffff  }
0x1bb: {  	v8 =	vld.idx.msk [tilespmem:v8+s11+$0x0], $0xffff;
	[tilespmem:s19+$0x70] =	vst v2  }
0x1bc: {  	v9 =	vld.idx.msk [tilespmem:v9+s11+$0x0], $0xffff;
	[tilespmem:s19+$0xFFFFFF90] =	vst v3  }
0x1bd: {  	v17 =	vld.idx.msk [tilespmem:v17+s11+$0x0], $0xffff;
	[tilespmem:s19+$0xFFFFFFA0] =	vst v4  }
0x1be: {  	v10 =	vld.idx.msk [tilespmem:v10+s11+$0x0], $0xffff;
	[tilespmem:s19+$0xFFFFFFB0] =	vst v5  }
0x1bf: {  	[tilespmem:s19+$0xFFFFFFC0] =	vst v6;
	v2 =	vld.idx.msk [tilespmem:v11+s11+$0x0], $0xffff  }
0x1c0: {  	[tilespmem:s19+$0xFFFFFFD0] =	vst v7;
	v3 =	vld.idx.msk [tilespmem:v12+s11+$0x0], $0xffff  }
0x1c1: {  	[tilespmem:s19+$0xFFFFFFE0] =	vst v8;
	v4 =	vld.idx.msk [tilespmem:v13+s11+$0x0], $0xffff  }
0x1c2: {  	[tilespmem:s19+$0xFFFFFFF0] =	vst v9;
	v5 =	vld.idx.msk [tilespmem:v14+s11+$0x0], $0xffff  }
0x1c3: {  	[tilespmem:s19+$0xFFFFFF80] =	vst v17;
	v6 =	vld.idx.msk [tilespmem:v15+s11+$0x0], $0xffff  }
0x1c4: {  	s20 =	simm.s32 $0x0;
	s26 =	simm.s32 $0x400;
	[tilespmem:s19+$0x0] =	vst v10;
	v7 =	vld.idx.msk [tilespmem:v16+s11+$0x0], $0xffff  }
.LBB2_2:
0x1c5: {  	v8 =	vld [tilespmem:s26+$0x70];
	s20 =	sadd.s32 $0x100, s20;
	[tilespmem:s19+$0x10] =	vst v2  }
0x1c6: {  	v2 =	vld [tilespmem:s26+$0xFFFFFF10];
	p1 =	slt.u32 s20, $0x700;
	[tilespmem:s19+$0x20] =	vst v3  }
0x1c7: {  	v3 =	vld [tilespmem:s26+$0xFFFFFF20];
	[tilespmem:s19+$0x30] =	vst v4  }
0x1c8: {  	v4 =	vld [tilespmem:s26+$0xFFFFFF30];
	[tilespmem:s19+$0x40] =	vst v5  }
0x1c9: {  	v5 =	vld [tilespmem:s26+$0xFFFFFF40];
	[tilespmem:s19+$0x50] =	vst v6  }
0x1ca: {  	v6 =	vld [tilespmem:s26+$0xFFFFFF50];
	[tilespmem:s19+$0x60] =	vst v7  }
0x1cb: {  	v7 =	vld [tilespmem:s26+$0xFFFFFF60]  }
0x1cc: {  	v9 =	vld [tilespmem:s26+$0xFFFFFF70]  }
0x1cd: {  	v8 =	vld.idx.msk [tilespmem:v8+s11+$0x0], $0xffff  }
0x1ce: {  	v10 =	vld [tilespmem:s26+$0x0]  }
0x1cf: {  	v11 =	vld [tilespmem:s26+$0x10]  }
0x1d0: {  	v12 =	vld [tilespmem:s26+$0x20]  }
0x1d1: {  	v13 =	vld [tilespmem:s26+$0x30]  }
0x1d2: {  	s19 =	sadd.s32 $0x100, s19;
	v14 =	vld [tilespmem:s26+$0x40]  }
0x1d3: {  	v15 =	vld [tilespmem:s26+$0x50];
	[tilespmem:s19+$0x70] =	vst v8  }
0x1d4: {  	v8 =	vld [tilespmem:s26+$0x60]  }
0x1d5: {  	v16 =	vld [tilespmem:s26+$0xFFFFFF00]  }
0x1d6: {  	v2 =	vld.idx.msk [tilespmem:v2+s11+$0x0], $0xffff  }
0x1d7: {  	v3 =	vld.idx.msk [tilespmem:v3+s11+$0x0], $0xffff  }
0x1d8: {  	v4 =	vld.idx.msk [tilespmem:v4+s11+$0x0], $0xffff  }
0x1d9: {  	v5 =	vld.idx.msk [tilespmem:v5+s11+$0x0], $0xffff  }
0x1da: {  	v6 =	vld.idx.msk [tilespmem:v6+s11+$0x0], $0xffff  }
0x1db: {  	v7 =	vld.idx.msk [tilespmem:v7+s11+$0x0], $0xffff  }
0x1dc: {  	[tilespmem:s19+$0xFFFFFF90] =	vst v2;
	v9 =	vld.idx.msk [tilespmem:v9+s11+$0x0], $0xffff  }
0x1dd: {  	v16 =	vld.idx.msk [tilespmem:v16+s11+$0x0], $0xffff;
	[tilespmem:s19+$0xFFFFFFA0] =	vst v3  }
0x1de: {  	[tilespmem:s19+$0xFFFFFFB0] =	vst v4;
	v10 =	vld.idx.msk [tilespmem:v10+s11+$0x0], $0xffff  }
0x1df: {  	[tilespmem:s19+$0xFFFFFFC0] =	vst v5;
	v2 =	vld.idx.msk [tilespmem:v11+s11+$0x0], $0xffff  }
.Ltmp0:
0x1e0: {  	[tilespmem:s19+$0xFFFFFFD0] =	vst v6;
	v3 =	vld.idx.msk [tilespmem:v12+s11+$0x0], $0xffff;
	(pc) =	sbr.rel @p1 .LBB2_2-.Ltmp0, $4  }
0x1e1: {  	[tilespmem:s19+$0xFFFFFFE0] =	vst v7;
	v4 =	vld.idx.msk [tilespmem:v13+s11+$0x0], $0xffff  }
0x1e2: {  	[tilespmem:s19+$0xFFFFFFF0] =	vst v9;
	v5 =	vld.idx.msk [tilespmem:v14+s11+$0x0], $0xffff  }
0x1e3: {  	[tilespmem:s19+$0xFFFFFF80] =	vst v16;
	v6 =	vld.idx.msk [tilespmem:v15+s11+$0x0], $0xffff  }
0x1e4: {  	s26 =	sadd.s32 $0x200, s26;
	[tilespmem:s19+$0x0] =	vst v10;
	v7 =	vld.idx.msk [tilespmem:v8+s11+$0x0], $0xffff  }
0x1e5: {  	[tilespmem:s19+$0x10] =	vst v2  }
0x1e6: {  	[tilespmem:s19+$0x20] =	vst v3  }
0x1e7: {  	[tilespmem:s19+$0x30] =	vst v4  }
0x1e8: {  	[tilespmem:s19+$0x40] =	vst v5  }
0x1e9: {  	[tilespmem:s19+$0x50] =	vst v6  }
0x1ea: {  	[tilespmem:s19+$0x60] =	vst v7  }
0x1eb: {  	_ =	swait.ge [sflag:s23], $0x800  }
0x1ec: {  	s28 =	sld [smem:$0x769]  }
0x1ed: {  	[sflag:s23] =	ssyncset.done $0x0  }
0x1ee: {  	s20 =	simm.s32 $0x100;
	[sflag:s23] =	ssyncadd.s32 $0xFFFFF800  }
0x1ef: {  	[tilespmem:s20], [sflag:$0x3] =	stream.linear.gather [spmem:s28], $0x80, $0x38;
	[tilespmem:$0x1E500] =	vst v63  }
0x1f0: {  	s20 =	sld [smem:$0x795];
	_ =	sdelay $0x1  }
0x1f1: {  	s26 =	sld [smem:$0x796]  }
0x1f2: {  	[tilespmem:s17], [sflag:$0x3] =	stream.linear.gather [spmem:s20], $0x80, $0x38;
	[tilespmem:$0x1E500] =	vst v63  }
0x1f3: {  	s28 =	simm.s32 $0x300  }
0x1f4: {  	[tilespmem:s28], [sflag:$0x3] =	stream.linear.gather [spmem:s26], $0x80, $0x38;
	[tilespmem:$0x1E500] =	vst v63  }
0x1f5: {  	s26 =	sld [smem:$0x797];
	_ =	sdelay $0x1  }
0x1f6: {  	s28 =	simm.s32 $0x400  }
0x1f7: {  	[tilespmem:s28], [sflag:$0x3] =	stream.linear.gather [spmem:s26], $0x80, $0x38;
	[tilespmem:$0x1E500] =	vst v63  }
0x1f8: {  	s26 =	sld [smem:$0x798];
	_ =	sdelay $0x1  }
0x1f9: {  	s28 =	simm.s32 $0x500  }
0x1fa: {  	[tilespmem:s28], [sflag:$0x3] =	stream.linear.gather [spmem:s26], $0x80, $0x38;
	[tilespmem:$0x1E500] =	vst v63  }
0x1fb: {  	s26 =	sld [smem:$0x799];
	_ =	sdelay $0x1  }
0x1fc: {  	s28 =	simm.s32 $0x600  }
0x1fd: {  	[tilespmem:s28], [sflag:$0x3] =	stream.linear.gather [spmem:s26], $0x80, $0x38;
	[tilespmem:$0x1E500] =	vst v63  }
0x1fe: {  	s26 =	sld [smem:$0x79A];
	_ =	sdelay $0x1  }
0x1ff: {  	s28 =	simm.s32 $0x700  }
0x200: {  	[tilespmem:s28], [sflag:$0x3] =	stream.linear.gather [spmem:s26], $0x80, $0x38;
	[tilespmem:$0x1E500] =	vst v63  }
0x201: {  	s26 =	sld [smem:$0x79B];
	_ =	sdelay $0x1  }
0x202: {  	s28 =	simm.s32 $0x800  }
0x203: {  	[tilespmem:s28], [sflag:$0x3] =	stream.linear.gather [spmem:s26], $0x80, $0x38;
	[tilespmem:$0x1E500] =	vst v63  }
0x204: {  	s26 =	sld [smem:$0x79C];
	_ =	sdelay $0x1  }
0x205: {  	s28 =	simm.s32 $0x900  }
0x206: {  	[tilespmem:s28], [sflag:$0x3] =	stream.linear.gather [spmem:s26], $0x80, $0x38;
	[tilespmem:$0x1E500] =	vst v63  }
0x207: {  	s26 =	sld [smem:$0x79D];
	_ =	sdelay $0x1  }
0x208: {  	s28 =	simm.s32 $0xA00  }
0x209: {  	[tilespmem:s28], [sflag:$0x3] =	stream.linear.gather [spmem:s26], $0x80, $0x38;
	[tilespmem:$0x1E500] =	vst v63  }
0x20a: {  	s26 =	sld [smem:$0x79E];
	_ =	sdelay $0x1  }
0x20b: {  	s28 =	simm.s32 $0xB00  }
0x20c: {  	[tilespmem:s28], [sflag:$0x3] =	stream.linear.gather [spmem:s26], $0x80, $0x38;
	[tilespmem:$0x1E500] =	vst v63  }
0x20d: {  	s26 =	sld [smem:$0x79F];
	_ =	sdelay $0x1  }
0x20e: {  	s28 =	simm.s32 $0xC00  }
0x20f: {  	[tilespmem:s28], [sflag:$0x3] =	stream.linear.gather [spmem:s26], $0x80, $0x38;
	[tilespmem:$0x1E500] =	vst v63  }
0x210: {  	s26 =	sld [smem:$0x7A0];
	_ =	sdelay $0x1  }
0x211: {  	s28 =	simm.s32 $0xD00  }
0x212: {  	[tilespmem:s28], [sflag:$0x3] =	stream.linear.gather [spmem:s26], $0x80, $0x38;
	[tilespmem:$0x1E500] =	vst v63  }
0x213: {  	s26 =	sld [smem:$0x7A1];
	_ =	sdelay $0x1  }
0x214: {  	s28 =	simm.s32 $0xE00  }
0x215: {  	[tilespmem:s28], [sflag:$0x3] =	stream.linear.gather [spmem:s26], $0x80, $0x38;
	[tilespmem:$0x1E500] =	vst v63  }
0x216: {  	s26 =	sld [smem:$0x7A2];
	_ =	sdelay $0x1  }
0x217: {  	s20 =	sld [smem:$0x7A3];
	s28 =	simm.s32 $0xF00  }
0x218: {  	[tilespmem:s28], [sflag:$0x3] =	stream.linear.gather [spmem:s26], $0x80, $0x38;
	[tilespmem:$0x1E500] =	vst v63  }
0x219: {  	s26 =	simm.s32 $0x1000;
	s28 =	simm.s32 $0x280  }
0x21a: {  	[tilespmem:s26], [sflag:$0x3] =	stream.linear.gather [spmem:s20], $0x80, $0x38;
	[tilespmem:$0x1E500] =	vst v63  }
0x21b: {  	v2 =	vld [tilespmem:s28+$0x70]  }
0x21c: {  	v3 =	vld [tilespmem:s28+$0xFFFFFF10]  }
0x21d: {  	v4 =	vld [tilespmem:s28+$0xFFFFFF20]  }
0x21e: {  	v5 =	vld [tilespmem:s28+$0xFFFFFF30]  }
0x21f: {  	v6 =	vld [tilespmem:s28+$0xFFFFFF40]  }
0x220: {  	v7 =	vld [tilespmem:s28+$0xFFFFFF50]  }
0x221: {  	v8 =	vld [tilespmem:s28+$0xFFFFFF60]  }
0x222: {  	v9 =	vld [tilespmem:s28+$0xFFFFFF70]  }
0x223: {  	v10 =	vld [tilespmem:s28+$0x0]  }
0x224: {  	v11 =	vld [tilespmem:s28+$0x10]  }
0x225: {  	v12 =	vld [tilespmem:s28+$0x20]  }
0x226: {  	v13 =	vld [tilespmem:s28+$0x30]  }
0x227: {  	v14 =	vld [tilespmem:s28+$0x40]  }
0x228: {  	v15 =	vld [tilespmem:s28+$0x50]  }
0x229: {  	v16 =	vld [tilespmem:s28+$0x60]  }
0x22a: {  	v17 =	vld [tilespmem:s28+$0xFFFFFF00]  }
0x22b: {  	v2 =	vld.idx.msk [tilespmem:v2+s11+$0x0], $0xffff  }
0x22c: {  	v3 =	vld.idx.msk [tilespmem:v3+s11+$0x0], $0xffff  }
0x22d: {  	v4 =	vld.idx.msk [tilespmem:v4+s11+$0x0], $0xffff  }
0x22e: {  	v5 =	vld.idx.msk [tilespmem:v5+s11+$0x0], $0xffff  }
0x22f: {  	v6 =	vld.idx.msk [tilespmem:v6+s11+$0x0], $0xffff  }
0x230: {  	s19 =	simm.s32 $0x19F0;
	v7 =	vld.idx.msk [tilespmem:v7+s11+$0x0], $0xffff  }
0x231: {  	v8 =	vld.idx.msk [tilespmem:v8+s11+$0x0], $0xffff;
	[tilespmem:s19+$0x0] =	vst v2  }
0x232: {  	v9 =	vld.idx.msk [tilespmem:v9+s11+$0x0], $0xffff;
	[tilespmem:s19+$0xFFFFFF20] =	vst v3  }
0x233: {  	v17 =	vld.idx.msk [tilespmem:v17+s11+$0x0], $0xffff;
	[tilespmem:s19+$0xFFFFFF30] =	vst v4  }
0x234: {  	v10 =	vld.idx.msk [tilespmem:v10+s11+$0x0], $0xffff;
	[tilespmem:s19+$0xFFFFFF40] =	vst v5  }
0x235: {  	[tilespmem:s19+$0xFFFFFF50] =	vst v6;
	v2 =	vld.idx.msk [tilespmem:v11+s11+$0x0], $0xffff  }
0x236: {  	[tilespmem:s19+$0xFFFFFF60] =	vst v7;
	v3 =	vld.idx.msk [tilespmem:v12+s11+$0x0], $0xffff  }
0x237: {  	[tilespmem:s19+$0xFFFFFF70] =	vst v8;
	v4 =	vld.idx.msk [tilespmem:v13+s11+$0x0], $0xffff  }
0x238: {  	[tilespmem:s19+$0xFFFFFF80] =	vst v9;
	v5 =	vld.idx.msk [tilespmem:v14+s11+$0x0], $0xffff  }
0x239: {  	[tilespmem:s19+$0xFFFFFF10] =	vst v17;
	v6 =	vld.idx.msk [tilespmem:v15+s11+$0x0], $0xffff  }
0x23a: {  	s20 =	simm.s32 $0x0;
	s26 =	simm.s32 $0x480;
	[tilespmem:s19+$0xFFFFFF90] =	vst v10;
	v7 =	vld.idx.msk [tilespmem:v16+s11+$0x0], $0xffff  }
.LBB2_4:
0x23b: {  	v8 =	vld [tilespmem:s26+$0x70];
	s20 =	sadd.s32 $0x100, s20;
	[tilespmem:s19+$0xFFFFFFA0] =	vst v2  }
0x23c: {  	v2 =	vld [tilespmem:s26+$0xFFFFFF10];
	p1 =	slt.u32 s20, $0x700;
	[tilespmem:s19+$0xFFFFFFB0] =	vst v3  }
0x23d: {  	v3 =	vld [tilespmem:s26+$0xFFFFFF20];
	[tilespmem:s19+$0xFFFFFFC0] =	vst v4  }
0x23e: {  	v4 =	vld [tilespmem:s26+$0xFFFFFF30];
	[tilespmem:s19+$0xFFFFFFD0] =	vst v5  }
0x23f: {  	v5 =	vld [tilespmem:s26+$0xFFFFFF40];
	[tilespmem:s19+$0xFFFFFFE0] =	vst v6  }
0x240: {  	v6 =	vld [tilespmem:s26+$0xFFFFFF50];
	[tilespmem:s19+$0xFFFFFFF0] =	vst v7  }
0x241: {  	v7 =	vld [tilespmem:s26+$0xFFFFFF60]  }
0x242: {  	v9 =	vld [tilespmem:s26+$0xFFFFFF70]  }
0x243: {  	v8 =	vld.idx.msk [tilespmem:v8+s11+$0x0], $0xffff  }
0x244: {  	v10 =	vld [tilespmem:s26+$0x0]  }
0x245: {  	v11 =	vld [tilespmem:s26+$0x10]  }
0x246: {  	v12 =	vld [tilespmem:s26+$0x20]  }
0x247: {  	v13 =	vld [tilespmem:s26+$0x30]  }
0x248: {  	s19 =	sadd.s32 $0x100, s19;
	v14 =	vld [tilespmem:s26+$0x40]  }
0x249: {  	v15 =	vld [tilespmem:s26+$0x50];
	[tilespmem:s19+$0x0] =	vst v8  }
0x24a: {  	v8 =	vld [tilespmem:s26+$0x60]  }
0x24b: {  	v16 =	vld [tilespmem:s26+$0xFFFFFF00]  }
0x24c: {  	v2 =	vld.idx.msk [tilespmem:v2+s11+$0x0], $0xffff  }
0x24d: {  	v3 =	vld.idx.msk [tilespmem:v3+s11+$0x0], $0xffff  }
0x24e: {  	v4 =	vld.idx.msk [tilespmem:v4+s11+$0x0], $0xffff  }
0x24f: {  	v5 =	vld.idx.msk [tilespmem:v5+s11+$0x0], $0xffff  }
0x250: {  	v6 =	vld.idx.msk [tilespmem:v6+s11+$0x0], $0xffff  }
0x251: {  	v7 =	vld.idx.msk [tilespmem:v7+s11+$0x0], $0xffff  }
0x252: {  	[tilespmem:s19+$0xFFFFFF20] =	vst v2;
	v9 =	vld.idx.msk [tilespmem:v9+s11+$0x0], $0xffff  }
0x253: {  	v16 =	vld.idx.msk [tilespmem:v16+s11+$0x0], $0xffff;
	[tilespmem:s19+$0xFFFFFF30] =	vst v3  }
0x254: {  	[tilespmem:s19+$0xFFFFFF40] =	vst v4;
	v10 =	vld.idx.msk [tilespmem:v10+s11+$0x0], $0xffff  }
0x255: {  	[tilespmem:s19+$0xFFFFFF50] =	vst v5;
	v2 =	vld.idx.msk [tilespmem:v11+s11+$0x0], $0xffff  }
.Ltmp1:
0x256: {  	[tilespmem:s19+$0xFFFFFF60] =	vst v6;
	v3 =	vld.idx.msk [tilespmem:v12+s11+$0x0], $0xffff;
	(pc) =	sbr.rel @p1 .LBB2_4-.Ltmp1, $4  }
0x257: {  	[tilespmem:s19+$0xFFFFFF70] =	vst v7;
	v4 =	vld.idx.msk [tilespmem:v13+s11+$0x0], $0xffff  }
0x258: {  	[tilespmem:s19+$0xFFFFFF80] =	vst v9;
	v5 =	vld.idx.msk [tilespmem:v14+s11+$0x0], $0xffff  }
0x259: {  	[tilespmem:s19+$0xFFFFFF10] =	vst v16;
	v6 =	vld.idx.msk [tilespmem:v15+s11+$0x0], $0xffff  }
0x25a: {  	s26 =	sadd.s32 $0x200, s26;
	[tilespmem:s19+$0xFFFFFF90] =	vst v10;
	v7 =	vld.idx.msk [tilespmem:v8+s11+$0x0], $0xffff  }
0x25b: {  	[tilespmem:s19+$0xFFFFFFA0] =	vst v2  }
0x25c: {  	[tilespmem:s19+$0xFFFFFFB0] =	vst v3  }
0x25d: {  	[tilespmem:s19+$0xFFFFFFC0] =	vst v4  }
0x25e: {  	[tilespmem:s19+$0xFFFFFFD0] =	vst v5  }
0x25f: {  	[tilespmem:s19+$0xFFFFFFE0] =	vst v6  }
0x260: {  	[tilespmem:s19+$0xFFFFFFF0] =	vst v7  }
0x261: {  	_ =	swait.ge [sflag:s23], $0x800  }
0x262: {  	s28 =	sld [smem:$0x76A]  }
0x263: {  	[sflag:s23] =	ssyncset.done $0x0  }
0x264: {  	s20 =	simm.s32 $0x180;
	s26 =	sld [smem:$0x7A4];
	[sflag:s23] =	ssyncadd.s32 $0xFFFFF800  }
0x265: {  	[tilespmem:s20], [sflag:$0x3] =	stream.linear.gather [spmem:s28], $0x80, $0x38;
	[tilespmem:$0x1E500] =	vst v63  }
0x266: {  	s28 =	simm.s32 $0x280  }
0x267: {  	[tilespmem:s28], [sflag:$0x3] =	stream.linear.gather [spmem:s26], $0x80, $0x38;
	[tilespmem:$0x1E500] =	vst v63  }
0x268: {  	s26 =	sld [smem:$0x7A5];
	_ =	sdelay $0x1  }
0x269: {  	s28 =	simm.s32 $0x380  }
0x26a: {  	[tilespmem:s28], [sflag:$0x3] =	stream.linear.gather [spmem:s26], $0x80, $0x38;
	[tilespmem:$0x1E500] =	vst v63  }
0x26b: {  	s26 =	sld [smem:$0x7A6];
	_ =	sdelay $0x1  }
0x26c: {  	s28 =	simm.s32 $0x480  }
0x26d: {  	[tilespmem:s28], [sflag:$0x3] =	stream.linear.gather [spmem:s26], $0x80, $0x38;
	[tilespmem:$0x1E500] =	vst v63  }
0x26e: {  	s26 =	sld [smem:$0x7A7];
	_ =	sdelay $0x1  }
0x26f: {  	s28 =	simm.s32 $0x580  }
0x270: {  	[tilespmem:s28], [sflag:$0x3] =	stream.linear.gather [spmem:s26], $0x80, $0x38;
	[tilespmem:$0x1E500] =	vst v63  }
0x271: {  	s26 =	sld [smem:$0x7A8];
	_ =	sdelay $0x1  }
0x272: {  	s28 =	simm.s32 $0x680  }
0x273: {  	[tilespmem:s28], [sflag:$0x3] =	stream.linear.gather [spmem:s26], $0x80, $0x38;
	[tilespmem:$0x1E500] =	vst v63  }
0x274: {  	s26 =	sld [smem:$0x7A9];
	_ =	sdelay $0x1  }
0x275: {  	s28 =	simm.s32 $0x780  }
0x276: {  	[tilespmem:s28], [sflag:$0x3] =	stream.linear.gather [spmem:s26], $0x80, $0x38;
	[tilespmem:$0x1E500] =	vst v63  }
0x277: {  	s26 =	sld [smem:$0x7AA];
	_ =	sdelay $0x1  }
0x278: {  	s28 =	simm.s32 $0x880  }
0x279: {  	[tilespmem:s28], [sflag:$0x3] =	stream.linear.gather [spmem:s26], $0x80, $0x38;
	[tilespmem:$0x1E500] =	vst v63  }
0x27a: {  	s26 =	sld [smem:$0x7AB];
	_ =	sdelay $0x1  }
0x27b: {  	s28 =	simm.s32 $0x980  }
0x27c: {  	[tilespmem:s28], [sflag:$0x3] =	stream.linear.gather [spmem:s26], $0x80, $0x38;
	[tilespmem:$0x1E500] =	vst v63  }
0x27d: {  	s26 =	sld [smem:$0x7AC];
	_ =	sdelay $0x1  }
0x27e: {  	s28 =	simm.s32 $0xA80  }
0x27f: {  	[tilespmem:s28], [sflag:$0x3] =	stream.linear.gather [spmem:s26], $0x80, $0x38;
	[tilespmem:$0x1E500] =	vst v63  }
0x280: {  	s26 =	sld [smem:$0x7AD];
	_ =	sdelay $0x1  }
0x281: {  	s28 =	simm.s32 $0xB80  }
0x282: {  	[tilespmem:s28], [sflag:$0x3] =	stream.linear.gather [spmem:s26], $0x80, $0x38;
	[tilespmem:$0x1E500] =	vst v63  }
0x283: {  	s26 =	sld [smem:$0x7AE];
	_ =	sdelay $0x1  }
0x284: {  	s28 =	simm.s32 $0xC80  }
0x285: {  	[tilespmem:s28], [sflag:$0x3] =	stream.linear.gather [spmem:s26], $0x80, $0x38;
	[tilespmem:$0x1E500] =	vst v63  }
0x286: {  	s26 =	sld [smem:$0x7AF];
	_ =	sdelay $0x1  }
0x287: {  	s28 =	simm.s32 $0xD80  }
0x288: {  	[tilespmem:s28], [sflag:$0x3] =	stream.linear.gather [spmem:s26], $0x80, $0x38;
	[tilespmem:$0x1E500] =	vst v63  }
0x289: {  	s26 =	sld [smem:$0x7B0];
	_ =	sdelay $0x1  }
0x28a: {  	s28 =	simm.s32 $0xE80  }
0x28b: {  	[tilespmem:s28], [sflag:$0x3] =	stream.linear.gather [spmem:s26], $0x80, $0x38;
	[tilespmem:$0x1E500] =	vst v63  }
0x28c: {  	s26 =	sld [smem:$0x7B1];
	_ =	sdelay $0x1  }
0x28d: {  	s20 =	sld [smem:$0x7B2];
	s28 =	simm.s32 $0xF80  }
0x28e: {  	[tilespmem:s28], [sflag:$0x3] =	stream.linear.gather [spmem:s26], $0x80, $0x38;
	[tilespmem:$0x1E500] =	vst v63  }
0x28f: {  	s26 =	simm.s32 $0x1080;
	s28 =	simm.s32 $0x200  }
0x290: {  	[tilespmem:s26], [sflag:$0x3] =	stream.linear.gather [spmem:s20], $0x80, $0x38;
	[tilespmem:$0x1E500] =	vst v63  }
0x291: {  	v2 =	vld [tilespmem:s28+$0x70]  }
0x292: {  	v3 =	vld [tilespmem:s28+$0xFFFFFF10]  }
0x293: {  	v4 =	vld [tilespmem:s28+$0xFFFFFF20]  }
0x294: {  	v5 =	vld [tilespmem:s28+$0xFFFFFF30]  }
0x295: {  	v6 =	vld [tilespmem:s28+$0xFFFFFF40]  }
0x296: {  	v7 =	vld [tilespmem:s28+$0xFFFFFF50]  }
0x297: {  	v8 =	vld [tilespmem:s28+$0xFFFFFF60]  }
0x298: {  	v9 =	vld [tilespmem:s28+$0xFFFFFF70]  }
0x299: {  	v10 =	vld [tilespmem:s28+$0x0]  }
0x29a: {  	v11 =	vld [tilespmem:s28+$0x10]  }
0x29b: {  	v12 =	vld [tilespmem:s28+$0x20]  }
0x29c: {  	v13 =	vld [tilespmem:s28+$0x30]  }
0x29d: {  	v14 =	vld [tilespmem:s28+$0x40]  }
0x29e: {  	v15 =	vld [tilespmem:s28+$0x50]  }
0x29f: {  	v16 =	vld [tilespmem:s28+$0x60]  }
0x2a0: {  	v17 =	vld [tilespmem:s28+$0xFFFFFF00]  }
0x2a1: {  	v2 =	vld.idx.msk [tilespmem:v2+s11+$0x0], $0xffff  }
0x2a2: {  	v3 =	vld.idx.msk [tilespmem:v3+s11+$0x0], $0xffff  }
0x2a3: {  	v4 =	vld.idx.msk [tilespmem:v4+s11+$0x0], $0xffff  }
0x2a4: {  	v5 =	vld.idx.msk [tilespmem:v5+s11+$0x0], $0xffff  }
0x2a5: {  	v6 =	vld.idx.msk [tilespmem:v6+s11+$0x0], $0xffff  }
0x2a6: {  	s19 =	simm.s32 $0x21F0;
	v7 =	vld.idx.msk [tilespmem:v7+s11+$0x0], $0xffff  }
0x2a7: {  	v8 =	vld.idx.msk [tilespmem:v8+s11+$0x0], $0xffff;
	[tilespmem:s19+$0x0] =	vst v2  }
0x2a8: {  	v9 =	vld.idx.msk [tilespmem:v9+s11+$0x0], $0xffff;
	[tilespmem:s19+$0xFFFFFF20] =	vst v3  }
0x2a9: {  	v17 =	vld.idx.msk [tilespmem:v17+s11+$0x0], $0xffff;
	[tilespmem:s19+$0xFFFFFF30] =	vst v4  }
0x2aa: {  	v10 =	vld.idx.msk [tilespmem:v10+s11+$0x0], $0xffff;
	[tilespmem:s19+$0xFFFFFF40] =	vst v5  }
0x2ab: {  	[tilespmem:s19+$0xFFFFFF50] =	vst v6;
	v2 =	vld.idx.msk [tilespmem:v11+s11+$0x0], $0xffff  }
0x2ac: {  	[tilespmem:s19+$0xFFFFFF60] =	vst v7;
	v3 =	vld.idx.msk [tilespmem:v12+s11+$0x0], $0xffff  }
0x2ad: {  	[tilespmem:s19+$0xFFFFFF70] =	vst v8;
	v4 =	vld.idx.msk [tilespmem:v13+s11+$0x0], $0xffff  }
0x2ae: {  	[tilespmem:s19+$0xFFFFFF80] =	vst v9;
	v5 =	vld.idx.msk [tilespmem:v14+s11+$0x0], $0xffff  }
0x2af: {  	[tilespmem:s19+$0xFFFFFF10] =	vst v17;
	v6 =	vld.idx.msk [tilespmem:v15+s11+$0x0], $0xffff  }
0x2b0: {  	s20 =	simm.s32 $0x0;
	s26 =	simm.s32 $0x400;
	[tilespmem:s19+$0xFFFFFF90] =	vst v10;
	v7 =	vld.idx.msk [tilespmem:v16+s11+$0x0], $0xffff  }
.LBB2_6:
0x2b1: {  	v8 =	vld [tilespmem:s26+$0x70];
	s20 =	sadd.s32 $0x100, s20;
	[tilespmem:s19+$0xFFFFFFA0] =	vst v2  }
0x2b2: {  	v2 =	vld [tilespmem:s26+$0xFFFFFF10];
	p1 =	slt.u32 s20, $0x700;
	[tilespmem:s19+$0xFFFFFFB0] =	vst v3  }
0x2b3: {  	v3 =	vld [tilespmem:s26+$0xFFFFFF20];
	[tilespmem:s19+$0xFFFFFFC0] =	vst v4  }
0x2b4: {  	v4 =	vld [tilespmem:s26+$0xFFFFFF30];
	[tilespmem:s19+$0xFFFFFFD0] =	vst v5  }
0x2b5: {  	v5 =	vld [tilespmem:s26+$0xFFFFFF40];
	[tilespmem:s19+$0xFFFFFFE0] =	vst v6  }
0x2b6: {  	v6 =	vld [tilespmem:s26+$0xFFFFFF50];
	[tilespmem:s19+$0xFFFFFFF0] =	vst v7  }
0x2b7: {  	v7 =	vld [tilespmem:s26+$0xFFFFFF60]  }
0x2b8: {  	v9 =	vld [tilespmem:s26+$0xFFFFFF70]  }
0x2b9: {  	v8 =	vld.idx.msk [tilespmem:v8+s11+$0x0], $0xffff  }
0x2ba: {  	v10 =	vld [tilespmem:s26+$0x0]  }
0x2bb: {  	v11 =	vld [tilespmem:s26+$0x10]  }
0x2bc: {  	v12 =	vld [tilespmem:s26+$0x20]  }
0x2bd: {  	v13 =	vld [tilespmem:s26+$0x30]  }
0x2be: {  	s19 =	sadd.s32 $0x100, s19;
	v14 =	vld [tilespmem:s26+$0x40]  }
0x2bf: {  	v15 =	vld [tilespmem:s26+$0x50];
	[tilespmem:s19+$0x0] =	vst v8  }
0x2c0: {  	v8 =	vld [tilespmem:s26+$0x60]  }
0x2c1: {  	v16 =	vld [tilespmem:s26+$0xFFFFFF00]  }
0x2c2: {  	v2 =	vld.idx.msk [tilespmem:v2+s11+$0x0], $0xffff  }
0x2c3: {  	v3 =	vld.idx.msk [tilespmem:v3+s11+$0x0], $0xffff  }
0x2c4: {  	v4 =	vld.idx.msk [tilespmem:v4+s11+$0x0], $0xffff  }
0x2c5: {  	v5 =	vld.idx.msk [tilespmem:v5+s11+$0x0], $0xffff  }
0x2c6: {  	v6 =	vld.idx.msk [tilespmem:v6+s11+$0x0], $0xffff  }
0x2c7: {  	v7 =	vld.idx.msk [tilespmem:v7+s11+$0x0], $0xffff  }
0x2c8: {  	[tilespmem:s19+$0xFFFFFF20] =	vst v2;
	v9 =	vld.idx.msk [tilespmem:v9+s11+$0x0], $0xffff  }
0x2c9: {  	v16 =	vld.idx.msk [tilespmem:v16+s11+$0x0], $0xffff;
	[tilespmem:s19+$0xFFFFFF30] =	vst v3  }
0x2ca: {  	[tilespmem:s19+$0xFFFFFF40] =	vst v4;
	v10 =	vld.idx.msk [tilespmem:v10+s11+$0x0], $0xffff  }
0x2cb: {  	[tilespmem:s19+$0xFFFFFF50] =	vst v5;
	v2 =	vld.idx.msk [tilespmem:v11+s11+$0x0], $0xffff  }
.Ltmp2:
0x2cc: {  	[tilespmem:s19+$0xFFFFFF60] =	vst v6;
	v3 =	vld.idx.msk [tilespmem:v12+s11+$0x0], $0xffff;
	(pc) =	sbr.rel @p1 .LBB2_6-.Ltmp2, $4  }
0x2cd: {  	[tilespmem:s19+$0xFFFFFF70] =	vst v7;
	v4 =	vld.idx.msk [tilespmem:v13+s11+$0x0], $0xffff  }
0x2ce: {  	[tilespmem:s19+$0xFFFFFF80] =	vst v9;
	v5 =	vld.idx.msk [tilespmem:v14+s11+$0x0], $0xffff  }
0x2cf: {  	[tilespmem:s19+$0xFFFFFF10] =	vst v16;
	v6 =	vld.idx.msk [tilespmem:v15+s11+$0x0], $0xffff  }
0x2d0: {  	s26 =	sadd.s32 $0x200, s26;
	[tilespmem:s19+$0xFFFFFF90] =	vst v10;
	v7 =	vld.idx.msk [tilespmem:v8+s11+$0x0], $0xffff  }
0x2d1: {  	[tilespmem:s19+$0xFFFFFFA0] =	vst v2  }
0x2d2: {  	[tilespmem:s19+$0xFFFFFFB0] =	vst v3  }
0x2d3: {  	[tilespmem:s19+$0xFFFFFFC0] =	vst v4  }
0x2d4: {  	[tilespmem:s19+$0xFFFFFFD0] =	vst v5  }
0x2d5: {  	[tilespmem:s19+$0xFFFFFFE0] =	vst v6  }
0x2d6: {  	[tilespmem:s19+$0xFFFFFFF0] =	vst v7  }
0x2d7: {  	_ =	swait.ge [sflag:s23], $0x800  }
0x2d8: {  	s28 =	sld [smem:$0x76B]  }
0x2d9: {  	[sflag:s23] =	ssyncset.done $0x0  }
0x2da: {  	s20 =	simm.s32 $0x100;
	[sflag:s23] =	ssyncadd.s32 $0xFFFFF800  }
0x2db: {  	[tilespmem:s20], [sflag:$0x3] =	stream.linear.gather [spmem:s28], $0x80, $0x38;
	[tilespmem:$0x1E500] =	vst v63  }
0x2dc: {  	s20 =	sld [smem:$0x7B3];
	_ =	sdelay $0x1  }
0x2dd: {  	s26 =	sld [smem:$0x7B4]  }
0x2de: {  	[tilespmem:s17], [sflag:$0x3] =	stream.linear.gather [spmem:s20], $0x80, $0x38;
	[tilespmem:$0x1E500] =	vst v63  }
0x2df: {  	s28 =	simm.s32 $0x300  }
0x2e0: {  	[tilespmem:s28], [sflag:$0x3] =	stream.linear.gather [spmem:s26], $0x80, $0x38;
	[tilespmem:$0x1E500] =	vst v63  }
0x2e1: {  	s26 =	sld [smem:$0x7B5];
	_ =	sdelay $0x1  }
0x2e2: {  	s28 =	simm.s32 $0x400  }
0x2e3: {  	[tilespmem:s28], [sflag:$0x3] =	stream.linear.gather [spmem:s26], $0x80, $0x38;
	[tilespmem:$0x1E500] =	vst v63  }
0x2e4: {  	s26 =	sld [smem:$0x7B6];
	_ =	sdelay $0x1  }
0x2e5: {  	s28 =	simm.s32 $0x500  }
0x2e6: {  	[tilespmem:s28], [sflag:$0x3] =	stream.linear.gather [spmem:s26], $0x80, $0x38;
	[tilespmem:$0x1E500] =	vst v63  }
0x2e7: {  	s26 =	sld [smem:$0x7B7];
	_ =	sdelay $0x1  }
0x2e8: {  	s28 =	simm.s32 $0x600  }
0x2e9: {  	[tilespmem:s28], [sflag:$0x3] =	stream.linear.gather [spmem:s26], $0x80, $0x38;
	[tilespmem:$0x1E500] =	vst v63  }
0x2ea: {  	s26 =	sld [smem:$0x7B8];
	_ =	sdelay $0x1  }
0x2eb: {  	s28 =	simm.s32 $0x700  }
0x2ec: {  	[tilespmem:s28], [sflag:$0x3] =	stream.linear.gather [spmem:s26], $0x80, $0x38;
	[tilespmem:$0x1E500] =	vst v63  }
0x2ed: {  	s26 =	sld [smem:$0x7B9];
	_ =	sdelay $0x1  }
0x2ee: {  	s28 =	simm.s32 $0x800  }
0x2ef: {  	[tilespmem:s28], [sflag:$0x3] =	stream.linear.gather [spmem:s26], $0x80, $0x38;
	[tilespmem:$0x1E500] =	vst v63  }
0x2f0: {  	s26 =	sld [smem:$0x7BA];
	_ =	sdelay $0x1  }
0x2f1: {  	s28 =	simm.s32 $0x900  }
0x2f2: {  	[tilespmem:s28], [sflag:$0x3] =	stream.linear.gather [spmem:s26], $0x80, $0x38;
	[tilespmem:$0x1E500] =	vst v63  }
0x2f3: {  	s26 =	sld [smem:$0x7BB];
	_ =	sdelay $0x1  }
0x2f4: {  	s28 =	simm.s32 $0xA00  }
0x2f5: {  	[tilespmem:s28], [sflag:$0x3] =	stream.linear.gather [spmem:s26], $0x80, $0x38;
	[tilespmem:$0x1E500] =	vst v63  }
0x2f6: {  	s26 =	sld [smem:$0x7BC];
	_ =	sdelay $0x1  }
0x2f7: {  	s28 =	simm.s32 $0xB00  }
0x2f8: {  	[tilespmem:s28], [sflag:$0x3] =	stream.linear.gather [spmem:s26], $0x80, $0x38;
	[tilespmem:$0x1E500] =	vst v63  }
0x2f9: {  	s26 =	sld [smem:$0x7BD];
	_ =	sdelay $0x1  }
0x2fa: {  	s28 =	simm.s32 $0xC00  }
0x2fb: {  	[tilespmem:s28], [sflag:$0x3] =	stream.linear.gather [spmem:s26], $0x80, $0x38;
	[tilespmem:$0x1E500] =	vst v63  }
0x2fc: {  	s26 =	sld [smem:$0x7BE];
	_ =	sdelay $0x1  }
0x2fd: {  	s28 =	simm.s32 $0xD00  }
0x2fe: {  	[tilespmem:s28], [sflag:$0x3] =	stream.linear.gather [spmem:s26], $0x80, $0x38;
	[tilespmem:$0x1E500] =	vst v63  }
0x2ff: {  	s26 =	sld [smem:$0x7BF];
	_ =	sdelay $0x1  }
0x300: {  	s28 =	simm.s32 $0xE00  }
0x301: {  	[tilespmem:s28], [sflag:$0x3] =	stream.linear.gather [spmem:s26], $0x80, $0x38;
	[tilespmem:$0x1E500] =	vst v63  }
0x302: {  	s26 =	sld [smem:$0x7C0];
	_ =	sdelay $0x1  }
0x303: {  	s20 =	sld [smem:$0x7C1];
	s28 =	simm.s32 $0xF00  }
0x304: {  	[tilespmem:s28], [sflag:$0x3] =	stream.linear.gather [spmem:s26], $0x80, $0x38;
	[tilespmem:$0x1E500] =	vst v63  }
0x305: {  	s26 =	simm.s32 $0x1000;
	s28 =	simm.s32 $0x280  }
0x306: {  	[tilespmem:s26], [sflag:$0x3] =	stream.linear.gather [spmem:s20], $0x80, $0x38;
	[tilespmem:$0x1E500] =	vst v63  }
0x307: {  	v2 =	vld [tilespmem:s28+$0x70]  }
0x308: {  	v3 =	vld [tilespmem:s28+$0xFFFFFF10]  }
0x309: {  	v4 =	vld [tilespmem:s28+$0xFFFFFF20]  }
0x30a: {  	v5 =	vld [tilespmem:s28+$0xFFFFFF30]  }
0x30b: {  	v6 =	vld [tilespmem:s28+$0xFFFFFF40]  }
0x30c: {  	v7 =	vld [tilespmem:s28+$0xFFFFFF50]  }
0x30d: {  	v8 =	vld [tilespmem:s28+$0xFFFFFF60]  }
0x30e: {  	v9 =	vld [tilespmem:s28+$0xFFFFFF70]  }
0x30f: {  	v10 =	vld [tilespmem:s28+$0x0]  }
0x310: {  	v11 =	vld [tilespmem:s28+$0x10]  }
0x311: {  	v12 =	vld [tilespmem:s28+$0x20]  }
0x312: {  	v13 =	vld [tilespmem:s28+$0x30]  }
0x313: {  	v14 =	vld [tilespmem:s28+$0x40]  }
0x314: {  	v15 =	vld [tilespmem:s28+$0x50]  }
0x315: {  	v16 =	vld [tilespmem:s28+$0x60]  }
0x316: {  	v17 =	vld [tilespmem:s28+$0xFFFFFF00]  }
0x317: {  	v2 =	vld.idx.msk [tilespmem:v2+s11+$0x0], $0xffff  }
0x318: {  	v3 =	vld.idx.msk [tilespmem:v3+s11+$0x0], $0xffff  }
0x319: {  	v4 =	vld.idx.msk [tilespmem:v4+s11+$0x0], $0xffff  }
0x31a: {  	v5 =	vld.idx.msk [tilespmem:v5+s11+$0x0], $0xffff  }
0x31b: {  	v6 =	vld.idx.msk [tilespmem:v6+s11+$0x0], $0xffff  }
0x31c: {  	s19 =	simm.s32 $0x29F0;
	v7 =	vld.idx.msk [tilespmem:v7+s11+$0x0], $0xffff  }
0x31d: {  	v8 =	vld.idx.msk [tilespmem:v8+s11+$0x0], $0xffff;
	[tilespmem:s19+$0x0] =	vst v2  }
0x31e: {  	v9 =	vld.idx.msk [tilespmem:v9+s11+$0x0], $0xffff;
	[tilespmem:s19+$0xFFFFFF20] =	vst v3  }
0x31f: {  	v17 =	vld.idx.msk [tilespmem:v17+s11+$0x0], $0xffff;
	[tilespmem:s19+$0xFFFFFF30] =	vst v4  }
0x320: {  	v10 =	vld.idx.msk [tilespmem:v10+s11+$0x0], $0xffff;
	[tilespmem:s19+$0xFFFFFF40] =	vst v5  }
0x321: {  	[tilespmem:s19+$0xFFFFFF50] =	vst v6;
	v2 =	vld.idx.msk [tilespmem:v11+s11+$0x0], $0xffff  }
0x322: {  	[tilespmem:s19+$0xFFFFFF60] =	vst v7;
	v3 =	vld.idx.msk [tilespmem:v12+s11+$0x0], $0xffff  }
0x323: {  	[tilespmem:s19+$0xFFFFFF70] =	vst v8;
	v4 =	vld.idx.msk [tilespmem:v13+s11+$0x0], $0xffff  }
0x324: {  	[tilespmem:s19+$0xFFFFFF80] =	vst v9;
	v5 =	vld.idx.msk [tilespmem:v14+s11+$0x0], $0xffff  }
0x325: {  	[tilespmem:s19+$0xFFFFFF10] =	vst v17;
	v6 =	vld.idx.msk [tilespmem:v15+s11+$0x0], $0xffff  }
0x326: {  	s20 =	simm.s32 $0x0;
	s26 =	simm.s32 $0x480;
	[tilespmem:s19+$0xFFFFFF90] =	vst v10;
	v7 =	vld.idx.msk [tilespmem:v16+s11+$0x0], $0xffff  }
.LBB2_8:
0x327: {  	v8 =	vld [tilespmem:s26+$0x70];
	s20 =	sadd.s32 $0x100, s20;
	[tilespmem:s19+$0xFFFFFFA0] =	vst v2  }
0x328: {  	v2 =	vld [tilespmem:s26+$0xFFFFFF10];
	p1 =	slt.u32 s20, $0x700;
	[tilespmem:s19+$0xFFFFFFB0] =	vst v3  }
0x329: {  	v3 =	vld [tilespmem:s26+$0xFFFFFF20];
	[tilespmem:s19+$0xFFFFFFC0] =	vst v4  }
0x32a: {  	v4 =	vld [tilespmem:s26+$0xFFFFFF30];
	[tilespmem:s19+$0xFFFFFFD0] =	vst v5  }
0x32b: {  	v5 =	vld [tilespmem:s26+$0xFFFFFF40];
	[tilespmem:s19+$0xFFFFFFE0] =	vst v6  }
0x32c: {  	v6 =	vld [tilespmem:s26+$0xFFFFFF50];
	[tilespmem:s19+$0xFFFFFFF0] =	vst v7  }
0x32d: {  	v7 =	vld [tilespmem:s26+$0xFFFFFF60]  }
0x32e: {  	v9 =	vld [tilespmem:s26+$0xFFFFFF70]  }
0x32f: {  	v8 =	vld.idx.msk [tilespmem:v8+s11+$0x0], $0xffff  }
0x330: {  	v10 =	vld [tilespmem:s26+$0x0]  }
0x331: {  	v11 =	vld [tilespmem:s26+$0x10]  }
0x332: {  	v12 =	vld [tilespmem:s26+$0x20]  }
0x333: {  	v13 =	vld [tilespmem:s26+$0x30]  }
0x334: {  	s19 =	sadd.s32 $0x100, s19;
	v14 =	vld [tilespmem:s26+$0x40]  }
0x335: {  	v15 =	vld [tilespmem:s26+$0x50];
	[tilespmem:s19+$0x0] =	vst v8  }
0x336: {  	v8 =	vld [tilespmem:s26+$0x60]  }
0x337: {  	v16 =	vld [tilespmem:s26+$0xFFFFFF00]  }
0x338: {  	v2 =	vld.idx.msk [tilespmem:v2+s11+$0x0], $0xffff  }
0x339: {  	v3 =	vld.idx.msk [tilespmem:v3+s11+$0x0], $0xffff  }
0x33a: {  	v4 =	vld.idx.msk [tilespmem:v4+s11+$0x0], $0xffff  }
0x33b: {  	v5 =	vld.idx.msk [tilespmem:v5+s11+$0x0], $0xffff  }
0x33c: {  	v6 =	vld.idx.msk [tilespmem:v6+s11+$0x0], $0xffff  }
0x33d: {  	v7 =	vld.idx.msk [tilespmem:v7+s11+$0x0], $0xffff  }
0x33e: {  	[tilespmem:s19+$0xFFFFFF20] =	vst v2;
	v9 =	vld.idx.msk [tilespmem:v9+s11+$0x0], $0xffff  }
0x33f: {  	v16 =	vld.idx.msk [tilespmem:v16+s11+$0x0], $0xffff;
	[tilespmem:s19+$0xFFFFFF30] =	vst v3  }
0x340: {  	[tilespmem:s19+$0xFFFFFF40] =	vst v4;
	v10 =	vld.idx.msk [tilespmem:v10+s11+$0x0], $0xffff  }
0x341: {  	[tilespmem:s19+$0xFFFFFF50] =	vst v5;
	v2 =	vld.idx.msk [tilespmem:v11+s11+$0x0], $0xffff  }
.Ltmp3:
0x342: {  	[tilespmem:s19+$0xFFFFFF60] =	vst v6;
	v3 =	vld.idx.msk [tilespmem:v12+s11+$0x0], $0xffff;
	(pc) =	sbr.rel @p1 .LBB2_8-.Ltmp3, $4  }
0x343: {  	[tilespmem:s19+$0xFFFFFF70] =	vst v7;
	v4 =	vld.idx.msk [tilespmem:v13+s11+$0x0], $0xffff  }
0x344: {  	[tilespmem:s19+$0xFFFFFF80] =	vst v9;
	v5 =	vld.idx.msk [tilespmem:v14+s11+$0x0], $0xffff  }
0x345: {  	[tilespmem:s19+$0xFFFFFF10] =	vst v16;
	v6 =	vld.idx.msk [tilespmem:v15+s11+$0x0], $0xffff  }
0x346: {  	s26 =	sadd.s32 $0x200, s26;
	[tilespmem:s19+$0xFFFFFF90] =	vst v10;
	v7 =	vld.idx.msk [tilespmem:v8+s11+$0x0], $0xffff  }
0x347: {  	[tilespmem:s19+$0xFFFFFFA0] =	vst v2  }
0x348: {  	[tilespmem:s19+$0xFFFFFFB0] =	vst v3  }
0x349: {  	[tilespmem:s19+$0xFFFFFFC0] =	vst v4  }
0x34a: {  	[tilespmem:s19+$0xFFFFFFD0] =	vst v5  }
0x34b: {  	[tilespmem:s19+$0xFFFFFFE0] =	vst v6  }
0x34c: {  	[tilespmem:s19+$0xFFFFFFF0] =	vst v7  }
0x34d: {  	_ =	swait.ge [sflag:s23], $0x800  }
0x34e: {  	s28 =	sld [smem:$0x76C]  }
0x34f: {  	[sflag:s23] =	ssyncset.done $0x0  }
0x350: {  	s20 =	simm.s32 $0x180;
	s26 =	sld [smem:$0x7C2];
	[sflag:s23] =	ssyncadd.s32 $0xFFFFF800  }
0x351: {  	[tilespmem:s20], [sflag:$0x3] =	stream.linear.gather [spmem:s28], $0x80, $0x38;
	[tilespmem:$0x1E500] =	vst v63  }
0x352: {  	s28 =	simm.s32 $0x280  }
0x353: {  	[tilespmem:s28], [sflag:$0x3] =	stream.linear.gather [spmem:s26], $0x80, $0x38;
	[tilespmem:$0x1E500] =	vst v63  }
0x354: {  	s26 =	sld [smem:$0x7C3];
	_ =	sdelay $0x1  }
0x355: {  	s28 =	simm.s32 $0x380  }
0x356: {  	[tilespmem:s28], [sflag:$0x3] =	stream.linear.gather [spmem:s26], $0x80, $0x38;
	[tilespmem:$0x1E500] =	vst v63  }
0x357: {  	s26 =	sld [smem:$0x7C4];
	_ =	sdelay $0x1  }
0x358: {  	s28 =	simm.s32 $0x480  }
0x359: {  	[tilespmem:s28], [sflag:$0x3] =	stream.linear.gather [spmem:s26], $0x80, $0x38;
	[tilespmem:$0x1E500] =	vst v63  }
0x35a: {  	s26 =	sld [smem:$0x7C5];
	_ =	sdelay $0x1  }
0x35b: {  	s28 =	simm.s32 $0x580  }
0x35c: {  	[tilespmem:s28], [sflag:$0x3] =	stream.linear.gather [spmem:s26], $0x80, $0x38;
	[tilespmem:$0x1E500] =	vst v63  }
0x35d: {  	s26 =	sld [smem:$0x7C6];
	_ =	sdelay $0x1  }
0x35e: {  	s28 =	simm.s32 $0x680  }
0x35f: {  	[tilespmem:s28], [sflag:$0x3] =	stream.linear.gather [spmem:s26], $0x80, $0x38;
	[tilespmem:$0x1E500] =	vst v63  }
0x360: {  	s26 =	sld [smem:$0x7C7];
	_ =	sdelay $0x1  }
0x361: {  	s28 =	simm.s32 $0x780  }
0x362: {  	[tilespmem:s28], [sflag:$0x3] =	stream.linear.gather [spmem:s26], $0x80, $0x38;
	[tilespmem:$0x1E500] =	vst v63  }
0x363: {  	s26 =	sld [smem:$0x7C8];
	_ =	sdelay $0x1  }
0x364: {  	s28 =	simm.s32 $0x880  }
0x365: {  	[tilespmem:s28], [sflag:$0x3] =	stream.linear.gather [spmem:s26], $0x80, $0x38;
	[tilespmem:$0x1E500] =	vst v63  }
0x366: {  	s26 =	sld [smem:$0x7C9];
	_ =	sdelay $0x1  }
0x367: {  	s28 =	simm.s32 $0x980  }
0x368: {  	[tilespmem:s28], [sflag:$0x3] =	stream.linear.gather [spmem:s26], $0x80, $0x38;
	[tilespmem:$0x1E500] =	vst v63  }
0x369: {  	s26 =	sld [smem:$0x7CA];
	_ =	sdelay $0x1  }
0x36a: {  	s28 =	simm.s32 $0xA80  }
0x36b: {  	[tilespmem:s28], [sflag:$0x3] =	stream.linear.gather [spmem:s26], $0x80, $0x38;
	[tilespmem:$0x1E500] =	vst v63  }
0x36c: {  	s26 =	sld [smem:$0x7CB];
	_ =	sdelay $0x1  }
0x36d: {  	s28 =	simm.s32 $0xB80  }
0x36e: {  	[tilespmem:s28], [sflag:$0x3] =	stream.linear.gather [spmem:s26], $0x80, $0x38;
	[tilespmem:$0x1E500] =	vst v63  }
0x36f: {  	s26 =	sld [smem:$0x7CC];
	_ =	sdelay $0x1  }
0x370: {  	s28 =	simm.s32 $0xC80  }
0x371: {  	[tilespmem:s28], [sflag:$0x3] =	stream.linear.gather [spmem:s26], $0x80, $0x38;
	[tilespmem:$0x1E500] =	vst v63  }
0x372: {  	s26 =	sld [smem:$0x7CD];
	_ =	sdelay $0x1  }
0x373: {  	s28 =	simm.s32 $0xD80  }
0x374: {  	[tilespmem:s28], [sflag:$0x3] =	stream.linear.gather [spmem:s26], $0x80, $0x38;
	[tilespmem:$0x1E500] =	vst v63  }
0x375: {  	s26 =	sld [smem:$0x7CE];
	_ =	sdelay $0x1  }
0x376: {  	s28 =	simm.s32 $0xE80  }
0x377: {  	[tilespmem:s28], [sflag:$0x3] =	stream.linear.gather [spmem:s26], $0x80, $0x38;
	[tilespmem:$0x1E500] =	vst v63  }
0x378: {  	s26 =	sld [smem:$0x7CF];
	_ =	sdelay $0x1  }
0x379: {  	s20 =	sld [smem:$0x7D0];
	s28 =	simm.s32 $0xF80  }
0x37a: {  	[tilespmem:s28], [sflag:$0x3] =	stream.linear.gather [spmem:s26], $0x80, $0x38;
	[tilespmem:$0x1E500] =	vst v63  }
0x37b: {  	s26 =	simm.s32 $0x1080;
	s28 =	simm.s32 $0x200  }
0x37c: {  	[tilespmem:s26], [sflag:$0x3] =	stream.linear.gather [spmem:s20], $0x80, $0x38;
	[tilespmem:$0x1E500] =	vst v63  }
0x37d: {  	v2 =	vld [tilespmem:s28+$0x70]  }
0x37e: {  	v3 =	vld [tilespmem:s28+$0xFFFFFF10]  }
0x37f: {  	v4 =	vld [tilespmem:s28+$0xFFFFFF20]  }
0x380: {  	v5 =	vld [tilespmem:s28+$0xFFFFFF30]  }
0x381: {  	v6 =	vld [tilespmem:s28+$0xFFFFFF40]  }
0x382: {  	v7 =	vld [tilespmem:s28+$0xFFFFFF50]  }
0x383: {  	v8 =	vld [tilespmem:s28+$0xFFFFFF60]  }
0x384: {  	v9 =	vld [tilespmem:s28+$0xFFFFFF70]  }
0x385: {  	v10 =	vld [tilespmem:s28+$0x0]  }
0x386: {  	v11 =	vld [tilespmem:s28+$0x10]  }
0x387: {  	v12 =	vld [tilespmem:s28+$0x20]  }
0x388: {  	v13 =	vld [tilespmem:s28+$0x30]  }
0x389: {  	v14 =	vld [tilespmem:s28+$0x40]  }
0x38a: {  	v15 =	vld [tilespmem:s28+$0x50]  }
0x38b: {  	v16 =	vld [tilespmem:s28+$0x60]  }
0x38c: {  	v17 =	vld [tilespmem:s28+$0xFFFFFF00]  }
0x38d: {  	v2 =	vld.idx.msk [tilespmem:v2+s11+$0x0], $0xffff  }
0x38e: {  	v3 =	vld.idx.msk [tilespmem:v3+s11+$0x0], $0xffff  }
0x38f: {  	v4 =	vld.idx.msk [tilespmem:v4+s11+$0x0], $0xffff  }
0x390: {  	v5 =	vld.idx.msk [tilespmem:v5+s11+$0x0], $0xffff  }
0x391: {  	v6 =	vld.idx.msk [tilespmem:v6+s11+$0x0], $0xffff  }
0x392: {  	s19 =	simm.s32 $0x31F0;
	v7 =	vld.idx.msk [tilespmem:v7+s11+$0x0], $0xffff  }
0x393: {  	v8 =	vld.idx.msk [tilespmem:v8+s11+$0x0], $0xffff;
	[tilespmem:s19+$0x0] =	vst v2  }
0x394: {  	v9 =	vld.idx.msk [tilespmem:v9+s11+$0x0], $0xffff;
	[tilespmem:s19+$0xFFFFFF20] =	vst v3  }
0x395: {  	v17 =	vld.idx.msk [tilespmem:v17+s11+$0x0], $0xffff;
	[tilespmem:s19+$0xFFFFFF30] =	vst v4  }
0x396: {  	v10 =	vld.idx.msk [tilespmem:v10+s11+$0x0], $0xffff;
	[tilespmem:s19+$0xFFFFFF40] =	vst v5  }
0x397: {  	[tilespmem:s19+$0xFFFFFF50] =	vst v6;
	v2 =	vld.idx.msk [tilespmem:v11+s11+$0x0], $0xffff  }
0x398: {  	[tilespmem:s19+$0xFFFFFF60] =	vst v7;
	v3 =	vld.idx.msk [tilespmem:v12+s11+$0x0], $0xffff  }
0x399: {  	[tilespmem:s19+$0xFFFFFF70] =	vst v8;
	v4 =	vld.idx.msk [tilespmem:v13+s11+$0x0], $0xffff  }
0x39a: {  	[tilespmem:s19+$0xFFFFFF80] =	vst v9;
	v5 =	vld.idx.msk [tilespmem:v14+s11+$0x0], $0xffff  }
0x39b: {  	[tilespmem:s19+$0xFFFFFF10] =	vst v17;
	v6 =	vld.idx.msk [tilespmem:v15+s11+$0x0], $0xffff  }
0x39c: {  	s20 =	simm.s32 $0x0;
	s26 =	simm.s32 $0x400;
	[tilespmem:s19+$0xFFFFFF90] =	vst v10;
	v7 =	vld.idx.msk [tilespmem:v16+s11+$0x0], $0xffff  }
.LBB2_10:
0x39d: {  	v8 =	vld [tilespmem:s26+$0x70];
	s20 =	sadd.s32 $0x100, s20;
	[tilespmem:s19+$0xFFFFFFA0] =	vst v2  }
0x39e: {  	v2 =	vld [tilespmem:s26+$0xFFFFFF10];
	p1 =	slt.u32 s20, $0x700;
	[tilespmem:s19+$0xFFFFFFB0] =	vst v3  }
0x39f: {  	v3 =	vld [tilespmem:s26+$0xFFFFFF20];
	[tilespmem:s19+$0xFFFFFFC0] =	vst v4  }
0x3a0: {  	v4 =	vld [tilespmem:s26+$0xFFFFFF30];
	[tilespmem:s19+$0xFFFFFFD0] =	vst v5  }
0x3a1: {  	v5 =	vld [tilespmem:s26+$0xFFFFFF40];
	[tilespmem:s19+$0xFFFFFFE0] =	vst v6  }
0x3a2: {  	v6 =	vld [tilespmem:s26+$0xFFFFFF50];
	[tilespmem:s19+$0xFFFFFFF0] =	vst v7  }
0x3a3: {  	v7 =	vld [tilespmem:s26+$0xFFFFFF60]  }
0x3a4: {  	v9 =	vld [tilespmem:s26+$0xFFFFFF70]  }
0x3a5: {  	v8 =	vld.idx.msk [tilespmem:v8+s11+$0x0], $0xffff  }
0x3a6: {  	v10 =	vld [tilespmem:s26+$0x0]  }
0x3a7: {  	v11 =	vld [tilespmem:s26+$0x10]  }
0x3a8: {  	v12 =	vld [tilespmem:s26+$0x20]  }
0x3a9: {  	v13 =	vld [tilespmem:s26+$0x30]  }
0x3aa: {  	s19 =	sadd.s32 $0x100, s19;
	v14 =	vld [tilespmem:s26+$0x40]  }
0x3ab: {  	v15 =	vld [tilespmem:s26+$0x50];
	[tilespmem:s19+$0x0] =	vst v8  }
0x3ac: {  	v8 =	vld [tilespmem:s26+$0x60]  }
0x3ad: {  	v16 =	vld [tilespmem:s26+$0xFFFFFF00]  }
0x3ae: {  	v2 =	vld.idx.msk [tilespmem:v2+s11+$0x0], $0xffff  }
0x3af: {  	v3 =	vld.idx.msk [tilespmem:v3+s11+$0x0], $0xffff  }
0x3b0: {  	v4 =	vld.idx.msk [tilespmem:v4+s11+$0x0], $0xffff  }
0x3b1: {  	v5 =	vld.idx.msk [tilespmem:v5+s11+$0x0], $0xffff  }
0x3b2: {  	v6 =	vld.idx.msk [tilespmem:v6+s11+$0x0], $0xffff  }
0x3b3: {  	v7 =	vld.idx.msk [tilespmem:v7+s11+$0x0], $0xffff  }
0x3b4: {  	[tilespmem:s19+$0xFFFFFF20] =	vst v2;
	v9 =	vld.idx.msk [tilespmem:v9+s11+$0x0], $0xffff  }
0x3b5: {  	v16 =	vld.idx.msk [tilespmem:v16+s11+$0x0], $0xffff;
	[tilespmem:s19+$0xFFFFFF30] =	vst v3  }
0x3b6: {  	[tilespmem:s19+$0xFFFFFF40] =	vst v4;
	v10 =	vld.idx.msk [tilespmem:v10+s11+$0x0], $0xffff  }
0x3b7: {  	[tilespmem:s19+$0xFFFFFF50] =	vst v5;
	v2 =	vld.idx.msk [tilespmem:v11+s11+$0x0], $0xffff  }
.Ltmp4:
0x3b8: {  	[tilespmem:s19+$0xFFFFFF60] =	vst v6;
	v3 =	vld.idx.msk [tilespmem:v12+s11+$0x0], $0xffff;
	(pc) =	sbr.rel @p1 .LBB2_10-.Ltmp4, $4  }
0x3b9: {  	[tilespmem:s19+$0xFFFFFF70] =	vst v7;
	v4 =	vld.idx.msk [tilespmem:v13+s11+$0x0], $0xffff  }
0x3ba: {  	[tilespmem:s19+$0xFFFFFF80] =	vst v9;
	v5 =	vld.idx.msk [tilespmem:v14+s11+$0x0], $0xffff  }
0x3bb: {  	[tilespmem:s19+$0xFFFFFF10] =	vst v16;
	v6 =	vld.idx.msk [tilespmem:v15+s11+$0x0], $0xffff  }
0x3bc: {  	s26 =	sadd.s32 $0x200, s26;
	[tilespmem:s19+$0xFFFFFF90] =	vst v10;
	v7 =	vld.idx.msk [tilespmem:v8+s11+$0x0], $0xffff  }
0x3bd: {  	[tilespmem:s19+$0xFFFFFFA0] =	vst v2  }
0x3be: {  	[tilespmem:s19+$0xFFFFFFB0] =	vst v3  }
0x3bf: {  	[tilespmem:s19+$0xFFFFFFC0] =	vst v4  }
0x3c0: {  	[tilespmem:s19+$0xFFFFFFD0] =	vst v5  }
0x3c1: {  	[tilespmem:s19+$0xFFFFFFE0] =	vst v6  }
0x3c2: {  	[tilespmem:s19+$0xFFFFFFF0] =	vst v7  }
0x3c3: {  	_ =	swait.ge [sflag:s23], $0x800  }
0x3c4: {  	s28 =	sld [smem:$0x76D]  }
0x3c5: {  	[sflag:s23] =	ssyncset.done $0x0  }
0x3c6: {  	s20 =	simm.s32 $0x100;
	[sflag:s23] =	ssyncadd.s32 $0xFFFFF800  }
0x3c7: {  	[tilespmem:s20], [sflag:$0x3] =	stream.linear.gather [spmem:s28], $0x80, $0x38;
	[tilespmem:$0x1E500] =	vst v63  }
0x3c8: {  	s20 =	sld [smem:$0x7D1];
	_ =	sdelay $0x1  }
0x3c9: {  	s26 =	sld [smem:$0x7D2]  }
0x3ca: {  	[tilespmem:s17], [sflag:$0x3] =	stream.linear.gather [spmem:s20], $0x80, $0x38;
	[tilespmem:$0x1E500] =	vst v63  }
0x3cb: {  	s28 =	simm.s32 $0x300  }
0x3cc: {  	[tilespmem:s28], [sflag:$0x3] =	stream.linear.gather [spmem:s26], $0x80, $0x38;
	[tilespmem:$0x1E500] =	vst v63  }
0x3cd: {  	s26 =	sld [smem:$0x7D3];
	_ =	sdelay $0x1  }
0x3ce: {  	s28 =	simm.s32 $0x400  }
0x3cf: {  	[tilespmem:s28], [sflag:$0x3] =	stream.linear.gather [spmem:s26], $0x80, $0x38;
	[tilespmem:$0x1E500] =	vst v63  }
0x3d0: {  	s26 =	sld [smem:$0x7D4];
	_ =	sdelay $0x1  }
0x3d1: {  	s28 =	simm.s32 $0x500  }
0x3d2: {  	[tilespmem:s28], [sflag:$0x3] =	stream.linear.gather [spmem:s26], $0x80, $0x38;
	[tilespmem:$0x1E500] =	vst v63  }
0x3d3: {  	s26 =	sld [smem:$0x7D5];
	_ =	sdelay $0x1  }
0x3d4: {  	s28 =	simm.s32 $0x600  }
0x3d5: {  	[tilespmem:s28], [sflag:$0x3] =	stream.linear.gather [spmem:s26], $0x80, $0x38;
	[tilespmem:$0x1E500] =	vst v63  }
0x3d6: {  	s26 =	sld [smem:$0x7D6];
	_ =	sdelay $0x1  }
0x3d7: {  	s28 =	simm.s32 $0x700  }
0x3d8: {  	[tilespmem:s28], [sflag:$0x3] =	stream.linear.gather [spmem:s26], $0x80, $0x38;
	[tilespmem:$0x1E500] =	vst v63  }
0x3d9: {  	s26 =	sld [smem:$0x7D7];
	_ =	sdelay $0x1  }
0x3da: {  	s28 =	simm.s32 $0x800  }
0x3db: {  	[tilespmem:s28], [sflag:$0x3] =	stream.linear.gather [spmem:s26], $0x80, $0x38;
	[tilespmem:$0x1E500] =	vst v63  }
0x3dc: {  	s26 =	sld [smem:$0x7D8];
	_ =	sdelay $0x1  }
0x3dd: {  	s28 =	simm.s32 $0x900  }
0x3de: {  	[tilespmem:s28], [sflag:$0x3] =	stream.linear.gather [spmem:s26], $0x80, $0x38;
	[tilespmem:$0x1E500] =	vst v63  }
0x3df: {  	s26 =	sld [smem:$0x7D9];
	_ =	sdelay $0x1  }
0x3e0: {  	s28 =	simm.s32 $0xA00  }
0x3e1: {  	[tilespmem:s28], [sflag:$0x3] =	stream.linear.gather [spmem:s26], $0x80, $0x38;
	[tilespmem:$0x1E500] =	vst v63  }
0x3e2: {  	s26 =	sld [smem:$0x7DA];
	_ =	sdelay $0x1  }
0x3e3: {  	s28 =	simm.s32 $0xB00  }
0x3e4: {  	[tilespmem:s28], [sflag:$0x3] =	stream.linear.gather [spmem:s26], $0x80, $0x38;
	[tilespmem:$0x1E500] =	vst v63  }
0x3e5: {  	s26 =	sld [smem:$0x7DB];
	_ =	sdelay $0x1  }
0x3e6: {  	s28 =	simm.s32 $0xC00  }
0x3e7: {  	[tilespmem:s28], [sflag:$0x3] =	stream.linear.gather [spmem:s26], $0x80, $0x38;
	[tilespmem:$0x1E500] =	vst v63  }
0x3e8: {  	s26 =	sld [smem:$0x7DC];
	_ =	sdelay $0x1  }
0x3e9: {  	s28 =	simm.s32 $0xD00  }
0x3ea: {  	[tilespmem:s28], [sflag:$0x3] =	stream.linear.gather [spmem:s26], $0x80, $0x38;
	[tilespmem:$0x1E500] =	vst v63  }
0x3eb: {  	s26 =	sld [smem:$0x7DD];
	_ =	sdelay $0x1  }
0x3ec: {  	s28 =	simm.s32 $0xE00  }
0x3ed: {  	[tilespmem:s28], [sflag:$0x3] =	stream.linear.gather [spmem:s26], $0x80, $0x38;
	[tilespmem:$0x1E500] =	vst v63  }
0x3ee: {  	s26 =	sld [smem:$0x7DE];
	_ =	sdelay $0x1  }
0x3ef: {  	s20 =	sld [smem:$0x7DF];
	s28 =	simm.s32 $0xF00  }
0x3f0: {  	[tilespmem:s28], [sflag:$0x3] =	stream.linear.gather [spmem:s26], $0x80, $0x38;
	[tilespmem:$0x1E500] =	vst v63  }
0x3f1: {  	s26 =	simm.s32 $0x1000;
	s28 =	simm.s32 $0x280  }
0x3f2: {  	[tilespmem:s26], [sflag:$0x3] =	stream.linear.gather [spmem:s20], $0x80, $0x38;
	[tilespmem:$0x1E500] =	vst v63  }
0x3f3: {  	v2 =	vld [tilespmem:s28+$0x70]  }
0x3f4: {  	v3 =	vld [tilespmem:s28+$0xFFFFFF10]  }
0x3f5: {  	v4 =	vld [tilespmem:s28+$0xFFFFFF20]  }
0x3f6: {  	v5 =	vld [tilespmem:s28+$0xFFFFFF30]  }
0x3f7: {  	v6 =	vld [tilespmem:s28+$0xFFFFFF40]  }
0x3f8: {  	v7 =	vld [tilespmem:s28+$0xFFFFFF50]  }
0x3f9: {  	v8 =	vld [tilespmem:s28+$0xFFFFFF60]  }
0x3fa: {  	v9 =	vld [tilespmem:s28+$0xFFFFFF70]  }
0x3fb: {  	v10 =	vld [tilespmem:s28+$0x0]  }
0x3fc: {  	v11 =	vld [tilespmem:s28+$0x10]  }
0x3fd: {  	v12 =	vld [tilespmem:s28+$0x20]  }
0x3fe: {  	v13 =	vld [tilespmem:s28+$0x30]  }
0x3ff: {  	v14 =	vld [tilespmem:s28+$0x40]  }
0x400: {  	v15 =	vld [tilespmem:s28+$0x50]  }
0x401: {  	v16 =	vld [tilespmem:s28+$0x60]  }
0x402: {  	v17 =	vld [tilespmem:s28+$0xFFFFFF00]  }
0x403: {  	v2 =	vld.idx.msk [tilespmem:v2+s11+$0x0], $0xffff  }
0x404: {  	v3 =	vld.idx.msk [tilespmem:v3+s11+$0x0], $0xffff  }
0x405: {  	v4 =	vld.idx.msk [tilespmem:v4+s11+$0x0], $0xffff  }
0x406: {  	v5 =	vld.idx.msk [tilespmem:v5+s11+$0x0], $0xffff  }
0x407: {  	v6 =	vld.idx.msk [tilespmem:v6+s11+$0x0], $0xffff  }
0x408: {  	s19 =	simm.s32 $0x39F0;
	v7 =	vld.idx.msk [tilespmem:v7+s11+$0x0], $0xffff  }
0x409: {  	v8 =	vld.idx.msk [tilespmem:v8+s11+$0x0], $0xffff;
	[tilespmem:s19+$0x0] =	vst v2  }
0x40a: {  	v9 =	vld.idx.msk [tilespmem:v9+s11+$0x0], $0xffff;
	[tilespmem:s19+$0xFFFFFF20] =	vst v3  }
0x40b: {  	v17 =	vld.idx.msk [tilespmem:v17+s11+$0x0], $0xffff;
	[tilespmem:s19+$0xFFFFFF30] =	vst v4  }
0x40c: {  	v10 =	vld.idx.msk [tilespmem:v10+s11+$0x0], $0xffff;
	[tilespmem:s19+$0xFFFFFF40] =	vst v5  }
0x40d: {  	[tilespmem:s19+$0xFFFFFF50] =	vst v6;
	v2 =	vld.idx.msk [tilespmem:v11+s11+$0x0], $0xffff  }
0x40e: {  	[tilespmem:s19+$0xFFFFFF60] =	vst v7;
	v3 =	vld.idx.msk [tilespmem:v12+s11+$0x0], $0xffff  }
0x40f: {  	[tilespmem:s19+$0xFFFFFF70] =	vst v8;
	v4 =	vld.idx.msk [tilespmem:v13+s11+$0x0], $0xffff  }
0x410: {  	[tilespmem:s19+$0xFFFFFF80] =	vst v9;
	v5 =	vld.idx.msk [tilespmem:v14+s11+$0x0], $0xffff  }
0x411: {  	[tilespmem:s19+$0xFFFFFF10] =	vst v17;
	v6 =	vld.idx.msk [tilespmem:v15+s11+$0x0], $0xffff  }
0x412: {  	s20 =	simm.s32 $0x0;
	s26 =	simm.s32 $0x480;
	[tilespmem:s19+$0xFFFFFF90] =	vst v10;
	v7 =	vld.idx.msk [tilespmem:v16+s11+$0x0], $0xffff  }
.LBB2_12:
0x413: {  	v8 =	vld [tilespmem:s26+$0x70];
	s20 =	sadd.s32 $0x100, s20;
	[tilespmem:s19+$0xFFFFFFA0] =	vst v2  }
0x414: {  	v2 =	vld [tilespmem:s26+$0xFFFFFF10];
	p1 =	slt.u32 s20, $0x700;
	[tilespmem:s19+$0xFFFFFFB0] =	vst v3  }
0x415: {  	v3 =	vld [tilespmem:s26+$0xFFFFFF20];
	[tilespmem:s19+$0xFFFFFFC0] =	vst v4  }
0x416: {  	v4 =	vld [tilespmem:s26+$0xFFFFFF30];
	[tilespmem:s19+$0xFFFFFFD0] =	vst v5  }
0x417: {  	v5 =	vld [tilespmem:s26+$0xFFFFFF40];
	[tilespmem:s19+$0xFFFFFFE0] =	vst v6  }
0x418: {  	v6 =	vld [tilespmem:s26+$0xFFFFFF50];
	[tilespmem:s19+$0xFFFFFFF0] =	vst v7  }
0x419: {  	v7 =	vld [tilespmem:s26+$0xFFFFFF60]  }
0x41a: {  	v9 =	vld [tilespmem:s26+$0xFFFFFF70]  }
0x41b: {  	v8 =	vld.idx.msk [tilespmem:v8+s11+$0x0], $0xffff  }
0x41c: {  	v10 =	vld [tilespmem:s26+$0x0]  }
0x41d: {  	v11 =	vld [tilespmem:s26+$0x10]  }
0x41e: {  	v12 =	vld [tilespmem:s26+$0x20]  }
0x41f: {  	v13 =	vld [tilespmem:s26+$0x30]  }
0x420: {  	s19 =	sadd.s32 $0x100, s19;
	v14 =	vld [tilespmem:s26+$0x40]  }
0x421: {  	v15 =	vld [tilespmem:s26+$0x50];
	[tilespmem:s19+$0x0] =	vst v8  }
0x422: {  	v8 =	vld [tilespmem:s26+$0x60]  }
0x423: {  	v16 =	vld [tilespmem:s26+$0xFFFFFF00]  }
0x424: {  	v2 =	vld.idx.msk [tilespmem:v2+s11+$0x0], $0xffff  }
0x425: {  	v3 =	vld.idx.msk [tilespmem:v3+s11+$0x0], $0xffff  }
0x426: {  	v4 =	vld.idx.msk [tilespmem:v4+s11+$0x0], $0xffff  }
0x427: {  	v5 =	vld.idx.msk [tilespmem:v5+s11+$0x0], $0xffff  }
0x428: {  	v6 =	vld.idx.msk [tilespmem:v6+s11+$0x0], $0xffff  }
0x429: {  	v7 =	vld.idx.msk [tilespmem:v7+s11+$0x0], $0xffff  }
0x42a: {  	[tilespmem:s19+$0xFFFFFF20] =	vst v2;
	v9 =	vld.idx.msk [tilespmem:v9+s11+$0x0], $0xffff  }
0x42b: {  	v16 =	vld.idx.msk [tilespmem:v16+s11+$0x0], $0xffff;
	[tilespmem:s19+$0xFFFFFF30] =	vst v3  }
0x42c: {  	[tilespmem:s19+$0xFFFFFF40] =	vst v4;
	v10 =	vld.idx.msk [tilespmem:v10+s11+$0x0], $0xffff  }
0x42d: {  	[tilespmem:s19+$0xFFFFFF50] =	vst v5;
	v2 =	vld.idx.msk [tilespmem:v11+s11+$0x0], $0xffff  }
.Ltmp5:
0x42e: {  	[tilespmem:s19+$0xFFFFFF60] =	vst v6;
	v3 =	vld.idx.msk [tilespmem:v12+s11+$0x0], $0xffff;
	(pc) =	sbr.rel @p1 .LBB2_12-.Ltmp5, $4  }
0x42f: {  	[tilespmem:s19+$0xFFFFFF70] =	vst v7;
	v4 =	vld.idx.msk [tilespmem:v13+s11+$0x0], $0xffff  }
0x430: {  	[tilespmem:s19+$0xFFFFFF80] =	vst v9;
	v5 =	vld.idx.msk [tilespmem:v14+s11+$0x0], $0xffff  }
0x431: {  	[tilespmem:s19+$0xFFFFFF10] =	vst v16;
	v6 =	vld.idx.msk [tilespmem:v15+s11+$0x0], $0xffff  }
0x432: {  	s26 =	sadd.s32 $0x200, s26;
	[tilespmem:s19+$0xFFFFFF90] =	vst v10;
	v7 =	vld.idx.msk [tilespmem:v8+s11+$0x0], $0xffff  }
0x433: {  	[tilespmem:s19+$0xFFFFFFA0] =	vst v2  }
0x434: {  	[tilespmem:s19+$0xFFFFFFB0] =	vst v3  }
0x435: {  	[tilespmem:s19+$0xFFFFFFC0] =	vst v4  }
0x436: {  	[tilespmem:s19+$0xFFFFFFD0] =	vst v5  }
0x437: {  	[tilespmem:s19+$0xFFFFFFE0] =	vst v6  }
0x438: {  	[tilespmem:s19+$0xFFFFFFF0] =	vst v7  }
0x439: {  	_ =	swait.ge [sflag:s23], $0x800  }
0x43a: {  	s28 =	sld [smem:$0x76E]  }
0x43b: {  	[sflag:s23] =	ssyncset.done $0x0  }
0x43c: {  	s20 =	simm.s32 $0x180;
	s26 =	sld [smem:$0x7E0];
	[sflag:s23] =	ssyncadd.s32 $0xFFFFF800  }
0x43d: {  	[tilespmem:s20], [sflag:$0x3] =	stream.linear.gather [spmem:s28], $0x80, $0x38;
	[tilespmem:$0x1E500] =	vst v63  }
0x43e: {  	s28 =	simm.s32 $0x280  }
0x43f: {  	[tilespmem:s28], [sflag:$0x3] =	stream.linear.gather [spmem:s26], $0x80, $0x38;
	[tilespmem:$0x1E500] =	vst v63  }
0x440: {  	s26 =	sld [smem:$0x7E1];
	_ =	sdelay $0x1  }
0x441: {  	s28 =	simm.s32 $0x380  }
0x442: {  	[tilespmem:s28], [sflag:$0x3] =	stream.linear.gather [spmem:s26], $0x80, $0x38;
	[tilespmem:$0x1E500] =	vst v63  }
0x443: {  	s26 =	sld [smem:$0x7E2];
	_ =	sdelay $0x1  }
0x444: {  	s28 =	simm.s32 $0x480  }
0x445: {  	[tilespmem:s28], [sflag:$0x3] =	stream.linear.gather [spmem:s26], $0x80, $0x38;
	[tilespmem:$0x1E500] =	vst v63  }
0x446: {  	s26 =	sld [smem:$0x7E3];
	_ =	sdelay $0x1  }
0x447: {  	s28 =	simm.s32 $0x580  }
0x448: {  	[tilespmem:s28], [sflag:$0x3] =	stream.linear.gather [spmem:s26], $0x80, $0x38;
	[tilespmem:$0x1E500] =	vst v63  }
0x449: {  	s26 =	sld [smem:$0x7E4];
	_ =	sdelay $0x1  }
0x44a: {  	s28 =	simm.s32 $0x680  }
0x44b: {  	[tilespmem:s28], [sflag:$0x3] =	stream.linear.gather [spmem:s26], $0x80, $0x38;
	[tilespmem:$0x1E500] =	vst v63  }
0x44c: {  	s26 =	sld [smem:$0x7E5];
	_ =	sdelay $0x1  }
0x44d: {  	s28 =	simm.s32 $0x780  }
0x44e: {  	[tilespmem:s28], [sflag:$0x3] =	stream.linear.gather [spmem:s26], $0x80, $0x38;
	[tilespmem:$0x1E500] =	vst v63  }
0x44f: {  	s26 =	sld [smem:$0x7E6];
	_ =	sdelay $0x1  }
0x450: {  	s28 =	simm.s32 $0x880  }
0x451: {  	[tilespmem:s28], [sflag:$0x3] =	stream.linear.gather [spmem:s26], $0x80, $0x38;
	[tilespmem:$0x1E500] =	vst v63  }
0x452: {  	s26 =	sld [smem:$0x7E7];
	_ =	sdelay $0x1  }
0x453: {  	s28 =	simm.s32 $0x980  }
0x454: {  	[tilespmem:s28], [sflag:$0x3] =	stream.linear.gather [spmem:s26], $0x80, $0x38;
	[tilespmem:$0x1E500] =	vst v63  }
0x455: {  	s26 =	sld [smem:$0x7E8];
	_ =	sdelay $0x1  }
0x456: {  	s28 =	simm.s32 $0xA80  }
0x457: {  	[tilespmem:s28], [sflag:$0x3] =	stream.linear.gather [spmem:s26], $0x80, $0x38;
	[tilespmem:$0x1E500] =	vst v63  }
0x458: {  	s26 =	sld [smem:$0x7E9];
	_ =	sdelay $0x1  }
0x459: {  	s28 =	simm.s32 $0xB80  }
0x45a: {  	[tilespmem:s28], [sflag:$0x3] =	stream.linear.gather [spmem:s26], $0x80, $0x38;
	[tilespmem:$0x1E500] =	vst v63  }
0x45b: {  	s26 =	sld [smem:$0x7EA];
	_ =	sdelay $0x1  }
0x45c: {  	s28 =	simm.s32 $0xC80  }
0x45d: {  	[tilespmem:s28], [sflag:$0x3] =	stream.linear.gather [spmem:s26], $0x80, $0x38;
	[tilespmem:$0x1E500] =	vst v63  }
0x45e: {  	s26 =	sld [smem:$0x7EB];
	_ =	sdelay $0x1  }
0x45f: {  	s28 =	simm.s32 $0xD80  }
0x460: {  	[tilespmem:s28], [sflag:$0x3] =	stream.linear.gather [spmem:s26], $0x80, $0x38;
	[tilespmem:$0x1E500] =	vst v63  }
0x461: {  	s26 =	sld [smem:$0x7EC];
	_ =	sdelay $0x1  }
0x462: {  	s28 =	simm.s32 $0xE80  }
0x463: {  	[tilespmem:s28], [sflag:$0x3] =	stream.linear.gather [spmem:s26], $0x80, $0x38;
	[tilespmem:$0x1E500] =	vst v63  }
0x464: {  	s26 =	sld [smem:$0x7ED];
	_ =	sdelay $0x1  }
0x465: {  	s20 =	sld [smem:$0x7EE];
	s28 =	simm.s32 $0xF80  }
0x466: {  	[tilespmem:s28], [sflag:$0x3] =	stream.linear.gather [spmem:s26], $0x80, $0x38;
	[tilespmem:$0x1E500] =	vst v63  }
0x467: {  	s26 =	simm.s32 $0x1080;
	s28 =	simm.s32 $0x200  }
0x468: {  	[tilespmem:s26], [sflag:$0x3] =	stream.linear.gather [spmem:s20], $0x80, $0x38;
	[tilespmem:$0x1E500] =	vst v63  }
0x469: {  	v2 =	vld [tilespmem:s28+$0x70]  }
0x46a: {  	v3 =	vld [tilespmem:s28+$0xFFFFFF10]  }
0x46b: {  	v4 =	vld [tilespmem:s28+$0xFFFFFF20]  }
0x46c: {  	v5 =	vld [tilespmem:s28+$0xFFFFFF30]  }
0x46d: {  	v6 =	vld [tilespmem:s28+$0xFFFFFF40]  }
0x46e: {  	v7 =	vld [tilespmem:s28+$0xFFFFFF50]  }
0x46f: {  	v8 =	vld [tilespmem:s28+$0xFFFFFF60]  }
0x470: {  	v9 =	vld [tilespmem:s28+$0xFFFFFF70]  }
0x471: {  	v10 =	vld [tilespmem:s28+$0x0]  }
0x472: {  	v11 =	vld [tilespmem:s28+$0x10]  }
0x473: {  	v12 =	vld [tilespmem:s28+$0x20]  }
0x474: {  	v13 =	vld [tilespmem:s28+$0x30]  }
0x475: {  	v14 =	vld [tilespmem:s28+$0x40]  }
0x476: {  	v15 =	vld [tilespmem:s28+$0x50]  }
0x477: {  	v16 =	vld [tilespmem:s28+$0x60]  }
0x478: {  	v17 =	vld [tilespmem:s28+$0xFFFFFF00]  }
0x479: {  	v2 =	vld.idx.msk [tilespmem:v2+s11+$0x0], $0xffff  }
0x47a: {  	v3 =	vld.idx.msk [tilespmem:v3+s11+$0x0], $0xffff  }
0x47b: {  	v4 =	vld.idx.msk [tilespmem:v4+s11+$0x0], $0xffff  }
0x47c: {  	v5 =	vld.idx.msk [tilespmem:v5+s11+$0x0], $0xffff  }
0x47d: {  	v6 =	vld.idx.msk [tilespmem:v6+s11+$0x0], $0xffff  }
0x47e: {  	s19 =	simm.s32 $0x41F0;
	v7 =	vld.idx.msk [tilespmem:v7+s11+$0x0], $0xffff  }
0x47f: {  	v8 =	vld.idx.msk [tilespmem:v8+s11+$0x0], $0xffff;
	[tilespmem:s19+$0x0] =	vst v2  }
0x480: {  	v9 =	vld.idx.msk [tilespmem:v9+s11+$0x0], $0xffff;
	[tilespmem:s19+$0xFFFFFF20] =	vst v3  }
0x481: {  	v17 =	vld.idx.msk [tilespmem:v17+s11+$0x0], $0xffff;
	[tilespmem:s19+$0xFFFFFF30] =	vst v4  }
0x482: {  	v10 =	vld.idx.msk [tilespmem:v10+s11+$0x0], $0xffff;
	[tilespmem:s19+$0xFFFFFF40] =	vst v5  }
0x483: {  	[tilespmem:s19+$0xFFFFFF50] =	vst v6;
	v2 =	vld.idx.msk [tilespmem:v11+s11+$0x0], $0xffff  }
0x484: {  	[tilespmem:s19+$0xFFFFFF60] =	vst v7;
	v3 =	vld.idx.msk [tilespmem:v12+s11+$0x0], $0xffff  }
0x485: {  	[tilespmem:s19+$0xFFFFFF70] =	vst v8;
	v4 =	vld.idx.msk [tilespmem:v13+s11+$0x0], $0xffff  }
0x486: {  	[tilespmem:s19+$0xFFFFFF80] =	vst v9;
	v5 =	vld.idx.msk [tilespmem:v14+s11+$0x0], $0xffff  }
0x487: {  	[tilespmem:s19+$0xFFFFFF10] =	vst v17;
	v6 =	vld.idx.msk [tilespmem:v15+s11+$0x0], $0xffff  }
0x488: {  	s20 =	simm.s32 $0x0;
	s26 =	simm.s32 $0x400;
	[tilespmem:s19+$0xFFFFFF90] =	vst v10;
	v7 =	vld.idx.msk [tilespmem:v16+s11+$0x0], $0xffff  }
.LBB2_14:
0x489: {  	v8 =	vld [tilespmem:s26+$0x70];
	s20 =	sadd.s32 $0x100, s20;
	[tilespmem:s19+$0xFFFFFFA0] =	vst v2  }
0x48a: {  	v2 =	vld [tilespmem:s26+$0xFFFFFF10];
	p1 =	slt.u32 s20, $0x700;
	[tilespmem:s19+$0xFFFFFFB0] =	vst v3  }
0x48b: {  	v3 =	vld [tilespmem:s26+$0xFFFFFF20];
	[tilespmem:s19+$0xFFFFFFC0] =	vst v4  }
0x48c: {  	v4 =	vld [tilespmem:s26+$0xFFFFFF30];
	[tilespmem:s19+$0xFFFFFFD0] =	vst v5  }
0x48d: {  	v5 =	vld [tilespmem:s26+$0xFFFFFF40];
	[tilespmem:s19+$0xFFFFFFE0] =	vst v6  }
0x48e: {  	v6 =	vld [tilespmem:s26+$0xFFFFFF50];
	[tilespmem:s19+$0xFFFFFFF0] =	vst v7  }
0x48f: {  	v7 =	vld [tilespmem:s26+$0xFFFFFF60]  }
0x490: {  	v9 =	vld [tilespmem:s26+$0xFFFFFF70]  }
0x491: {  	v8 =	vld.idx.msk [tilespmem:v8+s11+$0x0], $0xffff  }
0x492: {  	v10 =	vld [tilespmem:s26+$0x0]  }
0x493: {  	v11 =	vld [tilespmem:s26+$0x10]  }
0x494: {  	v12 =	vld [tilespmem:s26+$0x20]  }
0x495: {  	v13 =	vld [tilespmem:s26+$0x30]  }
0x496: {  	s19 =	sadd.s32 $0x100, s19;
	v14 =	vld [tilespmem:s26+$0x40]  }
0x497: {  	v15 =	vld [tilespmem:s26+$0x50];
	[tilespmem:s19+$0x0] =	vst v8  }
0x498: {  	v8 =	vld [tilespmem:s26+$0x60]  }
0x499: {  	v16 =	vld [tilespmem:s26+$0xFFFFFF00]  }
0x49a: {  	v2 =	vld.idx.msk [tilespmem:v2+s11+$0x0], $0xffff  }
0x49b: {  	v3 =	vld.idx.msk [tilespmem:v3+s11+$0x0], $0xffff  }
0x49c: {  	v4 =	vld.idx.msk [tilespmem:v4+s11+$0x0], $0xffff  }
0x49d: {  	v5 =	vld.idx.msk [tilespmem:v5+s11+$0x0], $0xffff  }
0x49e: {  	v6 =	vld.idx.msk [tilespmem:v6+s11+$0x0], $0xffff  }
0x49f: {  	v7 =	vld.idx.msk [tilespmem:v7+s11+$0x0], $0xffff  }
0x4a0: {  	[tilespmem:s19+$0xFFFFFF20] =	vst v2;
	v9 =	vld.idx.msk [tilespmem:v9+s11+$0x0], $0xffff  }
0x4a1: {  	v16 =	vld.idx.msk [tilespmem:v16+s11+$0x0], $0xffff;
	[tilespmem:s19+$0xFFFFFF30] =	vst v3  }
0x4a2: {  	[tilespmem:s19+$0xFFFFFF40] =	vst v4;
	v10 =	vld.idx.msk [tilespmem:v10+s11+$0x0], $0xffff  }
0x4a3: {  	[tilespmem:s19+$0xFFFFFF50] =	vst v5;
	v2 =	vld.idx.msk [tilespmem:v11+s11+$0x0], $0xffff  }
.Ltmp6:
0x4a4: {  	[tilespmem:s19+$0xFFFFFF60] =	vst v6;
	v3 =	vld.idx.msk [tilespmem:v12+s11+$0x0], $0xffff;
	(pc) =	sbr.rel @p1 .LBB2_14-.Ltmp6, $4  }
0x4a5: {  	[tilespmem:s19+$0xFFFFFF70] =	vst v7;
	v4 =	vld.idx.msk [tilespmem:v13+s11+$0x0], $0xffff  }
0x4a6: {  	[tilespmem:s19+$0xFFFFFF80] =	vst v9;
	v5 =	vld.idx.msk [tilespmem:v14+s11+$0x0], $0xffff  }
0x4a7: {  	[tilespmem:s19+$0xFFFFFF10] =	vst v16;
	v6 =	vld.idx.msk [tilespmem:v15+s11+$0x0], $0xffff  }
0x4a8: {  	s26 =	sadd.s32 $0x200, s26;
	[tilespmem:s19+$0xFFFFFF90] =	vst v10;
	v7 =	vld.idx.msk [tilespmem:v8+s11+$0x0], $0xffff  }
0x4a9: {  	[tilespmem:s19+$0xFFFFFFA0] =	vst v2  }
0x4aa: {  	[tilespmem:s19+$0xFFFFFFB0] =	vst v3  }
0x4ab: {  	[tilespmem:s19+$0xFFFFFFC0] =	vst v4  }
0x4ac: {  	[tilespmem:s19+$0xFFFFFFD0] =	vst v5  }
0x4ad: {  	[tilespmem:s19+$0xFFFFFFE0] =	vst v6  }
0x4ae: {  	[tilespmem:s19+$0xFFFFFFF0] =	vst v7  }
0x4af: {  	_ =	swait.ge [sflag:s23], $0x800  }
0x4b0: {  	[sflag:s23] =	ssyncset.done $0x0  }
0x4b1: {  	s28 =	simm.s32 $0x280;
	[sflag:s23] =	ssyncadd.s32 $0xFFFFF800  }
0x4b2: {  	v2 =	vld [tilespmem:s28+$0x70]  }
0x4b3: {  	v3 =	vld [tilespmem:s28+$0xFFFFFF10]  }
0x4b4: {  	v4 =	vld [tilespmem:s28+$0xFFFFFF20]  }
0x4b5: {  	v5 =	vld [tilespmem:s28+$0xFFFFFF30]  }
0x4b6: {  	v6 =	vld [tilespmem:s28+$0xFFFFFF40]  }
0x4b7: {  	v7 =	vld [tilespmem:s28+$0xFFFFFF50]  }
0x4b8: {  	v8 =	vld [tilespmem:s28+$0xFFFFFF60]  }
0x4b9: {  	v9 =	vld [tilespmem:s28+$0xFFFFFF70]  }
0x4ba: {  	v10 =	vld [tilespmem:s28+$0x0]  }
0x4bb: {  	v11 =	vld [tilespmem:s28+$0x10]  }
0x4bc: {  	v12 =	vld [tilespmem:s28+$0x20]  }
0x4bd: {  	v13 =	vld [tilespmem:s28+$0x30]  }
0x4be: {  	v14 =	vld [tilespmem:s28+$0x40]  }
0x4bf: {  	v15 =	vld [tilespmem:s28+$0x50]  }
0x4c0: {  	v16 =	vld [tilespmem:s28+$0x60]  }
0x4c1: {  	v17 =	vld [tilespmem:s28+$0xFFFFFF00]  }
0x4c2: {  	v2 =	vld.idx.msk [tilespmem:v2+s11+$0x0], $0xffff  }
0x4c3: {  	v3 =	vld.idx.msk [tilespmem:v3+s11+$0x0], $0xffff  }
0x4c4: {  	v4 =	vld.idx.msk [tilespmem:v4+s11+$0x0], $0xffff  }
0x4c5: {  	v5 =	vld.idx.msk [tilespmem:v5+s11+$0x0], $0xffff  }
0x4c6: {  	v6 =	vld.idx.msk [tilespmem:v6+s11+$0x0], $0xffff  }
0x4c7: {  	s19 =	simm.s32 $0x49F0;
	v7 =	vld.idx.msk [tilespmem:v7+s11+$0x0], $0xffff  }
0x4c8: {  	v8 =	vld.idx.msk [tilespmem:v8+s11+$0x0], $0xffff;
	[tilespmem:s19+$0x0] =	vst v2  }
0x4c9: {  	v9 =	vld.idx.msk [tilespmem:v9+s11+$0x0], $0xffff;
	[tilespmem:s19+$0xFFFFFF20] =	vst v3  }
0x4ca: {  	v17 =	vld.idx.msk [tilespmem:v17+s11+$0x0], $0xffff;
	[tilespmem:s19+$0xFFFFFF30] =	vst v4  }
0x4cb: {  	v10 =	vld.idx.msk [tilespmem:v10+s11+$0x0], $0xffff;
	[tilespmem:s19+$0xFFFFFF40] =	vst v5  }
0x4cc: {  	[tilespmem:s19+$0xFFFFFF50] =	vst v6;
	v2 =	vld.idx.msk [tilespmem:v11+s11+$0x0], $0xffff  }
0x4cd: {  	[tilespmem:s19+$0xFFFFFF60] =	vst v7;
	v3 =	vld.idx.msk [tilespmem:v12+s11+$0x0], $0xffff  }
0x4ce: {  	[tilespmem:s19+$0xFFFFFF70] =	vst v8;
	v4 =	vld.idx.msk [tilespmem:v13+s11+$0x0], $0xffff  }
0x4cf: {  	[tilespmem:s19+$0xFFFFFF80] =	vst v9;
	v5 =	vld.idx.msk [tilespmem:v14+s11+$0x0], $0xffff  }
0x4d0: {  	[tilespmem:s19+$0xFFFFFF10] =	vst v17;
	v6 =	vld.idx.msk [tilespmem:v15+s11+$0x0], $0xffff  }
0x4d1: {  	s20 =	simm.s32 $0x0;
	s26 =	simm.s32 $0x480;
	[tilespmem:s19+$0xFFFFFF90] =	vst v10;
	v7 =	vld.idx.msk [tilespmem:v16+s11+$0x0], $0xffff  }
.LBB2_16:
0x4d2: {  	v8 =	vld [tilespmem:s26+$0x70];
	s20 =	sadd.s32 $0x100, s20;
	[tilespmem:s19+$0xFFFFFFA0] =	vst v2  }
0x4d3: {  	v2 =	vld [tilespmem:s26+$0xFFFFFF10];
	p1 =	slt.u32 s20, $0x700;
	[tilespmem:s19+$0xFFFFFFB0] =	vst v3  }
0x4d4: {  	v3 =	vld [tilespmem:s26+$0xFFFFFF20];
	[tilespmem:s19+$0xFFFFFFC0] =	vst v4  }
0x4d5: {  	v4 =	vld [tilespmem:s26+$0xFFFFFF30];
	[tilespmem:s19+$0xFFFFFFD0] =	vst v5  }
0x4d6: {  	v5 =	vld [tilespmem:s26+$0xFFFFFF40];
	[tilespmem:s19+$0xFFFFFFE0] =	vst v6  }
0x4d7: {  	v6 =	vld [tilespmem:s26+$0xFFFFFF50];
	[tilespmem:s19+$0xFFFFFFF0] =	vst v7  }
0x4d8: {  	v7 =	vld [tilespmem:s26+$0xFFFFFF60]  }
0x4d9: {  	v9 =	vld [tilespmem:s26+$0xFFFFFF70]  }
0x4da: {  	v8 =	vld.idx.msk [tilespmem:v8+s11+$0x0], $0xffff  }
0x4db: {  	v10 =	vld [tilespmem:s26+$0x0]  }
0x4dc: {  	v11 =	vld [tilespmem:s26+$0x10]  }
0x4dd: {  	v12 =	vld [tilespmem:s26+$0x20]  }
0x4de: {  	v13 =	vld [tilespmem:s26+$0x30]  }
0x4df: {  	s19 =	sadd.s32 $0x100, s19;
	v14 =	vld [tilespmem:s26+$0x40]  }
0x4e0: {  	v15 =	vld [tilespmem:s26+$0x50];
	[tilespmem:s19+$0x0] =	vst v8  }
0x4e1: {  	v8 =	vld [tilespmem:s26+$0x60]  }
0x4e2: {  	v16 =	vld [tilespmem:s26+$0xFFFFFF00]  }
0x4e3: {  	v2 =	vld.idx.msk [tilespmem:v2+s11+$0x0], $0xffff  }
0x4e4: {  	v3 =	vld.idx.msk [tilespmem:v3+s11+$0x0], $0xffff  }
0x4e5: {  	v4 =	vld.idx.msk [tilespmem:v4+s11+$0x0], $0xffff  }
0x4e6: {  	v5 =	vld.idx.msk [tilespmem:v5+s11+$0x0], $0xffff  }
0x4e7: {  	v6 =	vld.idx.msk [tilespmem:v6+s11+$0x0], $0xffff  }
0x4e8: {  	v7 =	vld.idx.msk [tilespmem:v7+s11+$0x0], $0xffff  }
0x4e9: {  	[tilespmem:s19+$0xFFFFFF20] =	vst v2;
	v9 =	vld.idx.msk [tilespmem:v9+s11+$0x0], $0xffff  }
0x4ea: {  	v16 =	vld.idx.msk [tilespmem:v16+s11+$0x0], $0xffff;
	[tilespmem:s19+$0xFFFFFF30] =	vst v3  }
0x4eb: {  	[tilespmem:s19+$0xFFFFFF40] =	vst v4;
	v10 =	vld.idx.msk [tilespmem:v10+s11+$0x0], $0xffff  }
0x4ec: {  	[tilespmem:s19+$0xFFFFFF50] =	vst v5;
	v2 =	vld.idx.msk [tilespmem:v11+s11+$0x0], $0xffff  }
.Ltmp7:
0x4ed: {  	[tilespmem:s19+$0xFFFFFF60] =	vst v6;
	v3 =	vld.idx.msk [tilespmem:v12+s11+$0x0], $0xffff;
	(pc) =	sbr.rel @p1 .LBB2_16-.Ltmp7, $4  }
0x4ee: {  	[tilespmem:s19+$0xFFFFFF70] =	vst v7;
	v4 =	vld.idx.msk [tilespmem:v13+s11+$0x0], $0xffff  }
0x4ef: {  	[tilespmem:s19+$0xFFFFFF80] =	vst v9;
	v5 =	vld.idx.msk [tilespmem:v14+s11+$0x0], $0xffff  }
0x4f0: {  	[tilespmem:s19+$0xFFFFFF10] =	vst v16;
	v6 =	vld.idx.msk [tilespmem:v15+s11+$0x0], $0xffff  }
0x4f1: {  	s26 =	sadd.s32 $0x200, s26;
	[tilespmem:s19+$0xFFFFFF90] =	vst v10;
	v7 =	vld.idx.msk [tilespmem:v8+s11+$0x0], $0xffff  }
0x4f2: {  	[tilespmem:s19+$0xFFFFFFA0] =	vst v2  }
0x4f3: {  	[tilespmem:s19+$0xFFFFFFB0] =	vst v3  }
0x4f4: {  	[tilespmem:s19+$0xFFFFFFC0] =	vst v4  }
0x4f5: {  	[tilespmem:s19+$0xFFFFFFD0] =	vst v5  }
0x4f6: {  	[tilespmem:s19+$0xFFFFFFE0] =	vst v6  }
0x4f7: {  	[tilespmem:s19+$0xFFFFFFF0] =	vst v7  }
0x4f8: {  	v2 =	vld.msk [tilespmem:$0x0], $0x1;
	_ =	sdelay $0x4  }
0x4f9: {  	v3 =	vshll.u32 v2, $0x7  }
0x4fa: {  	v2 =	vand.u32 $0x7, v2;
	v3 =	vand.u32 $0xFFFFFC00, v3  }
0x4fb: {  	v2 =	vor.u32 v2, v3  }
0x4fc: {  	v2 =	vperm.xlane v2, v0;
	_ =	sdelay $0x1  }
0x4fd: {  	v2 =	vadd.s32 v1, v2;
	_ =	sdelay $0x3  }
0x4fe: {  	s20 =	rddreg [dreg:$0x4];
	s26 =	simm.s32 $0x1100  }
0x4ff: {  	[hbm4b:s20+s5] =	stream.indirect_vreg.scatter [tilespmem:s26], [sflag:$0x2], $0x80, v2, vm0, $0xb8;
	[tilespmem:$0x1E500] =	vst v63  }
0x500: {  	s20 =	sld [smem:$0x76F];
	_ =	sdelay $0x1  }
0x501: {  	s26 =	simm.s32 $0x1900  }
0x502: {  	[hbm4b:s20+s5] =	stream.indirect_vreg.scatter [tilespmem:s26], [sflag:$0x2], $0x80, v2, vm0, $0xb8;
	[tilespmem:$0x1E500] =	vst v63  }
0x503: {  	s20 =	sld [smem:$0x770];
	_ =	sdelay $0x1  }
0x504: {  	s26 =	simm.s32 $0x2100  }
0x505: {  	[hbm4b:s20+s5] =	stream.indirect_vreg.scatter [tilespmem:s26], [sflag:$0x2], $0x80, v2, vm0, $0xb8;
	[tilespmem:$0x1E500] =	vst v63  }
0x506: {  	s20 =	sld [smem:$0x771];
	_ =	sdelay $0x1  }
0x507: {  	s26 =	simm.s32 $0x2900  }
0x508: {  	[hbm4b:s20+s5] =	stream.indirect_vreg.scatter [tilespmem:s26], [sflag:$0x2], $0x80, v2, vm0, $0xb8;
	[tilespmem:$0x1E500] =	vst v63  }
0x509: {  	s20 =	sld [smem:$0x772];
	_ =	sdelay $0x1  }
0x50a: {  	s26 =	simm.s32 $0x3100  }
0x50b: {  	[hbm4b:s20+s5] =	stream.indirect_vreg.scatter [tilespmem:s26], [sflag:$0x2], $0x80, v2, vm0, $0xb8;
	[tilespmem:$0x1E500] =	vst v63  }
0x50c: {  	s20 =	sld [smem:$0x773];
	_ =	sdelay $0x1  }
0x50d: {  	s26 =	simm.s32 $0x3900  }
0x50e: {  	[hbm4b:s20+s5] =	stream.indirect_vreg.scatter [tilespmem:s26], [sflag:$0x2], $0x80, v2, vm0, $0xb8;
	[tilespmem:$0x1E500] =	vst v63  }
0x50f: {  	s20 =	sld [smem:$0x774];
	_ =	sdelay $0x1  }
0x510: {  	s26 =	simm.s32 $0x4100  }
0x511: {  	[hbm4b:s20+s5] =	stream.indirect_vreg.scatter [tilespmem:s26], [sflag:$0x2], $0x80, v2, vm0, $0xb8;
	[tilespmem:$0x1E500] =	vst v63  }
0x512: {  	s20 =	sld [smem:$0x775];
	_ =	sdelay $0x1  }
0x513: {  	s26 =	simm.s32 $0x4900  }
0x514: {  	[hbm4b:s20+s5] =	stream.indirect_vreg.scatter [tilespmem:s26], [sflag:$0x2], $0x80, v2, vm0, $0xb8;
	[tilespmem:$0x1E500] =	vst v63  }
0x515: {  	v2 =	vld.msk [tilespmem:$0x80], $0x1;
	_ =	sdelay $0x4  }
0x516: {  	v3 =	vshrl.u32 v2, $0x3  }
0x517: {  	v3 =	vmul.u32 $0x1870, v3  }
0x518: {  	v2 =	vand.u32 $0x7, v2  }
0x519: {  	v2 =	vor.u32 v2, v3  }
0x51a: {  	v2 =	vperm.xlane v2, v0;
	_ =	sdelay $0x1  }
0x51b: {  	v2 =	vadd.s32 v1, v2;
	_ =	sdelay $0x3  }
0x51c: {  	s19 =	rddreg [dreg:$0x0]  }
0x51d: {  	[tilespmem:s11], [sflag:$0x1] =	stream.indirect_vreg.gather [hbm4b:s19+s5], $0x80, v2, vm0, $0xb8;
	[tilespmem:$0x1E500] =	vst v63  }
0x51e: {  	s28 =	simm.s32 $0x6200;
	s26 =	rddreg [dreg:$0x8]  }
0x51f: {  	[tilespmem:s28], [sflag:$0x1] =	stream.indirect_vreg.gather [hbm4b:s26+s5], $0x80, v2, vm0, $0xb8;
	[tilespmem:$0x1E500] =	vst v63  }
0x520: {  	s20 =	simm.s32 $0x6A00;
	s26 =	rddreg [dreg:$0x9]  }
0x521: {  	[tilespmem:s20], [sflag:$0x1] =	stream.indirect_vreg.gather [hbm4b:s26+s5], $0x80, v2, vm0, $0xb8;
	[tilespmem:$0x1E500] =	vst v63  }
0x522: {  	s28 =	simm.s32 $0x7200;
	s20 =	rddreg [dreg:$0xa]  }
0x523: {  	[tilespmem:s28], [sflag:$0x1] =	stream.indirect_vreg.gather [hbm4b:s20+s5], $0x80, v2, vm0, $0xb8;
	[tilespmem:$0x1E500] =	vst v63  }
0x524: {  	s26 =	rddreg [dreg:$0xb];
	s20 =	simm.s32 $0x7A00  }
0x525: {  	[tilespmem:s20], [sflag:$0x1] =	stream.indirect_vreg.gather [hbm4b:s26+s5], $0x80, v2, vm0, $0xb8;
	[tilespmem:$0x1E500] =	vst v63  }
0x526: {  	s26 =	rddreg [dreg:$0xc];
	s20 =	simm.s32 $0x8200  }
0x527: {  	[tilespmem:s20], [sflag:$0x1] =	stream.indirect_vreg.gather [hbm4b:s26+s5], $0x80, v2, vm0, $0xb8;
	[tilespmem:$0x1E500] =	vst v63  }
0x528: {  	s26 =	rddreg [dreg:$0xd];
	s20 =	simm.s32 $0x8A00  }
0x529: {  	[tilespmem:s20], [sflag:$0x1] =	stream.indirect_vreg.gather [hbm4b:s26+s5], $0x80, v2, vm0, $0xb8;
	[tilespmem:$0x1E500] =	vst v63  }
0x52a: {  	s28 =	simm.s32 $0x9200;
	s20 =	rddreg [dreg:$0xe]  }
0x52b: {  	[tilespmem:s28], [sflag:$0x1] =	stream.indirect_vreg.gather [hbm4b:s20+s5], $0x80, v2, vm0, $0xb8;
	[tilespmem:$0x1E500] =	vst v63  }
0x52c: {  	s26 =	rddreg [dreg:$0xf];
	s20 =	simm.s32 $0x9A00  }
0x52d: {  	[tilespmem:s20], [sflag:$0x1] =	stream.indirect_vreg.gather [hbm4b:s26+s5], $0x80, v2, vm0, $0xb8;
	[tilespmem:$0x1E500] =	vst v63  }
0x52e: {  	s26 =	rddreg [dreg:$0x10];
	s20 =	simm.s32 $0xA200  }
0x52f: {  	[tilespmem:s20], [sflag:$0x1] =	stream.indirect_vreg.gather [hbm4b:s26+s5], $0x80, v2, vm0, $0xb8;
	[tilespmem:$0x1E500] =	vst v63  }
0x530: {  	s26 =	rddreg [dreg:$0x11];
	s20 =	simm.s32 $0xAA00  }
0x531: {  	[tilespmem:s20], [sflag:$0x1] =	stream.indirect_vreg.gather [hbm4b:s26+s5], $0x80, v2, vm0, $0xb8;
	[tilespmem:$0x1E500] =	vst v63  }
0x532: {  	s28 =	simm.s32 $0xB200;
	s20 =	rddreg [dreg:$0x12]  }
0x533: {  	[tilespmem:s28], [sflag:$0x1] =	stream.indirect_vreg.gather [hbm4b:s20+s5], $0x80, v2, vm0, $0xb8;
	[tilespmem:$0x1E500] =	vst v63  }
0x534: {  	s26 =	rddreg [dreg:$0x13];
	s20 =	simm.s32 $0xBA00  }
0x535: {  	[tilespmem:s20], [sflag:$0x1] =	stream.indirect_vreg.gather [hbm4b:s26+s5], $0x80, v2, vm0, $0xb8;
	[tilespmem:$0x1E500] =	vst v63  }
0x536: {  	s26 =	rddreg [dreg:$0x14];
	s20 =	simm.s32 $0xC200  }
0x537: {  	[tilespmem:s20], [sflag:$0x1] =	stream.indirect_vreg.gather [hbm4b:s26+s5], $0x80, v2, vm0, $0xb8;
	[tilespmem:$0x1E500] =	vst v63  }
0x538: {  	s26 =	rddreg [dreg:$0x15];
	s20 =	simm.s32 $0xCA00  }
0x539: {  	[tilespmem:s20], [sflag:$0x1] =	stream.indirect_vreg.gather [hbm4b:s26+s5], $0x80, v2, vm0, $0xb8;
	[tilespmem:$0x1E500] =	vst v63  }
0x53a: {  	s28 =	simm.s32 $0xD200;
	s20 =	rddreg [dreg:$0x1b]  }
0x53b: {  	[tilespmem:s28], [sflag:$0x1] =	stream.indirect_vreg.gather [hbm4b:s20+s5], $0x80, v2, vm0, $0xb8;
	[tilespmem:$0x1E500] =	vst v63  }
0x53c: {  	s26 =	rddreg [dreg:$0x1c];
	s20 =	simm.s32 $0xDA00  }
0x53d: {  	[tilespmem:s20], [sflag:$0x1] =	stream.indirect_vreg.gather [hbm4b:s26+s5], $0x80, v2, vm0, $0xb8;
	[tilespmem:$0x1E500] =	vst v63  }
0x53e: {  	s26 =	rddreg [dreg:$0x1d];
	s20 =	simm.s32 $0xE200  }
0x53f: {  	[tilespmem:s20], [sflag:$0x1] =	stream.indirect_vreg.gather [hbm4b:s26+s5], $0x80, v2, vm0, $0xb8;
	[tilespmem:$0x1E500] =	vst v63  }
0x540: {  	s26 =	rddreg [dreg:$0x1e];
	s20 =	simm.s32 $0xEA00  }
0x541: {  	[tilespmem:s20], [sflag:$0x1] =	stream.indirect_vreg.gather [hbm4b:s26+s5], $0x80, v2, vm0, $0xb8;
	[tilespmem:$0x1E500] =	vst v63  }
0x542: {  	s20 =	rddreg [dreg:$0x1f]  }
0x543: {  	s28 =	simm.s32 $0xF200;
	s26 =	sld [smem:$0x763]  }
0x544: {  	[tilespmem:s28], [sflag:$0x1] =	stream.indirect_vreg.gather [hbm4b:s20+s5], $0x80, v2, vm0, $0xb8;
	[tilespmem:$0x1E500] =	vst v63  }
0x545: {  	s20 =	simm.s32 $0xFA00  }
0x546: {  	[tilespmem:s20], [sflag:$0x1] =	stream.indirect_vreg.gather [hbm4b:s26+s5], $0x80, v2, vm0, $0xb8;
	[tilespmem:$0x1E500] =	vst v63  }
0x547: {  	s26 =	sld [smem:$0x764];
	_ =	sdelay $0x1  }
0x548: {  	s20 =	simm.s32 $0x10200  }
0x549: {  	[tilespmem:s20], [sflag:$0x1] =	stream.indirect_vreg.gather [hbm4b:s26+s5], $0x80, v2, vm0, $0xb8;
	[tilespmem:$0x1E500] =	vst v63  }
0x54a: {  	s26 =	sld [smem:$0x765];
	_ =	sdelay $0x1  }
0x54b: {  	s20 =	simm.s32 $0x10A00  }
0x54c: {  	[tilespmem:s20], [sflag:$0x1] =	stream.indirect_vreg.gather [hbm4b:s26+s5], $0x80, v2, vm0, $0xb8;
	[tilespmem:$0x1E500] =	vst v63  }
0x54d: {  	s20 =	sld [smem:$0x766];
	_ =	sdelay $0x1  }
0x54e: {  	s28 =	simm.s32 $0x11200  }
0x54f: {  	[tilespmem:s28], [sflag:$0x1] =	stream.indirect_vreg.gather [hbm4b:s20+s5], $0x80, v2, vm0, $0xb8;
	[tilespmem:$0x1E500] =	vst v63  }
0x550: {  	s20 =	sld [smem:$0x767];
	_ =	sdelay $0x1  }
0x551: {  	s28 =	simm.s32 $0x11A00  }
0x552: {  	[tilespmem:s28], [sflag:$0x1] =	stream.indirect_vreg.gather [hbm4b:s20+s5], $0x80, v2, vm1, $0xb8;
	[tilespmem:$0x1E500] =	vst v63  }
0x553: {  	v2 =	vld.msk [tilespmem:$0x80], $0x1;
	_ =	sdelay $0x4  }
0x554: {  	v3 =	vshrl.u32 v2, $0x3  }
0x555: {  	v3 =	vmul.u32 $0x1870, v3  }
0x556: {  	v2 =	vand.u32 $0x7, v2  }
0x557: {  	v2 =	vor.u32 v2, v3  }
0x558: {  	v2 =	vperm.xlane v2, v0;
	_ =	sdelay $0x1  }
0x559: {  	v2 =	vadd.s32 v1, v2;
	_ =	sdelay $0x3  }
0x55a: {  	s20 =	simm.s32 $0x11D00  }
0x55b: {  	[tilespmem:s20], [sflag:$0x4] =	stream.indirect_vreg.gather [hbm4b:s25+s5], $0x80, v2, vm0, $0xb8;
	[tilespmem:$0x1E500] =	vst v63  }
0x55c: {  	s20 =	sld [smem:$0x75F];
	_ =	sdelay $0x1  }
0x55d: {  	s26 =	simm.s32 $0x12500  }
0x55e: {  	[tilespmem:s26], [sflag:$0x4] =	stream.indirect_vreg.gather [hbm4b:s20+s5], $0x80, v2, vm0, $0xb8;
	[tilespmem:$0x1E500] =	vst v63  }
0x55f: {  	s20 =	sld [smem:$0x760];
	_ =	sdelay $0x1  }
0x560: {  	s26 =	simm.s32 $0x12D00  }
0x561: {  	[tilespmem:s26], [sflag:$0x4] =	stream.indirect_vreg.gather [hbm4b:s20+s5], $0x80, v2, vm0, $0xb8;
	[tilespmem:$0x1E500] =	vst v63  }
0x562: {  	s20 =	sld [smem:$0x761];
	_ =	sdelay $0x1  }
0x563: {  	s26 =	simm.s32 $0x13500  }
0x564: {  	[tilespmem:s26], [sflag:$0x4] =	stream.indirect_vreg.gather [hbm4b:s20+s5], $0x80, v2, vm0, $0xb8;
	[tilespmem:$0x1E500] =	vst v63  }
0x565: {  	s20 =	sld [smem:$0x762];
	_ =	sdelay $0x1  }
0x566: {  	s26 =	simm.s32 $0x13D00  }
0x567: {  	[tilespmem:s26], [sflag:$0x4] =	stream.indirect_vreg.gather [hbm4b:s20+s5], $0x80, v2, vm0, $0xb8;
	[tilespmem:$0x1E500] =	vst v63  }
0x568: {  	s20 =	simm.s32 $0x14500  }
0x569: {  	[tilespmem:s20], [sflag:$0x4] =	stream.indirect_vreg.gather [hbm4b:s29+s5], $0x80, v2, vm0, $0xb8;
	[tilespmem:$0x1E500] =	vst v63  }
0x56a: {  	s29 =	simm.s32 $0x14D00  }
0x56b: {  	[tilespmem:s29], [sflag:$0x4] =	stream.indirect_vreg.gather [hbm4b:s30+s5], $0x80, v2, vm0, $0xb8;
	[tilespmem:$0x1E500] =	vst v63  }
0x56c: {  	s30 =	simm.s32 $0x15500  }
0x56d: {  	[tilespmem:s30], [sflag:$0x4] =	stream.indirect_vreg.gather [hbm4b:s31+s5], $0x80, v2, vm0, $0xb8;
	[tilespmem:$0x1E500] =	vst v63  }
0x56e: {  	s20 =	simm.s32 $0x15D00  }
0x56f: {  	[tilespmem:s20], [sflag:$0x4] =	stream.indirect_vreg.gather [hbm4b:s2+s5], $0x80, v2, vm0, $0xb8;
	[tilespmem:$0x1E500] =	vst v63  }
0x570: {  	s29 =	simm.s32 $0x16500  }
0x571: {  	[tilespmem:s29], [sflag:$0x4] =	stream.indirect_vreg.gather [hbm4b:s24+s5], $0x80, v2, vm0, $0xb8;
	[tilespmem:$0x1E500] =	vst v63  }
0x572: {  	s30 =	simm.s32 $0x16D00  }
0x573: {  	[tilespmem:s30], [sflag:$0x4] =	stream.indirect_vreg.gather [hbm4b:s21+s5], $0x80, v2, vm0, $0xb8;
	[tilespmem:$0x1E500] =	vst v63  }
0x574: {  	s31 =	simm.s32 $0x17500  }
0x575: {  	[tilespmem:s31], [sflag:$0x4] =	stream.indirect_vreg.gather [hbm4b:s3+s5], $0x80, v2, vm0, $0xb8;
	[tilespmem:$0x1E500] =	vst v63  }
0x576: {  	s3 =	simm.s32 $0x17D00  }
0x577: {  	[tilespmem:s3], [sflag:$0x4] =	stream.indirect_vreg.gather [hbm4b:s1+s5], $0x80, v2, vm0, $0xb8;
	[tilespmem:$0x1E500] =	vst v63  }
0x578: {  	s20 =	simm.s32 $0x18500  }
0x579: {  	[tilespmem:s20], [sflag:$0x4] =	stream.indirect_vreg.gather [hbm4b:s0+s5], $0x80, v2, vm0, $0xb8;
	[tilespmem:$0x1E500] =	vst v63  }
0x57a: {  	s21 =	simm.s32 $0x18D00  }
0x57b: {  	[tilespmem:s21], [sflag:$0x4] =	stream.indirect_vreg.gather [hbm4b:s7+s5], $0x80, v2, vm0, $0xb8;
	[tilespmem:$0x1E500] =	vst v63  }
0x57c: {  	s24 =	simm.s32 $0x19500  }
0x57d: {  	[tilespmem:s24], [sflag:$0x4] =	stream.indirect_vreg.gather [hbm4b:s8+s5], $0x80, v2, vm0, $0xb8;
	[tilespmem:$0x1E500] =	vst v63  }
0x57e: {  	s26 =	simm.s32 $0x19D00  }
0x57f: {  	[tilespmem:s26], [sflag:$0x4] =	stream.indirect_vreg.gather [hbm4b:s9+s5], $0x80, v2, vm0, $0xb8;
	[tilespmem:$0x1E500] =	vst v63  }
0x580: {  	s29 =	simm.s32 $0x1A500  }
0x581: {  	[tilespmem:s29], [sflag:$0x4] =	stream.indirect_vreg.gather [hbm4b:s4+s5], $0x80, v2, vm0, $0xb8;
	[tilespmem:$0x1E500] =	vst v63  }
0x582: {  	s30 =	simm.s32 $0x1AD00  }
0x583: {  	[tilespmem:s30], [sflag:$0x4] =	stream.indirect_vreg.gather [hbm4b:s6+s5], $0x80, v2, vm0, $0xb8;
	[tilespmem:$0x1E500] =	vst v63  }
0x584: {  	s31 =	simm.s32 $0x1B500  }
0x585: {  	[tilespmem:s31], [sflag:$0x4] =	stream.indirect_vreg.gather [hbm4b:s22+s5], $0x80, v2, vm0, $0xb8;
	[tilespmem:$0x1E500] =	vst v63  }
0x586: {  	s1 =	simm.s32 $0x1BD00  }
0x587: {  	[tilespmem:s1], [sflag:$0x4] =	stream.indirect_vreg.gather [hbm4b:s12+s5], $0x80, v2, vm0, $0xb8;
	[tilespmem:$0x1E500] =	vst v63  }
0x588: {  	s2 =	simm.s32 $0x1C500  }
0x589: {  	[tilespmem:s2], [sflag:$0x4] =	stream.indirect_vreg.gather [hbm4b:s13+s5], $0x80, v2, vm0, $0xb8;
	[tilespmem:$0x1E500] =	vst v63  }
0x58a: {  	s3 =	simm.s32 $0x1CD00  }
0x58b: {  	[tilespmem:s3], [sflag:$0x4] =	stream.indirect_vreg.gather [hbm4b:s14+s5], $0x80, v2, vm0, $0xb8;
	[tilespmem:$0x1E500] =	vst v63  }
0x58c: {  	s4 =	simm.s32 $0x1D500  }
0x58d: {  	[tilespmem:s4], [sflag:$0x4] =	stream.indirect_vreg.gather [hbm4b:s15+s5], $0x80, v2, vm0, $0xb8;
	[tilespmem:$0x1E500] =	vst v63  }
0x58e: {  	s6 =	simm.s32 $0x1DD00  }
0x58f: {  	[tilespmem:s6], [sflag:$0x4] =	stream.indirect_vreg.gather [hbm4b:s16+s5], $0x80, v2, vm2, $0xb8;
	[tilespmem:$0x1E500] =	vst v63  }
0x590: {  	s7 =	rddreg [dreg:$0x16];
	s8 =	simm.s32 $0x5100  }
0x591: {  	[tilespmem:s8], [sflag:$0x5] =	stream.linear.gather [hbm4b:s7+s5], $0x800, $0x38;
	[tilespmem:$0x1E500] =	vst v63  }
0x592: {  	_ =	swait.ge [sflag:s10], $0x800  }
0x593: {  	[sflag:s10] =	ssyncset.done $0x0  }
0x594: {  	s9 =	rddreg [dreg:$0x18];
	[sflag:s10] =	ssyncadd.s32 $0xFFFFF800  }
0x595: {  	[hbm4b:s9+s5] =	stream.linear.scatter [tilespmem:s8], [sflag:$0x5], $0x800, $0x38;
	[tilespmem:$0x1E500] =	vst v63  }
0x596: {  	_ =	swait.ge [sflag:s10], $0x800  }
0x597: {  	s12 =	sld [smem:$0x776]  }
0x598: {  	[sflag:s10] =	ssyncset.done $0x0  }
0x599: {  	[sflag:s10] =	ssyncadd.s32 $0xFFFFF800  }
0x59a: {  	[tilespmem:s8], [sflag:$0x5] =	stream.linear.gather [hbm4b:s12+s5], $0x800, $0x38;
	[tilespmem:$0x1E500] =	vst v63  }
0x59b: {  	_ =	swait.ge [sflag:s10], $0x800  }
0x59c: {  	[sflag:s10] =	ssyncset.done $0x0  }
0x59d: {  	s13 =	rddreg [dreg:$0x19];
	[sflag:s10] =	ssyncadd.s32 $0xFFFFF800  }
0x59e: {  	[hbm4b:s13+s5] =	stream.linear.scatter [tilespmem:s8], [sflag:$0x5], $0x800, $0x38;
	[tilespmem:$0x1E500] =	vst v63  }
0x59f: {  	_ =	swait.ge [sflag:s10], $0x800  }
0x5a0: {  	[sflag:s10] =	ssyncset.done $0x0  }
0x5a1: {  	s3 =	simm.s32 $0x2;
	[sflag:s10] =	ssyncadd.s32 $0xFFFFF800  }
0x5a2: {  	_ =	swait.ge [sflag:s3], $0x4000  }
0x5a3: {  	[sflag:s3] =	ssyncset.done $0x0  }
0x5a4: {  	s15 =	sld [smem:$0x7EF];
	[sflag:s3] =	ssyncadd.s32 $0xFFFFC000  }
0x5a5: {  	s14 =	simm.s32 $0x100;
	s26 =	rddreg [dreg:$0x5]  }
0x5a6: {  	[tilespmem:s14], [sflag:$0x3] =	stream.linear.gather [spmem:s26], $0x80, $0x38;
	[tilespmem:$0x1E500] =	vst v63  }
0x5a7: {  	s0 =	simm.s32 $0x200;
	s16 =	sld [smem:$0x7F0]  }
0x5a8: {  	[tilespmem:s0], [sflag:$0x3] =	stream.linear.gather [spmem:s15], $0x80, $0x38;
	[tilespmem:$0x1E500] =	vst v63  }
0x5a9: {  	s20 =	simm.s32 $0x300;
	s21 =	sld [smem:$0x7F1]  }
0x5aa: {  	[tilespmem:s20], [sflag:$0x3] =	stream.linear.gather [spmem:s16], $0x80, $0x38;
	[tilespmem:$0x1E500] =	vst v63  }
0x5ab: {  	s22 =	simm.s32 $0x400;
	s24 =	sld [smem:$0x7F2]  }
0x5ac: {  	[tilespmem:s22], [sflag:$0x3] =	stream.linear.gather [spmem:s21], $0x80, $0x38;
	[tilespmem:$0x1E500] =	vst v63  }
0x5ad: {  	s29 =	simm.s32 $0x500;
	s30 =	sld [smem:$0x7F3]  }
0x5ae: {  	[tilespmem:s29], [sflag:$0x3] =	stream.linear.gather [spmem:s24], $0x80, $0x38;
	[tilespmem:$0x1E500] =	vst v63  }
0x5af: {  	s31 =	simm.s32 $0x600;
	s2 =	sld [smem:$0x7F4]  }
0x5b0: {  	[tilespmem:s31], [sflag:$0x3] =	stream.linear.gather [spmem:s30], $0x80, $0x38;
	[tilespmem:$0x1E500] =	vst v63  }
0x5b1: {  	s4 =	simm.s32 $0x700;
	s6 =	sld [smem:$0x7F5]  }
0x5b2: {  	[tilespmem:s4], [sflag:$0x3] =	stream.linear.gather [spmem:s2], $0x80, $0x38;
	[tilespmem:$0x1E500] =	vst v63  }
0x5b3: {  	s7 =	simm.s32 $0x800;
	s8 =	sld [smem:$0x7F6]  }
0x5b4: {  	[tilespmem:s7], [sflag:$0x3] =	stream.linear.gather [spmem:s6], $0x80, $0x38;
	[tilespmem:$0x1E500] =	vst v63  }
0x5b5: {  	s9 =	simm.s32 $0x900;
	s12 =	sld [smem:$0x7F7]  }
0x5b6: {  	[tilespmem:s9], [sflag:$0x3] =	stream.linear.gather [spmem:s8], $0x80, $0x38;
	[tilespmem:$0x1E500] =	vst v63  }
0x5b7: {  	s13 =	simm.s32 $0xA00;
	s14 =	sld [smem:$0x7F8]  }
0x5b8: {  	[tilespmem:s13], [sflag:$0x3] =	stream.linear.gather [spmem:s12], $0x80, $0x38;
	[tilespmem:$0x1E500] =	vst v63  }
0x5b9: {  	s15 =	simm.s32 $0xB00;
	s16 =	sld [smem:$0x7F9]  }
0x5ba: {  	[tilespmem:s15], [sflag:$0x3] =	stream.linear.gather [spmem:s14], $0x80, $0x38;
	[tilespmem:$0x1E500] =	vst v63  }
0x5bb: {  	s20 =	simm.s32 $0xC00;
	s21 =	sld [smem:$0x7FA]  }
0x5bc: {  	[tilespmem:s20], [sflag:$0x3] =	stream.linear.gather [spmem:s16], $0x80, $0x38;
	[tilespmem:$0x1E500] =	vst v63  }
0x5bd: {  	s22 =	simm.s32 $0xD00;
	s24 =	sld [smem:$0x7FB]  }
0x5be: {  	[tilespmem:s22], [sflag:$0x3] =	stream.linear.gather [spmem:s21], $0x80, $0x38;
	[tilespmem:$0x1E500] =	vst v63  }
0x5bf: {  	s29 =	simm.s32 $0xE00;
	s30 =	sld [smem:$0x7FC]  }
0x5c0: {  	[tilespmem:s29], [sflag:$0x3] =	stream.linear.gather [spmem:s24], $0x80, $0x38;
	[tilespmem:$0x1E500] =	vst v63  }
0x5c1: {  	s31 =	simm.s32 $0xF00;
	s2 =	sld [smem:$0x7FD]  }
0x5c2: {  	[tilespmem:s31], [sflag:$0x3] =	stream.linear.gather [spmem:s30], $0x80, $0x38;
	[tilespmem:$0x1E500] =	vst v63  }
0x5c3: {  	s4 =	simm.s32 $0x1000;
	s6 =	simm.s32 $0x1  }
0x5c4: {  	[tilespmem:s4], [sflag:$0x3] =	stream.linear.gather [spmem:s2], $0x80, $0x38;
	[tilespmem:$0x1E500] =	vst v63  }
0x5c5: {  	_ =	swait.ge [sflag:s6], $0xC300  }
0x5c6: {  	[sflag:s6] =	ssyncset.done $0x0  }
0x5c7: {  	s7 =	simm.s32 $0x4;
	[sflag:s6] =	ssyncadd.s32 $0xFFFF3D00  }
0x5c8: {  	_ =	swait.ge [sflag:s7], $0xC380  }
0x5c9: {  	[sflag:s7] =	ssyncset.done $0x0  }
0x5ca: {  	[sflag:s7] =	ssyncadd.s32 $0xFFFF3C80  }
0x5cb: {  	v2 =	vld [tilespmem:$0x5980]  }
0x5cc: {  	v3 =	vld [tilespmem:$0x5990];
	_ =	sdelay $0x3  }
0x5cd: {  	[tilespmem:$0x1E080] =	vst v2  }
0x5ce: {  	[tilespmem:$0x1E090] =	vst v3  }
0x5cf: {  	_ =	swait.ge [sflag:s23], $0x800  }
0x5d0: {  	s8 =	sld [smem:$0x768]  }
0x5d1: {  	[sflag:s23] =	ssyncset.done $0x0  }
0x5d2: {  	s9 =	simm.s32 $0x180;
	s12 =	sld [smem:$0x786];
	[sflag:s23] =	ssyncadd.s32 $0xFFFFF800  }
0x5d3: {  	[tilespmem:s9], [sflag:$0x3] =	stream.linear.gather [spmem:s8], $0x80, $0x38;
	[tilespmem:$0x1E500] =	vst v63  }
0x5d4: {  	s13 =	simm.s32 $0x280;
	s14 =	sld [smem:$0x787]  }
0x5d5: {  	[tilespmem:s13], [sflag:$0x3] =	stream.linear.gather [spmem:s12], $0x80, $0x38;
	[tilespmem:$0x1E500] =	vst v63  }
0x5d6: {  	s15 =	simm.s32 $0x380;
	s16 =	sld [smem:$0x788]  }
0x5d7: {  	[tilespmem:s15], [sflag:$0x3] =	stream.linear.gather [spmem:s14], $0x80, $0x38;
	[tilespmem:$0x1E500] =	vst v63  }
0x5d8: {  	s20 =	simm.s32 $0x480;
	s21 =	sld [smem:$0x789]  }
0x5d9: {  	[tilespmem:s20], [sflag:$0x3] =	stream.linear.gather [spmem:s16], $0x80, $0x38;
	[tilespmem:$0x1E500] =	vst v63  }
0x5da: {  	s22 =	simm.s32 $0x580;
	s24 =	sld [smem:$0x78A]  }
0x5db: {  	[tilespmem:s22], [sflag:$0x3] =	stream.linear.gather [spmem:s21], $0x80, $0x38;
	[tilespmem:$0x1E500] =	vst v63  }
0x5dc: {  	s29 =	simm.s32 $0x680;
	s30 =	sld [smem:$0x78B]  }
0x5dd: {  	[tilespmem:s29], [sflag:$0x3] =	stream.linear.gather [spmem:s24], $0x80, $0x38;
	[tilespmem:$0x1E500] =	vst v63  }
0x5de: {  	s31 =	simm.s32 $0x780;
	s2 =	sld [smem:$0x78C]  }
0x5df: {  	[tilespmem:s31], [sflag:$0x3] =	stream.linear.gather [spmem:s30], $0x80, $0x38;
	[tilespmem:$0x1E500] =	vst v63  }
0x5e0: {  	s4 =	simm.s32 $0x880;
	s6 =	sld [smem:$0x78D]  }
0x5e1: {  	[tilespmem:s4], [sflag:$0x3] =	stream.linear.gather [spmem:s2], $0x80, $0x38;
	[tilespmem:$0x1E500] =	vst v63  }
0x5e2: {  	s7 =	simm.s32 $0x980;
	s8 =	sld [smem:$0x78E]  }
0x5e3: {  	[tilespmem:s7], [sflag:$0x3] =	stream.linear.gather [spmem:s6], $0x80, $0x38;
	[tilespmem:$0x1E500] =	vst v63  }
0x5e4: {  	s9 =	simm.s32 $0xA80;
	s12 =	sld [smem:$0x78F]  }
0x5e5: {  	[tilespmem:s9], [sflag:$0x3] =	stream.linear.gather [spmem:s8], $0x80, $0x38;
	[tilespmem:$0x1E500] =	vst v63  }
0x5e6: {  	s13 =	simm.s32 $0xB80;
	s14 =	sld [smem:$0x790]  }
0x5e7: {  	[tilespmem:s13], [sflag:$0x3] =	stream.linear.gather [spmem:s12], $0x80, $0x38;
	[tilespmem:$0x1E500] =	vst v63  }
0x5e8: {  	s15 =	simm.s32 $0xC80;
	s16 =	sld [smem:$0x791]  }
0x5e9: {  	[tilespmem:s15], [sflag:$0x3] =	stream.linear.gather [spmem:s14], $0x80, $0x38;
	[tilespmem:$0x1E500] =	vst v63  }
0x5ea: {  	s20 =	simm.s32 $0xD80;
	s21 =	sld [smem:$0x792]  }
0x5eb: {  	[tilespmem:s20], [sflag:$0x3] =	stream.linear.gather [spmem:s16], $0x80, $0x38;
	[tilespmem:$0x1E500] =	vst v63  }
0x5ec: {  	s22 =	simm.s32 $0xE80;
	s24 =	sld [smem:$0x793]  }
0x5ed: {  	[tilespmem:s22], [sflag:$0x3] =	stream.linear.gather [spmem:s21], $0x80, $0x38;
	[tilespmem:$0x1E500] =	vst v63  }
0x5ee: {  	s29 =	simm.s32 $0xF80;
	s30 =	sld [smem:$0x794]  }
0x5ef: {  	[tilespmem:s29], [sflag:$0x3] =	stream.linear.gather [spmem:s24], $0x80, $0x38;
	[tilespmem:$0x1E500] =	vst v63  }
0x5f0: {  	s31 =	simm.s32 $0x1080  }
0x5f1: {  	[tilespmem:s31], [sflag:$0x3] =	stream.linear.gather [spmem:s30], $0x80, $0x38;
	[tilespmem:$0x1E500] =	vst v63  }
0x5f2: {  	v2 =	vld [tilespmem:s0+$0x70]  }
0x5f3: {  	v3 =	vld [tilespmem:s0+$0xFFFFFF10]  }
0x5f4: {  	v4 =	vld [tilespmem:s0+$0xFFFFFF20]  }
0x5f5: {  	v5 =	vld [tilespmem:s0+$0xFFFFFF30]  }
0x5f6: {  	v6 =	vld [tilespmem:s0+$0xFFFFFF40]  }
0x5f7: {  	v7 =	vld [tilespmem:s0+$0xFFFFFF50]  }
0x5f8: {  	v8 =	vld [tilespmem:s0+$0xFFFFFF60]  }
0x5f9: {  	v9 =	vld [tilespmem:s0+$0xFFFFFF70]  }
0x5fa: {  	v10 =	vld [tilespmem:s0+$0x0]  }
0x5fb: {  	v11 =	vld [tilespmem:s0+$0x10]  }
0x5fc: {  	v12 =	vld [tilespmem:s0+$0x20]  }
0x5fd: {  	v13 =	vld [tilespmem:s0+$0x30]  }
0x5fe: {  	v14 =	vld [tilespmem:s0+$0x40]  }
0x5ff: {  	v15 =	vld [tilespmem:s0+$0x50]  }
0x600: {  	v16 =	vld [tilespmem:s0+$0x60]  }
0x601: {  	v17 =	vld [tilespmem:s0+$0xFFFFFF00]  }
0x602: {  	v2 =	vld.idx.msk [tilespmem:v2+s11+$0x0], $0xffff  }
0x603: {  	v3 =	vld.idx.msk [tilespmem:v3+s11+$0x0], $0xffff  }
0x604: {  	v4 =	vld.idx.msk [tilespmem:v4+s11+$0x0], $0xffff  }
0x605: {  	v5 =	vld.idx.msk [tilespmem:v5+s11+$0x0], $0xffff  }
0x606: {  	v6 =	vld.idx.msk [tilespmem:v6+s11+$0x0], $0xffff  }
0x607: {  	s0 =	simm.s32 $0x1180;
	v7 =	vld.idx.msk [tilespmem:v7+s11+$0x0], $0xffff  }
0x608: {  	v8 =	vld.idx.msk [tilespmem:v8+s11+$0x0], $0xffff;
	[tilespmem:s0+$0x70] =	vst v2  }
0x609: {  	v9 =	vld.idx.msk [tilespmem:v9+s11+$0x0], $0xffff;
	[tilespmem:s0+$0xFFFFFF90] =	vst v3  }
0x60a: {  	v17 =	vld.idx.msk [tilespmem:v17+s11+$0x0], $0xffff;
	[tilespmem:s0+$0xFFFFFFA0] =	vst v4  }
0x60b: {  	v10 =	vld.idx.msk [tilespmem:v10+s11+$0x0], $0xffff;
	[tilespmem:s0+$0xFFFFFFB0] =	vst v5  }
0x60c: {  	[tilespmem:s0+$0xFFFFFFC0] =	vst v6;
	v2 =	vld.idx.msk [tilespmem:v11+s11+$0x0], $0xffff  }
0x60d: {  	[tilespmem:s0+$0xFFFFFFD0] =	vst v7;
	v3 =	vld.idx.msk [tilespmem:v12+s11+$0x0], $0xffff  }
0x60e: {  	[tilespmem:s0+$0xFFFFFFE0] =	vst v8;
	v4 =	vld.idx.msk [tilespmem:v13+s11+$0x0], $0xffff  }
0x60f: {  	[tilespmem:s0+$0xFFFFFFF0] =	vst v9;
	v5 =	vld.idx.msk [tilespmem:v14+s11+$0x0], $0xffff  }
0x610: {  	[tilespmem:s0+$0xFFFFFF80] =	vst v17;
	v6 =	vld.idx.msk [tilespmem:v15+s11+$0x0], $0xffff  }
0x611: {  	s1 =	simm.s32 $0x0;
	s2 =	simm.s32 $0x400;
	[tilespmem:s0+$0x0] =	vst v10;
	v7 =	vld.idx.msk [tilespmem:v16+s11+$0x0], $0xffff  }
.LBB2_18:
0x612: {  	v8 =	vld [tilespmem:s2+$0x70];
	s1 =	sadd.s32 $0x100, s1;
	[tilespmem:s0+$0x10] =	vst v2  }
0x613: {  	v2 =	vld [tilespmem:s2+$0xFFFFFF10];
	p1 =	slt.u32 s1, $0x700;
	[tilespmem:s0+$0x20] =	vst v3  }
0x614: {  	v3 =	vld [tilespmem:s2+$0xFFFFFF20];
	[tilespmem:s0+$0x30] =	vst v4  }
0x615: {  	v4 =	vld [tilespmem:s2+$0xFFFFFF30];
	[tilespmem:s0+$0x40] =	vst v5  }
0x616: {  	v5 =	vld [tilespmem:s2+$0xFFFFFF40];
	[tilespmem:s0+$0x50] =	vst v6  }
0x617: {  	v6 =	vld [tilespmem:s2+$0xFFFFFF50];
	[tilespmem:s0+$0x60] =	vst v7  }
0x618: {  	v7 =	vld [tilespmem:s2+$0xFFFFFF60]  }
0x619: {  	v9 =	vld [tilespmem:s2+$0xFFFFFF70]  }
0x61a: {  	v8 =	vld.idx.msk [tilespmem:v8+s11+$0x0], $0xffff  }
0x61b: {  	v10 =	vld [tilespmem:s2+$0x0]  }
0x61c: {  	v11 =	vld [tilespmem:s2+$0x10]  }
0x61d: {  	v12 =	vld [tilespmem:s2+$0x20]  }
0x61e: {  	v13 =	vld [tilespmem:s2+$0x30]  }
0x61f: {  	s0 =	sadd.s32 $0x100, s0;
	v14 =	vld [tilespmem:s2+$0x40]  }
0x620: {  	v15 =	vld [tilespmem:s2+$0x50];
	[tilespmem:s0+$0x70] =	vst v8  }
0x621: {  	v8 =	vld [tilespmem:s2+$0x60]  }
0x622: {  	v16 =	vld [tilespmem:s2+$0xFFFFFF00]  }
0x623: {  	v2 =	vld.idx.msk [tilespmem:v2+s11+$0x0], $0xffff  }
0x624: {  	v3 =	vld.idx.msk [tilespmem:v3+s11+$0x0], $0xffff  }
0x625: {  	v4 =	vld.idx.msk [tilespmem:v4+s11+$0x0], $0xffff  }
0x626: {  	v5 =	vld.idx.msk [tilespmem:v5+s11+$0x0], $0xffff  }
0x627: {  	v6 =	vld.idx.msk [tilespmem:v6+s11+$0x0], $0xffff  }
0x628: {  	v7 =	vld.idx.msk [tilespmem:v7+s11+$0x0], $0xffff  }
0x629: {  	[tilespmem:s0+$0xFFFFFF90] =	vst v2;
	v9 =	vld.idx.msk [tilespmem:v9+s11+$0x0], $0xffff  }
0x62a: {  	v16 =	vld.idx.msk [tilespmem:v16+s11+$0x0], $0xffff;
	[tilespmem:s0+$0xFFFFFFA0] =	vst v3  }
0x62b: {  	[tilespmem:s0+$0xFFFFFFB0] =	vst v4;
	v10 =	vld.idx.msk [tilespmem:v10+s11+$0x0], $0xffff  }
0x62c: {  	[tilespmem:s0+$0xFFFFFFC0] =	vst v5;
	v2 =	vld.idx.msk [tilespmem:v11+s11+$0x0], $0xffff  }
.Ltmp8:
0x62d: {  	[tilespmem:s0+$0xFFFFFFD0] =	vst v6;
	v3 =	vld.idx.msk [tilespmem:v12+s11+$0x0], $0xffff;
	(pc) =	sbr.rel @p1 .LBB2_18-.Ltmp8, $4  }
0x62e: {  	[tilespmem:s0+$0xFFFFFFE0] =	vst v7;
	v4 =	vld.idx.msk [tilespmem:v13+s11+$0x0], $0xffff  }
0x62f: {  	[tilespmem:s0+$0xFFFFFFF0] =	vst v9;
	v5 =	vld.idx.msk [tilespmem:v14+s11+$0x0], $0xffff  }
0x630: {  	[tilespmem:s0+$0xFFFFFF80] =	vst v16;
	v6 =	vld.idx.msk [tilespmem:v15+s11+$0x0], $0xffff  }
0x631: {  	s2 =	sadd.s32 $0x200, s2;
	[tilespmem:s0+$0x0] =	vst v10;
	v7 =	vld.idx.msk [tilespmem:v8+s11+$0x0], $0xffff  }
0x632: {  	[tilespmem:s0+$0x10] =	vst v2  }
0x633: {  	[tilespmem:s0+$0x20] =	vst v3  }
0x634: {  	[tilespmem:s0+$0x30] =	vst v4  }
0x635: {  	[tilespmem:s0+$0x40] =	vst v5  }
0x636: {  	[tilespmem:s0+$0x50] =	vst v6  }
0x637: {  	[tilespmem:s0+$0x60] =	vst v7  }
0x638: {  	_ =	swait.ge [sflag:s23], $0x800  }
0x639: {  	s12 =	sld [smem:$0x769]  }
0x63a: {  	[sflag:s23] =	ssyncset.done $0x0  }
0x63b: {  	s1 =	simm.s32 $0x100;
	s13 =	sld [smem:$0x795];
	[sflag:s23] =	ssyncadd.s32 $0xFFFFF800  }
0x63c: {  	[tilespmem:s1], [sflag:$0x3] =	stream.linear.gather [spmem:s12], $0x80, $0x38;
	[tilespmem:$0x1E500] =	vst v63  }
0x63d: {  	s14 =	sld [smem:$0x796]  }
0x63e: {  	[tilespmem:s17], [sflag:$0x3] =	stream.linear.gather [spmem:s13], $0x80, $0x38;
	[tilespmem:$0x1E500] =	vst v63  }
0x63f: {  	s15 =	simm.s32 $0x300;
	s16 =	sld [smem:$0x797]  }
0x640: {  	[tilespmem:s15], [sflag:$0x3] =	stream.linear.gather [spmem:s14], $0x80, $0x38;
	[tilespmem:$0x1E500] =	vst v63  }
0x641: {  	s20 =	simm.s32 $0x400;
	s21 =	sld [smem:$0x798]  }
0x642: {  	[tilespmem:s20], [sflag:$0x3] =	stream.linear.gather [spmem:s16], $0x80, $0x38;
	[tilespmem:$0x1E500] =	vst v63  }
0x643: {  	s22 =	simm.s32 $0x500;
	s24 =	sld [smem:$0x799]  }
0x644: {  	[tilespmem:s22], [sflag:$0x3] =	stream.linear.gather [spmem:s21], $0x80, $0x38;
	[tilespmem:$0x1E500] =	vst v63  }
0x645: {  	s29 =	simm.s32 $0x600;
	s30 =	sld [smem:$0x79A]  }
0x646: {  	[tilespmem:s29], [sflag:$0x3] =	stream.linear.gather [spmem:s24], $0x80, $0x38;
	[tilespmem:$0x1E500] =	vst v63  }
0x647: {  	s31 =	simm.s32 $0x700;
	s1 =	sld [smem:$0x79B]  }
0x648: {  	[tilespmem:s31], [sflag:$0x3] =	stream.linear.gather [spmem:s30], $0x80, $0x38;
	[tilespmem:$0x1E500] =	vst v63  }
0x649: {  	s2 =	simm.s32 $0x800;
	s4 =	sld [smem:$0x79C]  }
0x64a: {  	[tilespmem:s2], [sflag:$0x3] =	stream.linear.gather [spmem:s1], $0x80, $0x38;
	[tilespmem:$0x1E500] =	vst v63  }
0x64b: {  	s6 =	simm.s32 $0x900;
	s7 =	sld [smem:$0x79D]  }
0x64c: {  	[tilespmem:s6], [sflag:$0x3] =	stream.linear.gather [spmem:s4], $0x80, $0x38;
	[tilespmem:$0x1E500] =	vst v63  }
0x64d: {  	s8 =	simm.s32 $0xA00;
	s9 =	sld [smem:$0x79E]  }
0x64e: {  	[tilespmem:s8], [sflag:$0x3] =	stream.linear.gather [spmem:s7], $0x80, $0x38;
	[tilespmem:$0x1E500] =	vst v63  }
0x64f: {  	s12 =	simm.s32 $0xB00;
	s13 =	sld [smem:$0x79F]  }
0x650: {  	[tilespmem:s12], [sflag:$0x3] =	stream.linear.gather [spmem:s9], $0x80, $0x38;
	[tilespmem:$0x1E500] =	vst v63  }
0x651: {  	s14 =	simm.s32 $0xC00;
	s15 =	sld [smem:$0x7A0]  }
0x652: {  	[tilespmem:s14], [sflag:$0x3] =	stream.linear.gather [spmem:s13], $0x80, $0x38;
	[tilespmem:$0x1E500] =	vst v63  }
0x653: {  	s16 =	simm.s32 $0xD00;
	s20 =	sld [smem:$0x7A1]  }
0x654: {  	[tilespmem:s16], [sflag:$0x3] =	stream.linear.gather [spmem:s15], $0x80, $0x38;
	[tilespmem:$0x1E500] =	vst v63  }
0x655: {  	s21 =	simm.s32 $0xE00;
	s22 =	sld [smem:$0x7A2]  }
0x656: {  	[tilespmem:s21], [sflag:$0x3] =	stream.linear.gather [spmem:s20], $0x80, $0x38;
	[tilespmem:$0x1E500] =	vst v63  }
0x657: {  	s24 =	simm.s32 $0xF00;
	s29 =	sld [smem:$0x7A3]  }
0x658: {  	[tilespmem:s24], [sflag:$0x3] =	stream.linear.gather [spmem:s22], $0x80, $0x38;
	[tilespmem:$0x1E500] =	vst v63  }
0x659: {  	s30 =	simm.s32 $0x1000;
	s31 =	simm.s32 $0x280  }
0x65a: {  	[tilespmem:s30], [sflag:$0x3] =	stream.linear.gather [spmem:s29], $0x80, $0x38;
	[tilespmem:$0x1E500] =	vst v63  }
0x65b: {  	v2 =	vld [tilespmem:s31+$0x70]  }
0x65c: {  	v3 =	vld [tilespmem:s31+$0xFFFFFF10]  }
0x65d: {  	v4 =	vld [tilespmem:s31+$0xFFFFFF20]  }
0x65e: {  	v5 =	vld [tilespmem:s31+$0xFFFFFF30]  }
0x65f: {  	v6 =	vld [tilespmem:s31+$0xFFFFFF40]  }
0x660: {  	v7 =	vld [tilespmem:s31+$0xFFFFFF50]  }
0x661: {  	v8 =	vld [tilespmem:s31+$0xFFFFFF60]  }
0x662: {  	v9 =	vld [tilespmem:s31+$0xFFFFFF70]  }
0x663: {  	v10 =	vld [tilespmem:s31+$0x0]  }
0x664: {  	v11 =	vld [tilespmem:s31+$0x10]  }
0x665: {  	v12 =	vld [tilespmem:s31+$0x20]  }
0x666: {  	v13 =	vld [tilespmem:s31+$0x30]  }
0x667: {  	v14 =	vld [tilespmem:s31+$0x40]  }
0x668: {  	v15 =	vld [tilespmem:s31+$0x50]  }
0x669: {  	v16 =	vld [tilespmem:s31+$0x60]  }
0x66a: {  	v17 =	vld [tilespmem:s31+$0xFFFFFF00]  }
0x66b: {  	v2 =	vld.idx.msk [tilespmem:v2+s11+$0x0], $0xffff  }
0x66c: {  	v3 =	vld.idx.msk [tilespmem:v3+s11+$0x0], $0xffff  }
0x66d: {  	v4 =	vld.idx.msk [tilespmem:v4+s11+$0x0], $0xffff  }
0x66e: {  	v5 =	vld.idx.msk [tilespmem:v5+s11+$0x0], $0xffff  }
0x66f: {  	v6 =	vld.idx.msk [tilespmem:v6+s11+$0x0], $0xffff  }
0x670: {  	s0 =	simm.s32 $0x19F0;
	v7 =	vld.idx.msk [tilespmem:v7+s11+$0x0], $0xffff  }
0x671: {  	v8 =	vld.idx.msk [tilespmem:v8+s11+$0x0], $0xffff;
	[tilespmem:s0+$0x0] =	vst v2  }
0x672: {  	v9 =	vld.idx.msk [tilespmem:v9+s11+$0x0], $0xffff;
	[tilespmem:s0+$0xFFFFFF20] =	vst v3  }
0x673: {  	v17 =	vld.idx.msk [tilespmem:v17+s11+$0x0], $0xffff;
	[tilespmem:s0+$0xFFFFFF30] =	vst v4  }
0x674: {  	v10 =	vld.idx.msk [tilespmem:v10+s11+$0x0], $0xffff;
	[tilespmem:s0+$0xFFFFFF40] =	vst v5  }
0x675: {  	[tilespmem:s0+$0xFFFFFF50] =	vst v6;
	v2 =	vld.idx.msk [tilespmem:v11+s11+$0x0], $0xffff  }
0x676: {  	[tilespmem:s0+$0xFFFFFF60] =	vst v7;
	v3 =	vld.idx.msk [tilespmem:v12+s11+$0x0], $0xffff  }
0x677: {  	[tilespmem:s0+$0xFFFFFF70] =	vst v8;
	v4 =	vld.idx.msk [tilespmem:v13+s11+$0x0], $0xffff  }
0x678: {  	[tilespmem:s0+$0xFFFFFF80] =	vst v9;
	v5 =	vld.idx.msk [tilespmem:v14+s11+$0x0], $0xffff  }
0x679: {  	[tilespmem:s0+$0xFFFFFF10] =	vst v17;
	v6 =	vld.idx.msk [tilespmem:v15+s11+$0x0], $0xffff  }
0x67a: {  	s1 =	simm.s32 $0x0;
	s2 =	simm.s32 $0x480;
	[tilespmem:s0+$0xFFFFFF90] =	vst v10;
	v7 =	vld.idx.msk [tilespmem:v16+s11+$0x0], $0xffff  }
.LBB2_20:
0x67b: {  	v8 =	vld [tilespmem:s2+$0x70];
	s1 =	sadd.s32 $0x100, s1;
	[tilespmem:s0+$0xFFFFFFA0] =	vst v2  }
0x67c: {  	v2 =	vld [tilespmem:s2+$0xFFFFFF10];
	p1 =	slt.u32 s1, $0x700;
	[tilespmem:s0+$0xFFFFFFB0] =	vst v3  }
0x67d: {  	v3 =	vld [tilespmem:s2+$0xFFFFFF20];
	[tilespmem:s0+$0xFFFFFFC0] =	vst v4  }
0x67e: {  	v4 =	vld [tilespmem:s2+$0xFFFFFF30];
	[tilespmem:s0+$0xFFFFFFD0] =	vst v5  }
0x67f: {  	v5 =	vld [tilespmem:s2+$0xFFFFFF40];
	[tilespmem:s0+$0xFFFFFFE0] =	vst v6  }
0x680: {  	v6 =	vld [tilespmem:s2+$0xFFFFFF50];
	[tilespmem:s0+$0xFFFFFFF0] =	vst v7  }
0x681: {  	v7 =	vld [tilespmem:s2+$0xFFFFFF60]  }
0x682: {  	v9 =	vld [tilespmem:s2+$0xFFFFFF70]  }
0x683: {  	v8 =	vld.idx.msk [tilespmem:v8+s11+$0x0], $0xffff  }
0x684: {  	v10 =	vld [tilespmem:s2+$0x0]  }
0x685: {  	v11 =	vld [tilespmem:s2+$0x10]  }
0x686: {  	v12 =	vld [tilespmem:s2+$0x20]  }
0x687: {  	v13 =	vld [tilespmem:s2+$0x30]  }
0x688: {  	s0 =	sadd.s32 $0x100, s0;
	v14 =	vld [tilespmem:s2+$0x40]  }
0x689: {  	v15 =	vld [tilespmem:s2+$0x50];
	[tilespmem:s0+$0x0] =	vst v8  }
0x68a: {  	v8 =	vld [tilespmem:s2+$0x60]  }
0x68b: {  	v16 =	vld [tilespmem:s2+$0xFFFFFF00]  }
0x68c: {  	v2 =	vld.idx.msk [tilespmem:v2+s11+$0x0], $0xffff  }
0x68d: {  	v3 =	vld.idx.msk [tilespmem:v3+s11+$0x0], $0xffff  }
0x68e: {  	v4 =	vld.idx.msk [tilespmem:v4+s11+$0x0], $0xffff  }
0x68f: {  	v5 =	vld.idx.msk [tilespmem:v5+s11+$0x0], $0xffff  }
0x690: {  	v6 =	vld.idx.msk [tilespmem:v6+s11+$0x0], $0xffff  }
0x691: {  	v7 =	vld.idx.msk [tilespmem:v7+s11+$0x0], $0xffff  }
0x692: {  	[tilespmem:s0+$0xFFFFFF20] =	vst v2;
	v9 =	vld.idx.msk [tilespmem:v9+s11+$0x0], $0xffff  }
0x693: {  	v16 =	vld.idx.msk [tilespmem:v16+s11+$0x0], $0xffff;
	[tilespmem:s0+$0xFFFFFF30] =	vst v3  }
0x694: {  	[tilespmem:s0+$0xFFFFFF40] =	vst v4;
	v10 =	vld.idx.msk [tilespmem:v10+s11+$0x0], $0xffff  }
0x695: {  	[tilespmem:s0+$0xFFFFFF50] =	vst v5;
	v2 =	vld.idx.msk [tilespmem:v11+s11+$0x0], $0xffff  }
.Ltmp9:
0x696: {  	[tilespmem:s0+$0xFFFFFF60] =	vst v6;
	v3 =	vld.idx.msk [tilespmem:v12+s11+$0x0], $0xffff;
	(pc) =	sbr.rel @p1 .LBB2_20-.Ltmp9, $4  }
0x697: {  	[tilespmem:s0+$0xFFFFFF70] =	vst v7;
	v4 =	vld.idx.msk [tilespmem:v13+s11+$0x0], $0xffff  }
0x698: {  	[tilespmem:s0+$0xFFFFFF80] =	vst v9;
	v5 =	vld.idx.msk [tilespmem:v14+s11+$0x0], $0xffff  }
0x699: {  	[tilespmem:s0+$0xFFFFFF10] =	vst v16;
	v6 =	vld.idx.msk [tilespmem:v15+s11+$0x0], $0xffff  }
0x69a: {  	s2 =	sadd.s32 $0x200, s2;
	[tilespmem:s0+$0xFFFFFF90] =	vst v10;
	v7 =	vld.idx.msk [tilespmem:v8+s11+$0x0], $0xffff  }
0x69b: {  	[tilespmem:s0+$0xFFFFFFA0] =	vst v2  }
0x69c: {  	[tilespmem:s0+$0xFFFFFFB0] =	vst v3  }
0x69d: {  	[tilespmem:s0+$0xFFFFFFC0] =	vst v4  }
0x69e: {  	[tilespmem:s0+$0xFFFFFFD0] =	vst v5  }
0x69f: {  	[tilespmem:s0+$0xFFFFFFE0] =	vst v6  }
0x6a0: {  	[tilespmem:s0+$0xFFFFFFF0] =	vst v7  }
0x6a1: {  	_ =	swait.ge [sflag:s23], $0x800  }
0x6a2: {  	s9 =	sld [smem:$0x76A]  }
0x6a3: {  	[sflag:s23] =	ssyncset.done $0x0  }
0x6a4: {  	s1 =	simm.s32 $0x180;
	s12 =	sld [smem:$0x7A4];
	[sflag:s23] =	ssyncadd.s32 $0xFFFFF800  }
0x6a5: {  	[tilespmem:s1], [sflag:$0x3] =	stream.linear.gather [spmem:s9], $0x80, $0x38;
	[tilespmem:$0x1E500] =	vst v63  }
0x6a6: {  	s13 =	simm.s32 $0x280;
	s14 =	sld [smem:$0x7A5]  }
0x6a7: {  	[tilespmem:s13], [sflag:$0x3] =	stream.linear.gather [spmem:s12], $0x80, $0x38;
	[tilespmem:$0x1E500] =	vst v63  }
0x6a8: {  	s15 =	simm.s32 $0x380;
	s16 =	sld [smem:$0x7A6]  }
0x6a9: {  	[tilespmem:s15], [sflag:$0x3] =	stream.linear.gather [spmem:s14], $0x80, $0x38;
	[tilespmem:$0x1E500] =	vst v63  }
0x6aa: {  	s20 =	simm.s32 $0x480;
	s21 =	sld [smem:$0x7A7]  }
0x6ab: {  	[tilespmem:s20], [sflag:$0x3] =	stream.linear.gather [spmem:s16], $0x80, $0x38;
	[tilespmem:$0x1E500] =	vst v63  }
0x6ac: {  	s22 =	simm.s32 $0x580;
	s24 =	sld [smem:$0x7A8]  }
0x6ad: {  	[tilespmem:s22], [sflag:$0x3] =	stream.linear.gather [spmem:s21], $0x80, $0x38;
	[tilespmem:$0x1E500] =	vst v63  }
0x6ae: {  	s29 =	simm.s32 $0x680;
	s30 =	sld [smem:$0x7A9]  }
0x6af: {  	[tilespmem:s29], [sflag:$0x3] =	stream.linear.gather [spmem:s24], $0x80, $0x38;
	[tilespmem:$0x1E500] =	vst v63  }
0x6b0: {  	s31 =	simm.s32 $0x780;
	s1 =	sld [smem:$0x7AA]  }
0x6b1: {  	[tilespmem:s31], [sflag:$0x3] =	stream.linear.gather [spmem:s30], $0x80, $0x38;
	[tilespmem:$0x1E500] =	vst v63  }
0x6b2: {  	s2 =	simm.s32 $0x880;
	s4 =	sld [smem:$0x7AB]  }
0x6b3: {  	[tilespmem:s2], [sflag:$0x3] =	stream.linear.gather [spmem:s1], $0x80, $0x38;
	[tilespmem:$0x1E500] =	vst v63  }
0x6b4: {  	s6 =	simm.s32 $0x980;
	s7 =	sld [smem:$0x7AC]  }
0x6b5: {  	[tilespmem:s6], [sflag:$0x3] =	stream.linear.gather [spmem:s4], $0x80, $0x38;
	[tilespmem:$0x1E500] =	vst v63  }
0x6b6: {  	s8 =	simm.s32 $0xA80;
	s9 =	sld [smem:$0x7AD]  }
0x6b7: {  	[tilespmem:s8], [sflag:$0x3] =	stream.linear.gather [spmem:s7], $0x80, $0x38;
	[tilespmem:$0x1E500] =	vst v63  }
0x6b8: {  	s12 =	simm.s32 $0xB80;
	s13 =	sld [smem:$0x7AE]  }
0x6b9: {  	[tilespmem:s12], [sflag:$0x3] =	stream.linear.gather [spmem:s9], $0x80, $0x38;
	[tilespmem:$0x1E500] =	vst v63  }
0x6ba: {  	s14 =	simm.s32 $0xC80;
	s15 =	sld [smem:$0x7AF]  }
0x6bb: {  	[tilespmem:s14], [sflag:$0x3] =	stream.linear.gather [spmem:s13], $0x80, $0x38;
	[tilespmem:$0x1E500] =	vst v63  }
0x6bc: {  	s16 =	simm.s32 $0xD80;
	s20 =	sld [smem:$0x7B0]  }
0x6bd: {  	[tilespmem:s16], [sflag:$0x3] =	stream.linear.gather [spmem:s15], $0x80, $0x38;
	[tilespmem:$0x1E500] =	vst v63  }
0x6be: {  	s21 =	simm.s32 $0xE80;
	s22 =	sld [smem:$0x7B1]  }
0x6bf: {  	[tilespmem:s21], [sflag:$0x3] =	stream.linear.gather [spmem:s20], $0x80, $0x38;
	[tilespmem:$0x1E500] =	vst v63  }
0x6c0: {  	s24 =	simm.s32 $0xF80;
	s29 =	sld [smem:$0x7B2]  }
0x6c1: {  	[tilespmem:s24], [sflag:$0x3] =	stream.linear.gather [spmem:s22], $0x80, $0x38;
	[tilespmem:$0x1E500] =	vst v63  }
0x6c2: {  	s30 =	simm.s32 $0x1080;
	s31 =	simm.s32 $0x200  }
0x6c3: {  	[tilespmem:s30], [sflag:$0x3] =	stream.linear.gather [spmem:s29], $0x80, $0x38;
	[tilespmem:$0x1E500] =	vst v63  }
0x6c4: {  	v2 =	vld [tilespmem:s31+$0x70]  }
0x6c5: {  	v3 =	vld [tilespmem:s31+$0xFFFFFF10]  }
0x6c6: {  	v4 =	vld [tilespmem:s31+$0xFFFFFF20]  }
0x6c7: {  	v5 =	vld [tilespmem:s31+$0xFFFFFF30]  }
0x6c8: {  	v6 =	vld [tilespmem:s31+$0xFFFFFF40]  }
0x6c9: {  	v7 =	vld [tilespmem:s31+$0xFFFFFF50]  }
0x6ca: {  	v8 =	vld [tilespmem:s31+$0xFFFFFF60]  }
0x6cb: {  	v9 =	vld [tilespmem:s31+$0xFFFFFF70]  }
0x6cc: {  	v10 =	vld [tilespmem:s31+$0x0]  }
0x6cd: {  	v11 =	vld [tilespmem:s31+$0x10]  }
0x6ce: {  	v12 =	vld [tilespmem:s31+$0x20]  }
0x6cf: {  	v13 =	vld [tilespmem:s31+$0x30]  }
0x6d0: {  	v14 =	vld [tilespmem:s31+$0x40]  }
0x6d1: {  	v15 =	vld [tilespmem:s31+$0x50]  }
0x6d2: {  	v16 =	vld [tilespmem:s31+$0x60]  }
0x6d3: {  	v17 =	vld [tilespmem:s31+$0xFFFFFF00]  }
0x6d4: {  	v2 =	vld.idx.msk [tilespmem:v2+s11+$0x0], $0xffff  }
0x6d5: {  	v3 =	vld.idx.msk [tilespmem:v3+s11+$0x0], $0xffff  }
0x6d6: {  	v4 =	vld.idx.msk [tilespmem:v4+s11+$0x0], $0xffff  }
0x6d7: {  	v5 =	vld.idx.msk [tilespmem:v5+s11+$0x0], $0xffff  }
0x6d8: {  	v6 =	vld.idx.msk [tilespmem:v6+s11+$0x0], $0xffff  }
0x6d9: {  	s0 =	simm.s32 $0x21F0;
	v7 =	vld.idx.msk [tilespmem:v7+s11+$0x0], $0xffff  }
0x6da: {  	v8 =	vld.idx.msk [tilespmem:v8+s11+$0x0], $0xffff;
	[tilespmem:s0+$0x0] =	vst v2  }
0x6db: {  	v9 =	vld.idx.msk [tilespmem:v9+s11+$0x0], $0xffff;
	[tilespmem:s0+$0xFFFFFF20] =	vst v3  }
0x6dc: {  	v17 =	vld.idx.msk [tilespmem:v17+s11+$0x0], $0xffff;
	[tilespmem:s0+$0xFFFFFF30] =	vst v4  }
0x6dd: {  	v10 =	vld.idx.msk [tilespmem:v10+s11+$0x0], $0xffff;
	[tilespmem:s0+$0xFFFFFF40] =	vst v5  }
0x6de: {  	[tilespmem:s0+$0xFFFFFF50] =	vst v6;
	v2 =	vld.idx.msk [tilespmem:v11+s11+$0x0], $0xffff  }
0x6df: {  	[tilespmem:s0+$0xFFFFFF60] =	vst v7;
	v3 =	vld.idx.msk [tilespmem:v12+s11+$0x0], $0xffff  }
0x6e0: {  	s1 =	simm.s32 $0x0;
	s2 =	simm.s32 $0x400;
	[tilespmem:s0+$0xFFFFFF70] =	vst v8;
	v4 =	vld.idx.msk [tilespmem:v13+s11+$0x0], $0xffff  }
0x6e1: {  	s4 =	simm.s32 $0x8A00;
	s6 =	simm.s32 $0x9A00;
	s7 =	simm.s32 $0xAA00;
	[tilespmem:s0+$0xFFFFFF80] =	vst v9;
	v5 =	vld.idx.msk [tilespmem:v14+s11+$0x0], $0xffff  }
0x6e2: {  	s8 =	simm.s32 $0xBA00;
	s9 =	simm.s32 $0xCA00;
	s12 =	simm.s32 $0xDA00;
	[tilespmem:s0+$0xFFFFFF10] =	vst v17;
	v6 =	vld.idx.msk [tilespmem:v15+s11+$0x0], $0xffff  }
0x6e3: {  	s13 =	simm.s32 $0xEA00;
	s14 =	simm.s32 $0xFA00;
	s15 =	simm.s32 $0x10A00;
	[tilespmem:s0+$0xFFFFFF90] =	vst v10;
	v7 =	vld.idx.msk [tilespmem:v16+s11+$0x0], $0xffff  }
.LBB2_22:
0x6e4: {  	v8 =	vld [tilespmem:s2+$0x70];
	s1 =	sadd.s32 $0x100, s1;
	[tilespmem:s0+$0xFFFFFFA0] =	vst v2  }
0x6e5: {  	v2 =	vld [tilespmem:s2+$0xFFFFFF10];
	p1 =	slt.u32 s1, $0x700;
	[tilespmem:s0+$0xFFFFFFB0] =	vst v3  }
0x6e6: {  	v3 =	vld [tilespmem:s2+$0xFFFFFF20];
	[tilespmem:s0+$0xFFFFFFC0] =	vst v4  }
0x6e7: {  	v4 =	vld [tilespmem:s2+$0xFFFFFF30];
	[tilespmem:s0+$0xFFFFFFD0] =	vst v5  }
0x6e8: {  	v5 =	vld [tilespmem:s2+$0xFFFFFF40];
	[tilespmem:s0+$0xFFFFFFE0] =	vst v6  }
0x6e9: {  	v6 =	vld [tilespmem:s2+$0xFFFFFF50];
	[tilespmem:s0+$0xFFFFFFF0] =	vst v7  }
0x6ea: {  	v7 =	vld [tilespmem:s2+$0xFFFFFF60]  }
0x6eb: {  	v9 =	vld [tilespmem:s2+$0xFFFFFF70]  }
0x6ec: {  	v8 =	vld.idx.msk [tilespmem:v8+s11+$0x0], $0xffff  }
0x6ed: {  	v10 =	vld [tilespmem:s2+$0x0]  }
0x6ee: {  	v11 =	vld [tilespmem:s2+$0x10]  }
0x6ef: {  	v12 =	vld [tilespmem:s2+$0x20]  }
0x6f0: {  	v13 =	vld [tilespmem:s2+$0x30]  }
0x6f1: {  	s0 =	sadd.s32 $0x100, s0;
	v14 =	vld [tilespmem:s2+$0x40]  }
0x6f2: {  	v15 =	vld [tilespmem:s2+$0x50];
	[tilespmem:s0+$0x0] =	vst v8  }
0x6f3: {  	v8 =	vld [tilespmem:s2+$0x60]  }
0x6f4: {  	v16 =	vld [tilespmem:s2+$0xFFFFFF00]  }
0x6f5: {  	v2 =	vld.idx.msk [tilespmem:v2+s11+$0x0], $0xffff  }
0x6f6: {  	v3 =	vld.idx.msk [tilespmem:v3+s11+$0x0], $0xffff  }
0x6f7: {  	v4 =	vld.idx.msk [tilespmem:v4+s11+$0x0], $0xffff  }
0x6f8: {  	v5 =	vld.idx.msk [tilespmem:v5+s11+$0x0], $0xffff  }
0x6f9: {  	v6 =	vld.idx.msk [tilespmem:v6+s11+$0x0], $0xffff  }
0x6fa: {  	v7 =	vld.idx.msk [tilespmem:v7+s11+$0x0], $0xffff  }
0x6fb: {  	[tilespmem:s0+$0xFFFFFF20] =	vst v2;
	v9 =	vld.idx.msk [tilespmem:v9+s11+$0x0], $0xffff  }
0x6fc: {  	v16 =	vld.idx.msk [tilespmem:v16+s11+$0x0], $0xffff;
	[tilespmem:s0+$0xFFFFFF30] =	vst v3  }
0x6fd: {  	[tilespmem:s0+$0xFFFFFF40] =	vst v4;
	v10 =	vld.idx.msk [tilespmem:v10+s11+$0x0], $0xffff  }
0x6fe: {  	[tilespmem:s0+$0xFFFFFF50] =	vst v5;
	v2 =	vld.idx.msk [tilespmem:v11+s11+$0x0], $0xffff  }
.Ltmp10:
0x6ff: {  	[tilespmem:s0+$0xFFFFFF60] =	vst v6;
	v3 =	vld.idx.msk [tilespmem:v12+s11+$0x0], $0xffff;
	(pc) =	sbr.rel @p1 .LBB2_22-.Ltmp10, $4  }
0x700: {  	[tilespmem:s0+$0xFFFFFF70] =	vst v7;
	v4 =	vld.idx.msk [tilespmem:v13+s11+$0x0], $0xffff  }
0x701: {  	[tilespmem:s0+$0xFFFFFF80] =	vst v9;
	v5 =	vld.idx.msk [tilespmem:v14+s11+$0x0], $0xffff  }
0x702: {  	[tilespmem:s0+$0xFFFFFF10] =	vst v16;
	v6 =	vld.idx.msk [tilespmem:v15+s11+$0x0], $0xffff  }
0x703: {  	s2 =	sadd.s32 $0x200, s2;
	[tilespmem:s0+$0xFFFFFF90] =	vst v10;
	v7 =	vld.idx.msk [tilespmem:v8+s11+$0x0], $0xffff  }
0x704: {  	[tilespmem:s0+$0xFFFFFFA0] =	vst v2  }
0x705: {  	[tilespmem:s0+$0xFFFFFFB0] =	vst v3  }
0x706: {  	[tilespmem:s0+$0xFFFFFFC0] =	vst v4  }
0x707: {  	[tilespmem:s0+$0xFFFFFFD0] =	vst v5  }
0x708: {  	[tilespmem:s0+$0xFFFFFFE0] =	vst v6  }
0x709: {  	[tilespmem:s0+$0xFFFFFFF0] =	vst v7  }
0x70a: {  	_ =	swait.ge [sflag:s23], $0x800  }
0x70b: {  	s30 =	sld [smem:$0x76B]  }
0x70c: {  	[sflag:s23] =	ssyncset.done $0x0  }
0x70d: {  	s1 =	simm.s32 $0x100;
	s31 =	sld [smem:$0x7B3];
	[sflag:s23] =	ssyncadd.s32 $0xFFFFF800  }
0x70e: {  	[tilespmem:s1], [sflag:$0x3] =	stream.linear.gather [spmem:s30], $0x80, $0x38;
	[tilespmem:$0x1E500] =	vst v63  }
0x70f: {  	s1 =	sld [smem:$0x7B4]  }
0x710: {  	[tilespmem:s17], [sflag:$0x3] =	stream.linear.gather [spmem:s31], $0x80, $0x38;
	[tilespmem:$0x1E500] =	vst v63  }
0x711: {  	s2 =	simm.s32 $0x300;
	s16 =	sld [smem:$0x7B5]  }
0x712: {  	[tilespmem:s2], [sflag:$0x3] =	stream.linear.gather [spmem:s1], $0x80, $0x38;
	[tilespmem:$0x1E500] =	vst v63  }
0x713: {  	s20 =	simm.s32 $0x400;
	s21 =	sld [smem:$0x7B6]  }
0x714: {  	[tilespmem:s20], [sflag:$0x3] =	stream.linear.gather [spmem:s16], $0x80, $0x38;
	[tilespmem:$0x1E500] =	vst v63  }
0x715: {  	s22 =	simm.s32 $0x500;
	s24 =	sld [smem:$0x7B7]  }
0x716: {  	[tilespmem:s22], [sflag:$0x3] =	stream.linear.gather [spmem:s21], $0x80, $0x38;
	[tilespmem:$0x1E500] =	vst v63  }
0x717: {  	s29 =	simm.s32 $0x600;
	s30 =	sld [smem:$0x7B8]  }
0x718: {  	[tilespmem:s29], [sflag:$0x3] =	stream.linear.gather [spmem:s24], $0x80, $0x38;
	[tilespmem:$0x1E500] =	vst v63  }
0x719: {  	s31 =	simm.s32 $0x700;
	s1 =	sld [smem:$0x7B9]  }
0x71a: {  	[tilespmem:s31], [sflag:$0x3] =	stream.linear.gather [spmem:s30], $0x80, $0x38;
	[tilespmem:$0x1E500] =	vst v63  }
0x71b: {  	s2 =	simm.s32 $0x800;
	s16 =	sld [smem:$0x7BA]  }
0x71c: {  	[tilespmem:s2], [sflag:$0x3] =	stream.linear.gather [spmem:s1], $0x80, $0x38;
	[tilespmem:$0x1E500] =	vst v63  }
0x71d: {  	s20 =	simm.s32 $0x900;
	s21 =	sld [smem:$0x7BB]  }
0x71e: {  	[tilespmem:s20], [sflag:$0x3] =	stream.linear.gather [spmem:s16], $0x80, $0x38;
	[tilespmem:$0x1E500] =	vst v63  }
0x71f: {  	s22 =	simm.s32 $0xA00;
	s24 =	sld [smem:$0x7BC]  }
0x720: {  	[tilespmem:s22], [sflag:$0x3] =	stream.linear.gather [spmem:s21], $0x80, $0x38;
	[tilespmem:$0x1E500] =	vst v63  }
0x721: {  	s29 =	simm.s32 $0xB00;
	s30 =	sld [smem:$0x7BD]  }
0x722: {  	[tilespmem:s29], [sflag:$0x3] =	stream.linear.gather [spmem:s24], $0x80, $0x38;
	[tilespmem:$0x1E500] =	vst v63  }
0x723: {  	s31 =	simm.s32 $0xC00;
	s2 =	sld [smem:$0x7BE]  }
0x724: {  	[tilespmem:s31], [sflag:$0x3] =	stream.linear.gather [spmem:s30], $0x80, $0x38;
	[tilespmem:$0x1E500] =	vst v63  }
0x725: {  	s16 =	simm.s32 $0xD00;
	s20 =	sld [smem:$0x7BF]  }
0x726: {  	[tilespmem:s16], [sflag:$0x3] =	stream.linear.gather [spmem:s2], $0x80, $0x38;
	[tilespmem:$0x1E500] =	vst v63  }
0x727: {  	s21 =	simm.s32 $0xE00;
	s22 =	sld [smem:$0x7C0]  }
0x728: {  	[tilespmem:s21], [sflag:$0x3] =	stream.linear.gather [spmem:s20], $0x80, $0x38;
	[tilespmem:$0x1E500] =	vst v63  }
0x729: {  	s24 =	simm.s32 $0xF00;
	s29 =	sld [smem:$0x7C1]  }
0x72a: {  	[tilespmem:s24], [sflag:$0x3] =	stream.linear.gather [spmem:s22], $0x80, $0x38;
	[tilespmem:$0x1E500] =	vst v63  }
0x72b: {  	s30 =	simm.s32 $0x1000;
	s31 =	simm.s32 $0x280  }
0x72c: {  	[tilespmem:s30], [sflag:$0x3] =	stream.linear.gather [spmem:s29], $0x80, $0x38;
	[tilespmem:$0x1E500] =	vst v63  }
0x72d: {  	v2 =	vld [tilespmem:s31+$0x70]  }
0x72e: {  	v3 =	vld [tilespmem:s31+$0xFFFFFF10]  }
0x72f: {  	v4 =	vld [tilespmem:s31+$0xFFFFFF20]  }
0x730: {  	v5 =	vld [tilespmem:s31+$0xFFFFFF30]  }
0x731: {  	v6 =	vld [tilespmem:s31+$0xFFFFFF40]  }
0x732: {  	v7 =	vld [tilespmem:s31+$0xFFFFFF50]  }
0x733: {  	v8 =	vld [tilespmem:s31+$0xFFFFFF60]  }
0x734: {  	v9 =	vld [tilespmem:s31+$0xFFFFFF70]  }
0x735: {  	v10 =	vld [tilespmem:s31+$0x0]  }
0x736: {  	v11 =	vld [tilespmem:s31+$0x10]  }
0x737: {  	v12 =	vld [tilespmem:s31+$0x20]  }
0x738: {  	v13 =	vld [tilespmem:s31+$0x30]  }
0x739: {  	v14 =	vld [tilespmem:s31+$0x40]  }
0x73a: {  	v15 =	vld [tilespmem:s31+$0x50]  }
0x73b: {  	v16 =	vld [tilespmem:s31+$0x60]  }
0x73c: {  	v17 =	vld [tilespmem:s31+$0xFFFFFF00]  }
0x73d: {  	v2 =	vld.idx.msk [tilespmem:v2+s11+$0x0], $0xffff  }
0x73e: {  	v3 =	vld.idx.msk [tilespmem:v3+s11+$0x0], $0xffff  }
0x73f: {  	v4 =	vld.idx.msk [tilespmem:v4+s11+$0x0], $0xffff  }
0x740: {  	v5 =	vld.idx.msk [tilespmem:v5+s11+$0x0], $0xffff  }
0x741: {  	v6 =	vld.idx.msk [tilespmem:v6+s11+$0x0], $0xffff  }
0x742: {  	s0 =	simm.s32 $0x29F0;
	v7 =	vld.idx.msk [tilespmem:v7+s11+$0x0], $0xffff  }
0x743: {  	v8 =	vld.idx.msk [tilespmem:v8+s11+$0x0], $0xffff;
	[tilespmem:s0+$0x0] =	vst v2  }
0x744: {  	v9 =	vld.idx.msk [tilespmem:v9+s11+$0x0], $0xffff;
	[tilespmem:s0+$0xFFFFFF20] =	vst v3  }
0x745: {  	v17 =	vld.idx.msk [tilespmem:v17+s11+$0x0], $0xffff;
	[tilespmem:s0+$0xFFFFFF30] =	vst v4  }
0x746: {  	v10 =	vld.idx.msk [tilespmem:v10+s11+$0x0], $0xffff;
	[tilespmem:s0+$0xFFFFFF40] =	vst v5  }
0x747: {  	[tilespmem:s0+$0xFFFFFF50] =	vst v6;
	v2 =	vld.idx.msk [tilespmem:v11+s11+$0x0], $0xffff  }
0x748: {  	[tilespmem:s0+$0xFFFFFF60] =	vst v7;
	v3 =	vld.idx.msk [tilespmem:v12+s11+$0x0], $0xffff  }
0x749: {  	[tilespmem:s0+$0xFFFFFF70] =	vst v8;
	v4 =	vld.idx.msk [tilespmem:v13+s11+$0x0], $0xffff  }
0x74a: {  	[tilespmem:s0+$0xFFFFFF80] =	vst v9;
	v5 =	vld.idx.msk [tilespmem:v14+s11+$0x0], $0xffff  }
0x74b: {  	[tilespmem:s0+$0xFFFFFF10] =	vst v17;
	v6 =	vld.idx.msk [tilespmem:v15+s11+$0x0], $0xffff  }
0x74c: {  	s1 =	simm.s32 $0x0;
	s2 =	simm.s32 $0x480;
	[tilespmem:s0+$0xFFFFFF90] =	vst v10;
	v7 =	vld.idx.msk [tilespmem:v16+s11+$0x0], $0xffff  }
.LBB2_24:
0x74d: {  	v8 =	vld [tilespmem:s2+$0x70];
	s1 =	sadd.s32 $0x100, s1;
	[tilespmem:s0+$0xFFFFFFA0] =	vst v2  }
0x74e: {  	v2 =	vld [tilespmem:s2+$0xFFFFFF10];
	p1 =	slt.u32 s1, $0x700;
	[tilespmem:s0+$0xFFFFFFB0] =	vst v3  }
0x74f: {  	v3 =	vld [tilespmem:s2+$0xFFFFFF20];
	[tilespmem:s0+$0xFFFFFFC0] =	vst v4  }
0x750: {  	v4 =	vld [tilespmem:s2+$0xFFFFFF30];
	[tilespmem:s0+$0xFFFFFFD0] =	vst v5  }
0x751: {  	v5 =	vld [tilespmem:s2+$0xFFFFFF40];
	[tilespmem:s0+$0xFFFFFFE0] =	vst v6  }
0x752: {  	v6 =	vld [tilespmem:s2+$0xFFFFFF50];
	[tilespmem:s0+$0xFFFFFFF0] =	vst v7  }
0x753: {  	v7 =	vld [tilespmem:s2+$0xFFFFFF60]  }
0x754: {  	v9 =	vld [tilespmem:s2+$0xFFFFFF70]  }
0x755: {  	v8 =	vld.idx.msk [tilespmem:v8+s11+$0x0], $0xffff  }
0x756: {  	v10 =	vld [tilespmem:s2+$0x0]  }
0x757: {  	v11 =	vld [tilespmem:s2+$0x10]  }
0x758: {  	v12 =	vld [tilespmem:s2+$0x20]  }
0x759: {  	v13 =	vld [tilespmem:s2+$0x30]  }
0x75a: {  	s0 =	sadd.s32 $0x100, s0;
	v14 =	vld [tilespmem:s2+$0x40]  }
0x75b: {  	v15 =	vld [tilespmem:s2+$0x50];
	[tilespmem:s0+$0x0] =	vst v8  }
0x75c: {  	v8 =	vld [tilespmem:s2+$0x60]  }
0x75d: {  	v16 =	vld [tilespmem:s2+$0xFFFFFF00]  }
0x75e: {  	v2 =	vld.idx.msk [tilespmem:v2+s11+$0x0], $0xffff  }
0x75f: {  	v3 =	vld.idx.msk [tilespmem:v3+s11+$0x0], $0xffff  }
0x760: {  	v4 =	vld.idx.msk [tilespmem:v4+s11+$0x0], $0xffff  }
0x761: {  	v5 =	vld.idx.msk [tilespmem:v5+s11+$0x0], $0xffff  }
0x762: {  	v6 =	vld.idx.msk [tilespmem:v6+s11+$0x0], $0xffff  }
0x763: {  	v7 =	vld.idx.msk [tilespmem:v7+s11+$0x0], $0xffff  }
0x764: {  	[tilespmem:s0+$0xFFFFFF20] =	vst v2;
	v9 =	vld.idx.msk [tilespmem:v9+s11+$0x0], $0xffff  }
0x765: {  	v16 =	vld.idx.msk [tilespmem:v16+s11+$0x0], $0xffff;
	[tilespmem:s0+$0xFFFFFF30] =	vst v3  }
0x766: {  	[tilespmem:s0+$0xFFFFFF40] =	vst v4;
	v10 =	vld.idx.msk [tilespmem:v10+s11+$0x0], $0xffff  }
0x767: {  	[tilespmem:s0+$0xFFFFFF50] =	vst v5;
	v2 =	vld.idx.msk [tilespmem:v11+s11+$0x0], $0xffff  }
.Ltmp11:
0x768: {  	[tilespmem:s0+$0xFFFFFF60] =	vst v6;
	v3 =	vld.idx.msk [tilespmem:v12+s11+$0x0], $0xffff;
	(pc) =	sbr.rel @p1 .LBB2_24-.Ltmp11, $4  }
0x769: {  	[tilespmem:s0+$0xFFFFFF70] =	vst v7;
	v4 =	vld.idx.msk [tilespmem:v13+s11+$0x0], $0xffff  }
0x76a: {  	[tilespmem:s0+$0xFFFFFF80] =	vst v9;
	v5 =	vld.idx.msk [tilespmem:v14+s11+$0x0], $0xffff  }
0x76b: {  	[tilespmem:s0+$0xFFFFFF10] =	vst v16;
	v6 =	vld.idx.msk [tilespmem:v15+s11+$0x0], $0xffff  }
0x76c: {  	s2 =	sadd.s32 $0x200, s2;
	[tilespmem:s0+$0xFFFFFF90] =	vst v10;
	v7 =	vld.idx.msk [tilespmem:v8+s11+$0x0], $0xffff  }
0x76d: {  	[tilespmem:s0+$0xFFFFFFA0] =	vst v2  }
0x76e: {  	[tilespmem:s0+$0xFFFFFFB0] =	vst v3  }
0x76f: {  	[tilespmem:s0+$0xFFFFFFC0] =	vst v4  }
0x770: {  	[tilespmem:s0+$0xFFFFFFD0] =	vst v5  }
0x771: {  	[tilespmem:s0+$0xFFFFFFE0] =	vst v6  }
0x772: {  	[tilespmem:s0+$0xFFFFFFF0] =	vst v7  }
0x773: {  	_ =	swait.ge [sflag:s23], $0x800  }
0x774: {  	s29 =	sld [smem:$0x76C]  }
0x775: {  	[sflag:s23] =	ssyncset.done $0x0  }
0x776: {  	s1 =	simm.s32 $0x180;
	s30 =	sld [smem:$0x7C2];
	[sflag:s23] =	ssyncadd.s32 $0xFFFFF800  }
0x777: {  	[tilespmem:s1], [sflag:$0x3] =	stream.linear.gather [spmem:s29], $0x80, $0x38;
	[tilespmem:$0x1E500] =	vst v63  }
0x778: {  	s31 =	simm.s32 $0x280;
	s1 =	sld [smem:$0x7C3]  }
0x779: {  	[tilespmem:s31], [sflag:$0x3] =	stream.linear.gather [spmem:s30], $0x80, $0x38;
	[tilespmem:$0x1E500] =	vst v63  }
0x77a: {  	s2 =	simm.s32 $0x380;
	s16 =	sld [smem:$0x7C4]  }
0x77b: {  	[tilespmem:s2], [sflag:$0x3] =	stream.linear.gather [spmem:s1], $0x80, $0x38;
	[tilespmem:$0x1E500] =	vst v63  }
0x77c: {  	s20 =	simm.s32 $0x480;
	s21 =	sld [smem:$0x7C5]  }
0x77d: {  	[tilespmem:s20], [sflag:$0x3] =	stream.linear.gather [spmem:s16], $0x80, $0x38;
	[tilespmem:$0x1E500] =	vst v63  }
0x77e: {  	s22 =	simm.s32 $0x580;
	s24 =	sld [smem:$0x7C6]  }
0x77f: {  	[tilespmem:s22], [sflag:$0x3] =	stream.linear.gather [spmem:s21], $0x80, $0x38;
	[tilespmem:$0x1E500] =	vst v63  }
0x780: {  	s29 =	simm.s32 $0x680;
	s30 =	sld [smem:$0x7C7]  }
0x781: {  	[tilespmem:s29], [sflag:$0x3] =	stream.linear.gather [spmem:s24], $0x80, $0x38;
	[tilespmem:$0x1E500] =	vst v63  }
0x782: {  	s31 =	simm.s32 $0x780;
	s1 =	sld [smem:$0x7C8]  }
0x783: {  	[tilespmem:s31], [sflag:$0x3] =	stream.linear.gather [spmem:s30], $0x80, $0x38;
	[tilespmem:$0x1E500] =	vst v63  }
0x784: {  	s2 =	simm.s32 $0x880;
	s16 =	sld [smem:$0x7C9]  }
0x785: {  	[tilespmem:s2], [sflag:$0x3] =	stream.linear.gather [spmem:s1], $0x80, $0x38;
	[tilespmem:$0x1E500] =	vst v63  }
0x786: {  	s20 =	simm.s32 $0x980;
	s21 =	sld [smem:$0x7CA]  }
0x787: {  	[tilespmem:s20], [sflag:$0x3] =	stream.linear.gather [spmem:s16], $0x80, $0x38;
	[tilespmem:$0x1E500] =	vst v63  }
0x788: {  	s22 =	simm.s32 $0xA80;
	s24 =	sld [smem:$0x7CB]  }
0x789: {  	[tilespmem:s22], [sflag:$0x3] =	stream.linear.gather [spmem:s21], $0x80, $0x38;
	[tilespmem:$0x1E500] =	vst v63  }
0x78a: {  	s29 =	simm.s32 $0xB80;
	s30 =	sld [smem:$0x7CC]  }
0x78b: {  	[tilespmem:s29], [sflag:$0x3] =	stream.linear.gather [spmem:s24], $0x80, $0x38;
	[tilespmem:$0x1E500] =	vst v63  }
0x78c: {  	s31 =	simm.s32 $0xC80;
	s2 =	sld [smem:$0x7CD]  }
0x78d: {  	[tilespmem:s31], [sflag:$0x3] =	stream.linear.gather [spmem:s30], $0x80, $0x38;
	[tilespmem:$0x1E500] =	vst v63  }
0x78e: {  	s16 =	simm.s32 $0xD80;
	s20 =	sld [smem:$0x7CE]  }
0x78f: {  	[tilespmem:s16], [sflag:$0x3] =	stream.linear.gather [spmem:s2], $0x80, $0x38;
	[tilespmem:$0x1E500] =	vst v63  }
0x790: {  	s21 =	simm.s32 $0xE80;
	s22 =	sld [smem:$0x7CF]  }
0x791: {  	[tilespmem:s21], [sflag:$0x3] =	stream.linear.gather [spmem:s20], $0x80, $0x38;
	[tilespmem:$0x1E500] =	vst v63  }
0x792: {  	s24 =	simm.s32 $0xF80;
	s29 =	sld [smem:$0x7D0]  }
0x793: {  	[tilespmem:s24], [sflag:$0x3] =	stream.linear.gather [spmem:s22], $0x80, $0x38;
	[tilespmem:$0x1E500] =	vst v63  }
0x794: {  	s30 =	simm.s32 $0x1080;
	s31 =	simm.s32 $0x200  }
0x795: {  	[tilespmem:s30], [sflag:$0x3] =	stream.linear.gather [spmem:s29], $0x80, $0x38;
	[tilespmem:$0x1E500] =	vst v63  }
0x796: {  	v2 =	vld [tilespmem:s31+$0x70]  }
0x797: {  	v3 =	vld [tilespmem:s31+$0xFFFFFF10]  }
0x798: {  	v4 =	vld [tilespmem:s31+$0xFFFFFF20]  }
0x799: {  	v5 =	vld [tilespmem:s31+$0xFFFFFF30]  }
0x79a: {  	v6 =	vld [tilespmem:s31+$0xFFFFFF40]  }
0x79b: {  	v7 =	vld [tilespmem:s31+$0xFFFFFF50]  }
0x79c: {  	v8 =	vld [tilespmem:s31+$0xFFFFFF60]  }
0x79d: {  	v9 =	vld [tilespmem:s31+$0xFFFFFF70]  }
0x79e: {  	v10 =	vld [tilespmem:s31+$0x0]  }
0x79f: {  	v11 =	vld [tilespmem:s31+$0x10]  }
0x7a0: {  	v12 =	vld [tilespmem:s31+$0x20]  }
0x7a1: {  	v13 =	vld [tilespmem:s31+$0x30]  }
0x7a2: {  	v14 =	vld [tilespmem:s31+$0x40]  }
0x7a3: {  	v15 =	vld [tilespmem:s31+$0x50]  }
0x7a4: {  	v16 =	vld [tilespmem:s31+$0x60]  }
0x7a5: {  	v17 =	vld [tilespmem:s31+$0xFFFFFF00]  }
0x7a6: {  	v2 =	vld.idx.msk [tilespmem:v2+s11+$0x0], $0xffff  }
0x7a7: {  	v3 =	vld.idx.msk [tilespmem:v3+s11+$0x0], $0xffff  }
0x7a8: {  	v4 =	vld.idx.msk [tilespmem:v4+s11+$0x0], $0xffff  }
0x7a9: {  	v5 =	vld.idx.msk [tilespmem:v5+s11+$0x0], $0xffff  }
0x7aa: {  	v6 =	vld.idx.msk [tilespmem:v6+s11+$0x0], $0xffff  }
0x7ab: {  	s0 =	simm.s32 $0x31F0;
	v7 =	vld.idx.msk [tilespmem:v7+s11+$0x0], $0xffff  }
0x7ac: {  	v8 =	vld.idx.msk [tilespmem:v8+s11+$0x0], $0xffff;
	[tilespmem:s0+$0x0] =	vst v2  }
0x7ad: {  	v9 =	vld.idx.msk [tilespmem:v9+s11+$0x0], $0xffff;
	[tilespmem:s0+$0xFFFFFF20] =	vst v3  }
0x7ae: {  	v17 =	vld.idx.msk [tilespmem:v17+s11+$0x0], $0xffff;
	[tilespmem:s0+$0xFFFFFF30] =	vst v4  }
0x7af: {  	v10 =	vld.idx.msk [tilespmem:v10+s11+$0x0], $0xffff;
	[tilespmem:s0+$0xFFFFFF40] =	vst v5  }
0x7b0: {  	[tilespmem:s0+$0xFFFFFF50] =	vst v6;
	v2 =	vld.idx.msk [tilespmem:v11+s11+$0x0], $0xffff  }
0x7b1: {  	[tilespmem:s0+$0xFFFFFF60] =	vst v7;
	v3 =	vld.idx.msk [tilespmem:v12+s11+$0x0], $0xffff  }
0x7b2: {  	[tilespmem:s0+$0xFFFFFF70] =	vst v8;
	v4 =	vld.idx.msk [tilespmem:v13+s11+$0x0], $0xffff  }
0x7b3: {  	[tilespmem:s0+$0xFFFFFF80] =	vst v9;
	v5 =	vld.idx.msk [tilespmem:v14+s11+$0x0], $0xffff  }
0x7b4: {  	[tilespmem:s0+$0xFFFFFF10] =	vst v17;
	v6 =	vld.idx.msk [tilespmem:v15+s11+$0x0], $0xffff  }
0x7b5: {  	s1 =	simm.s32 $0x0;
	s2 =	simm.s32 $0x400;
	[tilespmem:s0+$0xFFFFFF90] =	vst v10;
	v7 =	vld.idx.msk [tilespmem:v16+s11+$0x0], $0xffff  }
.LBB2_26:
0x7b6: {  	v8 =	vld [tilespmem:s2+$0x70];
	s1 =	sadd.s32 $0x100, s1;
	[tilespmem:s0+$0xFFFFFFA0] =	vst v2  }
0x7b7: {  	v2 =	vld [tilespmem:s2+$0xFFFFFF10];
	p1 =	slt.u32 s1, $0x700;
	[tilespmem:s0+$0xFFFFFFB0] =	vst v3  }
0x7b8: {  	v3 =	vld [tilespmem:s2+$0xFFFFFF20];
	[tilespmem:s0+$0xFFFFFFC0] =	vst v4  }
0x7b9: {  	v4 =	vld [tilespmem:s2+$0xFFFFFF30];
	[tilespmem:s0+$0xFFFFFFD0] =	vst v5  }
0x7ba: {  	v5 =	vld [tilespmem:s2+$0xFFFFFF40];
	[tilespmem:s0+$0xFFFFFFE0] =	vst v6  }
0x7bb: {  	v6 =	vld [tilespmem:s2+$0xFFFFFF50];
	[tilespmem:s0+$0xFFFFFFF0] =	vst v7  }
0x7bc: {  	v7 =	vld [tilespmem:s2+$0xFFFFFF60]  }
0x7bd: {  	v9 =	vld [tilespmem:s2+$0xFFFFFF70]  }
0x7be: {  	v8 =	vld.idx.msk [tilespmem:v8+s11+$0x0], $0xffff  }
0x7bf: {  	v10 =	vld [tilespmem:s2+$0x0]  }
0x7c0: {  	v11 =	vld [tilespmem:s2+$0x10]  }
0x7c1: {  	v12 =	vld [tilespmem:s2+$0x20]  }
0x7c2: {  	v13 =	vld [tilespmem:s2+$0x30]  }
0x7c3: {  	s0 =	sadd.s32 $0x100, s0;
	v14 =	vld [tilespmem:s2+$0x40]  }
0x7c4: {  	v15 =	vld [tilespmem:s2+$0x50];
	[tilespmem:s0+$0x0] =	vst v8  }
0x7c5: {  	v8 =	vld [tilespmem:s2+$0x60]  }
0x7c6: {  	v16 =	vld [tilespmem:s2+$0xFFFFFF00]  }
0x7c7: {  	v2 =	vld.idx.msk [tilespmem:v2+s11+$0x0], $0xffff  }
0x7c8: {  	v3 =	vld.idx.msk [tilespmem:v3+s11+$0x0], $0xffff  }
0x7c9: {  	v4 =	vld.idx.msk [tilespmem:v4+s11+$0x0], $0xffff  }
0x7ca: {  	v5 =	vld.idx.msk [tilespmem:v5+s11+$0x0], $0xffff  }
0x7cb: {  	v6 =	vld.idx.msk [tilespmem:v6+s11+$0x0], $0xffff  }
0x7cc: {  	v7 =	vld.idx.msk [tilespmem:v7+s11+$0x0], $0xffff  }
0x7cd: {  	[tilespmem:s0+$0xFFFFFF20] =	vst v2;
	v9 =	vld.idx.msk [tilespmem:v9+s11+$0x0], $0xffff  }
0x7ce: {  	v16 =	vld.idx.msk [tilespmem:v16+s11+$0x0], $0xffff;
	[tilespmem:s0+$0xFFFFFF30] =	vst v3  }
0x7cf: {  	[tilespmem:s0+$0xFFFFFF40] =	vst v4;
	v10 =	vld.idx.msk [tilespmem:v10+s11+$0x0], $0xffff  }
0x7d0: {  	[tilespmem:s0+$0xFFFFFF50] =	vst v5;
	v2 =	vld.idx.msk [tilespmem:v11+s11+$0x0], $0xffff  }
.Ltmp12:
0x7d1: {  	[tilespmem:s0+$0xFFFFFF60] =	vst v6;
	v3 =	vld.idx.msk [tilespmem:v12+s11+$0x0], $0xffff;
	(pc) =	sbr.rel @p1 .LBB2_26-.Ltmp12, $4  }
0x7d2: {  	[tilespmem:s0+$0xFFFFFF70] =	vst v7;
	v4 =	vld.idx.msk [tilespmem:v13+s11+$0x0], $0xffff  }
0x7d3: {  	[tilespmem:s0+$0xFFFFFF80] =	vst v9;
	v5 =	vld.idx.msk [tilespmem:v14+s11+$0x0], $0xffff  }
0x7d4: {  	[tilespmem:s0+$0xFFFFFF10] =	vst v16;
	v6 =	vld.idx.msk [tilespmem:v15+s11+$0x0], $0xffff  }
0x7d5: {  	s2 =	sadd.s32 $0x200, s2;
	[tilespmem:s0+$0xFFFFFF90] =	vst v10;
	v7 =	vld.idx.msk [tilespmem:v8+s11+$0x0], $0xffff  }
0x7d6: {  	[tilespmem:s0+$0xFFFFFFA0] =	vst v2  }
0x7d7: {  	[tilespmem:s0+$0xFFFFFFB0] =	vst v3  }
0x7d8: {  	[tilespmem:s0+$0xFFFFFFC0] =	vst v4  }
0x7d9: {  	[tilespmem:s0+$0xFFFFFFD0] =	vst v5  }
0x7da: {  	[tilespmem:s0+$0xFFFFFFE0] =	vst v6  }
0x7db: {  	[tilespmem:s0+$0xFFFFFFF0] =	vst v7  }
0x7dc: {  	_ =	swait.ge [sflag:s23], $0x800  }
0x7dd: {  	s30 =	sld [smem:$0x76D]  }
0x7de: {  	[sflag:s23] =	ssyncset.done $0x0  }
0x7df: {  	s1 =	simm.s32 $0x100;
	s31 =	sld [smem:$0x7D1];
	[sflag:s23] =	ssyncadd.s32 $0xFFFFF800  }
0x7e0: {  	[tilespmem:s1], [sflag:$0x3] =	stream.linear.gather [spmem:s30], $0x80, $0x38;
	[tilespmem:$0x1E500] =	vst v63  }
0x7e1: {  	s1 =	sld [smem:$0x7D2]  }
0x7e2: {  	[tilespmem:s17], [sflag:$0x3] =	stream.linear.gather [spmem:s31], $0x80, $0x38;
	[tilespmem:$0x1E500] =	vst v63  }
0x7e3: {  	s2 =	simm.s32 $0x300;
	s16 =	sld [smem:$0x7D3]  }
0x7e4: {  	[tilespmem:s2], [sflag:$0x3] =	stream.linear.gather [spmem:s1], $0x80, $0x38;
	[tilespmem:$0x1E500] =	vst v63  }
0x7e5: {  	s20 =	simm.s32 $0x400;
	s21 =	sld [smem:$0x7D4]  }
0x7e6: {  	[tilespmem:s20], [sflag:$0x3] =	stream.linear.gather [spmem:s16], $0x80, $0x38;
	[tilespmem:$0x1E500] =	vst v63  }
0x7e7: {  	s22 =	simm.s32 $0x500;
	s24 =	sld [smem:$0x7D5]  }
0x7e8: {  	[tilespmem:s22], [sflag:$0x3] =	stream.linear.gather [spmem:s21], $0x80, $0x38;
	[tilespmem:$0x1E500] =	vst v63  }
0x7e9: {  	s29 =	simm.s32 $0x600;
	s30 =	sld [smem:$0x7D6]  }
0x7ea: {  	[tilespmem:s29], [sflag:$0x3] =	stream.linear.gather [spmem:s24], $0x80, $0x38;
	[tilespmem:$0x1E500] =	vst v63  }
0x7eb: {  	s31 =	simm.s32 $0x700;
	s1 =	sld [smem:$0x7D7]  }
0x7ec: {  	[tilespmem:s31], [sflag:$0x3] =	stream.linear.gather [spmem:s30], $0x80, $0x38;
	[tilespmem:$0x1E500] =	vst v63  }
0x7ed: {  	s2 =	simm.s32 $0x800;
	s16 =	sld [smem:$0x7D8]  }
0x7ee: {  	[tilespmem:s2], [sflag:$0x3] =	stream.linear.gather [spmem:s1], $0x80, $0x38;
	[tilespmem:$0x1E500] =	vst v63  }
0x7ef: {  	s20 =	simm.s32 $0x900;
	s21 =	sld [smem:$0x7D9]  }
0x7f0: {  	[tilespmem:s20], [sflag:$0x3] =	stream.linear.gather [spmem:s16], $0x80, $0x38;
	[tilespmem:$0x1E500] =	vst v63  }
0x7f1: {  	s22 =	simm.s32 $0xA00;
	s24 =	sld [smem:$0x7DA]  }
0x7f2: {  	[tilespmem:s22], [sflag:$0x3] =	stream.linear.gather [spmem:s21], $0x80, $0x38;
	[tilespmem:$0x1E500] =	vst v63  }
0x7f3: {  	s29 =	simm.s32 $0xB00;
	s30 =	sld [smem:$0x7DB]  }
0x7f4: {  	[tilespmem:s29], [sflag:$0x3] =	stream.linear.gather [spmem:s24], $0x80, $0x38;
	[tilespmem:$0x1E500] =	vst v63  }
0x7f5: {  	s31 =	simm.s32 $0xC00;
	s2 =	sld [smem:$0x7DC]  }
0x7f6: {  	[tilespmem:s31], [sflag:$0x3] =	stream.linear.gather [spmem:s30], $0x80, $0x38;
	[tilespmem:$0x1E500] =	vst v63  }
0x7f7: {  	s16 =	simm.s32 $0xD00;
	s20 =	sld [smem:$0x7DD]  }
0x7f8: {  	[tilespmem:s16], [sflag:$0x3] =	stream.linear.gather [spmem:s2], $0x80, $0x38;
	[tilespmem:$0x1E500] =	vst v63  }
0x7f9: {  	s21 =	simm.s32 $0xE00;
	s22 =	sld [smem:$0x7DE]  }
0x7fa: {  	[tilespmem:s21], [sflag:$0x3] =	stream.linear.gather [spmem:s20], $0x80, $0x38;
	[tilespmem:$0x1E500] =	vst v63  }
0x7fb: {  	s24 =	simm.s32 $0xF00;
	s29 =	sld [smem:$0x7DF]  }
0x7fc: {  	[tilespmem:s24], [sflag:$0x3] =	stream.linear.gather [spmem:s22], $0x80, $0x38;
	[tilespmem:$0x1E500] =	vst v63  }
0x7fd: {  	s30 =	simm.s32 $0x1000;
	s31 =	simm.s32 $0x280  }
0x7fe: {  	[tilespmem:s30], [sflag:$0x3] =	stream.linear.gather [spmem:s29], $0x80, $0x38;
	[tilespmem:$0x1E500] =	vst v63  }
0x7ff: {  	v2 =	vld [tilespmem:s31+$0x70]  }
0x800: {  	v3 =	vld [tilespmem:s31+$0xFFFFFF10]  }
0x801: {  	v4 =	vld [tilespmem:s31+$0xFFFFFF20]  }
0x802: {  	v5 =	vld [tilespmem:s31+$0xFFFFFF30]  }
0x803: {  	v6 =	vld [tilespmem:s31+$0xFFFFFF40]  }
0x804: {  	v7 =	vld [tilespmem:s31+$0xFFFFFF50]  }
0x805: {  	v8 =	vld [tilespmem:s31+$0xFFFFFF60]  }
0x806: {  	v9 =	vld [tilespmem:s31+$0xFFFFFF70]  }
0x807: {  	v10 =	vld [tilespmem:s31+$0x0]  }
0x808: {  	v11 =	vld [tilespmem:s31+$0x10]  }
0x809: {  	v12 =	vld [tilespmem:s31+$0x20]  }
0x80a: {  	v13 =	vld [tilespmem:s31+$0x30]  }
0x80b: {  	v14 =	vld [tilespmem:s31+$0x40]  }
0x80c: {  	v15 =	vld [tilespmem:s31+$0x50]  }
0x80d: {  	v16 =	vld [tilespmem:s31+$0x60]  }
0x80e: {  	v17 =	vld [tilespmem:s31+$0xFFFFFF00]  }
0x80f: {  	v2 =	vld.idx.msk [tilespmem:v2+s11+$0x0], $0xffff  }
0x810: {  	v3 =	vld.idx.msk [tilespmem:v3+s11+$0x0], $0xffff  }
0x811: {  	v4 =	vld.idx.msk [tilespmem:v4+s11+$0x0], $0xffff  }
0x812: {  	v5 =	vld.idx.msk [tilespmem:v5+s11+$0x0], $0xffff  }
0x813: {  	v6 =	vld.idx.msk [tilespmem:v6+s11+$0x0], $0xffff  }
0x814: {  	s0 =	simm.s32 $0x39F0;
	v7 =	vld.idx.msk [tilespmem:v7+s11+$0x0], $0xffff  }
0x815: {  	v8 =	vld.idx.msk [tilespmem:v8+s11+$0x0], $0xffff;
	[tilespmem:s0+$0x0] =	vst v2  }
0x816: {  	v9 =	vld.idx.msk [tilespmem:v9+s11+$0x0], $0xffff;
	[tilespmem:s0+$0xFFFFFF20] =	vst v3  }
0x817: {  	v17 =	vld.idx.msk [tilespmem:v17+s11+$0x0], $0xffff;
	[tilespmem:s0+$0xFFFFFF30] =	vst v4  }
0x818: {  	v10 =	vld.idx.msk [tilespmem:v10+s11+$0x0], $0xffff;
	[tilespmem:s0+$0xFFFFFF40] =	vst v5  }
0x819: {  	[tilespmem:s0+$0xFFFFFF50] =	vst v6;
	v2 =	vld.idx.msk [tilespmem:v11+s11+$0x0], $0xffff  }
0x81a: {  	[tilespmem:s0+$0xFFFFFF60] =	vst v7;
	v3 =	vld.idx.msk [tilespmem:v12+s11+$0x0], $0xffff  }
0x81b: {  	[tilespmem:s0+$0xFFFFFF70] =	vst v8;
	v4 =	vld.idx.msk [tilespmem:v13+s11+$0x0], $0xffff  }
0x81c: {  	[tilespmem:s0+$0xFFFFFF80] =	vst v9;
	v5 =	vld.idx.msk [tilespmem:v14+s11+$0x0], $0xffff  }
0x81d: {  	[tilespmem:s0+$0xFFFFFF10] =	vst v17;
	v6 =	vld.idx.msk [tilespmem:v15+s11+$0x0], $0xffff  }
0x81e: {  	s1 =	simm.s32 $0x0;
	s2 =	simm.s32 $0x480;
	[tilespmem:s0+$0xFFFFFF90] =	vst v10;
	v7 =	vld.idx.msk [tilespmem:v16+s11+$0x0], $0xffff  }
.LBB2_28:
0x81f: {  	v8 =	vld [tilespmem:s2+$0x70];
	s1 =	sadd.s32 $0x100, s1;
	[tilespmem:s0+$0xFFFFFFA0] =	vst v2  }
0x820: {  	v2 =	vld [tilespmem:s2+$0xFFFFFF10];
	p1 =	slt.u32 s1, $0x700;
	[tilespmem:s0+$0xFFFFFFB0] =	vst v3  }
0x821: {  	v3 =	vld [tilespmem:s2+$0xFFFFFF20];
	[tilespmem:s0+$0xFFFFFFC0] =	vst v4  }
0x822: {  	v4 =	vld [tilespmem:s2+$0xFFFFFF30];
	[tilespmem:s0+$0xFFFFFFD0] =	vst v5  }
0x823: {  	v5 =	vld [tilespmem:s2+$0xFFFFFF40];
	[tilespmem:s0+$0xFFFFFFE0] =	vst v6  }
0x824: {  	v6 =	vld [tilespmem:s2+$0xFFFFFF50];
	[tilespmem:s0+$0xFFFFFFF0] =	vst v7  }
0x825: {  	v7 =	vld [tilespmem:s2+$0xFFFFFF60]  }
0x826: {  	v9 =	vld [tilespmem:s2+$0xFFFFFF70]  }
0x827: {  	v8 =	vld.idx.msk [tilespmem:v8+s11+$0x0], $0xffff  }
0x828: {  	v10 =	vld [tilespmem:s2+$0x0]  }
0x829: {  	v11 =	vld [tilespmem:s2+$0x10]  }
0x82a: {  	v12 =	vld [tilespmem:s2+$0x20]  }
0x82b: {  	v13 =	vld [tilespmem:s2+$0x30]  }
0x82c: {  	s0 =	sadd.s32 $0x100, s0;
	v14 =	vld [tilespmem:s2+$0x40]  }
0x82d: {  	v15 =	vld [tilespmem:s2+$0x50];
	[tilespmem:s0+$0x0] =	vst v8  }
0x82e: {  	v8 =	vld [tilespmem:s2+$0x60]  }
0x82f: {  	v16 =	vld [tilespmem:s2+$0xFFFFFF00]  }
0x830: {  	v2 =	vld.idx.msk [tilespmem:v2+s11+$0x0], $0xffff  }
0x831: {  	v3 =	vld.idx.msk [tilespmem:v3+s11+$0x0], $0xffff  }
0x832: {  	v4 =	vld.idx.msk [tilespmem:v4+s11+$0x0], $0xffff  }
0x833: {  	v5 =	vld.idx.msk [tilespmem:v5+s11+$0x0], $0xffff  }
0x834: {  	v6 =	vld.idx.msk [tilespmem:v6+s11+$0x0], $0xffff  }
0x835: {  	v7 =	vld.idx.msk [tilespmem:v7+s11+$0x0], $0xffff  }
0x836: {  	[tilespmem:s0+$0xFFFFFF20] =	vst v2;
	v9 =	vld.idx.msk [tilespmem:v9+s11+$0x0], $0xffff  }
0x837: {  	v16 =	vld.idx.msk [tilespmem:v16+s11+$0x0], $0xffff;
	[tilespmem:s0+$0xFFFFFF30] =	vst v3  }
0x838: {  	[tilespmem:s0+$0xFFFFFF40] =	vst v4;
	v10 =	vld.idx.msk [tilespmem:v10+s11+$0x0], $0xffff  }
0x839: {  	[tilespmem:s0+$0xFFFFFF50] =	vst v5;
	v2 =	vld.idx.msk [tilespmem:v11+s11+$0x0], $0xffff  }
.Ltmp13:
0x83a: {  	[tilespmem:s0+$0xFFFFFF60] =	vst v6;
	v3 =	vld.idx.msk [tilespmem:v12+s11+$0x0], $0xffff;
	(pc) =	sbr.rel @p1 .LBB2_28-.Ltmp13, $4  }
0x83b: {  	[tilespmem:s0+$0xFFFFFF70] =	vst v7;
	v4 =	vld.idx.msk [tilespmem:v13+s11+$0x0], $0xffff  }
0x83c: {  	[tilespmem:s0+$0xFFFFFF80] =	vst v9;
	v5 =	vld.idx.msk [tilespmem:v14+s11+$0x0], $0xffff  }
0x83d: {  	[tilespmem:s0+$0xFFFFFF10] =	vst v16;
	v6 =	vld.idx.msk [tilespmem:v15+s11+$0x0], $0xffff  }
0x83e: {  	s2 =	sadd.s32 $0x200, s2;
	[tilespmem:s0+$0xFFFFFF90] =	vst v10;
	v7 =	vld.idx.msk [tilespmem:v8+s11+$0x0], $0xffff  }
0x83f: {  	[tilespmem:s0+$0xFFFFFFA0] =	vst v2  }
0x840: {  	[tilespmem:s0+$0xFFFFFFB0] =	vst v3  }
0x841: {  	[tilespmem:s0+$0xFFFFFFC0] =	vst v4  }
0x842: {  	[tilespmem:s0+$0xFFFFFFD0] =	vst v5  }
0x843: {  	[tilespmem:s0+$0xFFFFFFE0] =	vst v6  }
0x844: {  	[tilespmem:s0+$0xFFFFFFF0] =	vst v7  }
0x845: {  	_ =	swait.ge [sflag:s23], $0x800  }
0x846: {  	s29 =	sld [smem:$0x76E]  }
0x847: {  	[sflag:s23] =	ssyncset.done $0x0  }
0x848: {  	s1 =	simm.s32 $0x180;
	s30 =	sld [smem:$0x7E0];
	[sflag:s23] =	ssyncadd.s32 $0xFFFFF800  }
0x849: {  	[tilespmem:s1], [sflag:$0x3] =	stream.linear.gather [spmem:s29], $0x80, $0x38;
	[tilespmem:$0x1E500] =	vst v63  }
0x84a: {  	s31 =	simm.s32 $0x280;
	s1 =	sld [smem:$0x7E1]  }
0x84b: {  	[tilespmem:s31], [sflag:$0x3] =	stream.linear.gather [spmem:s30], $0x80, $0x38;
	[tilespmem:$0x1E500] =	vst v63  }
0x84c: {  	s2 =	simm.s32 $0x380;
	s16 =	sld [smem:$0x7E2]  }
0x84d: {  	[tilespmem:s2], [sflag:$0x3] =	stream.linear.gather [spmem:s1], $0x80, $0x38;
	[tilespmem:$0x1E500] =	vst v63  }
0x84e: {  	s20 =	simm.s32 $0x480;
	s21 =	sld [smem:$0x7E3]  }
0x84f: {  	[tilespmem:s20], [sflag:$0x3] =	stream.linear.gather [spmem:s16], $0x80, $0x38;
	[tilespmem:$0x1E500] =	vst v63  }
0x850: {  	s22 =	simm.s32 $0x580;
	s24 =	sld [smem:$0x7E4]  }
0x851: {  	[tilespmem:s22], [sflag:$0x3] =	stream.linear.gather [spmem:s21], $0x80, $0x38;
	[tilespmem:$0x1E500] =	vst v63  }
0x852: {  	s29 =	simm.s32 $0x680;
	s30 =	sld [smem:$0x7E5]  }
0x853: {  	[tilespmem:s29], [sflag:$0x3] =	stream.linear.gather [spmem:s24], $0x80, $0x38;
	[tilespmem:$0x1E500] =	vst v63  }
0x854: {  	s31 =	simm.s32 $0x780;
	s1 =	sld [smem:$0x7E6]  }
0x855: {  	[tilespmem:s31], [sflag:$0x3] =	stream.linear.gather [spmem:s30], $0x80, $0x38;
	[tilespmem:$0x1E500] =	vst v63  }
0x856: {  	s2 =	simm.s32 $0x880;
	s16 =	sld [smem:$0x7E7]  }
0x857: {  	[tilespmem:s2], [sflag:$0x3] =	stream.linear.gather [spmem:s1], $0x80, $0x38;
	[tilespmem:$0x1E500] =	vst v63  }
0x858: {  	s20 =	simm.s32 $0x980;
	s21 =	sld [smem:$0x7E8]  }
0x859: {  	[tilespmem:s20], [sflag:$0x3] =	stream.linear.gather [spmem:s16], $0x80, $0x38;
	[tilespmem:$0x1E500] =	vst v63  }
0x85a: {  	s22 =	simm.s32 $0xA80;
	s24 =	sld [smem:$0x7E9]  }
0x85b: {  	[tilespmem:s22], [sflag:$0x3] =	stream.linear.gather [spmem:s21], $0x80, $0x38;
	[tilespmem:$0x1E500] =	vst v63  }
0x85c: {  	s29 =	simm.s32 $0xB80;
	s30 =	sld [smem:$0x7EA]  }
0x85d: {  	[tilespmem:s29], [sflag:$0x3] =	stream.linear.gather [spmem:s24], $0x80, $0x38;
	[tilespmem:$0x1E500] =	vst v63  }
0x85e: {  	s31 =	simm.s32 $0xC80;
	s2 =	sld [smem:$0x7EB]  }
0x85f: {  	[tilespmem:s31], [sflag:$0x3] =	stream.linear.gather [spmem:s30], $0x80, $0x38;
	[tilespmem:$0x1E500] =	vst v63  }
0x860: {  	s16 =	simm.s32 $0xD80;
	s20 =	sld [smem:$0x7EC]  }
0x861: {  	[tilespmem:s16], [sflag:$0x3] =	stream.linear.gather [spmem:s2], $0x80, $0x38;
	[tilespmem:$0x1E500] =	vst v63  }
0x862: {  	s21 =	simm.s32 $0xE80;
	s22 =	sld [smem:$0x7ED]  }
0x863: {  	[tilespmem:s21], [sflag:$0x3] =	stream.linear.gather [spmem:s20], $0x80, $0x38;
	[tilespmem:$0x1E500] =	vst v63  }
0x864: {  	s24 =	simm.s32 $0xF80;
	s29 =	sld [smem:$0x7EE]  }
0x865: {  	[tilespmem:s24], [sflag:$0x3] =	stream.linear.gather [spmem:s22], $0x80, $0x38;
	[tilespmem:$0x1E500] =	vst v63  }
0x866: {  	s30 =	simm.s32 $0x1080;
	s31 =	simm.s32 $0x200  }
0x867: {  	[tilespmem:s30], [sflag:$0x3] =	stream.linear.gather [spmem:s29], $0x80, $0x38;
	[tilespmem:$0x1E500] =	vst v63  }
0x868: {  	v2 =	vld [tilespmem:s31+$0x70]  }
0x869: {  	v3 =	vld [tilespmem:s31+$0xFFFFFF10]  }
0x86a: {  	v4 =	vld [tilespmem:s31+$0xFFFFFF20]  }
0x86b: {  	v5 =	vld [tilespmem:s31+$0xFFFFFF30]  }
0x86c: {  	v6 =	vld [tilespmem:s31+$0xFFFFFF40]  }
0x86d: {  	v7 =	vld [tilespmem:s31+$0xFFFFFF50]  }
0x86e: {  	v8 =	vld [tilespmem:s31+$0xFFFFFF60]  }
0x86f: {  	v9 =	vld [tilespmem:s31+$0xFFFFFF70]  }
0x870: {  	v10 =	vld [tilespmem:s31+$0x0]  }
0x871: {  	v11 =	vld [tilespmem:s31+$0x10]  }
0x872: {  	v12 =	vld [tilespmem:s31+$0x20]  }
0x873: {  	v13 =	vld [tilespmem:s31+$0x30]  }
0x874: {  	v14 =	vld [tilespmem:s31+$0x40]  }
0x875: {  	v15 =	vld [tilespmem:s31+$0x50]  }
0x876: {  	v16 =	vld [tilespmem:s31+$0x60]  }
0x877: {  	v17 =	vld [tilespmem:s31+$0xFFFFFF00]  }
0x878: {  	v2 =	vld.idx.msk [tilespmem:v2+s11+$0x0], $0xffff  }
0x879: {  	v3 =	vld.idx.msk [tilespmem:v3+s11+$0x0], $0xffff  }
0x87a: {  	v4 =	vld.idx.msk [tilespmem:v4+s11+$0x0], $0xffff  }
0x87b: {  	v5 =	vld.idx.msk [tilespmem:v5+s11+$0x0], $0xffff  }
0x87c: {  	v6 =	vld.idx.msk [tilespmem:v6+s11+$0x0], $0xffff  }
0x87d: {  	s0 =	simm.s32 $0x41F0;
	v7 =	vld.idx.msk [tilespmem:v7+s11+$0x0], $0xffff  }
0x87e: {  	v8 =	vld.idx.msk [tilespmem:v8+s11+$0x0], $0xffff;
	[tilespmem:s0+$0x0] =	vst v2  }
0x87f: {  	v9 =	vld.idx.msk [tilespmem:v9+s11+$0x0], $0xffff;
	[tilespmem:s0+$0xFFFFFF20] =	vst v3  }
0x880: {  	v17 =	vld.idx.msk [tilespmem:v17+s11+$0x0], $0xffff;
	[tilespmem:s0+$0xFFFFFF30] =	vst v4  }
0x881: {  	v10 =	vld.idx.msk [tilespmem:v10+s11+$0x0], $0xffff;
	[tilespmem:s0+$0xFFFFFF40] =	vst v5  }
0x882: {  	[tilespmem:s0+$0xFFFFFF50] =	vst v6;
	v2 =	vld.idx.msk [tilespmem:v11+s11+$0x0], $0xffff  }
0x883: {  	[tilespmem:s0+$0xFFFFFF60] =	vst v7;
	v3 =	vld.idx.msk [tilespmem:v12+s11+$0x0], $0xffff  }
0x884: {  	[tilespmem:s0+$0xFFFFFF70] =	vst v8;
	v4 =	vld.idx.msk [tilespmem:v13+s11+$0x0], $0xffff  }
0x885: {  	[tilespmem:s0+$0xFFFFFF80] =	vst v9;
	v5 =	vld.idx.msk [tilespmem:v14+s11+$0x0], $0xffff  }
0x886: {  	[tilespmem:s0+$0xFFFFFF10] =	vst v17;
	v6 =	vld.idx.msk [tilespmem:v15+s11+$0x0], $0xffff  }
0x887: {  	s1 =	simm.s32 $0x0;
	s2 =	simm.s32 $0x400;
	[tilespmem:s0+$0xFFFFFF90] =	vst v10;
	v7 =	vld.idx.msk [tilespmem:v16+s11+$0x0], $0xffff  }
.LBB2_30:
0x888: {  	v8 =	vld [tilespmem:s2+$0x70];
	s1 =	sadd.s32 $0x100, s1;
	[tilespmem:s0+$0xFFFFFFA0] =	vst v2  }
0x889: {  	v2 =	vld [tilespmem:s2+$0xFFFFFF10];
	p1 =	slt.u32 s1, $0x700;
	[tilespmem:s0+$0xFFFFFFB0] =	vst v3  }
0x88a: {  	v3 =	vld [tilespmem:s2+$0xFFFFFF20];
	[tilespmem:s0+$0xFFFFFFC0] =	vst v4  }
0x88b: {  	v4 =	vld [tilespmem:s2+$0xFFFFFF30];
	[tilespmem:s0+$0xFFFFFFD0] =	vst v5  }
0x88c: {  	v5 =	vld [tilespmem:s2+$0xFFFFFF40];
	[tilespmem:s0+$0xFFFFFFE0] =	vst v6  }
0x88d: {  	v6 =	vld [tilespmem:s2+$0xFFFFFF50];
	[tilespmem:s0+$0xFFFFFFF0] =	vst v7  }
0x88e: {  	v7 =	vld [tilespmem:s2+$0xFFFFFF60]  }
0x88f: {  	v9 =	vld [tilespmem:s2+$0xFFFFFF70]  }
0x890: {  	v8 =	vld.idx.msk [tilespmem:v8+s11+$0x0], $0xffff  }
0x891: {  	v10 =	vld [tilespmem:s2+$0x0]  }
0x892: {  	v11 =	vld [tilespmem:s2+$0x10]  }
0x893: {  	v12 =	vld [tilespmem:s2+$0x20]  }
0x894: {  	v13 =	vld [tilespmem:s2+$0x30]  }
0x895: {  	s0 =	sadd.s32 $0x100, s0;
	v14 =	vld [tilespmem:s2+$0x40]  }
0x896: {  	v15 =	vld [tilespmem:s2+$0x50];
	[tilespmem:s0+$0x0] =	vst v8  }
0x897: {  	v8 =	vld [tilespmem:s2+$0x60]  }
0x898: {  	v16 =	vld [tilespmem:s2+$0xFFFFFF00]  }
0x899: {  	v2 =	vld.idx.msk [tilespmem:v2+s11+$0x0], $0xffff  }
0x89a: {  	v3 =	vld.idx.msk [tilespmem:v3+s11+$0x0], $0xffff  }
0x89b: {  	v4 =	vld.idx.msk [tilespmem:v4+s11+$0x0], $0xffff  }
0x89c: {  	v5 =	vld.idx.msk [tilespmem:v5+s11+$0x0], $0xffff  }
0x89d: {  	v6 =	vld.idx.msk [tilespmem:v6+s11+$0x0], $0xffff  }
0x89e: {  	v7 =	vld.idx.msk [tilespmem:v7+s11+$0x0], $0xffff  }
0x89f: {  	[tilespmem:s0+$0xFFFFFF20] =	vst v2;
	v9 =	vld.idx.msk [tilespmem:v9+s11+$0x0], $0xffff  }
0x8a0: {  	v16 =	vld.idx.msk [tilespmem:v16+s11+$0x0], $0xffff;
	[tilespmem:s0+$0xFFFFFF30] =	vst v3  }
0x8a1: {  	[tilespmem:s0+$0xFFFFFF40] =	vst v4;
	v10 =	vld.idx.msk [tilespmem:v10+s11+$0x0], $0xffff  }
0x8a2: {  	[tilespmem:s0+$0xFFFFFF50] =	vst v5;
	v2 =	vld.idx.msk [tilespmem:v11+s11+$0x0], $0xffff  }
.Ltmp14:
0x8a3: {  	[tilespmem:s0+$0xFFFFFF60] =	vst v6;
	v3 =	vld.idx.msk [tilespmem:v12+s11+$0x0], $0xffff;
	(pc) =	sbr.rel @p1 .LBB2_30-.Ltmp14, $4  }
0x8a4: {  	[tilespmem:s0+$0xFFFFFF70] =	vst v7;
	v4 =	vld.idx.msk [tilespmem:v13+s11+$0x0], $0xffff  }
0x8a5: {  	[tilespmem:s0+$0xFFFFFF80] =	vst v9;
	v5 =	vld.idx.msk [tilespmem:v14+s11+$0x0], $0xffff  }
0x8a6: {  	[tilespmem:s0+$0xFFFFFF10] =	vst v16;
	v6 =	vld.idx.msk [tilespmem:v15+s11+$0x0], $0xffff  }
0x8a7: {  	s2 =	sadd.s32 $0x200, s2;
	[tilespmem:s0+$0xFFFFFF90] =	vst v10;
	v7 =	vld.idx.msk [tilespmem:v8+s11+$0x0], $0xffff  }
0x8a8: {  	[tilespmem:s0+$0xFFFFFFA0] =	vst v2  }
0x8a9: {  	[tilespmem:s0+$0xFFFFFFB0] =	vst v3  }
0x8aa: {  	[tilespmem:s0+$0xFFFFFFC0] =	vst v4  }
0x8ab: {  	[tilespmem:s0+$0xFFFFFFD0] =	vst v5  }
0x8ac: {  	[tilespmem:s0+$0xFFFFFFE0] =	vst v6  }
0x8ad: {  	[tilespmem:s0+$0xFFFFFFF0] =	vst v7  }
0x8ae: {  	_ =	swait.ge [sflag:s23], $0x800  }
0x8af: {  	[sflag:s23] =	ssyncset.done $0x0  }
0x8b0: {  	s31 =	simm.s32 $0x280;
	[sflag:s23] =	ssyncadd.s32 $0xFFFFF800  }
0x8b1: {  	v2 =	vld [tilespmem:s31+$0x70]  }
0x8b2: {  	v3 =	vld [tilespmem:s31+$0xFFFFFF10]  }
0x8b3: {  	v4 =	vld [tilespmem:s31+$0xFFFFFF20]  }
0x8b4: {  	v5 =	vld [tilespmem:s31+$0xFFFFFF30]  }
0x8b5: {  	v6 =	vld [tilespmem:s31+$0xFFFFFF40]  }
0x8b6: {  	v7 =	vld [tilespmem:s31+$0xFFFFFF50]  }
0x8b7: {  	v8 =	vld [tilespmem:s31+$0xFFFFFF60]  }
0x8b8: {  	v9 =	vld [tilespmem:s31+$0xFFFFFF70]  }
0x8b9: {  	v10 =	vld [tilespmem:s31+$0x0]  }
0x8ba: {  	v11 =	vld [tilespmem:s31+$0x10]  }
0x8bb: {  	v12 =	vld [tilespmem:s31+$0x20]  }
0x8bc: {  	v13 =	vld [tilespmem:s31+$0x30]  }
0x8bd: {  	v14 =	vld [tilespmem:s31+$0x40]  }
0x8be: {  	v15 =	vld [tilespmem:s31+$0x50]  }
0x8bf: {  	v16 =	vld [tilespmem:s31+$0x60]  }
0x8c0: {  	v17 =	vld [tilespmem:s31+$0xFFFFFF00]  }
0x8c1: {  	v2 =	vld.idx.msk [tilespmem:v2+s11+$0x0], $0xffff  }
0x8c2: {  	v3 =	vld.idx.msk [tilespmem:v3+s11+$0x0], $0xffff  }
0x8c3: {  	v4 =	vld.idx.msk [tilespmem:v4+s11+$0x0], $0xffff  }
0x8c4: {  	v5 =	vld.idx.msk [tilespmem:v5+s11+$0x0], $0xffff  }
0x8c5: {  	v6 =	vld.idx.msk [tilespmem:v6+s11+$0x0], $0xffff  }
0x8c6: {  	s0 =	simm.s32 $0x49F0;
	v7 =	vld.idx.msk [tilespmem:v7+s11+$0x0], $0xffff  }
0x8c7: {  	v8 =	vld.idx.msk [tilespmem:v8+s11+$0x0], $0xffff;
	[tilespmem:s0+$0x0] =	vst v2  }
0x8c8: {  	v9 =	vld.idx.msk [tilespmem:v9+s11+$0x0], $0xffff;
	[tilespmem:s0+$0xFFFFFF20] =	vst v3  }
0x8c9: {  	v17 =	vld.idx.msk [tilespmem:v17+s11+$0x0], $0xffff;
	[tilespmem:s0+$0xFFFFFF30] =	vst v4  }
0x8ca: {  	v10 =	vld.idx.msk [tilespmem:v10+s11+$0x0], $0xffff;
	[tilespmem:s0+$0xFFFFFF40] =	vst v5  }
0x8cb: {  	[tilespmem:s0+$0xFFFFFF50] =	vst v6;
	v2 =	vld.idx.msk [tilespmem:v11+s11+$0x0], $0xffff  }
0x8cc: {  	[tilespmem:s0+$0xFFFFFF60] =	vst v7;
	v3 =	vld.idx.msk [tilespmem:v12+s11+$0x0], $0xffff  }
0x8cd: {  	[tilespmem:s0+$0xFFFFFF70] =	vst v8;
	v4 =	vld.idx.msk [tilespmem:v13+s11+$0x0], $0xffff  }
0x8ce: {  	[tilespmem:s0+$0xFFFFFF80] =	vst v9;
	v5 =	vld.idx.msk [tilespmem:v14+s11+$0x0], $0xffff  }
0x8cf: {  	[tilespmem:s0+$0xFFFFFF10] =	vst v17;
	v6 =	vld.idx.msk [tilespmem:v15+s11+$0x0], $0xffff  }
0x8d0: {  	s1 =	simm.s32 $0x0;
	s2 =	simm.s32 $0x480;
	[tilespmem:s0+$0xFFFFFF90] =	vst v10;
	v7 =	vld.idx.msk [tilespmem:v16+s11+$0x0], $0xffff  }
.LBB2_32:
0x8d1: {  	v8 =	vld [tilespmem:s2+$0x70];
	s1 =	sadd.s32 $0x100, s1;
	[tilespmem:s0+$0xFFFFFFA0] =	vst v2  }
0x8d2: {  	v2 =	vld [tilespmem:s2+$0xFFFFFF10];
	p1 =	slt.u32 s1, $0x700;
	[tilespmem:s0+$0xFFFFFFB0] =	vst v3  }
0x8d3: {  	v3 =	vld [tilespmem:s2+$0xFFFFFF20];
	[tilespmem:s0+$0xFFFFFFC0] =	vst v4  }
0x8d4: {  	v4 =	vld [tilespmem:s2+$0xFFFFFF30];
	[tilespmem:s0+$0xFFFFFFD0] =	vst v5  }
0x8d5: {  	v5 =	vld [tilespmem:s2+$0xFFFFFF40];
	[tilespmem:s0+$0xFFFFFFE0] =	vst v6  }
0x8d6: {  	v6 =	vld [tilespmem:s2+$0xFFFFFF50];
	[tilespmem:s0+$0xFFFFFFF0] =	vst v7  }
0x8d7: {  	v7 =	vld [tilespmem:s2+$0xFFFFFF60]  }
0x8d8: {  	v9 =	vld [tilespmem:s2+$0xFFFFFF70]  }
0x8d9: {  	v8 =	vld.idx.msk [tilespmem:v8+s11+$0x0], $0xffff  }
0x8da: {  	v10 =	vld [tilespmem:s2+$0x0]  }
0x8db: {  	v11 =	vld [tilespmem:s2+$0x10]  }
0x8dc: {  	v12 =	vld [tilespmem:s2+$0x20]  }
0x8dd: {  	v13 =	vld [tilespmem:s2+$0x30]  }
0x8de: {  	s0 =	sadd.s32 $0x100, s0;
	v14 =	vld [tilespmem:s2+$0x40]  }
0x8df: {  	v15 =	vld [tilespmem:s2+$0x50];
	[tilespmem:s0+$0x0] =	vst v8  }
0x8e0: {  	v8 =	vld [tilespmem:s2+$0x60]  }
0x8e1: {  	v16 =	vld [tilespmem:s2+$0xFFFFFF00]  }
0x8e2: {  	v2 =	vld.idx.msk [tilespmem:v2+s11+$0x0], $0xffff  }
0x8e3: {  	v3 =	vld.idx.msk [tilespmem:v3+s11+$0x0], $0xffff  }
0x8e4: {  	v4 =	vld.idx.msk [tilespmem:v4+s11+$0x0], $0xffff  }
0x8e5: {  	v5 =	vld.idx.msk [tilespmem:v5+s11+$0x0], $0xffff  }
0x8e6: {  	v6 =	vld.idx.msk [tilespmem:v6+s11+$0x0], $0xffff  }
0x8e7: {  	v7 =	vld.idx.msk [tilespmem:v7+s11+$0x0], $0xffff  }
0x8e8: {  	[tilespmem:s0+$0xFFFFFF20] =	vst v2;
	v9 =	vld.idx.msk [tilespmem:v9+s11+$0x0], $0xffff  }
0x8e9: {  	v16 =	vld.idx.msk [tilespmem:v16+s11+$0x0], $0xffff;
	[tilespmem:s0+$0xFFFFFF30] =	vst v3  }
0x8ea: {  	[tilespmem:s0+$0xFFFFFF40] =	vst v4;
	v10 =	vld.idx.msk [tilespmem:v10+s11+$0x0], $0xffff  }
0x8eb: {  	[tilespmem:s0+$0xFFFFFF50] =	vst v5;
	v2 =	vld.idx.msk [tilespmem:v11+s11+$0x0], $0xffff  }
.Ltmp15:
0x8ec: {  	[tilespmem:s0+$0xFFFFFF60] =	vst v6;
	v3 =	vld.idx.msk [tilespmem:v12+s11+$0x0], $0xffff;
	(pc) =	sbr.rel @p1 .LBB2_32-.Ltmp15, $4  }
0x8ed: {  	[tilespmem:s0+$0xFFFFFF70] =	vst v7;
	v4 =	vld.idx.msk [tilespmem:v13+s11+$0x0], $0xffff  }
0x8ee: {  	[tilespmem:s0+$0xFFFFFF80] =	vst v9;
	v5 =	vld.idx.msk [tilespmem:v14+s11+$0x0], $0xffff  }
0x8ef: {  	[tilespmem:s0+$0xFFFFFF10] =	vst v16;
	v6 =	vld.idx.msk [tilespmem:v15+s11+$0x0], $0xffff  }
0x8f0: {  	s2 =	sadd.s32 $0x200, s2;
	[tilespmem:s0+$0xFFFFFF90] =	vst v10;
	v7 =	vld.idx.msk [tilespmem:v8+s11+$0x0], $0xffff  }
0x8f1: {  	[tilespmem:s0+$0xFFFFFFA0] =	vst v2  }
0x8f2: {  	[tilespmem:s0+$0xFFFFFFB0] =	vst v3  }
0x8f3: {  	[tilespmem:s0+$0xFFFFFFC0] =	vst v4  }
0x8f4: {  	[tilespmem:s0+$0xFFFFFFD0] =	vst v5  }
0x8f5: {  	[tilespmem:s0+$0xFFFFFFE0] =	vst v6  }
0x8f6: {  	[tilespmem:s0+$0xFFFFFFF0] =	vst v7  }
0x8f7: {  	v2 =	vld.msk [tilespmem:$0x80], $0x1;
	_ =	sdelay $0x4  }
0x8f8: {  	v3 =	vshll.u32 v2, $0x7  }
0x8f9: {  	v2 =	vand.u32 $0x7, v2;
	v3 =	vand.u32 $0xFFFFFC00, v3  }
0x8fa: {  	v2 =	vor.u32 v2, v3  }
0x8fb: {  	v2 =	vperm.xlane v2, v0;
	_ =	sdelay $0x1  }
0x8fc: {  	v2 =	vadd.s32 v1, v2;
	_ =	sdelay $0x2  }
0x8fd: {  	s1 =	rddreg [dreg:$0x4]  }
0x8fe: {  	s20 =	simm.s32 $0x1100;
	s21 =	sld [smem:$0x76F]  }
0x8ff: {  	[hbm4b:s1+s5] =	stream.indirect_vreg.scatter [tilespmem:s20], [sflag:$0x2], $0x80, v2, vm0, $0xb8;
	[tilespmem:$0x1E500] =	vst v63  }
0x900: {  	s22 =	simm.s32 $0x1900;
	s24 =	sld [smem:$0x770]  }
0x901: {  	[hbm4b:s21+s5] =	stream.indirect_vreg.scatter [tilespmem:s22], [sflag:$0x2], $0x80, v2, vm0, $0xb8;
	[tilespmem:$0x1E500] =	vst v63  }
0x902: {  	s29 =	simm.s32 $0x2100;
	s30 =	sld [smem:$0x771]  }
0x903: {  	[hbm4b:s24+s5] =	stream.indirect_vreg.scatter [tilespmem:s29], [sflag:$0x2], $0x80, v2, vm0, $0xb8;
	[tilespmem:$0x1E500] =	vst v63  }
0x904: {  	s31 =	simm.s32 $0x2900;
	s2 =	sld [smem:$0x772]  }
0x905: {  	[hbm4b:s30+s5] =	stream.indirect_vreg.scatter [tilespmem:s31], [sflag:$0x2], $0x80, v2, vm0, $0xb8;
	[tilespmem:$0x1E500] =	vst v63  }
0x906: {  	s16 =	simm.s32 $0x3100;
	s20 =	sld [smem:$0x773]  }
0x907: {  	[hbm4b:s2+s5] =	stream.indirect_vreg.scatter [tilespmem:s16], [sflag:$0x2], $0x80, v2, vm0, $0xb8;
	[tilespmem:$0x1E500] =	vst v63  }
0x908: {  	s21 =	simm.s32 $0x3900;
	s22 =	sld [smem:$0x774]  }
0x909: {  	[hbm4b:s20+s5] =	stream.indirect_vreg.scatter [tilespmem:s21], [sflag:$0x2], $0x80, v2, vm0, $0xb8;
	[tilespmem:$0x1E500] =	vst v63  }
0x90a: {  	s24 =	simm.s32 $0x4100;
	s29 =	sld [smem:$0x775]  }
0x90b: {  	[hbm4b:s22+s5] =	stream.indirect_vreg.scatter [tilespmem:s24], [sflag:$0x2], $0x80, v2, vm0, $0xb8;
	[tilespmem:$0x1E500] =	vst v63  }
0x90c: {  	s30 =	simm.s32 $0x4900  }
0x90d: {  	[hbm4b:s29+s5] =	stream.indirect_vreg.scatter [tilespmem:s30], [sflag:$0x2], $0x80, v2, vm0, $0xb8;
	[tilespmem:$0x1E500] =	vst v63  }
0x90e: {  	_ =	swait.ge [sflag:s3], $0x4000  }
0x90f: {  	s18 =	sadd.s32 $0x1, s18;
	s31 =	rddreg [dreg:$0x1a]  }
0x910: {  	p1 =	sne.s32 s18, s31  }
.Ltmp16:
0x911: {  	_ = 	snop;
	(pc) =	sbr.rel @p1 .LBB2_1-.Ltmp16, $3  }
0x912: {  	_ =	sdelay $0x1  }
0x913: {  	[sflag:s3] =	ssyncset.done $0x0  }
0x914: {  	s2 =	simm.s32 $0x6A00;
	[sflag:s3] =	ssyncadd.s32 $0xFFFFC000;
	s3 =	simm.s32 $0x7A00  }
0x915: {  	_ =	sfence.sel $0x180000  }
0x916: {  	[bflag:$0x0] =	sbarrier.arrive $0xFFFF  }
0x917: {  	_ =	strace $0x90000047  }
0x918: {  	[bflag:$0x2] =	sbarrier.arrive $0xFFFF  }
0x919: {  	s0 =	rddreg [dreg:$0x6]  }
0x91a: {  	s0 =	sadd.s32 @!p0 $0x100000, s0  }
0x91b: {  	[sflag:s0] =	ssyncadd.tile.s32 @!p0 $0x1;
	_ =	shalt  }
.Lfunc_end2:
_tile_overlayer_lowered:
.L_overlay_start_2:
0x91c: {  	(tag) =	ssettag $0x2  }
0x91d: {  	s0 =	rddreg [dreg:$0x0];
	s2 =	stileid.u32  }
0x91e: {  	s1 =	rddreg [dreg:$0x1];
	p0 =	sne.s32 s2, $0x0  }
0x91f: {  	s3 =	rddreg [dreg:$0x2];
	[bflag:$0x3] =	sbarrier.arrive $0xFFFF;
	s2 =	simm.s32 @!p0 $0x1C05  }
0x920: {  	[timem:s3], [sflag:s2] =	dma.local @!p0 [hbm:s0], s1  }
0x921: {  	s0 =	simm.s32 @!p0 $0x5  }
0x922: {  	_ =	swait.ge @!p0 [sflag:s0], s1  }
0x923: {  	s1 =	ssub.s32 @!p0 $0x0, s1;
	[sflag:s0] =	ssyncset.done @!p0 $0x0  }
0x924: {  	[sflag:s0] =	ssyncadd.s32 @!p0 s1  }
0x925: {  	[bflag:$0x3] =	sbarrier.arrive $0xFFFF  }
0x926: {  	_ =	shalt  }

</sc_bundles>
